<compile_context>
chip_gen: v7x
topology: tpu7x:2x2x1
jax: 0.10.2.dev20260603
libtpu: 0.0.44.dev20260713+nightly
codegen_flags: <defaults>
</compile_context>

<pallas_src>
import functools

import jax
import jax.numpy as jnp
from jax import lax
from jax.experimental import pallas as pl
from jax.experimental.pallas import tpu as pltpu
from jax.experimental.pallas import tpu_sc as plsc

N = 10000
E = 320000
NREL = 4
DF = 128
DC = 16
NC, NS, L = 2, 16, 16
NW = NC * NS
EW = E // NW
EP = 10240
ET = NW * EP
NP = 10240
RPT = NP // NS
BN = 2000
NB = N // BN

_mesh = plsc.VectorSubcoreMesh(core_axis_name="c", subcore_axis_name="s",
                               num_cores=NC, num_subcores=NS)
_sc_params = pltpu.CompilerParams(needs_layout_passes=False,
                                  use_tc_tiling_on_sc=False)


def _deg_gidx_body(ei_hbm, rel_hbm, degp_hbm, gidx_hbm, gidx2_hbm, rowf_hbm,
                   row_v, col_v, rel_v, gidx_v, gidx2_v, deg_v, sem):
  c = lax.axis_index("c")
  s = lax.axis_index("s")
  wid = s * NC + c
  base = wid * EW
  base2 = wid * EP
  pltpu.async_copy(ei_hbm.at[0, pl.ds(base, EW)], row_v.at[pl.ds(0, EW)],
                   sem)
  pltpu.async_copy(ei_hbm.at[1, pl.ds(base, EW)], col_v, sem)
  pltpu.async_copy(rel_hbm.at[pl.ds(base, EW)], rel_v, sem)

  zeros = jnp.zeros((L,), jnp.float32)

  @pl.loop(0, NP // L)
  def _zero(i):
    deg_v[pl.ds(i * L, L)] = zeros

  zi = jnp.zeros((L,), jnp.int32)
  lane = lax.iota(jnp.int32, L)

  @pl.loop(EW // L, EP // L)
  def _dummy(i):
    sl = pl.ds(i * L, L)
    gidx_v[sl] = zi
    gidx2_v[sl] = zi
    row_v[sl] = (i - EW // L) * L + lane + N

  pltpu.make_async_copy(ei_hbm.at[0, pl.ds(base, EW)],
                        row_v.at[pl.ds(0, EW)], sem).wait()
  pltpu.make_async_copy(ei_hbm.at[1, pl.ds(base, EW)], col_v, sem).wait()
  pltpu.make_async_copy(rel_hbm.at[pl.ds(base, EW)], rel_v, sem).wait()

  ones = jnp.ones((L,), jnp.float32)
  four = jnp.full((L,), 4, jnp.int32)

  @pl.loop(0, EW // L)
  def _edges(i):
    sl = pl.ds(i * L, L)
    gidx_v[sl] = rel_v[sl] * N + col_v[sl]
    gidx2_v[sl] = col_v[sl] * four + rel_v[sl]
    plsc.addupdate_scatter(deg_v, [row_v[sl]], ones)

  pltpu.sync_copy(deg_v, degp_hbm.at[wid])
  pltpu.sync_copy(gidx_v, gidx_hbm.at[pl.ds(base2, EP)])
  pltpu.sync_copy(gidx2_v, gidx2_hbm.at[pl.ds(base2, EP)])
  pltpu.sync_copy(row_v, rowf_hbm.at[pl.ds(base2, EP)])


_deg_gidx = pl.kernel(
    _deg_gidx_body,
    out_type=[jax.ShapeDtypeStruct((NW, NP), jnp.float32),
              jax.ShapeDtypeStruct((ET,), jnp.int32),
              jax.ShapeDtypeStruct((ET,), jnp.int32),
              jax.ShapeDtypeStruct((ET,), jnp.int32)],
    mesh=_mesh,
    scratch_types=[pltpu.VMEM((EP,), jnp.int32),
                   pltpu.VMEM((EW,), jnp.int32),
                   pltpu.VMEM((EW,), jnp.int32),
                   pltpu.VMEM((EP,), jnp.int32),
                   pltpu.VMEM((EP,), jnp.int32),
                   pltpu.VMEM((NP,), jnp.float32),
                   pltpu.SemaphoreType.DMA],
    compiler_params=_sc_params,
)


def _scatter_body(D, C, G, NG, NSLOT, RB, table_hbm, gidx_hbm, ridx_hbm,
                  out_hbm, *scr):
  ivs = scr[0:2]
  rvs = scr[2:4]
  bufs = scr[4:4 + NSLOT]
  acc_sh = scr[4 + NSLOT]
  isems = scr[5 + NSLOT:7 + NSLOT]
  gsems = scr[7 + NSLOT:7 + 2 * NSLOT]
  ssems = scr[7 + 2 * NSLOT:7 + 3 * NSLOT]
  c = lax.axis_index("c")
  s = lax.axis_index("s")
  wid = s * NC + c
  wbase = wid * EP
  GC = G * C

  zeros = jnp.zeros((L,), jnp.float32)

  @pl.loop(0, RB)
  def _zr(r):
    @pl.loop(0, D // L)
    def _zc(k):
      bufs[0][r, pl.ds(k * L, L)] = zeros

  @pl.loop(0, RPT // RB)
  def _zs(j):
    pltpu.sync_copy(bufs[0].at[pl.ds(0, RB)],
                    acc_sh.at[pl.ds(s * RPT + j * RB, RB)])

  plsc.subcore_barrier()

  def idx_load(g, p):
    pltpu.async_copy(gidx_hbm.at[pl.ds(wbase + g * GC, GC)], ivs[p],
                     isems[p])
    pltpu.async_copy(ridx_hbm.at[pl.ds(wbase + g * GC, GC)], rvs[p],
                     isems[p])

  def idx_wait(g, p):
    pltpu.make_async_copy(gidx_hbm.at[pl.ds(wbase + g * GC, GC)], ivs[p],
                          isems[p]).wait()
    pltpu.make_async_copy(ridx_hbm.at[pl.ds(wbase + g * GC, GC)], rvs[p],
                          isems[p]).wait()

  def gstart(j, k, p):
    pltpu.async_copy(table_hbm.at[ivs[p].at[pl.ds(j * C, C)]], bufs[k],
                     gsems[k])

  def gwait(j, k, p):
    pltpu.make_async_copy(table_hbm.at[ivs[p].at[pl.ds(j * C, C)]],
                          bufs[k], gsems[k]).wait()

  def sstart(j, k, p):
    pltpu.async_copy(bufs[k], acc_sh.at[rvs[p].at[pl.ds(j * C, C)]],
                     ssems[k], add=True)

  def sdrain(k, p):
    pltpu.make_async_copy(bufs[k], acc_sh.at[rvs[p].at[pl.ds(0, C)]],
                          ssems[k]).wait()

  idx_load(0, 0)
  for g in range(NG):
    p = g % 2
    idx_wait(g, p)
    for k in range(NSLOT):
      if g > 0:
        sdrain(k, p)
      gstart(k, k, p)
    if g + 1 < NG:
      idx_load(g + 1, (g + 1) % 2)

    @pl.loop(0, G // NSLOT)
    def _pipe(t):
      for k in range(NSLOT):
        j = t * NSLOT + k
        gwait(j, k, p)
        sstart(j, k, p)

        @pl.when(j + NSLOT < G)
        def _():
          sdrain(k, p)
          gstart(j + NSLOT, k, p)

  for k in range(NSLOT):
    sdrain(k, (NG - 1) % 2)

  plsc.subcore_barrier()

  @pl.loop(0, RPT // RB)
  def _rd(j):
    rs = s * RPT + j * RB
    pltpu.sync_copy(acc_sh.at[pl.ds(rs, RB)], bufs[0].at[pl.ds(0, RB)])
    pltpu.sync_copy(bufs[0].at[pl.ds(0, RB)], out_hbm.at[c, pl.ds(rs, RB)])


def _make_scatter(D, C, G, NG, NSLOT, RB):
  scratch = ([pltpu.VMEM((G * C,), jnp.int32) for _ in range(4)]
             + [pltpu.VMEM((C, D), jnp.float32) for _ in range(NSLOT)]
             + [pltpu.MemorySpace.VMEM_SHARED((NP, D), jnp.float32)]
             + [pltpu.SemaphoreType.DMA] * (2 + 2 * NSLOT))
  return pl.kernel(
      functools.partial(_scatter_body, D, C, G, NG, NSLOT, RB),
      out_type=[jax.ShapeDtypeStruct((NC, NP, D), jnp.float32)],
      mesh=_mesh,
      scratch_types=scratch,
      compiler_params=_sc_params,
  )


_scatter128 = _make_scatter(DF, 40, 64, 4, 4, 40)
_scatter16 = _make_scatter(DC, 128, 20, 4, 4, 80)


def _dinv(dp_ref):
  deg = jnp.sum(dp_ref[...], axis=1)
  return jnp.where(deg > 0, lax.rsqrt(deg), 0.0)


def _tc1_body(dp_ref, x_ref, w1_ref, y_ref):
  xs = (x_ref[...] * _dinv(dp_ref)[:, None]).astype(jnp.bfloat16)
  for r in range(NREL):
    y_ref[r] = jnp.dot(xs, w1_ref[r * DF:(r + 1) * DF, :],
                       preferred_element_type=jnp.float32)


def _tc2_body(dp_ref, acc_ref, b1_ref, w2_ref, y_ref):
  dinv = _dinv(dp_ref)
  h1 = b1_ref[...] + dinv[:, None] * (acc_ref[0] + acc_ref[1])
  h1s = (h1 * dinv[:, None]).astype(jnp.bfloat16)
  ys = [jnp.dot(h1s, w2_ref[r * DF:(r + 1) * DF, :],
                preferred_element_type=jnp.float32) for r in range(NREL)]
  y_ref[...] = jnp.concatenate(ys, axis=1)


def _tc3_body(dp_ref, acc_ref, b2_ref, o_ref):
  dinv = _dinv(dp_ref)
  logits = b2_ref[...] + dinv[:, None] * (acc_ref[0] + acc_ref[1])[:, :8]
  m = jnp.max(logits, axis=1, keepdims=True)
  z = jnp.exp(logits - m)
  o_ref[...] = logits - m - jnp.log(jnp.sum(z, axis=1, keepdims=True))


def _tc1(dp, x, w1b):
  return pl.pallas_call(
      _tc1_body,
      grid=(NB,),
      in_specs=[pl.BlockSpec((BN, NW), lambda i: (i, 0)),
                pl.BlockSpec((BN, DF), lambda i: (i, 0)),
                pl.BlockSpec((NREL * DF, DF), lambda i: (0, 0))],
      out_specs=pl.BlockSpec((NREL, BN, DF), lambda i: (0, i, 0)),
      out_shape=jax.ShapeDtypeStruct((NREL, N, DF), jnp.float32),
  )(dp, x, w1b)


def _tc2(dp, acc, b1, w2pb):
  return pl.pallas_call(
      _tc2_body,
      grid=(NB,),
      in_specs=[pl.BlockSpec((BN, NW), lambda i: (i, 0)),
                pl.BlockSpec((NC, BN, DF), lambda i: (0, i, 0)),
                pl.BlockSpec((1, DF), lambda i: (0, 0)),
                pl.BlockSpec((NREL * DF, DC), lambda i: (0, 0))],
      out_specs=pl.BlockSpec((BN, NREL * DC), lambda i: (i, 0)),
      out_shape=jax.ShapeDtypeStruct((N, NREL * DC), jnp.float32),
  )(dp, acc, b1, w2pb)


def _tc3(dp, acc, b2):
  return pl.pallas_call(
      _tc3_body,
      grid=(NB,),
      in_specs=[pl.BlockSpec((BN, NW), lambda i: (i, 0)),
                pl.BlockSpec((NC, BN, DC), lambda i: (0, i, 0)),
                pl.BlockSpec((1, 8), lambda i: (0, 0))],
      out_specs=pl.BlockSpec((BN, 8), lambda i: (i, 0)),
      out_shape=jax.ShapeDtypeStruct((N, 8), jnp.float32),
  )(dp, acc, b2)


@jax.jit
def kernel(x, edge_index, edge_relation, W1, b1, W2, b2):
  degp, gidx, gidx2, rowf = _deg_gidx(edge_index, edge_relation)
  dp = degp.T

  y1 = _tc1(dp, x, W1.astype(jnp.bfloat16))
  (acc1,) = _scatter128(y1.reshape(NREL * N, DF), gidx, rowf)

  w2pb = jnp.pad(W2, ((0, 0), (0, DC - W2.shape[1]))).astype(jnp.bfloat16)
  y2 = _tc2(dp, acc1, b1.reshape(1, DF), w2pb)
  (acc2,) = _scatter16(y2.reshape(NREL * N, DC), gidx2, rowf)

  return _tc3(dp, acc2, b2.reshape(1, 8))

# --- scband reference (transcript-rebuilt; emitter-appended) ---
"""Pipeline reference for scband-geom-gcn-30640296689801 (READ-ONLY COPY).

The authoritative reference and input builder live on the scoring server;
editing this copy changes nothing except your own understanding.
"""

import jax, jax.numpy as jnp
import numpy as np

N_NODES = 10000
N_EDGES = 320000
D_FEAT = 128
D_HID = 128
N_CLASSES = 8


def setup_inputs(seed: int = 0) -> dict:
    key = jax.random.key(seed)
    ks = jax.random.split(key, 8)
    x = jax.random.normal(ks[0], (N_NODES, D_FEAT), dtype=jnp.float32)
    edge_index = jax.random.randint(ks[1], (2, N_EDGES), 0, N_NODES, dtype=jnp.int64 if jax.config.jax_enable_x64 else jnp.int32).astype(jnp.int32)
    edge_relation = jax.random.randint(ks[2], (N_EDGES,), 0, 4).astype(jnp.int32)
    # learned params (torch Linear: in=4*num_in, out=num_out); stored as [in, out]
    W1 = jax.random.normal(ks[3], (4 * D_FEAT, D_HID), dtype=jnp.float32) * (1.0 / np.sqrt(4 * D_FEAT))
    b1 = jnp.zeros((D_HID,), dtype=jnp.float32)
    W2 = jax.random.normal(ks[4], (4 * D_HID, N_CLASSES), dtype=jnp.float32) * (1.0 / np.sqrt(4 * D_HID))
    b2 = jnp.zeros((N_CLASSES,), dtype=jnp.float32)
    return {"x": x, "edge_index": edge_index, "edge_relation": edge_relation,
            "W1": W1, "b1": b1, "W2": W2, "b2": b2}


def reference(x, edge_index, edge_relation, W1, b1, W2, b2):
    N = x.shape[0]
    row = edge_index[0]
    col = edge_index[1]
    # gcn_norm: symmetric normalization D^{-1/2} A D^{-1/2} on the full edge set
    ones = jnp.ones((row.shape[0],), dtype=jnp.float32)
    deg = jax.ops.segment_sum(ones, row, num_segments=N)
    dinv = jnp.where(deg > 0, deg ** -0.5, 0.0)
    w = dinv[row] * dinv[col]

    def geomgcn_layer(h, W, b):
        outs = []
        for r in range(4):
            m = (edge_relation == r).astype(h.dtype)
            # sparse.mm(mul(relation_adj, norm_adj), h): gather src feats, weight, scatter-add to dst
            msg = (w * m)[:, None] * h[col]
            outs.append(jax.ops.segment_sum(msg, row, num_segments=N))
        hcat = jnp.concatenate(outs, axis=1)
        return hcat @ W + b

    h = geomgcn_layer(x, W1, b1)
    h = geomgcn_layer(h, W2, b2)
    return jax.nn.log_softmax(h, axis=1)

if __name__ == "__main__":
    import jax
    _d = setup_inputs()
    print(jax.jit(kernel)(*tuple(_d.values())))

</pallas_src>

<mosaic_0001>
#map = affine_map<(d0, d1) -> (0, 0)>
#map1 = affine_map<(d0, d1) -> (0)>
module attributes {stable_mosaic.version = 14 : i64} {
  func.func @_deg_gidx_body(%arg0: i32, %arg1: i32, %arg2: memref<2x320000xi32, #tpu.memory_space<hbm>>, %arg3: memref<320000xi32, #tpu.memory_space<hbm>>, %arg4: memref<32x10240xf32, #tpu.memory_space<hbm>>, %arg5: memref<327680xi32, #tpu.memory_space<hbm>>, %arg6: memref<327680xi32, #tpu.memory_space<hbm>>, %arg7: memref<327680xi32, #tpu.memory_space<hbm>>, %arg8: memref<10240xi32, #tpu.memory_space<vmem>>, %arg9: memref<10000xi32, #tpu.memory_space<vmem>>, %arg10: memref<10000xi32, #tpu.memory_space<vmem>>, %arg11: memref<10240xi32, #tpu.memory_space<vmem>>, %arg12: memref<10240xi32, #tpu.memory_space<vmem>>, %arg13: memref<10240xf32, #tpu.memory_space<vmem>>, %arg14: memref<!tpu.dma_semaphore, #tpu.memory_space<semaphore_mem>>) attributes {dimension_semantics = [#tpu.dimension_semantics<core_parallel>, #tpu.dimension_semantics<subcore_parallel>], iteration_bounds = array<i64: 2, 16>, scalar_prefetch = 0 : i64, scratch_operands = 7 : i64, tpu.core_type = #tpu.core_type<sc_vector_subcore>, window_params = [{transform_indices = #map}, {transform_indices = #map1}, {transform_indices = #map}, {transform_indices = #map1}, {transform_indices = #map1}, {transform_indices = #map1}]} {
    %mul3A = arith.constant 2 : i32
    %mul3A_0 = arith.muli %arg1, %mul3A : i32
    %add3A = arith.addi %mul3A_0, %arg0 : i32
    %mul3A_1 = arith.constant 10000 : i32
    %mul3A_2 = arith.muli %add3A, %mul3A_1 : i32
    %mul3A_3 = arith.constant 10240 : i32
    %mul3A_4 = arith.muli %add3A, %mul3A_3 : i32
    %dma_start3A = arith.constant 0 : i32
    %dma_start3A_5 = arith.constant 0 : i32
    %dma_start3A_6 = tpu.memref_slice %arg8[%dma_start3A_5] : memref<10240xi32, #tpu.memory_space<vmem>> -> memref<10000xi32, #tpu.memory_space<vmem>>
    %dma_start3A_7 = tpu.memref_slice %arg2[%dma_start3A, %mul3A_2] : memref<2x320000xi32, #tpu.memory_space<hbm>> -> memref<1x10000xi32, #tpu.memory_space<hbm>>
    %dma_start3A_8 = tpu.memref_squeeze %dma_start3A_7 : memref<1x10000xi32, #tpu.memory_space<hbm>> -> memref<10000xi32, #tpu.memory_space<hbm>>
    %dma_start3A_9 = arith.constant 0 : i32
    %dma_start3A_10 = tpu.memref_slice %arg8[%dma_start3A_9] : memref<10240xi32, #tpu.memory_space<vmem>> -> memref<10000xi32, #tpu.memory_space<vmem>>
    %dma_start3A_11 = tpu.memref_slice %arg2[%dma_start3A, %mul3A_2] : memref<2x320000xi32, #tpu.memory_space<hbm>> -> memref<1x10000xi32, #tpu.memory_space<hbm>>
    %dma_start3A_12 = tpu.memref_squeeze %dma_start3A_11 : memref<1x10000xi32, #tpu.memory_space<hbm>> -> memref<10000xi32, #tpu.memory_space<hbm>>
    tpu.enqueue_dma source(%dma_start3A_12 : memref<10000xi32, #tpu.memory_space<hbm>>) target(%dma_start3A_10 : memref<10000xi32, #tpu.memory_space<vmem>>) target_semaphore(%arg14 : memref<!tpu.dma_semaphore, #tpu.memory_space<semaphore_mem>>)
    %dma_start3A_13 = arith.constant 1 : i32
    %dma_start3A_14 = tpu.memref_slice %arg2[%dma_start3A_13, %mul3A_2] : memref<2x320000xi32, #tpu.memory_space<hbm>> -> memref<1x10000xi32, #tpu.memory_space<hbm>>
    %dma_start3A_15 = tpu.memref_squeeze %dma_start3A_14 : memref<1x10000xi32, #tpu.memory_space<hbm>> -> memref<10000xi32, #tpu.memory_space<hbm>>
    %dma_start3A_16 = tpu.memref_slice %arg2[%dma_start3A_13, %mul3A_2] : memref<2x320000xi32, #tpu.memory_space<hbm>> -> memref<1x10000xi32, #tpu.memory_space<hbm>>
    %dma_start3A_17 = tpu.memref_squeeze %dma_start3A_16 : memref<1x10000xi32, #tpu.memory_space<hbm>> -> memref<10000xi32, #tpu.memory_space<hbm>>
    tpu.enqueue_dma source(%dma_start3A_17 : memref<10000xi32, #tpu.memory_space<hbm>>) target(%arg9 : memref<10000xi32, #tpu.memory_space<vmem>>) target_semaphore(%arg14 : memref<!tpu.dma_semaphore, #tpu.memory_space<semaphore_mem>>)
    %dma_start3A_18 = tpu.memref_slice %arg3[%mul3A_2] : memref<320000xi32, #tpu.memory_space<hbm>> -> memref<10000xi32, #tpu.memory_space<hbm>>
    %dma_start3A_19 = tpu.memref_slice %arg3[%mul3A_2] : memref<320000xi32, #tpu.memory_space<hbm>> -> memref<10000xi32, #tpu.memory_space<hbm>>
    tpu.enqueue_dma source(%dma_start3A_19 : memref<10000xi32, #tpu.memory_space<hbm>>) target(%arg10 : memref<10000xi32, #tpu.memory_space<vmem>>) target_semaphore(%arg14 : memref<!tpu.dma_semaphore, #tpu.memory_space<semaphore_mem>>)
    %broadcast_in_dim3A = arith.constant 0.000000e+00 : f32
    %broadcast_in_dim3A_20 = vector.broadcast %broadcast_in_dim3A : f32 to vector<16xf32>
    %scan3A = arith.constant 0 : i32
    %scan3A_21 = arith.constant 640 : i32
    %scan3A_22 = arith.addi %scan3A, %scan3A_21 : i32
    %scan3A_23 = arith.constant 1 : i32
    scf.for %scan3A_56 = %scan3A to %scan3A_22 step %scan3A_23  : i32 {
      %mul3A_57 = arith.constant 1 : i32
      %mul3A_58 = arith.muli %scan3A_56, %mul3A_57 : i32
      %add3A_59 = arith.constant 0 : i32
      %add3A_60 = arith.addi %add3A_59, %mul3A_58 : i32
      %mul3A_61 = arith.constant 16 : i32
      %mul3A_62 = arith.muli %add3A_60, %mul3A_61 : i32
      %swap3A = arith.index_cast %mul3A_62 : i32 to index
      %swap3A_63 = tpu.vector_load %arg13[%swap3A] {strides = array<i32>} : memref<10240xf32, #tpu.memory_space<vmem>>, vector<16xf32>,
      tpu.vector_store %arg13[%swap3A], %broadcast_in_dim3A_20 {strides = array<i32>} : memref<10240xf32, #tpu.memory_space<vmem>>, vector<16xf32>,
    }
    %scan3A_24 = arith.constant 640 : i32
    %broadcast_in_dim3A_25 = arith.constant 0 : i32
    %broadcast_in_dim3A_26 = vector.broadcast %broadcast_in_dim3A_25 : i32 to vector<16xi32>
    %iota3A = tpu.iota {dimensions = array<i32: 0>} : vector<16xi32>
    %scan3A_27 = arith.constant 0 : i32
    %scan3A_28 = arith.constant 15 : i32
    %scan3A_29 = arith.addi %scan3A_27, %scan3A_28 : i32
    %scan3A_30 = arith.constant 1 : i32
    scf.for %scan3A_56 = %scan3A_27 to %scan3A_29 step %scan3A_30  : i32 {
      %mul3A_57 = arith.constant 1 : i32
      %mul3A_58 = arith.muli %scan3A_56, %mul3A_57 : i32
      %add3A_59 = arith.constant 625 : i32
      %add3A_60 = arith.addi %add3A_59, %mul3A_58 : i32
      %mul3A_61 = arith.constant 16 : i32
      %mul3A_62 = arith.muli %add3A_60, %mul3A_61 : i32
      %swap3A = arith.index_cast %mul3A_62 : i32 to index
      %swap3A_63 = tpu.vector_load %arg11[%swap3A] {strides = array<i32>} : memref<10240xi32, #tpu.memory_space<vmem>>, vector<16xi32>,
      tpu.vector_store %arg11[%swap3A], %broadcast_in_dim3A_26 {strides = array<i32>} : memref<10240xi32, #tpu.memory_space<vmem>>, vector<16xi32>,
      %swap3A_64 = arith.index_cast %mul3A_62 : i32 to index
      %swap3A_65 = tpu.vector_load %arg12[%swap3A_64] {strides = array<i32>} : memref<10240xi32, #tpu.memory_space<vmem>>, vector<16xi32>,
      tpu.vector_store %arg12[%swap3A_64], %broadcast_in_dim3A_26 {strides = array<i32>} : memref<10240xi32, #tpu.memory_space<vmem>>, vector<16xi32>,
      %sub3A = arith.constant 625 : i32
      %sub3A_66 = arith.subi %add3A_60, %sub3A : i32
      %mul3A_67 = arith.constant 16 : i32
      %mul3A_68 = arith.muli %sub3A_66, %mul3A_67 : i32
      %add3A_69 = vector.broadcast %mul3A_68 : i32 to vector<16xi32>
      %add3A_70 = arith.addi %add3A_69, %iota3A : vector<16xi32>
      %add3A_71 = arith.constant 10000 : i32
      %add3A_72 = vector.broadcast %add3A_71 : i32 to vector<16xi32>
      %add3A_73 = arith.addi %add3A_70, %add3A_72 : vector<16xi32>
      %swap3A_74 = arith.index_cast %mul3A_62 : i32 to index
      %swap3A_75 = tpu.vector_load %arg8[%swap3A_74] {strides = array<i32>} : memref<10240xi32, #tpu.memory_space<vmem>>, vector<16xi32>,
      tpu.vector_store %arg8[%swap3A_74], %add3A_73 {strides = array<i32>} : memref<10240xi32, #tpu.memory_space<vmem>>, vector<16xi32>,
    }
    %scan3A_31 = arith.constant 15 : i32
    %dma_wait3A = arith.constant 0 : i32
    %dma_wait3A_32 = arith.constant 0 : i32
    %dma_wait3A_33 = tpu.memref_slice %arg8[%dma_wait3A_32] : memref<10240xi32, #tpu.memory_space<vmem>> -> memref<10000xi32, #tpu.memory_space<vmem>>
    %dma_wait3A_34 = tpu.memref_slice %arg2[%dma_wait3A, %mul3A_2] : memref<2x320000xi32, #tpu.memory_space<hbm>> -> memref<1x10000xi32, #tpu.memory_space<hbm>>
    %dma_wait3A_35 = tpu.memref_squeeze %dma_wait3A_34 : memref<1x10000xi32, #tpu.memory_space<hbm>> -> memref<10000xi32, #tpu.memory_space<hbm>>
    %dma_wait3A_36 = arith.constant 0 : i32
    %dma_wait3A_37 = tpu.memref_slice %arg8[%dma_wait3A_36] : memref<10240xi32, #tpu.memory_space<vmem>> -> memref<10000xi32, #tpu.memory_space<vmem>>
    %dma_wait3A_38 = tpu.memref_slice %arg2[%dma_wait3A, %mul3A_2] : memref<2x320000xi32, #tpu.memory_space<hbm>> -> memref<1x10000xi32, #tpu.memory_space<hbm>>
    %dma_wait3A_39 = tpu.memref_squeeze %dma_wait3A_38 : memref<1x10000xi32, #tpu.memory_space<hbm>> -> memref<10000xi32, #tpu.memory_space<hbm>>
    tpu.wait_dma2 semaphore(%arg14 : memref<!tpu.dma_semaphore, #tpu.memory_space<semaphore_mem>>) src(%dma_wait3A_39 : memref<10000xi32, #tpu.memory_space<hbm>>) dst(%dma_wait3A_37 : memref<10000xi32, #tpu.memory_space<vmem>>)
    %dma_wait3A_40 = arith.constant 1 : i32
    %dma_wait3A_41 = tpu.memref_slice %arg2[%dma_wait3A_40, %mul3A_2] : memref<2x320000xi32, #tpu.memory_space<hbm>> -> memref<1x10000xi32, #tpu.memory_space<hbm>>
    %dma_wait3A_42 = tpu.memref_squeeze %dma_wait3A_41 : memref<1x10000xi32, #tpu.memory_space<hbm>> -> memref<10000xi32, #tpu.memory_space<hbm>>
    %dma_wait3A_43 = tpu.memref_slice %arg2[%dma_wait3A_40, %mul3A_2] : memref<2x320000xi32, #tpu.memory_space<hbm>> -> memref<1x10000xi32, #tpu.memory_space<hbm>>
    %dma_wait3A_44 = tpu.memref_squeeze %dma_wait3A_43 : memref<1x10000xi32, #tpu.memory_space<hbm>> -> memref<10000xi32, #tpu.memory_space<hbm>>
    tpu.wait_dma2 semaphore(%arg14 : memref<!tpu.dma_semaphore, #tpu.memory_space<semaphore_mem>>) src(%dma_wait3A_44 : memref<10000xi32, #tpu.memory_space<hbm>>) dst(%arg9 : memref<10000xi32, #tpu.memory_space<vmem>>)
    %dma_wait3A_45 = tpu.memref_slice %arg3[%mul3A_2] : memref<320000xi32, #tpu.memory_space<hbm>> -> memref<10000xi32, #tpu.memory_space<hbm>>
    %dma_wait3A_46 = tpu.memref_slice %arg3[%mul3A_2] : memref<320000xi32, #tpu.memory_space<hbm>> -> memref<10000xi32, #tpu.memory_space<hbm>>
    tpu.wait_dma2 semaphore(%arg14 : memref<!tpu.dma_semaphore, #tpu.memory_space<semaphore_mem>>) src(%dma_wait3A_46 : memref<10000xi32, #tpu.memory_space<hbm>>) dst(%arg10 : memref<10000xi32, #tpu.memory_space<vmem>>)
    %broadcast_in_dim3A_47 = arith.constant 1.000000e+00 : f32
    %broadcast_in_dim3A_48 = vector.broadcast %broadcast_in_dim3A_47 : f32 to vector<16xf32>
    %broadcast_in_dim3A_49 = arith.constant 4 : i32
    %broadcast_in_dim3A_50 = vector.broadcast %broadcast_in_dim3A_49 : i32 to vector<16xi32>
    %scan3A_51 = arith.constant 0 : i32
    %scan3A_52 = arith.constant 625 : i32
    %scan3A_53 = arith.addi %scan3A_51, %scan3A_52 : i32
    %scan3A_54 = arith.constant 1 : i32
    scf.for %scan3A_56 = %scan3A_51 to %scan3A_53 step %scan3A_54  : i32 {
      %mul3A_57 = arith.constant 1 : i32
      %mul3A_58 = arith.muli %scan3A_56, %mul3A_57 : i32
      %add3A_59 = arith.constant 0 : i32
      %add3A_60 = arith.addi %add3A_59, %mul3A_58 : i32
      %mul3A_61 = arith.constant 16 : i32
      %mul3A_62 = arith.muli %add3A_60, %mul3A_61 : i32
      %get3A = arith.index_cast %mul3A_62 : i32 to index
      %get3A_63 = tpu.vector_load %arg10[%get3A] {strides = array<i32>} : memref<10000xi32, #tpu.memory_space<vmem>>, vector<16xi32>,
      %mul3A_64 = arith.constant 10000 : i32
      %mul3A_65 = vector.broadcast %mul3A_64 : i32 to vector<16xi32>
      %mul3A_66 = arith.muli %get3A_63, %mul3A_65 : vector<16xi32>
      %get3A_67 = arith.index_cast %mul3A_62 : i32 to index
      %get3A_68 = tpu.vector_load %arg9[%get3A_67] {strides = array<i32>} : memref<10000xi32, #tpu.memory_space<vmem>>, vector<16xi32>,
      %add3A_69 = arith.addi %mul3A_66, %get3A_68 : vector<16xi32>
      %swap3A = arith.index_cast %mul3A_62 : i32 to index
      %swap3A_70 = tpu.vector_load %arg11[%swap3A] {strides = array<i32>} : memref<10240xi32, #tpu.memory_space<vmem>>, vector<16xi32>,
      tpu.vector_store %arg11[%swap3A], %add3A_69 {strides = array<i32>} : memref<10240xi32, #tpu.memory_space<vmem>>, vector<16xi32>,
      %get3A_71 = arith.index_cast %mul3A_62 : i32 to index
      %get3A_72 = tpu.vector_load %arg9[%get3A_71] {strides = array<i32>} : memref<10000xi32, #tpu.memory_space<vmem>>, vector<16xi32>,
      %mul3A_73 = arith.muli %get3A_72, %broadcast_in_dim3A_50 : vector<16xi32>
      %get3A_74 = arith.index_cast %mul3A_62 : i32 to index
      %get3A_75 = tpu.vector_load %arg10[%get3A_74] {strides = array<i32>} : memref<10000xi32, #tpu.memory_space<vmem>>, vector<16xi32>,
      %add3A_76 = arith.addi %mul3A_73, %get3A_75 : vector<16xi32>
      %swap3A_77 = arith.index_cast %mul3A_62 : i32 to index
      %swap3A_78 = tpu.vector_load %arg12[%swap3A_77] {strides = array<i32>} : memref<10240xi32, #tpu.memory_space<vmem>>, vector<16xi32>,
      tpu.vector_store %arg12[%swap3A_77], %add3A_76 {strides = array<i32>} : memref<10240xi32, #tpu.memory_space<vmem>>, vector<16xi32>,
      %get3A_79 = arith.index_cast %mul3A_62 : i32 to index
      %get3A_80 = tpu.vector_load %arg8[%get3A_79] {strides = array<i32>} : memref<10240xi32, #tpu.memory_space<vmem>>, vector<16xi32>,
      tpu.vector_store_idx %arg13[%get3A_80], %broadcast_in_dim3A_48 {add = true} : memref<10240xf32, #tpu.memory_space<vmem>>[vector<16xi32>], vector<16xf32>,
    }
    %scan3A_55 = arith.constant 625 : i32
    "tpu.region"() ({
      %run_scoped3A = tpu.sem_alloc : memref<!tpu.dma_semaphore, #tpu.memory_space<semaphore_mem>>
      %dma_start3A_56 = arith.constant 0 : i32
      %dma_start3A_57 = tpu.memref_slice %arg4[%add3A, %dma_start3A_56] : memref<32x10240xf32, #tpu.memory_space<hbm>> -> memref<1x10240xf32, #tpu.memory_space<hbm>>
      %dma_start3A_58 = tpu.memref_squeeze %dma_start3A_57 : memref<1x10240xf32, #tpu.memory_space<hbm>> -> memref<10240xf32, #tpu.memory_space<hbm>>
      %dma_start3A_59 = arith.constant 0 : i32
      %dma_start3A_60 = tpu.memref_slice %arg4[%add3A, %dma_start3A_59] : memref<32x10240xf32, #tpu.memory_space<hbm>> -> memref<1x10240xf32, #tpu.memory_space<hbm>>
      %dma_start3A_61 = tpu.memref_squeeze %dma_start3A_60 : memref<1x10240xf32, #tpu.memory_space<hbm>> -> memref<10240xf32, #tpu.memory_space<hbm>>
      tpu.enqueue_dma source(%arg13 : memref<10240xf32, #tpu.memory_space<vmem>>) target(%dma_start3A_61 : memref<10240xf32, #tpu.memory_space<hbm>>) target_semaphore(%run_scoped3A : memref<!tpu.dma_semaphore, #tpu.memory_space<semaphore_mem>>)
      %dma_wait3A_62 = arith.constant 0 : i32
      %dma_wait3A_63 = tpu.memref_slice %arg4[%add3A, %dma_wait3A_62] : memref<32x10240xf32, #tpu.memory_space<hbm>> -> memref<1x10240xf32, #tpu.memory_space<hbm>>
      %dma_wait3A_64 = tpu.memref_squeeze %dma_wait3A_63 : memref<1x10240xf32, #tpu.memory_space<hbm>> -> memref<10240xf32, #tpu.memory_space<hbm>>
      %dma_wait3A_65 = arith.constant 0 : i32
      %dma_wait3A_66 = tpu.memref_slice %arg4[%add3A, %dma_wait3A_65] : memref<32x10240xf32, #tpu.memory_space<hbm>> -> memref<1x10240xf32, #tpu.memory_space<hbm>>
      %dma_wait3A_67 = tpu.memref_squeeze %dma_wait3A_66 : memref<1x10240xf32, #tpu.memory_space<hbm>> -> memref<10240xf32, #tpu.memory_space<hbm>>
      tpu.wait_dma2 semaphore(%run_scoped3A : memref<!tpu.dma_semaphore, #tpu.memory_space<semaphore_mem>>) src(%arg13 : memref<10240xf32, #tpu.memory_space<vmem>>) dst(%dma_wait3A_67 : memref<10240xf32, #tpu.memory_space<hbm>>)
      tpu.yield
    }) : () -> ()
    "tpu.region"() ({
      %run_scoped3A = tpu.sem_alloc : memref<!tpu.dma_semaphore, #tpu.memory_space<semaphore_mem>>
      %dma_start3A_56 = tpu.memref_slice %arg5[%mul3A_4] : memref<327680xi32, #tpu.memory_space<hbm>> -> memref<10240xi32, #tpu.memory_space<hbm>>
      %dma_start3A_57 = tpu.memref_slice %arg5[%mul3A_4] : memref<327680xi32, #tpu.memory_space<hbm>> -> memref<10240xi32, #tpu.memory_space<hbm>>
      tpu.enqueue_dma source(%arg11 : memref<10240xi32, #tpu.memory_space<vmem>>) target(%dma_start3A_57 : memref<10240xi32, #tpu.memory_space<hbm>>) target_semaphore(%run_scoped3A : memref<!tpu.dma_semaphore, #tpu.memory_space<semaphore_mem>>)
      %dma_wait3A_58 = tpu.memref_slice %arg5[%mul3A_4] : memref<327680xi32, #tpu.memory_space<hbm>> -> memref<10240xi32, #tpu.memory_space<hbm>>
      %dma_wait3A_59 = tpu.memref_slice %arg5[%mul3A_4] : memref<327680xi32, #tpu.memory_space<hbm>> -> memref<10240xi32, #tpu.memory_space<hbm>>
      tpu.wait_dma2 semaphore(%run_scoped3A : memref<!tpu.dma_semaphore, #tpu.memory_space<semaphore_mem>>) src(%arg11 : memref<10240xi32, #tpu.memory_space<vmem>>) dst(%dma_wait3A_59 : memref<10240xi32, #tpu.memory_space<hbm>>)
      tpu.yield
    }) : () -> ()
    "tpu.region"() ({
      %run_scoped3A = tpu.sem_alloc : memref<!tpu.dma_semaphore, #tpu.memory_space<semaphore_mem>>
      %dma_start3A_56 = tpu.memref_slice %arg6[%mul3A_4] : memref<327680xi32, #tpu.memory_space<hbm>> -> memref<10240xi32, #tpu.memory_space<hbm>>
      %dma_start3A_57 = tpu.memref_slice %arg6[%mul3A_4] : memref<327680xi32, #tpu.memory_space<hbm>> -> memref<10240xi32, #tpu.memory_space<hbm>>
      tpu.enqueue_dma source(%arg12 : memref<10240xi32, #tpu.memory_space<vmem>>) target(%dma_start3A_57 : memref<10240xi32, #tpu.memory_space<hbm>>) target_semaphore(%run_scoped3A : memref<!tpu.dma_semaphore, #tpu.memory_space<semaphore_mem>>)
      %dma_wait3A_58 = tpu.memref_slice %arg6[%mul3A_4] : memref<327680xi32, #tpu.memory_space<hbm>> -> memref<10240xi32, #tpu.memory_space<hbm>>
      %dma_wait3A_59 = tpu.memref_slice %arg6[%mul3A_4] : memref<327680xi32, #tpu.memory_space<hbm>> -> memref<10240xi32, #tpu.memory_space<hbm>>
      tpu.wait_dma2 semaphore(%run_scoped3A : memref<!tpu.dma_semaphore, #tpu.memory_space<semaphore_mem>>) src(%arg12 : memref<10240xi32, #tpu.memory_space<vmem>>) dst(%dma_wait3A_59 : memref<10240xi32, #tpu.memory_space<hbm>>)
      tpu.yield
    }) : () -> ()
    "tpu.region"() ({
      %run_scoped3A = tpu.sem_alloc : memref<!tpu.dma_semaphore, #tpu.memory_space<semaphore_mem>>
      %dma_start3A_56 = tpu.memref_slice %arg7[%mul3A_4] : memref<327680xi32, #tpu.memory_space<hbm>> -> memref<10240xi32, #tpu.memory_space<hbm>>
      %dma_start3A_57 = tpu.memref_slice %arg7[%mul3A_4] : memref<327680xi32, #tpu.memory_space<hbm>> -> memref<10240xi32, #tpu.memory_space<hbm>>
      tpu.enqueue_dma source(%arg8 : memref<10240xi32, #tpu.memory_space<vmem>>) target(%dma_start3A_57 : memref<10240xi32, #tpu.memory_space<hbm>>) target_semaphore(%run_scoped3A : memref<!tpu.dma_semaphore, #tpu.memory_space<semaphore_mem>>)
      %dma_wait3A_58 = tpu.memref_slice %arg7[%mul3A_4] : memref<327680xi32, #tpu.memory_space<hbm>> -> memref<10240xi32, #tpu.memory_space<hbm>>
      %dma_wait3A_59 = tpu.memref_slice %arg7[%mul3A_4] : memref<327680xi32, #tpu.memory_space<hbm>> -> memref<10240xi32, #tpu.memory_space<hbm>>
      tpu.wait_dma2 semaphore(%run_scoped3A : memref<!tpu.dma_semaphore, #tpu.memory_space<semaphore_mem>>) src(%arg8 : memref<10240xi32, #tpu.memory_space<vmem>>) dst(%dma_wait3A_59 : memref<10240xi32, #tpu.memory_space<hbm>>)
      tpu.yield
    }) : () -> ()
    return
  }
}

#map = affine_map<(d0, d1) -> (0, 0)>
#map1 = affine_map<(d0, d1) -> (0)>
#map2 = affine_map<(d0, d1) -> (0, 0, 0)>
module attributes {stable_mosaic.version = 14 : i64} {
  func.func @_scatter_body(%arg0: i32, %arg1: i32, %arg2: memref<40000x16xf32, #tpu.memory_space<hbm>>, %arg3: memref<327680xi32, #tpu.memory_space<hbm>>, %arg4: memref<327680xi32, #tpu.memory_space<hbm>>, %arg5: memref<2x10240x16xf32, #tpu.memory_space<hbm>>, %arg6: memref<2560xi32, #tpu.memory_space<vmem>>, %arg7: memref<2560xi32, #tpu.memory_space<vmem>>, %arg8: memref<2560xi32, #tpu.memory_space<vmem>>, %arg9: memref<2560xi32, #tpu.memory_space<vmem>>, %arg10: memref<128x16xf32, #tpu.memory_space<vmem>>, %arg11: memref<128x16xf32, #tpu.memory_space<vmem>>, %arg12: memref<128x16xf32, #tpu.memory_space<vmem>>, %arg13: memref<128x16xf32, #tpu.memory_space<vmem>>, %arg14: memref<10240x16xf32, #tpu.memory_space<vmem_shared>>, %arg15: memref<!tpu.dma_semaphore, #tpu.memory_space<semaphore_mem>>, %arg16: memref<!tpu.dma_semaphore, #tpu.memory_space<semaphore_mem>>, %arg17: memref<!tpu.dma_semaphore, #tpu.memory_space<semaphore_mem>>, %arg18: memref<!tpu.dma_semaphore, #tpu.memory_space<semaphore_mem>>, %arg19: memref<!tpu.dma_semaphore, #tpu.memory_space<semaphore_mem>>, %arg20: memref<!tpu.dma_semaphore, #tpu.memory_space<semaphore_mem>>, %arg21: memref<!tpu.dma_semaphore, #tpu.memory_space<semaphore_mem>>, %arg22: memref<!tpu.dma_semaphore, #tpu.memory_space<semaphore_mem>>, %arg23: memref<!tpu.dma_semaphore, #tpu.memory_space<semaphore_mem>>, %arg24: memref<!tpu.dma_semaphore, #tpu.memory_space<semaphore_mem>>) attributes {dimension_semantics = [#tpu.dimension_semantics<core_parallel>, #tpu.dimension_semantics<subcore_parallel>], iteration_bounds = array<i64: 2, 16>, scalar_prefetch = 0 : i64, scratch_operands = 19 : i64, tpu.core_type = #tpu.core_type<sc_vector_subcore>, window_params = [{transform_indices = #map}, {transform_indices = #map1}, {transform_indices = #map1}, {transform_indices = #map2}]} {
    %mul3A = arith.constant 2 : i32
    %mul3A_0 = arith.muli %arg1, %mul3A : i32
    %add3A = arith.addi %mul3A_0, %arg0 : i32
    %mul3A_1 = arith.constant 10240 : i32
    %mul3A_2 = arith.muli %add3A, %mul3A_1 : i32
    %broadcast_in_dim3A = arith.constant 0.000000e+00 : f32
    %broadcast_in_dim3A_3 = vector.broadcast %broadcast_in_dim3A : f32 to vector<16xf32>
    %scan3A = arith.constant 0 : i32
    %scan3A_4 = arith.constant 80 : i32
    %scan3A_5 = arith.addi %scan3A, %scan3A_4 : i32
    %scan3A_6 = arith.constant 1 : i32
    scf.for %scan3A_261 = %scan3A to %scan3A_5 step %scan3A_6  : i32 {
      %mul3A_262 = arith.constant 1 : i32
      %mul3A_263 = arith.muli %scan3A_261, %mul3A_262 : i32
      %add3A_264 = arith.constant 0 : i32
      %add3A_265 = arith.addi %add3A_264, %mul3A_263 : i32
      %scan3A_266 = arith.constant 0 : i32
      %mul3A_267 = arith.constant 1 : i32
      %mul3A_268 = arith.muli %scan3A_266, %mul3A_267 : i32
      %add3A_269 = arith.constant 0 : i32
      %add3A_270 = arith.addi %add3A_269, %mul3A_268 : i32
      %mul3A_271 = arith.constant 16 : i32
      %mul3A_272 = arith.muli %add3A_270, %mul3A_271 : i32
      %swap3A = arith.index_cast %add3A_265 : i32 to index
      %swap3A_273 = arith.index_cast %mul3A_272 : i32 to index
      %swap3A_274 = tpu.vector_load %arg10[%swap3A, %swap3A_273] {strides = array<i32>} : memref<128x16xf32, #tpu.memory_space<vmem>>, vector<16xf32>,
      tpu.vector_store %arg10[%swap3A, %swap3A_273], %broadcast_in_dim3A_3 {strides = array<i32>} : memref<128x16xf32, #tpu.memory_space<vmem>>, vector<16xf32>,
      %scan3A_275 = arith.constant 1 : i32
    }
    %scan3A_7 = arith.constant 80 : i32
    %scan3A_8 = arith.constant 0 : i32
    %scan3A_9 = arith.constant 8 : i32
    %scan3A_10 = arith.addi %scan3A_8, %scan3A_9 : i32
    %scan3A_11 = arith.constant 1 : i32
    scf.for %scan3A_261 = %scan3A_8 to %scan3A_10 step %scan3A_11  : i32 {
      %mul3A_262 = arith.constant 1 : i32
      %mul3A_263 = arith.muli %scan3A_261, %mul3A_262 : i32
      %add3A_264 = arith.constant 0 : i32
      %add3A_265 = arith.addi %add3A_264, %mul3A_263 : i32
      %mul3A_266 = arith.constant 640 : i32
      %mul3A_267 = arith.muli %arg1, %mul3A_266 : i32
      %mul3A_268 = arith.constant 80 : i32
      %mul3A_269 = arith.muli %add3A_265, %mul3A_268 : i32
      %add3A_270 = arith.addi %mul3A_267, %mul3A_269 : i32
      "tpu.region"() ({
        %run_scoped3A = tpu.sem_alloc : memref<!tpu.dma_semaphore, #tpu.memory_space<semaphore_mem>>
        %dma_start3A_271 = arith.constant 0 : i32
        %dma_start3A_272 = arith.constant 0 : i32
        %dma_start3A_273 = tpu.memref_slice %arg10[%dma_start3A_271, %dma_start3A_272] : memref<128x16xf32, #tpu.memory_space<vmem>> -> memref<80x16xf32, #tpu.memory_space<vmem>>
        %dma_start3A_274 = arith.constant 0 : i32
        %dma_start3A_275 = tpu.memref_slice %arg14[%add3A_270, %dma_start3A_274] : memref<10240x16xf32, #tpu.memory_space<vmem_shared>> -> memref<80x16xf32, #tpu.memory_space<vmem_shared>>
        %dma_start3A_276 = arith.constant 0 : i32
        %dma_start3A_277 = tpu.memref_slice %arg14[%add3A_270, %dma_start3A_276] : memref<10240x16xf32, #tpu.memory_space<vmem_shared>> -> memref<80x16xf32, #tpu.memory_space<vmem_shared>>
        %dma_start3A_278 = arith.constant 0 : i32
        %dma_start3A_279 = arith.constant 0 : i32
        %dma_start3A_280 = tpu.memref_slice %arg10[%dma_start3A_278, %dma_start3A_279] : memref<128x16xf32, #tpu.memory_space<vmem>> -> memref<80x16xf32, #tpu.memory_space<vmem>>
        tpu.enqueue_dma source(%dma_start3A_280 : memref<80x16xf32, #tpu.memory_space<vmem>>) target(%dma_start3A_277 : memref<80x16xf32, #tpu.memory_space<vmem_shared>>) target_semaphore(%run_scoped3A : memref<!tpu.dma_semaphore, #tpu.memory_space<semaphore_mem>>)
        %dma_wait3A_281 = arith.constant 0 : i32
        %dma_wait3A_282 = arith.constant 0 : i32
        %dma_wait3A_283 = tpu.memref_slice %arg10[%dma_wait3A_281, %dma_wait3A_282] : memref<128x16xf32, #tpu.memory_space<vmem>> -> memref<80x16xf32, #tpu.memory_space<vmem>>
        %dma_wait3A_284 = arith.constant 0 : i32
        %dma_wait3A_285 = tpu.memref_slice %arg14[%add3A_270, %dma_wait3A_284] : memref<10240x16xf32, #tpu.memory_space<vmem_shared>> -> memref<80x16xf32, #tpu.memory_space<vmem_shared>>
        %dma_wait3A_286 = arith.constant 0 : i32
        %dma_wait3A_287 = tpu.memref_slice %arg14[%add3A_270, %dma_wait3A_286] : memref<10240x16xf32, #tpu.memory_space<vmem_shared>> -> memref<80x16xf32, #tpu.memory_space<vmem_shared>>
        %dma_wait3A_288 = arith.constant 0 : i32
        %dma_wait3A_289 = arith.constant 0 : i32
        %dma_wait3A_290 = tpu.memref_slice %arg10[%dma_wait3A_288, %dma_wait3A_289] : memref<128x16xf32, #tpu.memory_space<vmem>> -> memref<80x16xf32, #tpu.memory_space<vmem>>
        tpu.wait_dma2 semaphore(%run_scoped3A : memref<!tpu.dma_semaphore, #tpu.memory_space<semaphore_mem>>) src(%dma_wait3A_290 : memref<80x16xf32, #tpu.memory_space<vmem>>) dst(%dma_wait3A_287 : memref<80x16xf32, #tpu.memory_space<vmem_shared>>)
        tpu.yield
      }) : () -> ()
    }
    %scan3A_12 = arith.constant 8 : i32
    %barrier3A = arith.constant 0 : index
    tpu.barrier barrier_id(%barrier3A)
    %add3A_13 = arith.constant 0 : i32
    %add3A_14 = arith.addi %mul3A_2, %add3A_13 : i32
    %dma_start3A = tpu.memref_slice %arg3[%add3A_14] : memref<327680xi32, #tpu.memory_space<hbm>> -> memref<2560xi32, #tpu.memory_space<hbm>>
    %dma_start3A_15 = tpu.memref_slice %arg3[%add3A_14] : memref<327680xi32, #tpu.memory_space<hbm>> -> memref<2560xi32, #tpu.memory_space<hbm>>
    tpu.enqueue_dma source(%dma_start3A_15 : memref<2560xi32, #tpu.memory_space<hbm>>) target(%arg6 : memref<2560xi32, #tpu.memory_space<vmem>>) target_semaphore(%arg15 : memref<!tpu.dma_semaphore, #tpu.memory_space<semaphore_mem>>)
    %add3A_16 = arith.constant 0 : i32
    %add3A_17 = arith.addi %mul3A_2, %add3A_16 : i32
    %dma_start3A_18 = tpu.memref_slice %arg4[%add3A_17] : memref<327680xi32, #tpu.memory_space<hbm>> -> memref<2560xi32, #tpu.memory_space<hbm>>
    %dma_start3A_19 = tpu.memref_slice %arg4[%add3A_17] : memref<327680xi32, #tpu.memory_space<hbm>> -> memref<2560xi32, #tpu.memory_space<hbm>>
    tpu.enqueue_dma source(%dma_start3A_19 : memref<2560xi32, #tpu.memory_space<hbm>>) target(%arg8 : memref<2560xi32, #tpu.memory_space<vmem>>) target_semaphore(%arg15 : memref<!tpu.dma_semaphore, #tpu.memory_space<semaphore_mem>>)
    %add3A_20 = arith.constant 0 : i32
    %add3A_21 = arith.addi %mul3A_2, %add3A_20 : i32
    %dma_wait3A = tpu.memref_slice %arg3[%add3A_21] : memref<327680xi32, #tpu.memory_space<hbm>> -> memref<2560xi32, #tpu.memory_space<hbm>>
    %dma_wait3A_22 = tpu.memref_slice %arg3[%add3A_21] : memref<327680xi32, #tpu.memory_space<hbm>> -> memref<2560xi32, #tpu.memory_space<hbm>>
    tpu.wait_dma2 semaphore(%arg15 : memref<!tpu.dma_semaphore, #tpu.memory_space<semaphore_mem>>) src(%dma_wait3A_22 : memref<2560xi32, #tpu.memory_space<hbm>>) dst(%arg6 : memref<2560xi32, #tpu.memory_space<vmem>>)
    %add3A_23 = arith.constant 0 : i32
    %add3A_24 = arith.addi %mul3A_2, %add3A_23 : i32
    %dma_wait3A_25 = tpu.memref_slice %arg4[%add3A_24] : memref<327680xi32, #tpu.memory_space<hbm>> -> memref<2560xi32, #tpu.memory_space<hbm>>
    %dma_wait3A_26 = tpu.memref_slice %arg4[%add3A_24] : memref<327680xi32, #tpu.memory_space<hbm>> -> memref<2560xi32, #tpu.memory_space<hbm>>
    tpu.wait_dma2 semaphore(%arg15 : memref<!tpu.dma_semaphore, #tpu.memory_space<semaphore_mem>>) src(%dma_wait3A_26 : memref<2560xi32, #tpu.memory_space<hbm>>) dst(%arg8 : memref<2560xi32, #tpu.memory_space<vmem>>)
    %dma_start3A_27 = arith.constant 0 : i32
    %dma_start3A_28 = tpu.memref_slice %arg6[%dma_start3A_27] : memref<2560xi32, #tpu.memory_space<vmem>> -> memref<128xi32, #tpu.memory_space<vmem>>
    %dma_start3A_29 = arith.constant 0 : i32
    %dma_start3A_30 = arith.constant 0 : i32
    %dma_start3A_31 = tpu.memref_slice %arg2[%dma_start3A_29, %dma_start3A_30] : memref<40000x16xf32, #tpu.memory_space<hbm>> -> memref<40000x16xf32, #tpu.memory_space<hbm>>
    tpu.enqueue_indirect_dma source(%dma_start3A_31 : memref<40000x16xf32, #tpu.memory_space<hbm>>) target(%arg10 : memref<128x16xf32, #tpu.memory_space<vmem>>) offsets(%dma_start3A_28 : memref<128xi32, #tpu.memory_space<vmem>>) semaphore(%arg17 : memref<!tpu.dma_semaphore, #tpu.memory_space<semaphore_mem>>)
    %dma_start3A_32 = arith.constant 128 : i32
    %dma_start3A_33 = tpu.memref_slice %arg6[%dma_start3A_32] : memref<2560xi32, #tpu.memory_space<vmem>> -> memref<128xi32, #tpu.memory_space<vmem>>
    %dma_start3A_34 = arith.constant 0 : i32
    %dma_start3A_35 = arith.constant 0 : i32
    %dma_start3A_36 = tpu.memref_slice %arg2[%dma_start3A_34, %dma_start3A_35] : memref<40000x16xf32, #tpu.memory_space<hbm>> -> memref<40000x16xf32, #tpu.memory_space<hbm>>
    tpu.enqueue_indirect_dma source(%dma_start3A_36 : memref<40000x16xf32, #tpu.memory_space<hbm>>) target(%arg11 : memref<128x16xf32, #tpu.memory_space<vmem>>) offsets(%dma_start3A_33 : memref<128xi32, #tpu.memory_space<vmem>>) semaphore(%arg18 : memref<!tpu.dma_semaphore, #tpu.memory_space<semaphore_mem>>)
    %dma_start3A_37 = arith.constant 256 : i32
    %dma_start3A_38 = tpu.memref_slice %arg6[%dma_start3A_37] : memref<2560xi32, #tpu.memory_space<vmem>> -> memref<128xi32, #tpu.memory_space<vmem>>
    %dma_start3A_39 = arith.constant 0 : i32
    %dma_start3A_40 = arith.constant 0 : i32
    %dma_start3A_41 = tpu.memref_slice %arg2[%dma_start3A_39, %dma_start3A_40] : memref<40000x16xf32, #tpu.memory_space<hbm>> -> memref<40000x16xf32, #tpu.memory_space<hbm>>
    tpu.enqueue_indirect_dma source(%dma_start3A_41 : memref<40000x16xf32, #tpu.memory_space<hbm>>) target(%arg12 : memref<128x16xf32, #tpu.memory_space<vmem>>) offsets(%dma_start3A_38 : memref<128xi32, #tpu.memory_space<vmem>>) semaphore(%arg19 : memref<!tpu.dma_semaphore, #tpu.memory_space<semaphore_mem>>)
    %dma_start3A_42 = arith.constant 384 : i32
    %dma_start3A_43 = tpu.memref_slice %arg6[%dma_start3A_42] : memref<2560xi32, #tpu.memory_space<vmem>> -> memref<128xi32, #tpu.memory_space<vmem>>
    %dma_start3A_44 = arith.constant 0 : i32
    %dma_start3A_45 = arith.constant 0 : i32
    %dma_start3A_46 = tpu.memref_slice %arg2[%dma_start3A_44, %dma_start3A_45] : memref<40000x16xf32, #tpu.memory_space<hbm>> -> memref<40000x16xf32, #tpu.memory_space<hbm>>
    tpu.enqueue_indirect_dma source(%dma_start3A_46 : memref<40000x16xf32, #tpu.memory_space<hbm>>) target(%arg13 : memref<128x16xf32, #tpu.memory_space<vmem>>) offsets(%dma_start3A_43 : memref<128xi32, #tpu.memory_space<vmem>>) semaphore(%arg20 : memref<!tpu.dma_semaphore, #tpu.memory_space<semaphore_mem>>)
    %add3A_47 = arith.constant 2560 : i32
    %add3A_48 = arith.addi %mul3A_2, %add3A_47 : i32
    %dma_start3A_49 = tpu.memref_slice %arg3[%add3A_48] : memref<327680xi32, #tpu.memory_space<hbm>> -> memref<2560xi32, #tpu.memory_space<hbm>>
    %dma_start3A_50 = tpu.memref_slice %arg3[%add3A_48] : memref<327680xi32, #tpu.memory_space<hbm>> -> memref<2560xi32, #tpu.memory_space<hbm>>
    tpu.enqueue_dma source(%dma_start3A_50 : memref<2560xi32, #tpu.memory_space<hbm>>) target(%arg7 : memref<2560xi32, #tpu.memory_space<vmem>>) target_semaphore(%arg16 : memref<!tpu.dma_semaphore, #tpu.memory_space<semaphore_mem>>)
    %add3A_51 = arith.constant 2560 : i32
    %add3A_52 = arith.addi %mul3A_2, %add3A_51 : i32
    %dma_start3A_53 = tpu.memref_slice %arg4[%add3A_52] : memref<327680xi32, #tpu.memory_space<hbm>> -> memref<2560xi32, #tpu.memory_space<hbm>>
    %dma_start3A_54 = tpu.memref_slice %arg4[%add3A_52] : memref<327680xi32, #tpu.memory_space<hbm>> -> memref<2560xi32, #tpu.memory_space<hbm>>
    tpu.enqueue_dma source(%dma_start3A_54 : memref<2560xi32, #tpu.memory_space<hbm>>) target(%arg9 : memref<2560xi32, #tpu.memory_space<vmem>>) target_semaphore(%arg16 : memref<!tpu.dma_semaphore, #tpu.memory_space<semaphore_mem>>)
    %scan3A_55 = arith.constant 0 : i32
    %scan3A_56 = arith.constant 5 : i32
    %scan3A_57 = arith.addi %scan3A_55, %scan3A_56 : i32
    %scan3A_58 = arith.constant 1 : i32
    scf.for %scan3A_261 = %scan3A_55 to %scan3A_57 step %scan3A_58  : i32 {
      %mul3A_262 = arith.constant 1 : i32
      %mul3A_263 = arith.muli %scan3A_261, %mul3A_262 : i32
      %add3A_264 = arith.constant 0 : i32
      %add3A_265 = arith.addi %add3A_264, %mul3A_263 : i32
      %mul3A_266 = arith.constant 4 : i32
      %mul3A_267 = arith.muli %add3A_265, %mul3A_266 : i32
      %add3A_268 = arith.constant 0 : i32
      %add3A_269 = arith.addi %mul3A_267, %add3A_268 : i32
      %mul3A_270 = arith.constant 128 : i32
      %mul3A_271 = arith.muli %add3A_269, %mul3A_270 : i32
      %dma_wait3A_272 = tpu.memref_slice %arg6[%mul3A_271] : memref<2560xi32, #tpu.memory_space<vmem>> -> memref<128xi32, #tpu.memory_space<vmem>>
      %dma_wait3A_273 = arith.constant 0 : i32
      %dma_wait3A_274 = arith.constant 0 : i32
      %dma_wait3A_275 = tpu.memref_slice %arg2[%dma_wait3A_273, %dma_wait3A_274] : memref<40000x16xf32, #tpu.memory_space<hbm>> -> memref<40000x16xf32, #tpu.memory_space<hbm>>
      tpu.wait_indirect_dma semaphore(%arg17 : memref<!tpu.dma_semaphore, #tpu.memory_space<semaphore_mem>>) src(%dma_wait3A_275 : memref<40000x16xf32, #tpu.memory_space<hbm>>) dst(%arg10 : memref<128x16xf32, #tpu.memory_space<vmem>>)
      %mul3A_276 = arith.constant 128 : i32
      %mul3A_277 = arith.muli %add3A_269, %mul3A_276 : i32
      %dma_start3A_278 = tpu.memref_slice %arg8[%mul3A_277] : memref<2560xi32, #tpu.memory_space<vmem>> -> memref<128xi32, #tpu.memory_space<vmem>>
      %dma_start3A_279 = arith.constant 0 : i32
      %dma_start3A_280 = arith.constant 0 : i32
      %dma_start3A_281 = tpu.memref_slice %arg14[%dma_start3A_279, %dma_start3A_280] : memref<10240x16xf32, #tpu.memory_space<vmem_shared>> -> memref<10240x16xf32, #tpu.memory_space<vmem_shared>>
      tpu.enqueue_indirect_dma source(%arg10 : memref<128x16xf32, #tpu.memory_space<vmem>>) target(%dma_start3A_281 : memref<10240x16xf32, #tpu.memory_space<vmem_shared>>) offsets(%dma_start3A_278 : memref<128xi32, #tpu.memory_space<vmem>>) semaphore(%arg21 : memref<!tpu.dma_semaphore, #tpu.memory_space<semaphore_mem>>) {add = true}
      %add3A_282 = arith.constant 4 : i32
      %add3A_283 = arith.addi %add3A_269, %add3A_282 : i32
      %lt3A = arith.constant 20 : i32
      %lt3A_284 = arith.cmpi slt, %add3A_283, %lt3A : i32
      %convert_element_type3A = arith.extui %lt3A_284 : i1 to i32
      %cond3A = arith.constant 0 : i32
      %cond3A_285 = arith.cmpi ne, %convert_element_type3A, %cond3A : i32
      scf.if %cond3A_285 {
        %dma_wait3A_355 = arith.constant 0 : i32
        %dma_wait3A_356 = tpu.memref_slice %arg8[%dma_wait3A_355] : memref<2560xi32, #tpu.memory_space<vmem>> -> memref<128xi32, #tpu.memory_space<vmem>>
        %dma_wait3A_357 = arith.constant 0 : i32
        %dma_wait3A_358 = arith.constant 0 : i32
        %dma_wait3A_359 = tpu.memref_slice %arg14[%dma_wait3A_357, %dma_wait3A_358] : memref<10240x16xf32, #tpu.memory_space<vmem_shared>> -> memref<10240x16xf32, #tpu.memory_space<vmem_shared>>
        tpu.wait_indirect_dma semaphore(%arg21 : memref<!tpu.dma_semaphore, #tpu.memory_space<semaphore_mem>>) src(%arg10 : memref<128x16xf32, #tpu.memory_space<vmem>>) dst(%dma_wait3A_359 : memref<10240x16xf32, #tpu.memory_space<vmem_shared>>)
        %add3A_360 = arith.constant 4 : i32
        %add3A_361 = arith.addi %add3A_269, %add3A_360 : i32
        %mul3A_362 = arith.constant 128 : i32
        %mul3A_363 = arith.muli %add3A_361, %mul3A_362 : i32
        %dma_start3A_364 = tpu.memref_slice %arg6[%mul3A_363] : memref<2560xi32, #tpu.memory_space<vmem>> -> memref<128xi32, #tpu.memory_space<vmem>>
        %dma_start3A_365 = arith.constant 0 : i32
        %dma_start3A_366 = arith.constant 0 : i32
        %dma_start3A_367 = tpu.memref_slice %arg2[%dma_start3A_365, %dma_start3A_366] : memref<40000x16xf32, #tpu.memory_space<hbm>> -> memref<40000x16xf32, #tpu.memory_space<hbm>>
        tpu.enqueue_indirect_dma source(%dma_start3A_367 : memref<40000x16xf32, #tpu.memory_space<hbm>>) target(%arg10 : memref<128x16xf32, #tpu.memory_space<vmem>>) offsets(%dma_start3A_364 : memref<128xi32, #tpu.memory_space<vmem>>) semaphore(%arg17 : memref<!tpu.dma_semaphore, #tpu.memory_space<semaphore_mem>>)
      } else {
      }
      %mul3A_286 = arith.constant 4 : i32
      %mul3A_287 = arith.muli %add3A_265, %mul3A_286 : i32
      %add3A_288 = arith.constant 1 : i32
      %add3A_289 = arith.addi %mul3A_287, %add3A_288 : i32
      %mul3A_290 = arith.constant 128 : i32
      %mul3A_291 = arith.muli %add3A_289, %mul3A_290 : i32
      %dma_wait3A_292 = tpu.memref_slice %arg6[%mul3A_291] : memref<2560xi32, #tpu.memory_space<vmem>> -> memref<128xi32, #tpu.memory_space<vmem>>
      %dma_wait3A_293 = arith.constant 0 : i32
      %dma_wait3A_294 = arith.constant 0 : i32
      %dma_wait3A_295 = tpu.memref_slice %arg2[%dma_wait3A_293, %dma_wait3A_294] : memref<40000x16xf32, #tpu.memory_space<hbm>> -> memref<40000x16xf32, #tpu.memory_space<hbm>>
      tpu.wait_indirect_dma semaphore(%arg18 : memref<!tpu.dma_semaphore, #tpu.memory_space<semaphore_mem>>) src(%dma_wait3A_295 : memref<40000x16xf32, #tpu.memory_space<hbm>>) dst(%arg11 : memref<128x16xf32, #tpu.memory_space<vmem>>)
      %mul3A_296 = arith.constant 128 : i32
      %mul3A_297 = arith.muli %add3A_289, %mul3A_296 : i32
      %dma_start3A_298 = tpu.memref_slice %arg8[%mul3A_297] : memref<2560xi32, #tpu.memory_space<vmem>> -> memref<128xi32, #tpu.memory_space<vmem>>
      %dma_start3A_299 = arith.constant 0 : i32
      %dma_start3A_300 = arith.constant 0 : i32
      %dma_start3A_301 = tpu.memref_slice %arg14[%dma_start3A_299, %dma_start3A_300] : memref<10240x16xf32, #tpu.memory_space<vmem_shared>> -> memref<10240x16xf32, #tpu.memory_space<vmem_shared>>
      tpu.enqueue_indirect_dma source(%arg11 : memref<128x16xf32, #tpu.memory_space<vmem>>) target(%dma_start3A_301 : memref<10240x16xf32, #tpu.memory_space<vmem_shared>>) offsets(%dma_start3A_298 : memref<128xi32, #tpu.memory_space<vmem>>) semaphore(%arg22 : memref<!tpu.dma_semaphore, #tpu.memory_space<semaphore_mem>>) {add = true}
      %add3A_302 = arith.constant 4 : i32
      %add3A_303 = arith.addi %add3A_289, %add3A_302 : i32
      %lt3A_304 = arith.constant 20 : i32
      %lt3A_305 = arith.cmpi slt, %add3A_303, %lt3A_304 : i32
      %convert_element_type3A_306 = arith.extui %lt3A_305 : i1 to i32
      %cond3A_307 = arith.constant 0 : i32
      %cond3A_308 = arith.cmpi ne, %convert_element_type3A_306, %cond3A_307 : i32
      scf.if %cond3A_308 {
        %dma_wait3A_355 = arith.constant 0 : i32
        %dma_wait3A_356 = tpu.memref_slice %arg8[%dma_wait3A_355] : memref<2560xi32, #tpu.memory_space<vmem>> -> memref<128xi32, #tpu.memory_space<vmem>>
        %dma_wait3A_357 = arith.constant 0 : i32
        %dma_wait3A_358 = arith.constant 0 : i32
        %dma_wait3A_359 = tpu.memref_slice %arg14[%dma_wait3A_357, %dma_wait3A_358] : memref<10240x16xf32, #tpu.memory_space<vmem_shared>> -> memref<10240x16xf32, #tpu.memory_space<vmem_shared>>
        tpu.wait_indirect_dma semaphore(%arg22 : memref<!tpu.dma_semaphore, #tpu.memory_space<semaphore_mem>>) src(%arg11 : memref<128x16xf32, #tpu.memory_space<vmem>>) dst(%dma_wait3A_359 : memref<10240x16xf32, #tpu.memory_space<vmem_shared>>)
        %add3A_360 = arith.constant 4 : i32
        %add3A_361 = arith.addi %add3A_289, %add3A_360 : i32
        %mul3A_362 = arith.constant 128 : i32
        %mul3A_363 = arith.muli %add3A_361, %mul3A_362 : i32
        %dma_start3A_364 = tpu.memref_slice %arg6[%mul3A_363] : memref<2560xi32, #tpu.memory_space<vmem>> -> memref<128xi32, #tpu.memory_space<vmem>>
        %dma_start3A_365 = arith.constant 0 : i32
        %dma_start3A_366 = arith.constant 0 : i32
        %dma_start3A_367 = tpu.memref_slice %arg2[%dma_start3A_365, %dma_start3A_366] : memref<40000x16xf32, #tpu.memory_space<hbm>> -> memref<40000x16xf32, #tpu.memory_space<hbm>>
        tpu.enqueue_indirect_dma source(%dma_start3A_367 : memref<40000x16xf32, #tpu.memory_space<hbm>>) target(%arg11 : memref<128x16xf32, #tpu.memory_space<vmem>>) offsets(%dma_start3A_364 : memref<128xi32, #tpu.memory_space<vmem>>) semaphore(%arg18 : memref<!tpu.dma_semaphore, #tpu.memory_space<semaphore_mem>>)
      } else {
      }
      %mul3A_309 = arith.constant 4 : i32
      %mul3A_310 = arith.muli %add3A_265, %mul3A_309 : i32
      %add3A_311 = arith.constant 2 : i32
      %add3A_312 = arith.addi %mul3A_310, %add3A_311 : i32
      %mul3A_313 = arith.constant 128 : i32
      %mul3A_314 = arith.muli %add3A_312, %mul3A_313 : i32
      %dma_wait3A_315 = tpu.memref_slice %arg6[%mul3A_314] : memref<2560xi32, #tpu.memory_space<vmem>> -> memref<128xi32, #tpu.memory_space<vmem>>
      %dma_wait3A_316 = arith.constant 0 : i32
      %dma_wait3A_317 = arith.constant 0 : i32
      %dma_wait3A_318 = tpu.memref_slice %arg2[%dma_wait3A_316, %dma_wait3A_317] : memref<40000x16xf32, #tpu.memory_space<hbm>> -> memref<40000x16xf32, #tpu.memory_space<hbm>>
      tpu.wait_indirect_dma semaphore(%arg19 : memref<!tpu.dma_semaphore, #tpu.memory_space<semaphore_mem>>) src(%dma_wait3A_318 : memref<40000x16xf32, #tpu.memory_space<hbm>>) dst(%arg12 : memref<128x16xf32, #tpu.memory_space<vmem>>)
      %mul3A_319 = arith.constant 128 : i32
      %mul3A_320 = arith.muli %add3A_312, %mul3A_319 : i32
      %dma_start3A_321 = tpu.memref_slice %arg8[%mul3A_320] : memref<2560xi32, #tpu.memory_space<vmem>> -> memref<128xi32, #tpu.memory_space<vmem>>
      %dma_start3A_322 = arith.constant 0 : i32
      %dma_start3A_323 = arith.constant 0 : i32
      %dma_start3A_324 = tpu.memref_slice %arg14[%dma_start3A_322, %dma_start3A_323] : memref<10240x16xf32, #tpu.memory_space<vmem_shared>> -> memref<10240x16xf32, #tpu.memory_space<vmem_shared>>
      tpu.enqueue_indirect_dma source(%arg12 : memref<128x16xf32, #tpu.memory_space<vmem>>) target(%dma_start3A_324 : memref<10240x16xf32, #tpu.memory_space<vmem_shared>>) offsets(%dma_start3A_321 : memref<128xi32, #tpu.memory_space<vmem>>) semaphore(%arg23 : memref<!tpu.dma_semaphore, #tpu.memory_space<semaphore_mem>>) {add = true}
      %add3A_325 = arith.constant 4 : i32
      %add3A_326 = arith.addi %add3A_312, %add3A_325 : i32
      %lt3A_327 = arith.constant 20 : i32
      %lt3A_328 = arith.cmpi slt, %add3A_326, %lt3A_327 : i32
      %convert_element_type3A_329 = arith.extui %lt3A_328 : i1 to i32
      %cond3A_330 = arith.constant 0 : i32
      %cond3A_331 = arith.cmpi ne, %convert_element_type3A_329, %cond3A_330 : i32
      scf.if %cond3A_331 {
        %dma_wait3A_355 = arith.constant 0 : i32
        %dma_wait3A_356 = tpu.memref_slice %arg8[%dma_wait3A_355] : memref<2560xi32, #tpu.memory_space<vmem>> -> memref<128xi32, #tpu.memory_space<vmem>>
        %dma_wait3A_357 = arith.constant 0 : i32
        %dma_wait3A_358 = arith.constant 0 : i32
        %dma_wait3A_359 = tpu.memref_slice %arg14[%dma_wait3A_357, %dma_wait3A_358] : memref<10240x16xf32, #tpu.memory_space<vmem_shared>> -> memref<10240x16xf32, #tpu.memory_space<vmem_shared>>
        tpu.wait_indirect_dma semaphore(%arg23 : memref<!tpu.dma_semaphore, #tpu.memory_space<semaphore_mem>>) src(%arg12 : memref<128x16xf32, #tpu.memory_space<vmem>>) dst(%dma_wait3A_359 : memref<10240x16xf32, #tpu.memory_space<vmem_shared>>)
        %add3A_360 = arith.constant 4 : i32
        %add3A_361 = arith.addi %add3A_312, %add3A_360 : i32
        %mul3A_362 = arith.constant 128 : i32
        %mul3A_363 = arith.muli %add3A_361, %mul3A_362 : i32
        %dma_start3A_364 = tpu.memref_slice %arg6[%mul3A_363] : memref<2560xi32, #tpu.memory_space<vmem>> -> memref<128xi32, #tpu.memory_space<vmem>>
        %dma_start3A_365 = arith.constant 0 : i32
        %dma_start3A_366 = arith.constant 0 : i32
        %dma_start3A_367 = tpu.memref_slice %arg2[%dma_start3A_365, %dma_start3A_366] : memref<40000x16xf32, #tpu.memory_space<hbm>> -> memref<40000x16xf32, #tpu.memory_space<hbm>>
        tpu.enqueue_indirect_dma source(%dma_start3A_367 : memref<40000x16xf32, #tpu.memory_space<hbm>>) target(%arg12 : memref<128x16xf32, #tpu.memory_space<vmem>>) offsets(%dma_start3A_364 : memref<128xi32, #tpu.memory_space<vmem>>) semaphore(%arg19 : memref<!tpu.dma_semaphore, #tpu.memory_space<semaphore_mem>>)
      } else {
      }
      %mul3A_332 = arith.constant 4 : i32
      %mul3A_333 = arith.muli %add3A_265, %mul3A_332 : i32
      %add3A_334 = arith.constant 3 : i32
      %add3A_335 = arith.addi %mul3A_333, %add3A_334 : i32
      %mul3A_336 = arith.constant 128 : i32
      %mul3A_337 = arith.muli %add3A_335, %mul3A_336 : i32
      %dma_wait3A_338 = tpu.memref_slice %arg6[%mul3A_337] : memref<2560xi32, #tpu.memory_space<vmem>> -> memref<128xi32, #tpu.memory_space<vmem>>
      %dma_wait3A_339 = arith.constant 0 : i32
      %dma_wait3A_340 = arith.constant 0 : i32
      %dma_wait3A_341 = tpu.memref_slice %arg2[%dma_wait3A_339, %dma_wait3A_340] : memref<40000x16xf32, #tpu.memory_space<hbm>> -> memref<40000x16xf32, #tpu.memory_space<hbm>>
      tpu.wait_indirect_dma semaphore(%arg20 : memref<!tpu.dma_semaphore, #tpu.memory_space<semaphore_mem>>) src(%dma_wait3A_341 : memref<40000x16xf32, #tpu.memory_space<hbm>>) dst(%arg13 : memref<128x16xf32, #tpu.memory_space<vmem>>)
      %mul3A_342 = arith.constant 128 : i32
      %mul3A_343 = arith.muli %add3A_335, %mul3A_342 : i32
      %dma_start3A_344 = tpu.memref_slice %arg8[%mul3A_343] : memref<2560xi32, #tpu.memory_space<vmem>> -> memref<128xi32, #tpu.memory_space<vmem>>
      %dma_start3A_345 = arith.constant 0 : i32
      %dma_start3A_346 = arith.constant 0 : i32
      %dma_start3A_347 = tpu.memref_slice %arg14[%dma_start3A_345, %dma_start3A_346] : memref<10240x16xf32, #tpu.memory_space<vmem_shared>> -> memref<10240x16xf32, #tpu.memory_space<vmem_shared>>
      tpu.enqueue_indirect_dma source(%arg13 : memref<128x16xf32, #tpu.memory_space<vmem>>) target(%dma_start3A_347 : memref<10240x16xf32, #tpu.memory_space<vmem_shared>>) offsets(%dma_start3A_344 : memref<128xi32, #tpu.memory_space<vmem>>) semaphore(%arg24 : memref<!tpu.dma_semaphore, #tpu.memory_space<semaphore_mem>>) {add = true}
      %add3A_348 = arith.constant 4 : i32
      %add3A_349 = arith.addi %add3A_335, %add3A_348 : i32
      %lt3A_350 = arith.constant 20 : i32
      %lt3A_351 = arith.cmpi slt, %add3A_349, %lt3A_350 : i32
      %convert_element_type3A_352 = arith.extui %lt3A_351 : i1 to i32
      %cond3A_353 = arith.constant 0 : i32
      %cond3A_354 = arith.cmpi ne, %convert_element_type3A_352, %cond3A_353 : i32
      scf.if %cond3A_354 {
        %dma_wait3A_355 = arith.constant 0 : i32
        %dma_wait3A_356 = tpu.memref_slice %arg8[%dma_wait3A_355] : memref<2560xi32, #tpu.memory_space<vmem>> -> memref<128xi32, #tpu.memory_space<vmem>>
        %dma_wait3A_357 = arith.constant 0 : i32
        %dma_wait3A_358 = arith.constant 0 : i32
        %dma_wait3A_359 = tpu.memref_slice %arg14[%dma_wait3A_357, %dma_wait3A_358] : memref<10240x16xf32, #tpu.memory_space<vmem_shared>> -> memref<10240x16xf32, #tpu.memory_space<vmem_shared>>
        tpu.wait_indirect_dma semaphore(%arg24 : memref<!tpu.dma_semaphore, #tpu.memory_space<semaphore_mem>>) src(%arg13 : memref<128x16xf32, #tpu.memory_space<vmem>>) dst(%dma_wait3A_359 : memref<10240x16xf32, #tpu.memory_space<vmem_shared>>)
        %add3A_360 = arith.constant 4 : i32
        %add3A_361 = arith.addi %add3A_335, %add3A_360 : i32
        %mul3A_362 = arith.constant 128 : i32
        %mul3A_363 = arith.muli %add3A_361, %mul3A_362 : i32
        %dma_start3A_364 = tpu.memref_slice %arg6[%mul3A_363] : memref<2560xi32, #tpu.memory_space<vmem>> -> memref<128xi32, #tpu.memory_space<vmem>>
        %dma_start3A_365 = arith.constant 0 : i32
        %dma_start3A_366 = arith.constant 0 : i32
        %dma_start3A_367 = tpu.memref_slice %arg2[%dma_start3A_365, %dma_start3A_366] : memref<40000x16xf32, #tpu.memory_space<hbm>> -> memref<40000x16xf32, #tpu.memory_space<hbm>>
        tpu.enqueue_indirect_dma source(%dma_start3A_367 : memref<40000x16xf32, #tpu.memory_space<hbm>>) target(%arg13 : memref<128x16xf32, #tpu.memory_space<vmem>>) offsets(%dma_start3A_364 : memref<128xi32, #tpu.memory_space<vmem>>) semaphore(%arg20 : memref<!tpu.dma_semaphore, #tpu.memory_space<semaphore_mem>>)
      } else {
      }
    }
    %scan3A_59 = arith.constant 5 : i32
    %add3A_60 = arith.constant 2560 : i32
    %add3A_61 = arith.addi %mul3A_2, %add3A_60 : i32
    %dma_wait3A_62 = tpu.memref_slice %arg3[%add3A_61] : memref<327680xi32, #tpu.memory_space<hbm>> -> memref<2560xi32, #tpu.memory_space<hbm>>
    %dma_wait3A_63 = tpu.memref_slice %arg3[%add3A_61] : memref<327680xi32, #tpu.memory_space<hbm>> -> memref<2560xi32, #tpu.memory_space<hbm>>
    tpu.wait_dma2 semaphore(%arg16 : memref<!tpu.dma_semaphore, #tpu.memory_space<semaphore_mem>>) src(%dma_wait3A_63 : memref<2560xi32, #tpu.memory_space<hbm>>) dst(%arg7 : memref<2560xi32, #tpu.memory_space<vmem>>)
    %add3A_64 = arith.constant 2560 : i32
    %add3A_65 = arith.addi %mul3A_2, %add3A_64 : i32
    %dma_wait3A_66 = tpu.memref_slice %arg4[%add3A_65] : memref<327680xi32, #tpu.memory_space<hbm>> -> memref<2560xi32, #tpu.memory_space<hbm>>
    %dma_wait3A_67 = tpu.memref_slice %arg4[%add3A_65] : memref<327680xi32, #tpu.memory_space<hbm>> -> memref<2560xi32, #tpu.memory_space<hbm>>
    tpu.wait_dma2 semaphore(%arg16 : memref<!tpu.dma_semaphore, #tpu.memory_space<semaphore_mem>>) src(%dma_wait3A_67 : memref<2560xi32, #tpu.memory_space<hbm>>) dst(%arg9 : memref<2560xi32, #tpu.memory_space<vmem>>)
    %dma_wait3A_68 = arith.constant 0 : i32
    %dma_wait3A_69 = tpu.memref_slice %arg9[%dma_wait3A_68] : memref<2560xi32, #tpu.memory_space<vmem>> -> memref<128xi32, #tpu.memory_space<vmem>>
    %dma_wait3A_70 = arith.constant 0 : i32
    %dma_wait3A_71 = arith.constant 0 : i32
    %dma_wait3A_72 = tpu.memref_slice %arg14[%dma_wait3A_70, %dma_wait3A_71] : memref<10240x16xf32, #tpu.memory_space<vmem_shared>> -> memref<10240x16xf32, #tpu.memory_space<vmem_shared>>
    tpu.wait_indirect_dma semaphore(%arg21 : memref<!tpu.dma_semaphore, #tpu.memory_space<semaphore_mem>>) src(%arg10 : memref<128x16xf32, #tpu.memory_space<vmem>>) dst(%dma_wait3A_72 : memref<10240x16xf32, #tpu.memory_space<vmem_shared>>)
    %dma_start3A_73 = arith.constant 0 : i32
    %dma_start3A_74 = tpu.memref_slice %arg7[%dma_start3A_73] : memref<2560xi32, #tpu.memory_space<vmem>> -> memref<128xi32, #tpu.memory_space<vmem>>
    %dma_start3A_75 = arith.constant 0 : i32
    %dma_start3A_76 = arith.constant 0 : i32
    %dma_start3A_77 = tpu.memref_slice %arg2[%dma_start3A_75, %dma_start3A_76] : memref<40000x16xf32, #tpu.memory_space<hbm>> -> memref<40000x16xf32, #tpu.memory_space<hbm>>
    tpu.enqueue_indirect_dma source(%dma_start3A_77 : memref<40000x16xf32, #tpu.memory_space<hbm>>) target(%arg10 : memref<128x16xf32, #tpu.memory_space<vmem>>) offsets(%dma_start3A_74 : memref<128xi32, #tpu.memory_space<vmem>>) semaphore(%arg17 : memref<!tpu.dma_semaphore, #tpu.memory_space<semaphore_mem>>)
    %dma_wait3A_78 = arith.constant 0 : i32
    %dma_wait3A_79 = tpu.memref_slice %arg9[%dma_wait3A_78] : memref<2560xi32, #tpu.memory_space<vmem>> -> memref<128xi32, #tpu.memory_space<vmem>>
    %dma_wait3A_80 = arith.constant 0 : i32
    %dma_wait3A_81 = arith.constant 0 : i32
    %dma_wait3A_82 = tpu.memref_slice %arg14[%dma_wait3A_80, %dma_wait3A_81] : memref<10240x16xf32, #tpu.memory_space<vmem_shared>> -> memref<10240x16xf32, #tpu.memory_space<vmem_shared>>
    tpu.wait_indirect_dma semaphore(%arg22 : memref<!tpu.dma_semaphore, #tpu.memory_space<semaphore_mem>>) src(%arg11 : memref<128x16xf32, #tpu.memory_space<vmem>>) dst(%dma_wait3A_82 : memref<10240x16xf32, #tpu.memory_space<vmem_shared>>)
    %dma_start3A_83 = arith.constant 128 : i32
    %dma_start3A_84 = tpu.memref_slice %arg7[%dma_start3A_83] : memref<2560xi32, #tpu.memory_space<vmem>> -> memref<128xi32, #tpu.memory_space<vmem>>
    %dma_start3A_85 = arith.constant 0 : i32
    %dma_start3A_86 = arith.constant 0 : i32
    %dma_start3A_87 = tpu.memref_slice %arg2[%dma_start3A_85, %dma_start3A_86] : memref<40000x16xf32, #tpu.memory_space<hbm>> -> memref<40000x16xf32, #tpu.memory_space<hbm>>
    tpu.enqueue_indirect_dma source(%dma_start3A_87 : memref<40000x16xf32, #tpu.memory_space<hbm>>) target(%arg11 : memref<128x16xf32, #tpu.memory_space<vmem>>) offsets(%dma_start3A_84 : memref<128xi32, #tpu.memory_space<vmem>>) semaphore(%arg18 : memref<!tpu.dma_semaphore, #tpu.memory_space<semaphore_mem>>)
    %dma_wait3A_88 = arith.constant 0 : i32
    %dma_wait3A_89 = tpu.memref_slice %arg9[%dma_wait3A_88] : memref<2560xi32, #tpu.memory_space<vmem>> -> memref<128xi32, #tpu.memory_space<vmem>>
    %dma_wait3A_90 = arith.constant 0 : i32
    %dma_wait3A_91 = arith.constant 0 : i32
    %dma_wait3A_92 = tpu.memref_slice %arg14[%dma_wait3A_90, %dma_wait3A_91] : memref<10240x16xf32, #tpu.memory_space<vmem_shared>> -> memref<10240x16xf32, #tpu.memory_space<vmem_shared>>
    tpu.wait_indirect_dma semaphore(%arg23 : memref<!tpu.dma_semaphore, #tpu.memory_space<semaphore_mem>>) src(%arg12 : memref<128x16xf32, #tpu.memory_space<vmem>>) dst(%dma_wait3A_92 : memref<10240x16xf32, #tpu.memory_space<vmem_shared>>)
    %dma_start3A_93 = arith.constant 256 : i32
    %dma_start3A_94 = tpu.memref_slice %arg7[%dma_start3A_93] : memref<2560xi32, #tpu.memory_space<vmem>> -> memref<128xi32, #tpu.memory_space<vmem>>
    %dma_start3A_95 = arith.constant 0 : i32
    %dma_start3A_96 = arith.constant 0 : i32
    %dma_start3A_97 = tpu.memref_slice %arg2[%dma_start3A_95, %dma_start3A_96] : memref<40000x16xf32, #tpu.memory_space<hbm>> -> memref<40000x16xf32, #tpu.memory_space<hbm>>
    tpu.enqueue_indirect_dma source(%dma_start3A_97 : memref<40000x16xf32, #tpu.memory_space<hbm>>) target(%arg12 : memref<128x16xf32, #tpu.memory_space<vmem>>) offsets(%dma_start3A_94 : memref<128xi32, #tpu.memory_space<vmem>>) semaphore(%arg19 : memref<!tpu.dma_semaphore, #tpu.memory_space<semaphore_mem>>)
    %dma_wait3A_98 = arith.constant 0 : i32
    %dma_wait3A_99 = tpu.memref_slice %arg9[%dma_wait3A_98] : memref<2560xi32, #tpu.memory_space<vmem>> -> memref<128xi32, #tpu.memory_space<vmem>>
    %dma_wait3A_100 = arith.constant 0 : i32
    %dma_wait3A_101 = arith.constant 0 : i32
    %dma_wait3A_102 = tpu.memref_slice %arg14[%dma_wait3A_100, %dma_wait3A_101] : memref<10240x16xf32, #tpu.memory_space<vmem_shared>> -> memref<10240x16xf32, #tpu.memory_space<vmem_shared>>
    tpu.wait_indirect_dma semaphore(%arg24 : memref<!tpu.dma_semaphore, #tpu.memory_space<semaphore_mem>>) src(%arg13 : memref<128x16xf32, #tpu.memory_space<vmem>>) dst(%dma_wait3A_102 : memref<10240x16xf32, #tpu.memory_space<vmem_shared>>)
    %dma_start3A_103 = arith.constant 384 : i32
    %dma_start3A_104 = tpu.memref_slice %arg7[%dma_start3A_103] : memref<2560xi32, #tpu.memory_space<vmem>> -> memref<128xi32, #tpu.memory_space<vmem>>
    %dma_start3A_105 = arith.constant 0 : i32
    %dma_start3A_106 = arith.constant 0 : i32
    %dma_start3A_107 = tpu.memref_slice %arg2[%dma_start3A_105, %dma_start3A_106] : memref<40000x16xf32, #tpu.memory_space<hbm>> -> memref<40000x16xf32, #tpu.memory_space<hbm>>
    tpu.enqueue_indirect_dma source(%dma_start3A_107 : memref<40000x16xf32, #tpu.memory_space<hbm>>) target(%arg13 : memref<128x16xf32, #tpu.memory_space<vmem>>) offsets(%dma_start3A_104 : memref<128xi32, #tpu.memory_space<vmem>>) semaphore(%arg20 : memref<!tpu.dma_semaphore, #tpu.memory_space<semaphore_mem>>)
    %add3A_108 = arith.constant 5120 : i32
    %add3A_109 = arith.addi %mul3A_2, %add3A_108 : i32
    %dma_start3A_110 = tpu.memref_slice %arg3[%add3A_109] : memref<327680xi32, #tpu.memory_space<hbm>> -> memref<2560xi32, #tpu.memory_space<hbm>>
    %dma_start3A_111 = tpu.memref_slice %arg3[%add3A_109] : memref<327680xi32, #tpu.memory_space<hbm>> -> memref<2560xi32, #tpu.memory_space<hbm>>
    tpu.enqueue_dma source(%dma_start3A_111 : memref<2560xi32, #tpu.memory_space<hbm>>) target(%arg6 : memref<2560xi32, #tpu.memory_space<vmem>>) target_semaphore(%arg15 : memref<!tpu.dma_semaphore, #tpu.memory_space<semaphore_mem>>)
    %add3A_112 = arith.constant 5120 : i32
    %add3A_113 = arith.addi %mul3A_2, %add3A_112 : i32
    %dma_start3A_114 = tpu.memref_slice %arg4[%add3A_113] : memref<327680xi32, #tpu.memory_space<hbm>> -> memref<2560xi32, #tpu.memory_space<hbm>>
    %dma_start3A_115 = tpu.memref_slice %arg4[%add3A_113] : memref<327680xi32, #tpu.memory_space<hbm>> -> memref<2560xi32, #tpu.memory_space<hbm>>
    tpu.enqueue_dma source(%dma_start3A_115 : memref<2560xi32, #tpu.memory_space<hbm>>) target(%arg8 : memref<2560xi32, #tpu.memory_space<vmem>>) target_semaphore(%arg15 : memref<!tpu.dma_semaphore, #tpu.memory_space<semaphore_mem>>)
    %scan3A_116 = arith.constant 0 : i32
    %scan3A_117 = arith.constant 5 : i32
    %scan3A_118 = arith.addi %scan3A_116, %scan3A_117 : i32
    %scan3A_119 = arith.constant 1 : i32
    scf.for %scan3A_261 = %scan3A_116 to %scan3A_118 step %scan3A_119  : i32 {
      %mul3A_262 = arith.constant 1 : i32
      %mul3A_263 = arith.muli %scan3A_261, %mul3A_262 : i32
      %add3A_264 = arith.constant 0 : i32
      %add3A_265 = arith.addi %add3A_264, %mul3A_263 : i32
      %mul3A_266 = arith.constant 4 : i32
      %mul3A_267 = arith.muli %add3A_265, %mul3A_266 : i32
      %add3A_268 = arith.constant 0 : i32
      %add3A_269 = arith.addi %mul3A_267, %add3A_268 : i32
      %mul3A_270 = arith.constant 128 : i32
      %mul3A_271 = arith.muli %add3A_269, %mul3A_270 : i32
      %dma_wait3A_272 = tpu.memref_slice %arg7[%mul3A_271] : memref<2560xi32, #tpu.memory_space<vmem>> -> memref<128xi32, #tpu.memory_space<vmem>>
      %dma_wait3A_273 = arith.constant 0 : i32
      %dma_wait3A_274 = arith.constant 0 : i32
      %dma_wait3A_275 = tpu.memref_slice %arg2[%dma_wait3A_273, %dma_wait3A_274] : memref<40000x16xf32, #tpu.memory_space<hbm>> -> memref<40000x16xf32, #tpu.memory_space<hbm>>
      tpu.wait_indirect_dma semaphore(%arg17 : memref<!tpu.dma_semaphore, #tpu.memory_space<semaphore_mem>>) src(%dma_wait3A_275 : memref<40000x16xf32, #tpu.memory_space<hbm>>) dst(%arg10 : memref<128x16xf32, #tpu.memory_space<vmem>>)
      %mul3A_276 = arith.constant 128 : i32
      %mul3A_277 = arith.muli %add3A_269, %mul3A_276 : i32
      %dma_start3A_278 = tpu.memref_slice %arg9[%mul3A_277] : memref<2560xi32, #tpu.memory_space<vmem>> -> memref<128xi32, #tpu.memory_space<vmem>>
      %dma_start3A_279 = arith.constant 0 : i32
      %dma_start3A_280 = arith.constant 0 : i32
      %dma_start3A_281 = tpu.memref_slice %arg14[%dma_start3A_279, %dma_start3A_280] : memref<10240x16xf32, #tpu.memory_space<vmem_shared>> -> memref<10240x16xf32, #tpu.memory_space<vmem_shared>>
      tpu.enqueue_indirect_dma source(%arg10 : memref<128x16xf32, #tpu.memory_space<vmem>>) target(%dma_start3A_281 : memref<10240x16xf32, #tpu.memory_space<vmem_shared>>) offsets(%dma_start3A_278 : memref<128xi32, #tpu.memory_space<vmem>>) semaphore(%arg21 : memref<!tpu.dma_semaphore, #tpu.memory_space<semaphore_mem>>) {add = true}
      %add3A_282 = arith.constant 4 : i32
      %add3A_283 = arith.addi %add3A_269, %add3A_282 : i32
      %lt3A = arith.constant 20 : i32
      %lt3A_284 = arith.cmpi slt, %add3A_283, %lt3A : i32
      %convert_element_type3A = arith.extui %lt3A_284 : i1 to i32
      %cond3A = arith.constant 0 : i32
      %cond3A_285 = arith.cmpi ne, %convert_element_type3A, %cond3A : i32
      scf.if %cond3A_285 {
        %dma_wait3A_355 = arith.constant 0 : i32
        %dma_wait3A_356 = tpu.memref_slice %arg9[%dma_wait3A_355] : memref<2560xi32, #tpu.memory_space<vmem>> -> memref<128xi32, #tpu.memory_space<vmem>>
        %dma_wait3A_357 = arith.constant 0 : i32
        %dma_wait3A_358 = arith.constant 0 : i32
        %dma_wait3A_359 = tpu.memref_slice %arg14[%dma_wait3A_357, %dma_wait3A_358] : memref<10240x16xf32, #tpu.memory_space<vmem_shared>> -> memref<10240x16xf32, #tpu.memory_space<vmem_shared>>
        tpu.wait_indirect_dma semaphore(%arg21 : memref<!tpu.dma_semaphore, #tpu.memory_space<semaphore_mem>>) src(%arg10 : memref<128x16xf32, #tpu.memory_space<vmem>>) dst(%dma_wait3A_359 : memref<10240x16xf32, #tpu.memory_space<vmem_shared>>)
        %add3A_360 = arith.constant 4 : i32
        %add3A_361 = arith.addi %add3A_269, %add3A_360 : i32
        %mul3A_362 = arith.constant 128 : i32
        %mul3A_363 = arith.muli %add3A_361, %mul3A_362 : i32
        %dma_start3A_364 = tpu.memref_slice %arg7[%mul3A_363] : memref<2560xi32, #tpu.memory_space<vmem>> -> memref<128xi32, #tpu.memory_space<vmem>>
        %dma_start3A_365 = arith.constant 0 : i32
        %dma_start3A_366 = arith.constant 0 : i32
        %dma_start3A_367 = tpu.memref_slice %arg2[%dma_start3A_365, %dma_start3A_366] : memref<40000x16xf32, #tpu.memory_space<hbm>> -> memref<40000x16xf32, #tpu.memory_space<hbm>>
        tpu.enqueue_indirect_dma source(%dma_start3A_367 : memref<40000x16xf32, #tpu.memory_space<hbm>>) target(%arg10 : memref<128x16xf32, #tpu.memory_space<vmem>>) offsets(%dma_start3A_364 : memref<128xi32, #tpu.memory_space<vmem>>) semaphore(%arg17 : memref<!tpu.dma_semaphore, #tpu.memory_space<semaphore_mem>>)
      } else {
      }
      %mul3A_286 = arith.constant 4 : i32
      %mul3A_287 = arith.muli %add3A_265, %mul3A_286 : i32
      %add3A_288 = arith.constant 1 : i32
      %add3A_289 = arith.addi %mul3A_287, %add3A_288 : i32
      %mul3A_290 = arith.constant 128 : i32
      %mul3A_291 = arith.muli %add3A_289, %mul3A_290 : i32
      %dma_wait3A_292 = tpu.memref_slice %arg7[%mul3A_291] : memref<2560xi32, #tpu.memory_space<vmem>> -> memref<128xi32, #tpu.memory_space<vmem>>
      %dma_wait3A_293 = arith.constant 0 : i32
      %dma_wait3A_294 = arith.constant 0 : i32
      %dma_wait3A_295 = tpu.memref_slice %arg2[%dma_wait3A_293, %dma_wait3A_294] : memref<40000x16xf32, #tpu.memory_space<hbm>> -> memref<40000x16xf32, #tpu.memory_space<hbm>>
      tpu.wait_indirect_dma semaphore(%arg18 : memref<!tpu.dma_semaphore, #tpu.memory_space<semaphore_mem>>) src(%dma_wait3A_295 : memref<40000x16xf32, #tpu.memory_space<hbm>>) dst(%arg11 : memref<128x16xf32, #tpu.memory_space<vmem>>)
      %mul3A_296 = arith.constant 128 : i32
      %mul3A_297 = arith.muli %add3A_289, %mul3A_296 : i32
      %dma_start3A_298 = tpu.memref_slice %arg9[%mul3A_297] : memref<2560xi32, #tpu.memory_space<vmem>> -> memref<128xi32, #tpu.memory_space<vmem>>
      %dma_start3A_299 = arith.constant 0 : i32
      %dma_start3A_300 = arith.constant 0 : i32
      %dma_start3A_301 = tpu.memref_slice %arg14[%dma_start3A_299, %dma_start3A_300] : memref<10240x16xf32, #tpu.memory_space<vmem_shared>> -> memref<10240x16xf32, #tpu.memory_space<vmem_shared>>
      tpu.enqueue_indirect_dma source(%arg11 : memref<128x16xf32, #tpu.memory_space<vmem>>) target(%dma_start3A_301 : memref<10240x16xf32, #tpu.memory_space<vmem_shared>>) offsets(%dma_start3A_298 : memref<128xi32, #tpu.memory_space<vmem>>) semaphore(%arg22 : memref<!tpu.dma_semaphore, #tpu.memory_space<semaphore_mem>>) {add = true}
      %add3A_302 = arith.constant 4 : i32
      %add3A_303 = arith.addi %add3A_289, %add3A_302 : i32
      %lt3A_304 = arith.constant 20 : i32
      %lt3A_305 = arith.cmpi slt, %add3A_303, %lt3A_304 : i32
      %convert_element_type3A_306 = arith.extui %lt3A_305 : i1 to i32
      %cond3A_307 = arith.constant 0 : i32
      %cond3A_308 = arith.cmpi ne, %convert_element_type3A_306, %cond3A_307 : i32
      scf.if %cond3A_308 {
        %dma_wait3A_355 = arith.constant 0 : i32
        %dma_wait3A_356 = tpu.memref_slice %arg9[%dma_wait3A_355] : memref<2560xi32, #tpu.memory_space<vmem>> -> memref<128xi32, #tpu.memory_space<vmem>>
        %dma_wait3A_357 = arith.constant 0 : i32
        %dma_wait3A_358 = arith.constant 0 : i32
        %dma_wait3A_359 = tpu.memref_slice %arg14[%dma_wait3A_357, %dma_wait3A_358] : memref<10240x16xf32, #tpu.memory_space<vmem_shared>> -> memref<10240x16xf32, #tpu.memory_space<vmem_shared>>
        tpu.wait_indirect_dma semaphore(%arg22 : memref<!tpu.dma_semaphore, #tpu.memory_space<semaphore_mem>>) src(%arg11 : memref<128x16xf32, #tpu.memory_space<vmem>>) dst(%dma_wait3A_359 : memref<10240x16xf32, #tpu.memory_space<vmem_shared>>)
        %add3A_360 = arith.constant 4 : i32
        %add3A_361 = arith.addi %add3A_289, %add3A_360 : i32
        %mul3A_362 = arith.constant 128 : i32
        %mul3A_363 = arith.muli %add3A_361, %mul3A_362 : i32
        %dma_start3A_364 = tpu.memref_slice %arg7[%mul3A_363] : memref<2560xi32, #tpu.memory_space<vmem>> -> memref<128xi32, #tpu.memory_space<vmem>>
        %dma_start3A_365 = arith.constant 0 : i32
        %dma_start3A_366 = arith.constant 0 : i32
        %dma_start3A_367 = tpu.memref_slice %arg2[%dma_start3A_365, %dma_start3A_366] : memref<40000x16xf32, #tpu.memory_space<hbm>> -> memref<40000x16xf32, #tpu.memory_space<hbm>>
        tpu.enqueue_indirect_dma source(%dma_start3A_367 : memref<40000x16xf32, #tpu.memory_space<hbm>>) target(%arg11 : memref<128x16xf32, #tpu.memory_space<vmem>>) offsets(%dma_start3A_364 : memref<128xi32, #tpu.memory_space<vmem>>) semaphore(%arg18 : memref<!tpu.dma_semaphore, #tpu.memory_space<semaphore_mem>>)
      } else {
      }
      %mul3A_309 = arith.constant 4 : i32
      %mul3A_310 = arith.muli %add3A_265, %mul3A_309 : i32
      %add3A_311 = arith.constant 2 : i32
      %add3A_312 = arith.addi %mul3A_310, %add3A_311 : i32
      %mul3A_313 = arith.constant 128 : i32
      %mul3A_314 = arith.muli %add3A_312, %mul3A_313 : i32
      %dma_wait3A_315 = tpu.memref_slice %arg7[%mul3A_314] : memref<2560xi32, #tpu.memory_space<vmem>> -> memref<128xi32, #tpu.memory_space<vmem>>
      %dma_wait3A_316 = arith.constant 0 : i32
      %dma_wait3A_317 = arith.constant 0 : i32
      %dma_wait3A_318 = tpu.memref_slice %arg2[%dma_wait3A_316, %dma_wait3A_317] : memref<40000x16xf32, #tpu.memory_space<hbm>> -> memref<40000x16xf32, #tpu.memory_space<hbm>>
      tpu.wait_indirect_dma semaphore(%arg19 : memref<!tpu.dma_semaphore, #tpu.memory_space<semaphore_mem>>) src(%dma_wait3A_318 : memref<40000x16xf32, #tpu.memory_space<hbm>>) dst(%arg12 : memref<128x16xf32, #tpu.memory_space<vmem>>)
      %mul3A_319 = arith.constant 128 : i32
      %mul3A_320 = arith.muli %add3A_312, %mul3A_319 : i32
      %dma_start3A_321 = tpu.memref_slice %arg9[%mul3A_320] : memref<2560xi32, #tpu.memory_space<vmem>> -> memref<128xi32, #tpu.memory_space<vmem>>
      %dma_start3A_322 = arith.constant 0 : i32
      %dma_start3A_323 = arith.constant 0 : i32
      %dma_start3A_324 = tpu.memref_slice %arg14[%dma_start3A_322, %dma_start3A_323] : memref<10240x16xf32, #tpu.memory_space<vmem_shared>> -> memref<10240x16xf32, #tpu.memory_space<vmem_shared>>
      tpu.enqueue_indirect_dma source(%arg12 : memref<128x16xf32, #tpu.memory_space<vmem>>) target(%dma_start3A_324 : memref<10240x16xf32, #tpu.memory_space<vmem_shared>>) offsets(%dma_start3A_321 : memref<128xi32, #tpu.memory_space<vmem>>) semaphore(%arg23 : memref<!tpu.dma_semaphore, #tpu.memory_space<semaphore_mem>>) {add = true}
      %add3A_325 = arith.constant 4 : i32
      %add3A_326 = arith.addi %add3A_312, %add3A_325 : i32
      %lt3A_327 = arith.constant 20 : i32
      %lt3A_328 = arith.cmpi slt, %add3A_326, %lt3A_327 : i32
      %convert_element_type3A_329 = arith.extui %lt3A_328 : i1 to i32
      %cond3A_330 = arith.constant 0 : i32
      %cond3A_331 = arith.cmpi ne, %convert_element_type3A_329, %cond3A_330 : i32
      scf.if %cond3A_331 {
        %dma_wait3A_355 = arith.constant 0 : i32
        %dma_wait3A_356 = tpu.memref_slice %arg9[%dma_wait3A_355] : memref<2560xi32, #tpu.memory_space<vmem>> -> memref<128xi32, #tpu.memory_space<vmem>>
        %dma_wait3A_357 = arith.constant 0 : i32
        %dma_wait3A_358 = arith.constant 0 : i32
        %dma_wait3A_359 = tpu.memref_slice %arg14[%dma_wait3A_357, %dma_wait3A_358] : memref<10240x16xf32, #tpu.memory_space<vmem_shared>> -> memref<10240x16xf32, #tpu.memory_space<vmem_shared>>
        tpu.wait_indirect_dma semaphore(%arg23 : memref<!tpu.dma_semaphore, #tpu.memory_space<semaphore_mem>>) src(%arg12 : memref<128x16xf32, #tpu.memory_space<vmem>>) dst(%dma_wait3A_359 : memref<10240x16xf32, #tpu.memory_space<vmem_shared>>)
        %add3A_360 = arith.constant 4 : i32
        %add3A_361 = arith.addi %add3A_312, %add3A_360 : i32
        %mul3A_362 = arith.constant 128 : i32
        %mul3A_363 = arith.muli %add3A_361, %mul3A_362 : i32
        %dma_start3A_364 = tpu.memref_slice %arg7[%mul3A_363] : memref<2560xi32, #tpu.memory_space<vmem>> -> memref<128xi32, #tpu.memory_space<vmem>>
        %dma_start3A_365 = arith.constant 0 : i32
        %dma_start3A_366 = arith.constant 0 : i32
        %dma_start3A_367 = tpu.memref_slice %arg2[%dma_start3A_365, %dma_start3A_366] : memref<40000x16xf32, #tpu.memory_space<hbm>> -> memref<40000x16xf32, #tpu.memory_space<hbm>>
        tpu.enqueue_indirect_dma source(%dma_start3A_367 : memref<40000x16xf32, #tpu.memory_space<hbm>>) target(%arg12 : memref<128x16xf32, #tpu.memory_space<vmem>>) offsets(%dma_start3A_364 : memref<128xi32, #tpu.memory_space<vmem>>) semaphore(%arg19 : memref<!tpu.dma_semaphore, #tpu.memory_space<semaphore_mem>>)
      } else {
      }
      %mul3A_332 = arith.constant 4 : i32
      %mul3A_333 = arith.muli %add3A_265, %mul3A_332 : i32
      %add3A_334 = arith.constant 3 : i32
      %add3A_335 = arith.addi %mul3A_333, %add3A_334 : i32
      %mul3A_336 = arith.constant 128 : i32
      %mul3A_337 = arith.muli %add3A_335, %mul3A_336 : i32
      %dma_wait3A_338 = tpu.memref_slice %arg7[%mul3A_337] : memref<2560xi32, #tpu.memory_space<vmem>> -> memref<128xi32, #tpu.memory_space<vmem>>
      %dma_wait3A_339 = arith.constant 0 : i32
      %dma_wait3A_340 = arith.constant 0 : i32
      %dma_wait3A_341 = tpu.memref_slice %arg2[%dma_wait3A_339, %dma_wait3A_340] : memref<40000x16xf32, #tpu.memory_space<hbm>> -> memref<40000x16xf32, #tpu.memory_space<hbm>>
      tpu.wait_indirect_dma semaphore(%arg20 : memref<!tpu.dma_semaphore, #tpu.memory_space<semaphore_mem>>) src(%dma_wait3A_341 : memref<40000x16xf32, #tpu.memory_space<hbm>>) dst(%arg13 : memref<128x16xf32, #tpu.memory_space<vmem>>)
      %mul3A_342 = arith.constant 128 : i32
      %mul3A_343 = arith.muli %add3A_335, %mul3A_342 : i32
      %dma_start3A_344 = tpu.memref_slice %arg9[%mul3A_343] : memref<2560xi32, #tpu.memory_space<vmem>> -> memref<128xi32, #tpu.memory_space<vmem>>
      %dma_start3A_345 = arith.constant 0 : i32
      %dma_start3A_346 = arith.constant 0 : i32
      %dma_start3A_347 = tpu.memref_slice %arg14[%dma_start3A_345, %dma_start3A_346] : memref<10240x16xf32, #tpu.memory_space<vmem_shared>> -> memref<10240x16xf32, #tpu.memory_space<vmem_shared>>
      tpu.enqueue_indirect_dma source(%arg13 : memref<128x16xf32, #tpu.memory_space<vmem>>) target(%dma_start3A_347 : memref<10240x16xf32, #tpu.memory_space<vmem_shared>>) offsets(%dma_start3A_344 : memref<128xi32, #tpu.memory_space<vmem>>) semaphore(%arg24 : memref<!tpu.dma_semaphore, #tpu.memory_space<semaphore_mem>>) {add = true}
      %add3A_348 = arith.constant 4 : i32
      %add3A_349 = arith.addi %add3A_335, %add3A_348 : i32
      %lt3A_350 = arith.constant 20 : i32
      %lt3A_351 = arith.cmpi slt, %add3A_349, %lt3A_350 : i32
      %convert_element_type3A_352 = arith.extui %lt3A_351 : i1 to i32
      %cond3A_353 = arith.constant 0 : i32
      %cond3A_354 = arith.cmpi ne, %convert_element_type3A_352, %cond3A_353 : i32
      scf.if %cond3A_354 {
        %dma_wait3A_355 = arith.constant 0 : i32
        %dma_wait3A_356 = tpu.memref_slice %arg9[%dma_wait3A_355] : memref<2560xi32, #tpu.memory_space<vmem>> -> memref<128xi32, #tpu.memory_space<vmem>>
        %dma_wait3A_357 = arith.constant 0 : i32
        %dma_wait3A_358 = arith.constant 0 : i32
        %dma_wait3A_359 = tpu.memref_slice %arg14[%dma_wait3A_357, %dma_wait3A_358] : memref<10240x16xf32, #tpu.memory_space<vmem_shared>> -> memref<10240x16xf32, #tpu.memory_space<vmem_shared>>
        tpu.wait_indirect_dma semaphore(%arg24 : memref<!tpu.dma_semaphore, #tpu.memory_space<semaphore_mem>>) src(%arg13 : memref<128x16xf32, #tpu.memory_space<vmem>>) dst(%dma_wait3A_359 : memref<10240x16xf32, #tpu.memory_space<vmem_shared>>)
        %add3A_360 = arith.constant 4 : i32
        %add3A_361 = arith.addi %add3A_335, %add3A_360 : i32
        %mul3A_362 = arith.constant 128 : i32
        %mul3A_363 = arith.muli %add3A_361, %mul3A_362 : i32
        %dma_start3A_364 = tpu.memref_slice %arg7[%mul3A_363] : memref<2560xi32, #tpu.memory_space<vmem>> -> memref<128xi32, #tpu.memory_space<vmem>>
        %dma_start3A_365 = arith.constant 0 : i32
        %dma_start3A_366 = arith.constant 0 : i32
        %dma_start3A_367 = tpu.memref_slice %arg2[%dma_start3A_365, %dma_start3A_366] : memref<40000x16xf32, #tpu.memory_space<hbm>> -> memref<40000x16xf32, #tpu.memory_space<hbm>>
        tpu.enqueue_indirect_dma source(%dma_start3A_367 : memref<40000x16xf32, #tpu.memory_space<hbm>>) target(%arg13 : memref<128x16xf32, #tpu.memory_space<vmem>>) offsets(%dma_start3A_364 : memref<128xi32, #tpu.memory_space<vmem>>) semaphore(%arg20 : memref<!tpu.dma_semaphore, #tpu.memory_space<semaphore_mem>>)
      } else {
      }
    }
    %scan3A_120 = arith.constant 5 : i32
    %add3A_121 = arith.constant 5120 : i32
    %add3A_122 = arith.addi %mul3A_2, %add3A_121 : i32
    %dma_wait3A_123 = tpu.memref_slice %arg3[%add3A_122] : memref<327680xi32, #tpu.memory_space<hbm>> -> memref<2560xi32, #tpu.memory_space<hbm>>
    %dma_wait3A_124 = tpu.memref_slice %arg3[%add3A_122] : memref<327680xi32, #tpu.memory_space<hbm>> -> memref<2560xi32, #tpu.memory_space<hbm>>
    tpu.wait_dma2 semaphore(%arg15 : memref<!tpu.dma_semaphore, #tpu.memory_space<semaphore_mem>>) src(%dma_wait3A_124 : memref<2560xi32, #tpu.memory_space<hbm>>) dst(%arg6 : memref<2560xi32, #tpu.memory_space<vmem>>)
    %add3A_125 = arith.constant 5120 : i32
    %add3A_126 = arith.addi %mul3A_2, %add3A_125 : i32
    %dma_wait3A_127 = tpu.memref_slice %arg4[%add3A_126] : memref<327680xi32, #tpu.memory_space<hbm>> -> memref<2560xi32, #tpu.memory_space<hbm>>
    %dma_wait3A_128 = tpu.memref_slice %arg4[%add3A_126] : memref<327680xi32, #tpu.memory_space<hbm>> -> memref<2560xi32, #tpu.memory_space<hbm>>
    tpu.wait_dma2 semaphore(%arg15 : memref<!tpu.dma_semaphore, #tpu.memory_space<semaphore_mem>>) src(%dma_wait3A_128 : memref<2560xi32, #tpu.memory_space<hbm>>) dst(%arg8 : memref<2560xi32, #tpu.memory_space<vmem>>)
    %dma_wait3A_129 = arith.constant 0 : i32
    %dma_wait3A_130 = tpu.memref_slice %arg8[%dma_wait3A_129] : memref<2560xi32, #tpu.memory_space<vmem>> -> memref<128xi32, #tpu.memory_space<vmem>>
    %dma_wait3A_131 = arith.constant 0 : i32
    %dma_wait3A_132 = arith.constant 0 : i32
    %dma_wait3A_133 = tpu.memref_slice %arg14[%dma_wait3A_131, %dma_wait3A_132] : memref<10240x16xf32, #tpu.memory_space<vmem_shared>> -> memref<10240x16xf32, #tpu.memory_space<vmem_shared>>
    tpu.wait_indirect_dma semaphore(%arg21 : memref<!tpu.dma_semaphore, #tpu.memory_space<semaphore_mem>>) src(%arg10 : memref<128x16xf32, #tpu.memory_space<vmem>>) dst(%dma_wait3A_133 : memref<10240x16xf32, #tpu.memory_space<vmem_shared>>)
    %dma_start3A_134 = arith.constant 0 : i32
    %dma_start3A_135 = tpu.memref_slice %arg6[%dma_start3A_134] : memref<2560xi32, #tpu.memory_space<vmem>> -> memref<128xi32, #tpu.memory_space<vmem>>
    %dma_start3A_136 = arith.constant 0 : i32
    %dma_start3A_137 = arith.constant 0 : i32
    %dma_start3A_138 = tpu.memref_slice %arg2[%dma_start3A_136, %dma_start3A_137] : memref<40000x16xf32, #tpu.memory_space<hbm>> -> memref<40000x16xf32, #tpu.memory_space<hbm>>
    tpu.enqueue_indirect_dma source(%dma_start3A_138 : memref<40000x16xf32, #tpu.memory_space<hbm>>) target(%arg10 : memref<128x16xf32, #tpu.memory_space<vmem>>) offsets(%dma_start3A_135 : memref<128xi32, #tpu.memory_space<vmem>>) semaphore(%arg17 : memref<!tpu.dma_semaphore, #tpu.memory_space<semaphore_mem>>)
    %dma_wait3A_139 = arith.constant 0 : i32
    %dma_wait3A_140 = tpu.memref_slice %arg8[%dma_wait3A_139] : memref<2560xi32, #tpu.memory_space<vmem>> -> memref<128xi32, #tpu.memory_space<vmem>>
    %dma_wait3A_141 = arith.constant 0 : i32
    %dma_wait3A_142 = arith.constant 0 : i32
    %dma_wait3A_143 = tpu.memref_slice %arg14[%dma_wait3A_141, %dma_wait3A_142] : memref<10240x16xf32, #tpu.memory_space<vmem_shared>> -> memref<10240x16xf32, #tpu.memory_space<vmem_shared>>
    tpu.wait_indirect_dma semaphore(%arg22 : memref<!tpu.dma_semaphore, #tpu.memory_space<semaphore_mem>>) src(%arg11 : memref<128x16xf32, #tpu.memory_space<vmem>>) dst(%dma_wait3A_143 : memref<10240x16xf32, #tpu.memory_space<vmem_shared>>)
    %dma_start3A_144 = arith.constant 128 : i32
    %dma_start3A_145 = tpu.memref_slice %arg6[%dma_start3A_144] : memref<2560xi32, #tpu.memory_space<vmem>> -> memref<128xi32, #tpu.memory_space<vmem>>
    %dma_start3A_146 = arith.constant 0 : i32
    %dma_start3A_147 = arith.constant 0 : i32
    %dma_start3A_148 = tpu.memref_slice %arg2[%dma_start3A_146, %dma_start3A_147] : memref<40000x16xf32, #tpu.memory_space<hbm>> -> memref<40000x16xf32, #tpu.memory_space<hbm>>
    tpu.enqueue_indirect_dma source(%dma_start3A_148 : memref<40000x16xf32, #tpu.memory_space<hbm>>) target(%arg11 : memref<128x16xf32, #tpu.memory_space<vmem>>) offsets(%dma_start3A_145 : memref<128xi32, #tpu.memory_space<vmem>>) semaphore(%arg18 : memref<!tpu.dma_semaphore, #tpu.memory_space<semaphore_mem>>)
    %dma_wait3A_149 = arith.constant 0 : i32
    %dma_wait3A_150 = tpu.memref_slice %arg8[%dma_wait3A_149] : memref<2560xi32, #tpu.memory_space<vmem>> -> memref<128xi32, #tpu.memory_space<vmem>>
    %dma_wait3A_151 = arith.constant 0 : i32
    %dma_wait3A_152 = arith.constant 0 : i32
    %dma_wait3A_153 = tpu.memref_slice %arg14[%dma_wait3A_151, %dma_wait3A_152] : memref<10240x16xf32, #tpu.memory_space<vmem_shared>> -> memref<10240x16xf32, #tpu.memory_space<vmem_shared>>
    tpu.wait_indirect_dma semaphore(%arg23 : memref<!tpu.dma_semaphore, #tpu.memory_space<semaphore_mem>>) src(%arg12 : memref<128x16xf32, #tpu.memory_space<vmem>>) dst(%dma_wait3A_153 : memref<10240x16xf32, #tpu.memory_space<vmem_shared>>)
    %dma_start3A_154 = arith.constant 256 : i32
    %dma_start3A_155 = tpu.memref_slice %arg6[%dma_start3A_154] : memref<2560xi32, #tpu.memory_space<vmem>> -> memref<128xi32, #tpu.memory_space<vmem>>
    %dma_start3A_156 = arith.constant 0 : i32
    %dma_start3A_157 = arith.constant 0 : i32
    %dma_start3A_158 = tpu.memref_slice %arg2[%dma_start3A_156, %dma_start3A_157] : memref<40000x16xf32, #tpu.memory_space<hbm>> -> memref<40000x16xf32, #tpu.memory_space<hbm>>
    tpu.enqueue_indirect_dma source(%dma_start3A_158 : memref<40000x16xf32, #tpu.memory_space<hbm>>) target(%arg12 : memref<128x16xf32, #tpu.memory_space<vmem>>) offsets(%dma_start3A_155 : memref<128xi32, #tpu.memory_space<vmem>>) semaphore(%arg19 : memref<!tpu.dma_semaphore, #tpu.memory_space<semaphore_mem>>)
    %dma_wait3A_159 = arith.constant 0 : i32
    %dma_wait3A_160 = tpu.memref_slice %arg8[%dma_wait3A_159] : memref<2560xi32, #tpu.memory_space<vmem>> -> memref<128xi32, #tpu.memory_space<vmem>>
    %dma_wait3A_161 = arith.constant 0 : i32
    %dma_wait3A_162 = arith.constant 0 : i32
    %dma_wait3A_163 = tpu.memref_slice %arg14[%dma_wait3A_161, %dma_wait3A_162] : memref<10240x16xf32, #tpu.memory_space<vmem_shared>> -> memref<10240x16xf32, #tpu.memory_space<vmem_shared>>
    tpu.wait_indirect_dma semaphore(%arg24 : memref<!tpu.dma_semaphore, #tpu.memory_space<semaphore_mem>>) src(%arg13 : memref<128x16xf32, #tpu.memory_space<vmem>>) dst(%dma_wait3A_163 : memref<10240x16xf32, #tpu.memory_space<vmem_shared>>)
    %dma_start3A_164 = arith.constant 384 : i32
    %dma_start3A_165 = tpu.memref_slice %arg6[%dma_start3A_164] : memref<2560xi32, #tpu.memory_space<vmem>> -> memref<128xi32, #tpu.memory_space<vmem>>
    %dma_start3A_166 = arith.constant 0 : i32
    %dma_start3A_167 = arith.constant 0 : i32
    %dma_start3A_168 = tpu.memref_slice %arg2[%dma_start3A_166, %dma_start3A_167] : memref<40000x16xf32, #tpu.memory_space<hbm>> -> memref<40000x16xf32, #tpu.memory_space<hbm>>
    tpu.enqueue_indirect_dma source(%dma_start3A_168 : memref<40000x16xf32, #tpu.memory_space<hbm>>) target(%arg13 : memref<128x16xf32, #tpu.memory_space<vmem>>) offsets(%dma_start3A_165 : memref<128xi32, #tpu.memory_space<vmem>>) semaphore(%arg20 : memref<!tpu.dma_semaphore, #tpu.memory_space<semaphore_mem>>)
    %add3A_169 = arith.constant 7680 : i32
    %add3A_170 = arith.addi %mul3A_2, %add3A_169 : i32
    %dma_start3A_171 = tpu.memref_slice %arg3[%add3A_170] : memref<327680xi32, #tpu.memory_space<hbm>> -> memref<2560xi32, #tpu.memory_space<hbm>>
    %dma_start3A_172 = tpu.memref_slice %arg3[%add3A_170] : memref<327680xi32, #tpu.memory_space<hbm>> -> memref<2560xi32, #tpu.memory_space<hbm>>
    tpu.enqueue_dma source(%dma_start3A_172 : memref<2560xi32, #tpu.memory_space<hbm>>) target(%arg7 : memref<2560xi32, #tpu.memory_space<vmem>>) target_semaphore(%arg16 : memref<!tpu.dma_semaphore, #tpu.memory_space<semaphore_mem>>)
    %add3A_173 = arith.constant 7680 : i32
    %add3A_174 = arith.addi %mul3A_2, %add3A_173 : i32
    %dma_start3A_175 = tpu.memref_slice %arg4[%add3A_174] : memref<327680xi32, #tpu.memory_space<hbm>> -> memref<2560xi32, #tpu.memory_space<hbm>>
    %dma_start3A_176 = tpu.memref_slice %arg4[%add3A_174] : memref<327680xi32, #tpu.memory_space<hbm>> -> memref<2560xi32, #tpu.memory_space<hbm>>
    tpu.enqueue_dma source(%dma_start3A_176 : memref<2560xi32, #tpu.memory_space<hbm>>) target(%arg9 : memref<2560xi32, #tpu.memory_space<vmem>>) target_semaphore(%arg16 : memref<!tpu.dma_semaphore, #tpu.memory_space<semaphore_mem>>)
    %scan3A_177 = arith.constant 0 : i32
    %scan3A_178 = arith.constant 5 : i32
    %scan3A_179 = arith.addi %scan3A_177, %scan3A_178 : i32
    %scan3A_180 = arith.constant 1 : i32
    scf.for %scan3A_261 = %scan3A_177 to %scan3A_179 step %scan3A_180  : i32 {
      %mul3A_262 = arith.constant 1 : i32
      %mul3A_263 = arith.muli %scan3A_261, %mul3A_262 : i32
      %add3A_264 = arith.constant 0 : i32
      %add3A_265 = arith.addi %add3A_264, %mul3A_263 : i32
      %mul3A_266 = arith.constant 4 : i32
      %mul3A_267 = arith.muli %add3A_265, %mul3A_266 : i32
      %add3A_268 = arith.constant 0 : i32
      %add3A_269 = arith.addi %mul3A_267, %add3A_268 : i32
      %mul3A_270 = arith.constant 128 : i32
      %mul3A_271 = arith.muli %add3A_269, %mul3A_270 : i32
      %dma_wait3A_272 = tpu.memref_slice %arg6[%mul3A_271] : memref<2560xi32, #tpu.memory_space<vmem>> -> memref<128xi32, #tpu.memory_space<vmem>>
      %dma_wait3A_273 = arith.constant 0 : i32
      %dma_wait3A_274 = arith.constant 0 : i32
      %dma_wait3A_275 = tpu.memref_slice %arg2[%dma_wait3A_273, %dma_wait3A_274] : memref<40000x16xf32, #tpu.memory_space<hbm>> -> memref<40000x16xf32, #tpu.memory_space<hbm>>
      tpu.wait_indirect_dma semaphore(%arg17 : memref<!tpu.dma_semaphore, #tpu.memory_space<semaphore_mem>>) src(%dma_wait3A_275 : memref<40000x16xf32, #tpu.memory_space<hbm>>) dst(%arg10 : memref<128x16xf32, #tpu.memory_space<vmem>>)
      %mul3A_276 = arith.constant 128 : i32
      %mul3A_277 = arith.muli %add3A_269, %mul3A_276 : i32
      %dma_start3A_278 = tpu.memref_slice %arg8[%mul3A_277] : memref<2560xi32, #tpu.memory_space<vmem>> -> memref<128xi32, #tpu.memory_space<vmem>>
      %dma_start3A_279 = arith.constant 0 : i32
      %dma_start3A_280 = arith.constant 0 : i32
      %dma_start3A_281 = tpu.memref_slice %arg14[%dma_start3A_279, %dma_start3A_280] : memref<10240x16xf32, #tpu.memory_space<vmem_shared>> -> memref<10240x16xf32, #tpu.memory_space<vmem_shared>>
      tpu.enqueue_indirect_dma source(%arg10 : memref<128x16xf32, #tpu.memory_space<vmem>>) target(%dma_start3A_281 : memref<10240x16xf32, #tpu.memory_space<vmem_shared>>) offsets(%dma_start3A_278 : memref<128xi32, #tpu.memory_space<vmem>>) semaphore(%arg21 : memref<!tpu.dma_semaphore, #tpu.memory_space<semaphore_mem>>) {add = true}
      %add3A_282 = arith.constant 4 : i32
      %add3A_283 = arith.addi %add3A_269, %add3A_282 : i32
      %lt3A = arith.constant 20 : i32
      %lt3A_284 = arith.cmpi slt, %add3A_283, %lt3A : i32
      %convert_element_type3A = arith.extui %lt3A_284 : i1 to i32
      %cond3A = arith.constant 0 : i32
      %cond3A_285 = arith.cmpi ne, %convert_element_type3A, %cond3A : i32
      scf.if %cond3A_285 {
        %dma_wait3A_355 = arith.constant 0 : i32
        %dma_wait3A_356 = tpu.memref_slice %arg8[%dma_wait3A_355] : memref<2560xi32, #tpu.memory_space<vmem>> -> memref<128xi32, #tpu.memory_space<vmem>>
        %dma_wait3A_357 = arith.constant 0 : i32
        %dma_wait3A_358 = arith.constant 0 : i32
        %dma_wait3A_359 = tpu.memref_slice %arg14[%dma_wait3A_357, %dma_wait3A_358] : memref<10240x16xf32, #tpu.memory_space<vmem_shared>> -> memref<10240x16xf32, #tpu.memory_space<vmem_shared>>
        tpu.wait_indirect_dma semaphore(%arg21 : memref<!tpu.dma_semaphore, #tpu.memory_space<semaphore_mem>>) src(%arg10 : memref<128x16xf32, #tpu.memory_space<vmem>>) dst(%dma_wait3A_359 : memref<10240x16xf32, #tpu.memory_space<vmem_shared>>)
        %add3A_360 = arith.constant 4 : i32
        %add3A_361 = arith.addi %add3A_269, %add3A_360 : i32
        %mul3A_362 = arith.constant 128 : i32
        %mul3A_363 = arith.muli %add3A_361, %mul3A_362 : i32
        %dma_start3A_364 = tpu.memref_slice %arg6[%mul3A_363] : memref<2560xi32, #tpu.memory_space<vmem>> -> memref<128xi32, #tpu.memory_space<vmem>>
        %dma_start3A_365 = arith.constant 0 : i32
        %dma_start3A_366 = arith.constant 0 : i32
        %dma_start3A_367 = tpu.memref_slice %arg2[%dma_start3A_365, %dma_start3A_366] : memref<40000x16xf32, #tpu.memory_space<hbm>> -> memref<40000x16xf32, #tpu.memory_space<hbm>>
        tpu.enqueue_indirect_dma source(%dma_start3A_367 : memref<40000x16xf32, #tpu.memory_space<hbm>>) target(%arg10 : memref<128x16xf32, #tpu.memory_space<vmem>>) offsets(%dma_start3A_364 : memref<128xi32, #tpu.memory_space<vmem>>) semaphore(%arg17 : memref<!tpu.dma_semaphore, #tpu.memory_space<semaphore_mem>>)
      } else {
      }
      %mul3A_286 = arith.constant 4 : i32
      %mul3A_287 = arith.muli %add3A_265, %mul3A_286 : i32
      %add3A_288 = arith.constant 1 : i32
      %add3A_289 = arith.addi %mul3A_287, %add3A_288 : i32
      %mul3A_290 = arith.constant 128 : i32
      %mul3A_291 = arith.muli %add3A_289, %mul3A_290 : i32
      %dma_wait3A_292 = tpu.memref_slice %arg6[%mul3A_291] : memref<2560xi32, #tpu.memory_space<vmem>> -> memref<128xi32, #tpu.memory_space<vmem>>
      %dma_wait3A_293 = arith.constant 0 : i32
      %dma_wait3A_294 = arith.constant 0 : i32
      %dma_wait3A_295 = tpu.memref_slice %arg2[%dma_wait3A_293, %dma_wait3A_294] : memref<40000x16xf32, #tpu.memory_space<hbm>> -> memref<40000x16xf32, #tpu.memory_space<hbm>>
      tpu.wait_indirect_dma semaphore(%arg18 : memref<!tpu.dma_semaphore, #tpu.memory_space<semaphore_mem>>) src(%dma_wait3A_295 : memref<40000x16xf32, #tpu.memory_space<hbm>>) dst(%arg11 : memref<128x16xf32, #tpu.memory_space<vmem>>)
      %mul3A_296 = arith.constant 128 : i32
      %mul3A_297 = arith.muli %add3A_289, %mul3A_296 : i32
      %dma_start3A_298 = tpu.memref_slice %arg8[%mul3A_297] : memref<2560xi32, #tpu.memory_space<vmem>> -> memref<128xi32, #tpu.memory_space<vmem>>
      %dma_start3A_299 = arith.constant 0 : i32
      %dma_start3A_300 = arith.constant 0 : i32
      %dma_start3A_301 = tpu.memref_slice %arg14[%dma_start3A_299, %dma_start3A_300] : memref<10240x16xf32, #tpu.memory_space<vmem_shared>> -> memref<10240x16xf32, #tpu.memory_space<vmem_shared>>
      tpu.enqueue_indirect_dma source(%arg11 : memref<128x16xf32, #tpu.memory_space<vmem>>) target(%dma_start3A_301 : memref<10240x16xf32, #tpu.memory_space<vmem_shared>>) offsets(%dma_start3A_298 : memref<128xi32, #tpu.memory_space<vmem>>) semaphore(%arg22 : memref<!tpu.dma_semaphore, #tpu.memory_space<semaphore_mem>>) {add = true}
      %add3A_302 = arith.constant 4 : i32
      %add3A_303 = arith.addi %add3A_289, %add3A_302 : i32
      %lt3A_304 = arith.constant 20 : i32
      %lt3A_305 = arith.cmpi slt, %add3A_303, %lt3A_304 : i32
      %convert_element_type3A_306 = arith.extui %lt3A_305 : i1 to i32
      %cond3A_307 = arith.constant 0 : i32
      %cond3A_308 = arith.cmpi ne, %convert_element_type3A_306, %cond3A_307 : i32
      scf.if %cond3A_308 {
        %dma_wait3A_355 = arith.constant 0 : i32
        %dma_wait3A_356 = tpu.memref_slice %arg8[%dma_wait3A_355] : memref<2560xi32, #tpu.memory_space<vmem>> -> memref<128xi32, #tpu.memory_space<vmem>>
        %dma_wait3A_357 = arith.constant 0 : i32
        %dma_wait3A_358 = arith.constant 0 : i32
        %dma_wait3A_359 = tpu.memref_slice %arg14[%dma_wait3A_357, %dma_wait3A_358] : memref<10240x16xf32, #tpu.memory_space<vmem_shared>> -> memref<10240x16xf32, #tpu.memory_space<vmem_shared>>
        tpu.wait_indirect_dma semaphore(%arg22 : memref<!tpu.dma_semaphore, #tpu.memory_space<semaphore_mem>>) src(%arg11 : memref<128x16xf32, #tpu.memory_space<vmem>>) dst(%dma_wait3A_359 : memref<10240x16xf32, #tpu.memory_space<vmem_shared>>)
        %add3A_360 = arith.constant 4 : i32
        %add3A_361 = arith.addi %add3A_289, %add3A_360 : i32
        %mul3A_362 = arith.constant 128 : i32
        %mul3A_363 = arith.muli %add3A_361, %mul3A_362 : i32
        %dma_start3A_364 = tpu.memref_slice %arg6[%mul3A_363] : memref<2560xi32, #tpu.memory_space<vmem>> -> memref<128xi32, #tpu.memory_space<vmem>>
        %dma_start3A_365 = arith.constant 0 : i32
        %dma_start3A_366 = arith.constant 0 : i32
        %dma_start3A_367 = tpu.memref_slice %arg2[%dma_start3A_365, %dma_start3A_366] : memref<40000x16xf32, #tpu.memory_space<hbm>> -> memref<40000x16xf32, #tpu.memory_space<hbm>>
        tpu.enqueue_indirect_dma source(%dma_start3A_367 : memref<40000x16xf32, #tpu.memory_space<hbm>>) target(%arg11 : memref<128x16xf32, #tpu.memory_space<vmem>>) offsets(%dma_start3A_364 : memref<128xi32, #tpu.memory_space<vmem>>) semaphore(%arg18 : memref<!tpu.dma_semaphore, #tpu.memory_space<semaphore_mem>>)
      } else {
      }
      %mul3A_309 = arith.constant 4 : i32
      %mul3A_310 = arith.muli %add3A_265, %mul3A_309 : i32
      %add3A_311 = arith.constant 2 : i32
      %add3A_312 = arith.addi %mul3A_310, %add3A_311 : i32
      %mul3A_313 = arith.constant 128 : i32
      %mul3A_314 = arith.muli %add3A_312, %mul3A_313 : i32
      %dma_wait3A_315 = tpu.memref_slice %arg6[%mul3A_314] : memref<2560xi32, #tpu.memory_space<vmem>> -> memref<128xi32, #tpu.memory_space<vmem>>
      %dma_wait3A_316 = arith.constant 0 : i32
      %dma_wait3A_317 = arith.constant 0 : i32
      %dma_wait3A_318 = tpu.memref_slice %arg2[%dma_wait3A_316, %dma_wait3A_317] : memref<40000x16xf32, #tpu.memory_space<hbm>> -> memref<40000x16xf32, #tpu.memory_space<hbm>>
      tpu.wait_indirect_dma semaphore(%arg19 : memref<!tpu.dma_semaphore, #tpu.memory_space<semaphore_mem>>) src(%dma_wait3A_318 : memref<40000x16xf32, #tpu.memory_space<hbm>>) dst(%arg12 : memref<128x16xf32, #tpu.memory_space<vmem>>)
      %mul3A_319 = arith.constant 128 : i32
      %mul3A_320 = arith.muli %add3A_312, %mul3A_319 : i32
      %dma_start3A_321 = tpu.memref_slice %arg8[%mul3A_320] : memref<2560xi32, #tpu.memory_space<vmem>> -> memref<128xi32, #tpu.memory_space<vmem>>
      %dma_start3A_322 = arith.constant 0 : i32
      %dma_start3A_323 = arith.constant 0 : i32
      %dma_start3A_324 = tpu.memref_slice %arg14[%dma_start3A_322, %dma_start3A_323] : memref<10240x16xf32, #tpu.memory_space<vmem_shared>> -> memref<10240x16xf32, #tpu.memory_space<vmem_shared>>
      tpu.enqueue_indirect_dma source(%arg12 : memref<128x16xf32, #tpu.memory_space<vmem>>) target(%dma_start3A_324 : memref<10240x16xf32, #tpu.memory_space<vmem_shared>>) offsets(%dma_start3A_321 : memref<128xi32, #tpu.memory_space<vmem>>) semaphore(%arg23 : memref<!tpu.dma_semaphore, #tpu.memory_space<semaphore_mem>>) {add = true}
      %add3A_325 = arith.constant 4 : i32
      %add3A_326 = arith.addi %add3A_312, %add3A_325 : i32
      %lt3A_327 = arith.constant 20 : i32
      %lt3A_328 = arith.cmpi slt, %add3A_326, %lt3A_327 : i32
      %convert_element_type3A_329 = arith.extui %lt3A_328 : i1 to i32
      %cond3A_330 = arith.constant 0 : i32
      %cond3A_331 = arith.cmpi ne, %convert_element_type3A_329, %cond3A_330 : i32
      scf.if %cond3A_331 {
        %dma_wait3A_355 = arith.constant 0 : i32
        %dma_wait3A_356 = tpu.memref_slice %arg8[%dma_wait3A_355] : memref<2560xi32, #tpu.memory_space<vmem>> -> memref<128xi32, #tpu.memory_space<vmem>>
        %dma_wait3A_357 = arith.constant 0 : i32
        %dma_wait3A_358 = arith.constant 0 : i32
        %dma_wait3A_359 = tpu.memref_slice %arg14[%dma_wait3A_357, %dma_wait3A_358] : memref<10240x16xf32, #tpu.memory_space<vmem_shared>> -> memref<10240x16xf32, #tpu.memory_space<vmem_shared>>
        tpu.wait_indirect_dma semaphore(%arg23 : memref<!tpu.dma_semaphore, #tpu.memory_space<semaphore_mem>>) src(%arg12 : memref<128x16xf32, #tpu.memory_space<vmem>>) dst(%dma_wait3A_359 : memref<10240x16xf32, #tpu.memory_space<vmem_shared>>)
        %add3A_360 = arith.constant 4 : i32
        %add3A_361 = arith.addi %add3A_312, %add3A_360 : i32
        %mul3A_362 = arith.constant 128 : i32
        %mul3A_363 = arith.muli %add3A_361, %mul3A_362 : i32
        %dma_start3A_364 = tpu.memref_slice %arg6[%mul3A_363] : memref<2560xi32, #tpu.memory_space<vmem>> -> memref<128xi32, #tpu.memory_space<vmem>>
        %dma_start3A_365 = arith.constant 0 : i32
        %dma_start3A_366 = arith.constant 0 : i32
        %dma_start3A_367 = tpu.memref_slice %arg2[%dma_start3A_365, %dma_start3A_366] : memref<40000x16xf32, #tpu.memory_space<hbm>> -> memref<40000x16xf32, #tpu.memory_space<hbm>>
        tpu.enqueue_indirect_dma source(%dma_start3A_367 : memref<40000x16xf32, #tpu.memory_space<hbm>>) target(%arg12 : memref<128x16xf32, #tpu.memory_space<vmem>>) offsets(%dma_start3A_364 : memref<128xi32, #tpu.memory_space<vmem>>) semaphore(%arg19 : memref<!tpu.dma_semaphore, #tpu.memory_space<semaphore_mem>>)
      } else {
      }
      %mul3A_332 = arith.constant 4 : i32
      %mul3A_333 = arith.muli %add3A_265, %mul3A_332 : i32
      %add3A_334 = arith.constant 3 : i32
      %add3A_335 = arith.addi %mul3A_333, %add3A_334 : i32
      %mul3A_336 = arith.constant 128 : i32
      %mul3A_337 = arith.muli %add3A_335, %mul3A_336 : i32
      %dma_wait3A_338 = tpu.memref_slice %arg6[%mul3A_337] : memref<2560xi32, #tpu.memory_space<vmem>> -> memref<128xi32, #tpu.memory_space<vmem>>
      %dma_wait3A_339 = arith.constant 0 : i32
      %dma_wait3A_340 = arith.constant 0 : i32
      %dma_wait3A_341 = tpu.memref_slice %arg2[%dma_wait3A_339, %dma_wait3A_340] : memref<40000x16xf32, #tpu.memory_space<hbm>> -> memref<40000x16xf32, #tpu.memory_space<hbm>>
      tpu.wait_indirect_dma semaphore(%arg20 : memref<!tpu.dma_semaphore, #tpu.memory_space<semaphore_mem>>) src(%dma_wait3A_341 : memref<40000x16xf32, #tpu.memory_space<hbm>>) dst(%arg13 : memref<128x16xf32, #tpu.memory_space<vmem>>)
      %mul3A_342 = arith.constant 128 : i32
      %mul3A_343 = arith.muli %add3A_335, %mul3A_342 : i32
      %dma_start3A_344 = tpu.memref_slice %arg8[%mul3A_343] : memref<2560xi32, #tpu.memory_space<vmem>> -> memref<128xi32, #tpu.memory_space<vmem>>
      %dma_start3A_345 = arith.constant 0 : i32
      %dma_start3A_346 = arith.constant 0 : i32
      %dma_start3A_347 = tpu.memref_slice %arg14[%dma_start3A_345, %dma_start3A_346] : memref<10240x16xf32, #tpu.memory_space<vmem_shared>> -> memref<10240x16xf32, #tpu.memory_space<vmem_shared>>
      tpu.enqueue_indirect_dma source(%arg13 : memref<128x16xf32, #tpu.memory_space<vmem>>) target(%dma_start3A_347 : memref<10240x16xf32, #tpu.memory_space<vmem_shared>>) offsets(%dma_start3A_344 : memref<128xi32, #tpu.memory_space<vmem>>) semaphore(%arg24 : memref<!tpu.dma_semaphore, #tpu.memory_space<semaphore_mem>>) {add = true}
      %add3A_348 = arith.constant 4 : i32
      %add3A_349 = arith.addi %add3A_335, %add3A_348 : i32
      %lt3A_350 = arith.constant 20 : i32
      %lt3A_351 = arith.cmpi slt, %add3A_349, %lt3A_350 : i32
      %convert_element_type3A_352 = arith.extui %lt3A_351 : i1 to i32
      %cond3A_353 = arith.constant 0 : i32
      %cond3A_354 = arith.cmpi ne, %convert_element_type3A_352, %cond3A_353 : i32
      scf.if %cond3A_354 {
        %dma_wait3A_355 = arith.constant 0 : i32
        %dma_wait3A_356 = tpu.memref_slice %arg8[%dma_wait3A_355] : memref<2560xi32, #tpu.memory_space<vmem>> -> memref<128xi32, #tpu.memory_space<vmem>>
        %dma_wait3A_357 = arith.constant 0 : i32
        %dma_wait3A_358 = arith.constant 0 : i32
        %dma_wait3A_359 = tpu.memref_slice %arg14[%dma_wait3A_357, %dma_wait3A_358] : memref<10240x16xf32, #tpu.memory_space<vmem_shared>> -> memref<10240x16xf32, #tpu.memory_space<vmem_shared>>
        tpu.wait_indirect_dma semaphore(%arg24 : memref<!tpu.dma_semaphore, #tpu.memory_space<semaphore_mem>>) src(%arg13 : memref<128x16xf32, #tpu.memory_space<vmem>>) dst(%dma_wait3A_359 : memref<10240x16xf32, #tpu.memory_space<vmem_shared>>)
        %add3A_360 = arith.constant 4 : i32
        %add3A_361 = arith.addi %add3A_335, %add3A_360 : i32
        %mul3A_362 = arith.constant 128 : i32
        %mul3A_363 = arith.muli %add3A_361, %mul3A_362 : i32
        %dma_start3A_364 = tpu.memref_slice %arg6[%mul3A_363] : memref<2560xi32, #tpu.memory_space<vmem>> -> memref<128xi32, #tpu.memory_space<vmem>>
        %dma_start3A_365 = arith.constant 0 : i32
        %dma_start3A_366 = arith.constant 0 : i32
        %dma_start3A_367 = tpu.memref_slice %arg2[%dma_start3A_365, %dma_start3A_366] : memref<40000x16xf32, #tpu.memory_space<hbm>> -> memref<40000x16xf32, #tpu.memory_space<hbm>>
        tpu.enqueue_indirect_dma source(%dma_start3A_367 : memref<40000x16xf32, #tpu.memory_space<hbm>>) target(%arg13 : memref<128x16xf32, #tpu.memory_space<vmem>>) offsets(%dma_start3A_364 : memref<128xi32, #tpu.memory_space<vmem>>) semaphore(%arg20 : memref<!tpu.dma_semaphore, #tpu.memory_space<semaphore_mem>>)
      } else {
      }
    }
    %scan3A_181 = arith.constant 5 : i32
    %add3A_182 = arith.constant 7680 : i32
    %add3A_183 = arith.addi %mul3A_2, %add3A_182 : i32
    %dma_wait3A_184 = tpu.memref_slice %arg3[%add3A_183] : memref<327680xi32, #tpu.memory_space<hbm>> -> memref<2560xi32, #tpu.memory_space<hbm>>
    %dma_wait3A_185 = tpu.memref_slice %arg3[%add3A_183] : memref<327680xi32, #tpu.memory_space<hbm>> -> memref<2560xi32, #tpu.memory_space<hbm>>
    tpu.wait_dma2 semaphore(%arg16 : memref<!tpu.dma_semaphore, #tpu.memory_space<semaphore_mem>>) src(%dma_wait3A_185 : memref<2560xi32, #tpu.memory_space<hbm>>) dst(%arg7 : memref<2560xi32, #tpu.memory_space<vmem>>)
    %add3A_186 = arith.constant 7680 : i32
    %add3A_187 = arith.addi %mul3A_2, %add3A_186 : i32
    %dma_wait3A_188 = tpu.memref_slice %arg4[%add3A_187] : memref<327680xi32, #tpu.memory_space<hbm>> -> memref<2560xi32, #tpu.memory_space<hbm>>
    %dma_wait3A_189 = tpu.memref_slice %arg4[%add3A_187] : memref<327680xi32, #tpu.memory_space<hbm>> -> memref<2560xi32, #tpu.memory_space<hbm>>
    tpu.wait_dma2 semaphore(%arg16 : memref<!tpu.dma_semaphore, #tpu.memory_space<semaphore_mem>>) src(%dma_wait3A_189 : memref<2560xi32, #tpu.memory_space<hbm>>) dst(%arg9 : memref<2560xi32, #tpu.memory_space<vmem>>)
    %dma_wait3A_190 = arith.constant 0 : i32
    %dma_wait3A_191 = tpu.memref_slice %arg9[%dma_wait3A_190] : memref<2560xi32, #tpu.memory_space<vmem>> -> memref<128xi32, #tpu.memory_space<vmem>>
    %dma_wait3A_192 = arith.constant 0 : i32
    %dma_wait3A_193 = arith.constant 0 : i32
    %dma_wait3A_194 = tpu.memref_slice %arg14[%dma_wait3A_192, %dma_wait3A_193] : memref<10240x16xf32, #tpu.memory_space<vmem_shared>> -> memref<10240x16xf32, #tpu.memory_space<vmem_shared>>
    tpu.wait_indirect_dma semaphore(%arg21 : memref<!tpu.dma_semaphore, #tpu.memory_space<semaphore_mem>>) src(%arg10 : memref<128x16xf32, #tpu.memory_space<vmem>>) dst(%dma_wait3A_194 : memref<10240x16xf32, #tpu.memory_space<vmem_shared>>)
    %dma_start3A_195 = arith.constant 0 : i32
    %dma_start3A_196 = tpu.memref_slice %arg7[%dma_start3A_195] : memref<2560xi32, #tpu.memory_space<vmem>> -> memref<128xi32, #tpu.memory_space<vmem>>
    %dma_start3A_197 = arith.constant 0 : i32
    %dma_start3A_198 = arith.constant 0 : i32
    %dma_start3A_199 = tpu.memref_slice %arg2[%dma_start3A_197, %dma_start3A_198] : memref<40000x16xf32, #tpu.memory_space<hbm>> -> memref<40000x16xf32, #tpu.memory_space<hbm>>
    tpu.enqueue_indirect_dma source(%dma_start3A_199 : memref<40000x16xf32, #tpu.memory_space<hbm>>) target(%arg10 : memref<128x16xf32, #tpu.memory_space<vmem>>) offsets(%dma_start3A_196 : memref<128xi32, #tpu.memory_space<vmem>>) semaphore(%arg17 : memref<!tpu.dma_semaphore, #tpu.memory_space<semaphore_mem>>)
    %dma_wait3A_200 = arith.constant 0 : i32
    %dma_wait3A_201 = tpu.memref_slice %arg9[%dma_wait3A_200] : memref<2560xi32, #tpu.memory_space<vmem>> -> memref<128xi32, #tpu.memory_space<vmem>>
    %dma_wait3A_202 = arith.constant 0 : i32
    %dma_wait3A_203 = arith.constant 0 : i32
    %dma_wait3A_204 = tpu.memref_slice %arg14[%dma_wait3A_202, %dma_wait3A_203] : memref<10240x16xf32, #tpu.memory_space<vmem_shared>> -> memref<10240x16xf32, #tpu.memory_space<vmem_shared>>
    tpu.wait_indirect_dma semaphore(%arg22 : memref<!tpu.dma_semaphore, #tpu.memory_space<semaphore_mem>>) src(%arg11 : memref<128x16xf32, #tpu.memory_space<vmem>>) dst(%dma_wait3A_204 : memref<10240x16xf32, #tpu.memory_space<vmem_shared>>)
    %dma_start3A_205 = arith.constant 128 : i32
    %dma_start3A_206 = tpu.memref_slice %arg7[%dma_start3A_205] : memref<2560xi32, #tpu.memory_space<vmem>> -> memref<128xi32, #tpu.memory_space<vmem>>
    %dma_start3A_207 = arith.constant 0 : i32
    %dma_start3A_208 = arith.constant 0 : i32
    %dma_start3A_209 = tpu.memref_slice %arg2[%dma_start3A_207, %dma_start3A_208] : memref<40000x16xf32, #tpu.memory_space<hbm>> -> memref<40000x16xf32, #tpu.memory_space<hbm>>
    tpu.enqueue_indirect_dma source(%dma_start3A_209 : memref<40000x16xf32, #tpu.memory_space<hbm>>) target(%arg11 : memref<128x16xf32, #tpu.memory_space<vmem>>) offsets(%dma_start3A_206 : memref<128xi32, #tpu.memory_space<vmem>>) semaphore(%arg18 : memref<!tpu.dma_semaphore, #tpu.memory_space<semaphore_mem>>)
    %dma_wait3A_210 = arith.constant 0 : i32
    %dma_wait3A_211 = tpu.memref_slice %arg9[%dma_wait3A_210] : memref<2560xi32, #tpu.memory_space<vmem>> -> memref<128xi32, #tpu.memory_space<vmem>>
    %dma_wait3A_212 = arith.constant 0 : i32
    %dma_wait3A_213 = arith.constant 0 : i32
    %dma_wait3A_214 = tpu.memref_slice %arg14[%dma_wait3A_212, %dma_wait3A_213] : memref<10240x16xf32, #tpu.memory_space<vmem_shared>> -> memref<10240x16xf32, #tpu.memory_space<vmem_shared>>
    tpu.wait_indirect_dma semaphore(%arg23 : memref<!tpu.dma_semaphore, #tpu.memory_space<semaphore_mem>>) src(%arg12 : memref<128x16xf32, #tpu.memory_space<vmem>>) dst(%dma_wait3A_214 : memref<10240x16xf32, #tpu.memory_space<vmem_shared>>)
    %dma_start3A_215 = arith.constant 256 : i32
    %dma_start3A_216 = tpu.memref_slice %arg7[%dma_start3A_215] : memref<2560xi32, #tpu.memory_space<vmem>> -> memref<128xi32, #tpu.memory_space<vmem>>
    %dma_start3A_217 = arith.constant 0 : i32
    %dma_start3A_218 = arith.constant 0 : i32
    %dma_start3A_219 = tpu.memref_slice %arg2[%dma_start3A_217, %dma_start3A_218] : memref<40000x16xf32, #tpu.memory_space<hbm>> -> memref<40000x16xf32, #tpu.memory_space<hbm>>
    tpu.enqueue_indirect_dma source(%dma_start3A_219 : memref<40000x16xf32, #tpu.memory_space<hbm>>) target(%arg12 : memref<128x16xf32, #tpu.memory_space<vmem>>) offsets(%dma_start3A_216 : memref<128xi32, #tpu.memory_space<vmem>>) semaphore(%arg19 : memref<!tpu.dma_semaphore, #tpu.memory_space<semaphore_mem>>)
    %dma_wait3A_220 = arith.constant 0 : i32
    %dma_wait3A_221 = tpu.memref_slice %arg9[%dma_wait3A_220] : memref<2560xi32, #tpu.memory_space<vmem>> -> memref<128xi32, #tpu.memory_space<vmem>>
    %dma_wait3A_222 = arith.constant 0 : i32
    %dma_wait3A_223 = arith.constant 0 : i32
    %dma_wait3A_224 = tpu.memref_slice %arg14[%dma_wait3A_222, %dma_wait3A_223] : memref<10240x16xf32, #tpu.memory_space<vmem_shared>> -> memref<10240x16xf32, #tpu.memory_space<vmem_shared>>
    tpu.wait_indirect_dma semaphore(%arg24 : memref<!tpu.dma_semaphore, #tpu.memory_space<semaphore_mem>>) src(%arg13 : memref<128x16xf32, #tpu.memory_space<vmem>>) dst(%dma_wait3A_224 : memref<10240x16xf32, #tpu.memory_space<vmem_shared>>)
    %dma_start3A_225 = arith.constant 384 : i32
    %dma_start3A_226 = tpu.memref_slice %arg7[%dma_start3A_225] : memref<2560xi32, #tpu.memory_space<vmem>> -> memref<128xi32, #tpu.memory_space<vmem>>
    %dma_start3A_227 = arith.constant 0 : i32
    %dma_start3A_228 = arith.constant 0 : i32
    %dma_start3A_229 = tpu.memref_slice %arg2[%dma_start3A_227, %dma_start3A_228] : memref<40000x16xf32, #tpu.memory_space<hbm>> -> memref<40000x16xf32, #tpu.memory_space<hbm>>
    tpu.enqueue_indirect_dma source(%dma_start3A_229 : memref<40000x16xf32, #tpu.memory_space<hbm>>) target(%arg13 : memref<128x16xf32, #tpu.memory_space<vmem>>) offsets(%dma_start3A_226 : memref<128xi32, #tpu.memory_space<vmem>>) semaphore(%arg20 : memref<!tpu.dma_semaphore, #tpu.memory_space<semaphore_mem>>)
    %scan3A_230 = arith.constant 0 : i32
    %scan3A_231 = arith.constant 5 : i32
    %scan3A_232 = arith.addi %scan3A_230, %scan3A_231 : i32
    %scan3A_233 = arith.constant 1 : i32
    scf.for %scan3A_261 = %scan3A_230 to %scan3A_232 step %scan3A_233  : i32 {
      %mul3A_262 = arith.constant 1 : i32
      %mul3A_263 = arith.muli %scan3A_261, %mul3A_262 : i32
      %add3A_264 = arith.constant 0 : i32
      %add3A_265 = arith.addi %add3A_264, %mul3A_263 : i32
      %mul3A_266 = arith.constant 4 : i32
      %mul3A_267 = arith.muli %add3A_265, %mul3A_266 : i32
      %add3A_268 = arith.constant 0 : i32
      %add3A_269 = arith.addi %mul3A_267, %add3A_268 : i32
      %mul3A_270 = arith.constant 128 : i32
      %mul3A_271 = arith.muli %add3A_269, %mul3A_270 : i32
      %dma_wait3A_272 = tpu.memref_slice %arg7[%mul3A_271] : memref<2560xi32, #tpu.memory_space<vmem>> -> memref<128xi32, #tpu.memory_space<vmem>>
      %dma_wait3A_273 = arith.constant 0 : i32
      %dma_wait3A_274 = arith.constant 0 : i32
      %dma_wait3A_275 = tpu.memref_slice %arg2[%dma_wait3A_273, %dma_wait3A_274] : memref<40000x16xf32, #tpu.memory_space<hbm>> -> memref<40000x16xf32, #tpu.memory_space<hbm>>
      tpu.wait_indirect_dma semaphore(%arg17 : memref<!tpu.dma_semaphore, #tpu.memory_space<semaphore_mem>>) src(%dma_wait3A_275 : memref<40000x16xf32, #tpu.memory_space<hbm>>) dst(%arg10 : memref<128x16xf32, #tpu.memory_space<vmem>>)
      %mul3A_276 = arith.constant 128 : i32
      %mul3A_277 = arith.muli %add3A_269, %mul3A_276 : i32
      %dma_start3A_278 = tpu.memref_slice %arg9[%mul3A_277] : memref<2560xi32, #tpu.memory_space<vmem>> -> memref<128xi32, #tpu.memory_space<vmem>>
      %dma_start3A_279 = arith.constant 0 : i32
      %dma_start3A_280 = arith.constant 0 : i32
      %dma_start3A_281 = tpu.memref_slice %arg14[%dma_start3A_279, %dma_start3A_280] : memref<10240x16xf32, #tpu.memory_space<vmem_shared>> -> memref<10240x16xf32, #tpu.memory_space<vmem_shared>>
      tpu.enqueue_indirect_dma source(%arg10 : memref<128x16xf32, #tpu.memory_space<vmem>>) target(%dma_start3A_281 : memref<10240x16xf32, #tpu.memory_space<vmem_shared>>) offsets(%dma_start3A_278 : memref<128xi32, #tpu.memory_space<vmem>>) semaphore(%arg21 : memref<!tpu.dma_semaphore, #tpu.memory_space<semaphore_mem>>) {add = true}
      %add3A_282 = arith.constant 4 : i32
      %add3A_283 = arith.addi %add3A_269, %add3A_282 : i32
      %lt3A = arith.constant 20 : i32
      %lt3A_284 = arith.cmpi slt, %add3A_283, %lt3A : i32
      %convert_element_type3A = arith.extui %lt3A_284 : i1 to i32
      %cond3A = arith.constant 0 : i32
      %cond3A_285 = arith.cmpi ne, %convert_element_type3A, %cond3A : i32
      scf.if %cond3A_285 {
        %dma_wait3A_355 = arith.constant 0 : i32
        %dma_wait3A_356 = tpu.memref_slice %arg9[%dma_wait3A_355] : memref<2560xi32, #tpu.memory_space<vmem>> -> memref<128xi32, #tpu.memory_space<vmem>>
        %dma_wait3A_357 = arith.constant 0 : i32
        %dma_wait3A_358 = arith.constant 0 : i32
        %dma_wait3A_359 = tpu.memref_slice %arg14[%dma_wait3A_357, %dma_wait3A_358] : memref<10240x16xf32, #tpu.memory_space<vmem_shared>> -> memref<10240x16xf32, #tpu.memory_space<vmem_shared>>
        tpu.wait_indirect_dma semaphore(%arg21 : memref<!tpu.dma_semaphore, #tpu.memory_space<semaphore_mem>>) src(%arg10 : memref<128x16xf32, #tpu.memory_space<vmem>>) dst(%dma_wait3A_359 : memref<10240x16xf32, #tpu.memory_space<vmem_shared>>)
        %add3A_360 = arith.constant 4 : i32
        %add3A_361 = arith.addi %add3A_269, %add3A_360 : i32
        %mul3A_362 = arith.constant 128 : i32
        %mul3A_363 = arith.muli %add3A_361, %mul3A_362 : i32
        %dma_start3A_364 = tpu.memref_slice %arg7[%mul3A_363] : memref<2560xi32, #tpu.memory_space<vmem>> -> memref<128xi32, #tpu.memory_space<vmem>>
        %dma_start3A_365 = arith.constant 0 : i32
        %dma_start3A_366 = arith.constant 0 : i32
        %dma_start3A_367 = tpu.memref_slice %arg2[%dma_start3A_365, %dma_start3A_366] : memref<40000x16xf32, #tpu.memory_space<hbm>> -> memref<40000x16xf32, #tpu.memory_space<hbm>>
        tpu.enqueue_indirect_dma source(%dma_start3A_367 : memref<40000x16xf32, #tpu.memory_space<hbm>>) target(%arg10 : memref<128x16xf32, #tpu.memory_space<vmem>>) offsets(%dma_start3A_364 : memref<128xi32, #tpu.memory_space<vmem>>) semaphore(%arg17 : memref<!tpu.dma_semaphore, #tpu.memory_space<semaphore_mem>>)
      } else {
      }
      %mul3A_286 = arith.constant 4 : i32
      %mul3A_287 = arith.muli %add3A_265, %mul3A_286 : i32
      %add3A_288 = arith.constant 1 : i32
      %add3A_289 = arith.addi %mul3A_287, %add3A_288 : i32
      %mul3A_290 = arith.constant 128 : i32
      %mul3A_291 = arith.muli %add3A_289, %mul3A_290 : i32
      %dma_wait3A_292 = tpu.memref_slice %arg7[%mul3A_291] : memref<2560xi32, #tpu.memory_space<vmem>> -> memref<128xi32, #tpu.memory_space<vmem>>
      %dma_wait3A_293 = arith.constant 0 : i32
      %dma_wait3A_294 = arith.constant 0 : i32
      %dma_wait3A_295 = tpu.memref_slice %arg2[%dma_wait3A_293, %dma_wait3A_294] : memref<40000x16xf32, #tpu.memory_space<hbm>> -> memref<40000x16xf32, #tpu.memory_space<hbm>>
      tpu.wait_indirect_dma semaphore(%arg18 : memref<!tpu.dma_semaphore, #tpu.memory_space<semaphore_mem>>) src(%dma_wait3A_295 : memref<40000x16xf32, #tpu.memory_space<hbm>>) dst(%arg11 : memref<128x16xf32, #tpu.memory_space<vmem>>)
      %mul3A_296 = arith.constant 128 : i32
      %mul3A_297 = arith.muli %add3A_289, %mul3A_296 : i32
      %dma_start3A_298 = tpu.memref_slice %arg9[%mul3A_297] : memref<2560xi32, #tpu.memory_space<vmem>> -> memref<128xi32, #tpu.memory_space<vmem>>
      %dma_start3A_299 = arith.constant 0 : i32
      %dma_start3A_300 = arith.constant 0 : i32
      %dma_start3A_301 = tpu.memref_slice %arg14[%dma_start3A_299, %dma_start3A_300] : memref<10240x16xf32, #tpu.memory_space<vmem_shared>> -> memref<10240x16xf32, #tpu.memory_space<vmem_shared>>
      tpu.enqueue_indirect_dma source(%arg11 : memref<128x16xf32, #tpu.memory_space<vmem>>) target(%dma_start3A_301 : memref<10240x16xf32, #tpu.memory_space<vmem_shared>>) offsets(%dma_start3A_298 : memref<128xi32, #tpu.memory_space<vmem>>) semaphore(%arg22 : memref<!tpu.dma_semaphore, #tpu.memory_space<semaphore_mem>>) {add = true}
      %add3A_302 = arith.constant 4 : i32
      %add3A_303 = arith.addi %add3A_289, %add3A_302 : i32
      %lt3A_304 = arith.constant 20 : i32
      %lt3A_305 = arith.cmpi slt, %add3A_303, %lt3A_304 : i32
      %convert_element_type3A_306 = arith.extui %lt3A_305 : i1 to i32
      %cond3A_307 = arith.constant 0 : i32
      %cond3A_308 = arith.cmpi ne, %convert_element_type3A_306, %cond3A_307 : i32
      scf.if %cond3A_308 {
        %dma_wait3A_355 = arith.constant 0 : i32
        %dma_wait3A_356 = tpu.memref_slice %arg9[%dma_wait3A_355] : memref<2560xi32, #tpu.memory_space<vmem>> -> memref<128xi32, #tpu.memory_space<vmem>>
        %dma_wait3A_357 = arith.constant 0 : i32
        %dma_wait3A_358 = arith.constant 0 : i32
        %dma_wait3A_359 = tpu.memref_slice %arg14[%dma_wait3A_357, %dma_wait3A_358] : memref<10240x16xf32, #tpu.memory_space<vmem_shared>> -> memref<10240x16xf32, #tpu.memory_space<vmem_shared>>
        tpu.wait_indirect_dma semaphore(%arg22 : memref<!tpu.dma_semaphore, #tpu.memory_space<semaphore_mem>>) src(%arg11 : memref<128x16xf32, #tpu.memory_space<vmem>>) dst(%dma_wait3A_359 : memref<10240x16xf32, #tpu.memory_space<vmem_shared>>)
        %add3A_360 = arith.constant 4 : i32
        %add3A_361 = arith.addi %add3A_289, %add3A_360 : i32
        %mul3A_362 = arith.constant 128 : i32
        %mul3A_363 = arith.muli %add3A_361, %mul3A_362 : i32
        %dma_start3A_364 = tpu.memref_slice %arg7[%mul3A_363] : memref<2560xi32, #tpu.memory_space<vmem>> -> memref<128xi32, #tpu.memory_space<vmem>>
        %dma_start3A_365 = arith.constant 0 : i32
        %dma_start3A_366 = arith.constant 0 : i32
        %dma_start3A_367 = tpu.memref_slice %arg2[%dma_start3A_365, %dma_start3A_366] : memref<40000x16xf32, #tpu.memory_space<hbm>> -> memref<40000x16xf32, #tpu.memory_space<hbm>>
        tpu.enqueue_indirect_dma source(%dma_start3A_367 : memref<40000x16xf32, #tpu.memory_space<hbm>>) target(%arg11 : memref<128x16xf32, #tpu.memory_space<vmem>>) offsets(%dma_start3A_364 : memref<128xi32, #tpu.memory_space<vmem>>) semaphore(%arg18 : memref<!tpu.dma_semaphore, #tpu.memory_space<semaphore_mem>>)
      } else {
      }
      %mul3A_309 = arith.constant 4 : i32
      %mul3A_310 = arith.muli %add3A_265, %mul3A_309 : i32
      %add3A_311 = arith.constant 2 : i32
      %add3A_312 = arith.addi %mul3A_310, %add3A_311 : i32
      %mul3A_313 = arith.constant 128 : i32
      %mul3A_314 = arith.muli %add3A_312, %mul3A_313 : i32
      %dma_wait3A_315 = tpu.memref_slice %arg7[%mul3A_314] : memref<2560xi32, #tpu.memory_space<vmem>> -> memref<128xi32, #tpu.memory_space<vmem>>
      %dma_wait3A_316 = arith.constant 0 : i32
      %dma_wait3A_317 = arith.constant 0 : i32
      %dma_wait3A_318 = tpu.memref_slice %arg2[%dma_wait3A_316, %dma_wait3A_317] : memref<40000x16xf32, #tpu.memory_space<hbm>> -> memref<40000x16xf32, #tpu.memory_space<hbm>>
      tpu.wait_indirect_dma semaphore(%arg19 : memref<!tpu.dma_semaphore, #tpu.memory_space<semaphore_mem>>) src(%dma_wait3A_318 : memref<40000x16xf32, #tpu.memory_space<hbm>>) dst(%arg12 : memref<128x16xf32, #tpu.memory_space<vmem>>)
      %mul3A_319 = arith.constant 128 : i32
      %mul3A_320 = arith.muli %add3A_312, %mul3A_319 : i32
      %dma_start3A_321 = tpu.memref_slice %arg9[%mul3A_320] : memref<2560xi32, #tpu.memory_space<vmem>> -> memref<128xi32, #tpu.memory_space<vmem>>
      %dma_start3A_322 = arith.constant 0 : i32
      %dma_start3A_323 = arith.constant 0 : i32
      %dma_start3A_324 = tpu.memref_slice %arg14[%dma_start3A_322, %dma_start3A_323] : memref<10240x16xf32, #tpu.memory_space<vmem_shared>> -> memref<10240x16xf32, #tpu.memory_space<vmem_shared>>
      tpu.enqueue_indirect_dma source(%arg12 : memref<128x16xf32, #tpu.memory_space<vmem>>) target(%dma_start3A_324 : memref<10240x16xf32, #tpu.memory_space<vmem_shared>>) offsets(%dma_start3A_321 : memref<128xi32, #tpu.memory_space<vmem>>) semaphore(%arg23 : memref<!tpu.dma_semaphore, #tpu.memory_space<semaphore_mem>>) {add = true}
      %add3A_325 = arith.constant 4 : i32
      %add3A_326 = arith.addi %add3A_312, %add3A_325 : i32
      %lt3A_327 = arith.constant 20 : i32
      %lt3A_328 = arith.cmpi slt, %add3A_326, %lt3A_327 : i32
      %convert_element_type3A_329 = arith.extui %lt3A_328 : i1 to i32
      %cond3A_330 = arith.constant 0 : i32
      %cond3A_331 = arith.cmpi ne, %convert_element_type3A_329, %cond3A_330 : i32
      scf.if %cond3A_331 {
        %dma_wait3A_355 = arith.constant 0 : i32
        %dma_wait3A_356 = tpu.memref_slice %arg9[%dma_wait3A_355] : memref<2560xi32, #tpu.memory_space<vmem>> -> memref<128xi32, #tpu.memory_space<vmem>>
        %dma_wait3A_357 = arith.constant 0 : i32
        %dma_wait3A_358 = arith.constant 0 : i32
        %dma_wait3A_359 = tpu.memref_slice %arg14[%dma_wait3A_357, %dma_wait3A_358] : memref<10240x16xf32, #tpu.memory_space<vmem_shared>> -> memref<10240x16xf32, #tpu.memory_space<vmem_shared>>
        tpu.wait_indirect_dma semaphore(%arg23 : memref<!tpu.dma_semaphore, #tpu.memory_space<semaphore_mem>>) src(%arg12 : memref<128x16xf32, #tpu.memory_space<vmem>>) dst(%dma_wait3A_359 : memref<10240x16xf32, #tpu.memory_space<vmem_shared>>)
        %add3A_360 = arith.constant 4 : i32
        %add3A_361 = arith.addi %add3A_312, %add3A_360 : i32
        %mul3A_362 = arith.constant 128 : i32
        %mul3A_363 = arith.muli %add3A_361, %mul3A_362 : i32
        %dma_start3A_364 = tpu.memref_slice %arg7[%mul3A_363] : memref<2560xi32, #tpu.memory_space<vmem>> -> memref<128xi32, #tpu.memory_space<vmem>>
        %dma_start3A_365 = arith.constant 0 : i32
        %dma_start3A_366 = arith.constant 0 : i32
        %dma_start3A_367 = tpu.memref_slice %arg2[%dma_start3A_365, %dma_start3A_366] : memref<40000x16xf32, #tpu.memory_space<hbm>> -> memref<40000x16xf32, #tpu.memory_space<hbm>>
        tpu.enqueue_indirect_dma source(%dma_start3A_367 : memref<40000x16xf32, #tpu.memory_space<hbm>>) target(%arg12 : memref<128x16xf32, #tpu.memory_space<vmem>>) offsets(%dma_start3A_364 : memref<128xi32, #tpu.memory_space<vmem>>) semaphore(%arg19 : memref<!tpu.dma_semaphore, #tpu.memory_space<semaphore_mem>>)
      } else {
      }
      %mul3A_332 = arith.constant 4 : i32
      %mul3A_333 = arith.muli %add3A_265, %mul3A_332 : i32
      %add3A_334 = arith.constant 3 : i32
      %add3A_335 = arith.addi %mul3A_333, %add3A_334 : i32
      %mul3A_336 = arith.constant 128 : i32
      %mul3A_337 = arith.muli %add3A_335, %mul3A_336 : i32
      %dma_wait3A_338 = tpu.memref_slice %arg7[%mul3A_337] : memref<2560xi32, #tpu.memory_space<vmem>> -> memref<128xi32, #tpu.memory_space<vmem>>
      %dma_wait3A_339 = arith.constant 0 : i32
      %dma_wait3A_340 = arith.constant 0 : i32
      %dma_wait3A_341 = tpu.memref_slice %arg2[%dma_wait3A_339, %dma_wait3A_340] : memref<40000x16xf32, #tpu.memory_space<hbm>> -> memref<40000x16xf32, #tpu.memory_space<hbm>>
      tpu.wait_indirect_dma semaphore(%arg20 : memref<!tpu.dma_semaphore, #tpu.memory_space<semaphore_mem>>) src(%dma_wait3A_341 : memref<40000x16xf32, #tpu.memory_space<hbm>>) dst(%arg13 : memref<128x16xf32, #tpu.memory_space<vmem>>)
      %mul3A_342 = arith.constant 128 : i32
      %mul3A_343 = arith.muli %add3A_335, %mul3A_342 : i32
      %dma_start3A_344 = tpu.memref_slice %arg9[%mul3A_343] : memref<2560xi32, #tpu.memory_space<vmem>> -> memref<128xi32, #tpu.memory_space<vmem>>
      %dma_start3A_345 = arith.constant 0 : i32
      %dma_start3A_346 = arith.constant 0 : i32
      %dma_start3A_347 = tpu.memref_slice %arg14[%dma_start3A_345, %dma_start3A_346] : memref<10240x16xf32, #tpu.memory_space<vmem_shared>> -> memref<10240x16xf32, #tpu.memory_space<vmem_shared>>
      tpu.enqueue_indirect_dma source(%arg13 : memref<128x16xf32, #tpu.memory_space<vmem>>) target(%dma_start3A_347 : memref<10240x16xf32, #tpu.memory_space<vmem_shared>>) offsets(%dma_start3A_344 : memref<128xi32, #tpu.memory_space<vmem>>) semaphore(%arg24 : memref<!tpu.dma_semaphore, #tpu.memory_space<semaphore_mem>>) {add = true}
      %add3A_348 = arith.constant 4 : i32
      %add3A_349 = arith.addi %add3A_335, %add3A_348 : i32
      %lt3A_350 = arith.constant 20 : i32
      %lt3A_351 = arith.cmpi slt, %add3A_349, %lt3A_350 : i32
      %convert_element_type3A_352 = arith.extui %lt3A_351 : i1 to i32
      %cond3A_353 = arith.constant 0 : i32
      %cond3A_354 = arith.cmpi ne, %convert_element_type3A_352, %cond3A_353 : i32
      scf.if %cond3A_354 {
        %dma_wait3A_355 = arith.constant 0 : i32
        %dma_wait3A_356 = tpu.memref_slice %arg9[%dma_wait3A_355] : memref<2560xi32, #tpu.memory_space<vmem>> -> memref<128xi32, #tpu.memory_space<vmem>>
        %dma_wait3A_357 = arith.constant 0 : i32
        %dma_wait3A_358 = arith.constant 0 : i32
        %dma_wait3A_359 = tpu.memref_slice %arg14[%dma_wait3A_357, %dma_wait3A_358] : memref<10240x16xf32, #tpu.memory_space<vmem_shared>> -> memref<10240x16xf32, #tpu.memory_space<vmem_shared>>
        tpu.wait_indirect_dma semaphore(%arg24 : memref<!tpu.dma_semaphore, #tpu.memory_space<semaphore_mem>>) src(%arg13 : memref<128x16xf32, #tpu.memory_space<vmem>>) dst(%dma_wait3A_359 : memref<10240x16xf32, #tpu.memory_space<vmem_shared>>)
        %add3A_360 = arith.constant 4 : i32
        %add3A_361 = arith.addi %add3A_335, %add3A_360 : i32
        %mul3A_362 = arith.constant 128 : i32
        %mul3A_363 = arith.muli %add3A_361, %mul3A_362 : i32
        %dma_start3A_364 = tpu.memref_slice %arg7[%mul3A_363] : memref<2560xi32, #tpu.memory_space<vmem>> -> memref<128xi32, #tpu.memory_space<vmem>>
        %dma_start3A_365 = arith.constant 0 : i32
        %dma_start3A_366 = arith.constant 0 : i32
        %dma_start3A_367 = tpu.memref_slice %arg2[%dma_start3A_365, %dma_start3A_366] : memref<40000x16xf32, #tpu.memory_space<hbm>> -> memref<40000x16xf32, #tpu.memory_space<hbm>>
        tpu.enqueue_indirect_dma source(%dma_start3A_367 : memref<40000x16xf32, #tpu.memory_space<hbm>>) target(%arg13 : memref<128x16xf32, #tpu.memory_space<vmem>>) offsets(%dma_start3A_364 : memref<128xi32, #tpu.memory_space<vmem>>) semaphore(%arg20 : memref<!tpu.dma_semaphore, #tpu.memory_space<semaphore_mem>>)
      } else {
      }
    }
    %scan3A_234 = arith.constant 5 : i32
    %dma_wait3A_235 = arith.constant 0 : i32
    %dma_wait3A_236 = tpu.memref_slice %arg9[%dma_wait3A_235] : memref<2560xi32, #tpu.memory_space<vmem>> -> memref<128xi32, #tpu.memory_space<vmem>>
    %dma_wait3A_237 = arith.constant 0 : i32
    %dma_wait3A_238 = arith.constant 0 : i32
    %dma_wait3A_239 = tpu.memref_slice %arg14[%dma_wait3A_237, %dma_wait3A_238] : memref<10240x16xf32, #tpu.memory_space<vmem_shared>> -> memref<10240x16xf32, #tpu.memory_space<vmem_shared>>
    tpu.wait_indirect_dma semaphore(%arg21 : memref<!tpu.dma_semaphore, #tpu.memory_space<semaphore_mem>>) src(%arg10 : memref<128x16xf32, #tpu.memory_space<vmem>>) dst(%dma_wait3A_239 : memref<10240x16xf32, #tpu.memory_space<vmem_shared>>)
    %dma_wait3A_240 = arith.constant 0 : i32
    %dma_wait3A_241 = tpu.memref_slice %arg9[%dma_wait3A_240] : memref<2560xi32, #tpu.memory_space<vmem>> -> memref<128xi32, #tpu.memory_space<vmem>>
    %dma_wait3A_242 = arith.constant 0 : i32
    %dma_wait3A_243 = arith.constant 0 : i32
    %dma_wait3A_244 = tpu.memref_slice %arg14[%dma_wait3A_242, %dma_wait3A_243] : memref<10240x16xf32, #tpu.memory_space<vmem_shared>> -> memref<10240x16xf32, #tpu.memory_space<vmem_shared>>
    tpu.wait_indirect_dma semaphore(%arg22 : memref<!tpu.dma_semaphore, #tpu.memory_space<semaphore_mem>>) src(%arg11 : memref<128x16xf32, #tpu.memory_space<vmem>>) dst(%dma_wait3A_244 : memref<10240x16xf32, #tpu.memory_space<vmem_shared>>)
    %dma_wait3A_245 = arith.constant 0 : i32
    %dma_wait3A_246 = tpu.memref_slice %arg9[%dma_wait3A_245] : memref<2560xi32, #tpu.memory_space<vmem>> -> memref<128xi32, #tpu.memory_space<vmem>>
    %dma_wait3A_247 = arith.constant 0 : i32
    %dma_wait3A_248 = arith.constant 0 : i32
    %dma_wait3A_249 = tpu.memref_slice %arg14[%dma_wait3A_247, %dma_wait3A_248] : memref<10240x16xf32, #tpu.memory_space<vmem_shared>> -> memref<10240x16xf32, #tpu.memory_space<vmem_shared>>
    tpu.wait_indirect_dma semaphore(%arg23 : memref<!tpu.dma_semaphore, #tpu.memory_space<semaphore_mem>>) src(%arg12 : memref<128x16xf32, #tpu.memory_space<vmem>>) dst(%dma_wait3A_249 : memref<10240x16xf32, #tpu.memory_space<vmem_shared>>)
    %dma_wait3A_250 = arith.constant 0 : i32
    %dma_wait3A_251 = tpu.memref_slice %arg9[%dma_wait3A_250] : memref<2560xi32, #tpu.memory_space<vmem>> -> memref<128xi32, #tpu.memory_space<vmem>>
    %dma_wait3A_252 = arith.constant 0 : i32
    %dma_wait3A_253 = arith.constant 0 : i32
    %dma_wait3A_254 = tpu.memref_slice %arg14[%dma_wait3A_252, %dma_wait3A_253] : memref<10240x16xf32, #tpu.memory_space<vmem_shared>> -> memref<10240x16xf32, #tpu.memory_space<vmem_shared>>
    tpu.wait_indirect_dma semaphore(%arg24 : memref<!tpu.dma_semaphore, #tpu.memory_space<semaphore_mem>>) src(%arg13 : memref<128x16xf32, #tpu.memory_space<vmem>>) dst(%dma_wait3A_254 : memref<10240x16xf32, #tpu.memory_space<vmem_shared>>)
    %barrier3A_255 = arith.constant 0 : index
    tpu.barrier barrier_id(%barrier3A_255)
    %scan3A_256 = arith.constant 0 : i32
    %scan3A_257 = arith.constant 8 : i32
    %scan3A_258 = arith.addi %scan3A_256, %scan3A_257 : i32
    %scan3A_259 = arith.constant 1 : i32
    scf.for %scan3A_261 = %scan3A_256 to %scan3A_258 step %scan3A_259  : i32 {
      %mul3A_262 = arith.constant 1 : i32
      %mul3A_263 = arith.muli %scan3A_261, %mul3A_262 : i32
      %add3A_264 = arith.constant 0 : i32
      %add3A_265 = arith.addi %add3A_264, %mul3A_263 : i32
      %mul3A_266 = arith.constant 640 : i32
      %mul3A_267 = arith.muli %arg1, %mul3A_266 : i32
      %mul3A_268 = arith.constant 80 : i32
      %mul3A_269 = arith.muli %add3A_265, %mul3A_268 : i32
      %add3A_270 = arith.addi %mul3A_267, %mul3A_269 : i32
      "tpu.region"() ({
        %run_scoped3A = tpu.sem_alloc : memref<!tpu.dma_semaphore, #tpu.memory_space<semaphore_mem>>
        %dma_start3A_271 = arith.constant 0 : i32
        %dma_start3A_272 = arith.constant 0 : i32
        %dma_start3A_273 = tpu.memref_slice %arg10[%dma_start3A_271, %dma_start3A_272] : memref<128x16xf32, #tpu.memory_space<vmem>> -> memref<80x16xf32, #tpu.memory_space<vmem>>
        %dma_start3A_274 = arith.constant 0 : i32
        %dma_start3A_275 = tpu.memref_slice %arg14[%add3A_270, %dma_start3A_274] : memref<10240x16xf32, #tpu.memory_space<vmem_shared>> -> memref<80x16xf32, #tpu.memory_space<vmem_shared>>
        %dma_start3A_276 = arith.constant 0 : i32
        %dma_start3A_277 = arith.constant 0 : i32
        %dma_start3A_278 = tpu.memref_slice %arg10[%dma_start3A_276, %dma_start3A_277] : memref<128x16xf32, #tpu.memory_space<vmem>> -> memref<80x16xf32, #tpu.memory_space<vmem>>
        %dma_start3A_279 = arith.constant 0 : i32
        %dma_start3A_280 = tpu.memref_slice %arg14[%add3A_270, %dma_start3A_279] : memref<10240x16xf32, #tpu.memory_space<vmem_shared>> -> memref<80x16xf32, #tpu.memory_space<vmem_shared>>
        tpu.enqueue_dma source(%dma_start3A_280 : memref<80x16xf32, #tpu.memory_space<vmem_shared>>) target(%dma_start3A_278 : memref<80x16xf32, #tpu.memory_space<vmem>>) target_semaphore(%run_scoped3A : memref<!tpu.dma_semaphore, #tpu.memory_space<semaphore_mem>>)
        %dma_wait3A_281 = arith.constant 0 : i32
        %dma_wait3A_282 = arith.constant 0 : i32
        %dma_wait3A_283 = tpu.memref_slice %arg10[%dma_wait3A_281, %dma_wait3A_282] : memref<128x16xf32, #tpu.memory_space<vmem>> -> memref<80x16xf32, #tpu.memory_space<vmem>>
        %dma_wait3A_284 = arith.constant 0 : i32
        %dma_wait3A_285 = tpu.memref_slice %arg14[%add3A_270, %dma_wait3A_284] : memref<10240x16xf32, #tpu.memory_space<vmem_shared>> -> memref<80x16xf32, #tpu.memory_space<vmem_shared>>
        %dma_wait3A_286 = arith.constant 0 : i32
        %dma_wait3A_287 = arith.constant 0 : i32
        %dma_wait3A_288 = tpu.memref_slice %arg10[%dma_wait3A_286, %dma_wait3A_287] : memref<128x16xf32, #tpu.memory_space<vmem>> -> memref<80x16xf32, #tpu.memory_space<vmem>>
        %dma_wait3A_289 = arith.constant 0 : i32
        %dma_wait3A_290 = tpu.memref_slice %arg14[%add3A_270, %dma_wait3A_289] : memref<10240x16xf32, #tpu.memory_space<vmem_shared>> -> memref<80x16xf32, #tpu.memory_space<vmem_shared>>
        tpu.wait_dma2 semaphore(%run_scoped3A : memref<!tpu.dma_semaphore, #tpu.memory_space<semaphore_mem>>) src(%dma_wait3A_290 : memref<80x16xf32, #tpu.memory_space<vmem_shared>>) dst(%dma_wait3A_288 : memref<80x16xf32, #tpu.memory_space<vmem>>)
        tpu.yield
      }) : () -> ()
      "tpu.region"() ({
        %run_scoped3A = tpu.sem_alloc : memref<!tpu.dma_semaphore, #tpu.memory_space<semaphore_mem>>
        %dma_start3A_271 = arith.constant 0 : i32
        %dma_start3A_272 = arith.constant 0 : i32
        %dma_start3A_273 = tpu.memref_slice %arg10[%dma_start3A_271, %dma_start3A_272] : memref<128x16xf32, #tpu.memory_space<vmem>> -> memref<80x16xf32, #tpu.memory_space<vmem>>
        %dma_start3A_274 = arith.constant 0 : i32
        %dma_start3A_275 = tpu.memref_slice %arg5[%arg0, %add3A_270, %dma_start3A_274] : memref<2x10240x16xf32, #tpu.memory_space<hbm>> -> memref<1x80x16xf32, #tpu.memory_space<hbm>>
        %dma_start3A_276 = tpu.memref_squeeze %dma_start3A_275 : memref<1x80x16xf32, #tpu.memory_space<hbm>> -> memref<80x16xf32, #tpu.memory_space<hbm>>
        %dma_start3A_277 = arith.constant 0 : i32
        %dma_start3A_278 = tpu.memref_slice %arg5[%arg0, %add3A_270, %dma_start3A_277] : memref<2x10240x16xf32, #tpu.memory_space<hbm>> -> memref<1x80x16xf32, #tpu.memory_space<hbm>>
        %dma_start3A_279 = tpu.memref_squeeze %dma_start3A_278 : memref<1x80x16xf32, #tpu.memory_space<hbm>> -> memref<80x16xf32, #tpu.memory_space<hbm>>
        %dma_start3A_280 = arith.constant 0 : i32
        %dma_start3A_281 = arith.constant 0 : i32
        %dma_start3A_282 = tpu.memref_slice %arg10[%dma_start3A_280, %dma_start3A_281] : memref<128x16xf32, #tpu.memory_space<vmem>> -> memref<80x16xf32, #tpu.memory_space<vmem>>
        tpu.enqueue_dma source(%dma_start3A_282 : memref<80x16xf32, #tpu.memory_space<vmem>>) target(%dma_start3A_279 : memref<80x16xf32, #tpu.memory_space<hbm>>) target_semaphore(%run_scoped3A : memref<!tpu.dma_semaphore, #tpu.memory_space<semaphore_mem>>)
        %dma_wait3A_283 = arith.constant 0 : i32
        %dma_wait3A_284 = arith.constant 0 : i32
        %dma_wait3A_285 = tpu.memref_slice %arg10[%dma_wait3A_283, %dma_wait3A_284] : memref<128x16xf32, #tpu.memory_space<vmem>> -> memref<80x16xf32, #tpu.memory_space<vmem>>
        %dma_wait3A_286 = arith.constant 0 : i32
        %dma_wait3A_287 = tpu.memref_slice %arg5[%arg0, %add3A_270, %dma_wait3A_286] : memref<2x10240x16xf32, #tpu.memory_space<hbm>> -> memref<1x80x16xf32, #tpu.memory_space<hbm>>
        %dma_wait3A_288 = tpu.memref_squeeze %dma_wait3A_287 : memref<1x80x16xf32, #tpu.memory_space<hbm>> -> memref<80x16xf32, #tpu.memory_space<hbm>>
        %dma_wait3A_289 = arith.constant 0 : i32
        %dma_wait3A_290 = tpu.memref_slice %arg5[%arg0, %add3A_270, %dma_wait3A_289] : memref<2x10240x16xf32, #tpu.memory_space<hbm>> -> memref<1x80x16xf32, #tpu.memory_space<hbm>>
        %dma_wait3A_291 = tpu.memref_squeeze %dma_wait3A_290 : memref<1x80x16xf32, #tpu.memory_space<hbm>> -> memref<80x16xf32, #tpu.memory_space<hbm>>
        %dma_wait3A_292 = arith.constant 0 : i32
        %dma_wait3A_293 = arith.constant 0 : i32
        %dma_wait3A_294 = tpu.memref_slice %arg10[%dma_wait3A_292, %dma_wait3A_293] : memref<128x16xf32, #tpu.memory_space<vmem>> -> memref<80x16xf32, #tpu.memory_space<vmem>>
        tpu.wait_dma2 semaphore(%run_scoped3A : memref<!tpu.dma_semaphore, #tpu.memory_space<semaphore_mem>>) src(%dma_wait3A_294 : memref<80x16xf32, #tpu.memory_space<vmem>>) dst(%dma_wait3A_291 : memref<80x16xf32, #tpu.memory_space<hbm>>)
        tpu.yield
      }) : () -> ()
    }
    %scan3A_260 = arith.constant 8 : i32
    return
  }
}

#map = affine_map<(d0, d1) -> (0, 0)>
#map1 = affine_map<(d0, d1) -> (0)>
#map2 = affine_map<(d0, d1) -> (0, 0, 0)>
module attributes {stable_mosaic.version = 14 : i64} {
  func.func @_scatter_body(%arg0: i32, %arg1: i32, %arg2: memref<40000x128xf32, #tpu.memory_space<hbm>>, %arg3: memref<327680xi32, #tpu.memory_space<hbm>>, %arg4: memref<327680xi32, #tpu.memory_space<hbm>>, %arg5: memref<2x10240x128xf32, #tpu.memory_space<hbm>>, %arg6: memref<2560xi32, #tpu.memory_space<vmem>>, %arg7: memref<2560xi32, #tpu.memory_space<vmem>>, %arg8: memref<2560xi32, #tpu.memory_space<vmem>>, %arg9: memref<2560xi32, #tpu.memory_space<vmem>>, %arg10: memref<40x128xf32, #tpu.memory_space<vmem>>, %arg11: memref<40x128xf32, #tpu.memory_space<vmem>>, %arg12: memref<40x128xf32, #tpu.memory_space<vmem>>, %arg13: memref<40x128xf32, #tpu.memory_space<vmem>>, %arg14: memref<10240x128xf32, #tpu.memory_space<vmem_shared>>, %arg15: memref<!tpu.dma_semaphore, #tpu.memory_space<semaphore_mem>>, %arg16: memref<!tpu.dma_semaphore, #tpu.memory_space<semaphore_mem>>, %arg17: memref<!tpu.dma_semaphore, #tpu.memory_space<semaphore_mem>>, %arg18: memref<!tpu.dma_semaphore, #tpu.memory_space<semaphore_mem>>, %arg19: memref<!tpu.dma_semaphore, #tpu.memory_space<semaphore_mem>>, %arg20: memref<!tpu.dma_semaphore, #tpu.memory_space<semaphore_mem>>, %arg21: memref<!tpu.dma_semaphore, #tpu.memory_space<semaphore_mem>>, %arg22: memref<!tpu.dma_semaphore, #tpu.memory_space<semaphore_mem>>, %arg23: memref<!tpu.dma_semaphore, #tpu.memory_space<semaphore_mem>>, %arg24: memref<!tpu.dma_semaphore, #tpu.memory_space<semaphore_mem>>) attributes {dimension_semantics = [#tpu.dimension_semantics<core_parallel>, #tpu.dimension_semantics<subcore_parallel>], iteration_bounds = array<i64: 2, 16>, scalar_prefetch = 0 : i64, scratch_operands = 19 : i64, tpu.core_type = #tpu.core_type<sc_vector_subcore>, window_params = [{transform_indices = #map}, {transform_indices = #map1}, {transform_indices = #map1}, {transform_indices = #map2}]} {
    %mul3A = arith.constant 2 : i32
    %mul3A_0 = arith.muli %arg1, %mul3A : i32
    %add3A = arith.addi %mul3A_0, %arg0 : i32
    %mul3A_1 = arith.constant 10240 : i32
    %mul3A_2 = arith.muli %add3A, %mul3A_1 : i32
    %broadcast_in_dim3A = arith.constant 0.000000e+00 : f32
    %broadcast_in_dim3A_3 = vector.broadcast %broadcast_in_dim3A : f32 to vector<16xf32>
    %scan3A = arith.constant 0 : i32
    %scan3A_4 = arith.constant 40 : i32
    %scan3A_5 = arith.addi %scan3A, %scan3A_4 : i32
    %scan3A_6 = arith.constant 1 : i32
    scf.for %scan3A_261 = %scan3A to %scan3A_5 step %scan3A_6  : i32 {
      %mul3A_262 = arith.constant 1 : i32
      %mul3A_263 = arith.muli %scan3A_261, %mul3A_262 : i32
      %add3A_264 = arith.constant 0 : i32
      %add3A_265 = arith.addi %add3A_264, %mul3A_263 : i32
      %scan3A_266 = arith.constant 0 : i32
      %scan3A_267 = arith.constant 8 : i32
      %scan3A_268 = arith.addi %scan3A_266, %scan3A_267 : i32
      %scan3A_269 = arith.constant 1 : i32
      scf.for %scan3A_271 = %scan3A_266 to %scan3A_268 step %scan3A_269  : i32 {
        %mul3A_272 = arith.constant 1 : i32
        %mul3A_273 = arith.muli %scan3A_271, %mul3A_272 : i32
        %add3A_274 = arith.constant 0 : i32
        %add3A_275 = arith.addi %add3A_274, %mul3A_273 : i32
        %mul3A_276 = arith.constant 16 : i32
        %mul3A_277 = arith.muli %add3A_275, %mul3A_276 : i32
        %swap3A = arith.index_cast %add3A_265 : i32 to index
        %swap3A_278 = arith.index_cast %mul3A_277 : i32 to index
        %swap3A_279 = tpu.vector_load %arg10[%swap3A, %swap3A_278] {strides = array<i32>} : memref<40x128xf32, #tpu.memory_space<vmem>>, vector<16xf32>,
        tpu.vector_store %arg10[%swap3A, %swap3A_278], %broadcast_in_dim3A_3 {strides = array<i32>} : memref<40x128xf32, #tpu.memory_space<vmem>>, vector<16xf32>,
      }
      %scan3A_270 = arith.constant 8 : i32
    }
    %scan3A_7 = arith.constant 40 : i32
    %scan3A_8 = arith.constant 0 : i32
    %scan3A_9 = arith.constant 16 : i32
    %scan3A_10 = arith.addi %scan3A_8, %scan3A_9 : i32
    %scan3A_11 = arith.constant 1 : i32
    scf.for %scan3A_261 = %scan3A_8 to %scan3A_10 step %scan3A_11  : i32 {
      %mul3A_262 = arith.constant 1 : i32
      %mul3A_263 = arith.muli %scan3A_261, %mul3A_262 : i32
      %add3A_264 = arith.constant 0 : i32
      %add3A_265 = arith.addi %add3A_264, %mul3A_263 : i32
      %mul3A_266 = arith.constant 640 : i32
      %mul3A_267 = arith.muli %arg1, %mul3A_266 : i32
      %mul3A_268 = arith.constant 40 : i32
      %mul3A_269 = arith.muli %add3A_265, %mul3A_268 : i32
      %add3A_270 = arith.addi %mul3A_267, %mul3A_269 : i32
      "tpu.region"() ({
        %run_scoped3A = tpu.sem_alloc : memref<!tpu.dma_semaphore, #tpu.memory_space<semaphore_mem>>
        %dma_start3A_271 = arith.constant 0 : i32
        %dma_start3A_272 = arith.constant 0 : i32
        %dma_start3A_273 = tpu.memref_slice %arg10[%dma_start3A_271, %dma_start3A_272] : memref<40x128xf32, #tpu.memory_space<vmem>> -> memref<40x128xf32, #tpu.memory_space<vmem>>
        %dma_start3A_274 = arith.constant 0 : i32
        %dma_start3A_275 = tpu.memref_slice %arg14[%add3A_270, %dma_start3A_274] : memref<10240x128xf32, #tpu.memory_space<vmem_shared>> -> memref<40x128xf32, #tpu.memory_space<vmem_shared>>
        %dma_start3A_276 = arith.constant 0 : i32
        %dma_start3A_277 = tpu.memref_slice %arg14[%add3A_270, %dma_start3A_276] : memref<10240x128xf32, #tpu.memory_space<vmem_shared>> -> memref<40x128xf32, #tpu.memory_space<vmem_shared>>
        %dma_start3A_278 = arith.constant 0 : i32
        %dma_start3A_279 = arith.constant 0 : i32
        %dma_start3A_280 = tpu.memref_slice %arg10[%dma_start3A_278, %dma_start3A_279] : memref<40x128xf32, #tpu.memory_space<vmem>> -> memref<40x128xf32, #tpu.memory_space<vmem>>
        tpu.enqueue_dma source(%dma_start3A_280 : memref<40x128xf32, #tpu.memory_space<vmem>>) target(%dma_start3A_277 : memref<40x128xf32, #tpu.memory_space<vmem_shared>>) target_semaphore(%run_scoped3A : memref<!tpu.dma_semaphore, #tpu.memory_space<semaphore_mem>>)
        %dma_wait3A_281 = arith.constant 0 : i32
        %dma_wait3A_282 = arith.constant 0 : i32
        %dma_wait3A_283 = tpu.memref_slice %arg10[%dma_wait3A_281, %dma_wait3A_282] : memref<40x128xf32, #tpu.memory_space<vmem>> -> memref<40x128xf32, #tpu.memory_space<vmem>>
        %dma_wait3A_284 = arith.constant 0 : i32
        %dma_wait3A_285 = tpu.memref_slice %arg14[%add3A_270, %dma_wait3A_284] : memref<10240x128xf32, #tpu.memory_space<vmem_shared>> -> memref<40x128xf32, #tpu.memory_space<vmem_shared>>
        %dma_wait3A_286 = arith.constant 0 : i32
        %dma_wait3A_287 = tpu.memref_slice %arg14[%add3A_270, %dma_wait3A_286] : memref<10240x128xf32, #tpu.memory_space<vmem_shared>> -> memref<40x128xf32, #tpu.memory_space<vmem_shared>>
        %dma_wait3A_288 = arith.constant 0 : i32
        %dma_wait3A_289 = arith.constant 0 : i32
        %dma_wait3A_290 = tpu.memref_slice %arg10[%dma_wait3A_288, %dma_wait3A_289] : memref<40x128xf32, #tpu.memory_space<vmem>> -> memref<40x128xf32, #tpu.memory_space<vmem>>
        tpu.wait_dma2 semaphore(%run_scoped3A : memref<!tpu.dma_semaphore, #tpu.memory_space<semaphore_mem>>) src(%dma_wait3A_290 : memref<40x128xf32, #tpu.memory_space<vmem>>) dst(%dma_wait3A_287 : memref<40x128xf32, #tpu.memory_space<vmem_shared>>)
        tpu.yield
      }) : () -> ()
    }
    %scan3A_12 = arith.constant 16 : i32
    %barrier3A = arith.constant 0 : index
    tpu.barrier barrier_id(%barrier3A)
    %add3A_13 = arith.constant 0 : i32
    %add3A_14 = arith.addi %mul3A_2, %add3A_13 : i32
    %dma_start3A = tpu.memref_slice %arg3[%add3A_14] : memref<327680xi32, #tpu.memory_space<hbm>> -> memref<2560xi32, #tpu.memory_space<hbm>>
    %dma_start3A_15 = tpu.memref_slice %arg3[%add3A_14] : memref<327680xi32, #tpu.memory_space<hbm>> -> memref<2560xi32, #tpu.memory_space<hbm>>
    tpu.enqueue_dma source(%dma_start3A_15 : memref<2560xi32, #tpu.memory_space<hbm>>) target(%arg6 : memref<2560xi32, #tpu.memory_space<vmem>>) target_semaphore(%arg15 : memref<!tpu.dma_semaphore, #tpu.memory_space<semaphore_mem>>)
    %add3A_16 = arith.constant 0 : i32
    %add3A_17 = arith.addi %mul3A_2, %add3A_16 : i32
    %dma_start3A_18 = tpu.memref_slice %arg4[%add3A_17] : memref<327680xi32, #tpu.memory_space<hbm>> -> memref<2560xi32, #tpu.memory_space<hbm>>
    %dma_start3A_19 = tpu.memref_slice %arg4[%add3A_17] : memref<327680xi32, #tpu.memory_space<hbm>> -> memref<2560xi32, #tpu.memory_space<hbm>>
    tpu.enqueue_dma source(%dma_start3A_19 : memref<2560xi32, #tpu.memory_space<hbm>>) target(%arg8 : memref<2560xi32, #tpu.memory_space<vmem>>) target_semaphore(%arg15 : memref<!tpu.dma_semaphore, #tpu.memory_space<semaphore_mem>>)
    %add3A_20 = arith.constant 0 : i32
    %add3A_21 = arith.addi %mul3A_2, %add3A_20 : i32
    %dma_wait3A = tpu.memref_slice %arg3[%add3A_21] : memref<327680xi32, #tpu.memory_space<hbm>> -> memref<2560xi32, #tpu.memory_space<hbm>>
    %dma_wait3A_22 = tpu.memref_slice %arg3[%add3A_21] : memref<327680xi32, #tpu.memory_space<hbm>> -> memref<2560xi32, #tpu.memory_space<hbm>>
    tpu.wait_dma2 semaphore(%arg15 : memref<!tpu.dma_semaphore, #tpu.memory_space<semaphore_mem>>) src(%dma_wait3A_22 : memref<2560xi32, #tpu.memory_space<hbm>>) dst(%arg6 : memref<2560xi32, #tpu.memory_space<vmem>>)
    %add3A_23 = arith.constant 0 : i32
    %add3A_24 = arith.addi %mul3A_2, %add3A_23 : i32
    %dma_wait3A_25 = tpu.memref_slice %arg4[%add3A_24] : memref<327680xi32, #tpu.memory_space<hbm>> -> memref<2560xi32, #tpu.memory_space<hbm>>
    %dma_wait3A_26 = tpu.memref_slice %arg4[%add3A_24] : memref<327680xi32, #tpu.memory_space<hbm>> -> memref<2560xi32, #tpu.memory_space<hbm>>
    tpu.wait_dma2 semaphore(%arg15 : memref<!tpu.dma_semaphore, #tpu.memory_space<semaphore_mem>>) src(%dma_wait3A_26 : memref<2560xi32, #tpu.memory_space<hbm>>) dst(%arg8 : memref<2560xi32, #tpu.memory_space<vmem>>)
    %dma_start3A_27 = arith.constant 0 : i32
    %dma_start3A_28 = tpu.memref_slice %arg6[%dma_start3A_27] : memref<2560xi32, #tpu.memory_space<vmem>> -> memref<40xi32, #tpu.memory_space<vmem>>
    %dma_start3A_29 = arith.constant 0 : i32
    %dma_start3A_30 = arith.constant 0 : i32
    %dma_start3A_31 = tpu.memref_slice %arg2[%dma_start3A_29, %dma_start3A_30] : memref<40000x128xf32, #tpu.memory_space<hbm>> -> memref<40000x128xf32, #tpu.memory_space<hbm>>
    tpu.enqueue_indirect_dma source(%dma_start3A_31 : memref<40000x128xf32, #tpu.memory_space<hbm>>) target(%arg10 : memref<40x128xf32, #tpu.memory_space<vmem>>) offsets(%dma_start3A_28 : memref<40xi32, #tpu.memory_space<vmem>>) semaphore(%arg17 : memref<!tpu.dma_semaphore, #tpu.memory_space<semaphore_mem>>)
    %dma_start3A_32 = arith.constant 40 : i32
    %dma_start3A_33 = tpu.memref_slice %arg6[%dma_start3A_32] : memref<2560xi32, #tpu.memory_space<vmem>> -> memref<40xi32, #tpu.memory_space<vmem>>
    %dma_start3A_34 = arith.constant 0 : i32
    %dma_start3A_35 = arith.constant 0 : i32
    %dma_start3A_36 = tpu.memref_slice %arg2[%dma_start3A_34, %dma_start3A_35] : memref<40000x128xf32, #tpu.memory_space<hbm>> -> memref<40000x128xf32, #tpu.memory_space<hbm>>
    tpu.enqueue_indirect_dma source(%dma_start3A_36 : memref<40000x128xf32, #tpu.memory_space<hbm>>) target(%arg11 : memref<40x128xf32, #tpu.memory_space<vmem>>) offsets(%dma_start3A_33 : memref<40xi32, #tpu.memory_space<vmem>>) semaphore(%arg18 : memref<!tpu.dma_semaphore, #tpu.memory_space<semaphore_mem>>)
    %dma_start3A_37 = arith.constant 80 : i32
    %dma_start3A_38 = tpu.memref_slice %arg6[%dma_start3A_37] : memref<2560xi32, #tpu.memory_space<vmem>> -> memref<40xi32, #tpu.memory_space<vmem>>
    %dma_start3A_39 = arith.constant 0 : i32
    %dma_start3A_40 = arith.constant 0 : i32
    %dma_start3A_41 = tpu.memref_slice %arg2[%dma_start3A_39, %dma_start3A_40] : memref<40000x128xf32, #tpu.memory_space<hbm>> -> memref<40000x128xf32, #tpu.memory_space<hbm>>
    tpu.enqueue_indirect_dma source(%dma_start3A_41 : memref<40000x128xf32, #tpu.memory_space<hbm>>) target(%arg12 : memref<40x128xf32, #tpu.memory_space<vmem>>) offsets(%dma_start3A_38 : memref<40xi32, #tpu.memory_space<vmem>>) semaphore(%arg19 : memref<!tpu.dma_semaphore, #tpu.memory_space<semaphore_mem>>)
    %dma_start3A_42 = arith.constant 120 : i32
    %dma_start3A_43 = tpu.memref_slice %arg6[%dma_start3A_42] : memref<2560xi32, #tpu.memory_space<vmem>> -> memref<40xi32, #tpu.memory_space<vmem>>
    %dma_start3A_44 = arith.constant 0 : i32
    %dma_start3A_45 = arith.constant 0 : i32
    %dma_start3A_46 = tpu.memref_slice %arg2[%dma_start3A_44, %dma_start3A_45] : memref<40000x128xf32, #tpu.memory_space<hbm>> -> memref<40000x128xf32, #tpu.memory_space<hbm>>
    tpu.enqueue_indirect_dma source(%dma_start3A_46 : memref<40000x128xf32, #tpu.memory_space<hbm>>) target(%arg13 : memref<40x128xf32, #tpu.memory_space<vmem>>) offsets(%dma_start3A_43 : memref<40xi32, #tpu.memory_space<vmem>>) semaphore(%arg20 : memref<!tpu.dma_semaphore, #tpu.memory_space<semaphore_mem>>)
    %add3A_47 = arith.constant 2560 : i32
    %add3A_48 = arith.addi %mul3A_2, %add3A_47 : i32
    %dma_start3A_49 = tpu.memref_slice %arg3[%add3A_48] : memref<327680xi32, #tpu.memory_space<hbm>> -> memref<2560xi32, #tpu.memory_space<hbm>>
    %dma_start3A_50 = tpu.memref_slice %arg3[%add3A_48] : memref<327680xi32, #tpu.memory_space<hbm>> -> memref<2560xi32, #tpu.memory_space<hbm>>
    tpu.enqueue_dma source(%dma_start3A_50 : memref<2560xi32, #tpu.memory_space<hbm>>) target(%arg7 : memref<2560xi32, #tpu.memory_space<vmem>>) target_semaphore(%arg16 : memref<!tpu.dma_semaphore, #tpu.memory_space<semaphore_mem>>)
    %add3A_51 = arith.constant 2560 : i32
    %add3A_52 = arith.addi %mul3A_2, %add3A_51 : i32
    %dma_start3A_53 = tpu.memref_slice %arg4[%add3A_52] : memref<327680xi32, #tpu.memory_space<hbm>> -> memref<2560xi32, #tpu.memory_space<hbm>>
    %dma_start3A_54 = tpu.memref_slice %arg4[%add3A_52] : memref<327680xi32, #tpu.memory_space<hbm>> -> memref<2560xi32, #tpu.memory_space<hbm>>
    tpu.enqueue_dma source(%dma_start3A_54 : memref<2560xi32, #tpu.memory_space<hbm>>) target(%arg9 : memref<2560xi32, #tpu.memory_space<vmem>>) target_semaphore(%arg16 : memref<!tpu.dma_semaphore, #tpu.memory_space<semaphore_mem>>)
    %scan3A_55 = arith.constant 0 : i32
    %scan3A_56 = arith.constant 16 : i32
    %scan3A_57 = arith.addi %scan3A_55, %scan3A_56 : i32
    %scan3A_58 = arith.constant 1 : i32
    scf.for %scan3A_261 = %scan3A_55 to %scan3A_57 step %scan3A_58  : i32 {
      %mul3A_262 = arith.constant 1 : i32
      %mul3A_263 = arith.muli %scan3A_261, %mul3A_262 : i32
      %add3A_264 = arith.constant 0 : i32
      %add3A_265 = arith.addi %add3A_264, %mul3A_263 : i32
      %mul3A_266 = arith.constant 4 : i32
      %mul3A_267 = arith.muli %add3A_265, %mul3A_266 : i32
      %add3A_268 = arith.constant 0 : i32
      %add3A_269 = arith.addi %mul3A_267, %add3A_268 : i32
      %mul3A_270 = arith.constant 40 : i32
      %mul3A_271 = arith.muli %add3A_269, %mul3A_270 : i32
      %dma_wait3A_272 = tpu.memref_slice %arg6[%mul3A_271] : memref<2560xi32, #tpu.memory_space<vmem>> -> memref<40xi32, #tpu.memory_space<vmem>>
      %dma_wait3A_273 = arith.constant 0 : i32
      %dma_wait3A_274 = arith.constant 0 : i32
      %dma_wait3A_275 = tpu.memref_slice %arg2[%dma_wait3A_273, %dma_wait3A_274] : memref<40000x128xf32, #tpu.memory_space<hbm>> -> memref<40000x128xf32, #tpu.memory_space<hbm>>
      tpu.wait_indirect_dma semaphore(%arg17 : memref<!tpu.dma_semaphore, #tpu.memory_space<semaphore_mem>>) src(%dma_wait3A_275 : memref<40000x128xf32, #tpu.memory_space<hbm>>) dst(%arg10 : memref<40x128xf32, #tpu.memory_space<vmem>>)
      %mul3A_276 = arith.constant 40 : i32
      %mul3A_277 = arith.muli %add3A_269, %mul3A_276 : i32
      %dma_start3A_278 = tpu.memref_slice %arg8[%mul3A_277] : memref<2560xi32, #tpu.memory_space<vmem>> -> memref<40xi32, #tpu.memory_space<vmem>>
      %dma_start3A_279 = arith.constant 0 : i32
      %dma_start3A_280 = arith.constant 0 : i32
      %dma_start3A_281 = tpu.memref_slice %arg14[%dma_start3A_279, %dma_start3A_280] : memref<10240x128xf32, #tpu.memory_space<vmem_shared>> -> memref<10240x128xf32, #tpu.memory_space<vmem_shared>>
      tpu.enqueue_indirect_dma source(%arg10 : memref<40x128xf32, #tpu.memory_space<vmem>>) target(%dma_start3A_281 : memref<10240x128xf32, #tpu.memory_space<vmem_shared>>) offsets(%dma_start3A_278 : memref<40xi32, #tpu.memory_space<vmem>>) semaphore(%arg21 : memref<!tpu.dma_semaphore, #tpu.memory_space<semaphore_mem>>) {add = true}
      %add3A_282 = arith.constant 4 : i32
      %add3A_283 = arith.addi %add3A_269, %add3A_282 : i32
      %lt3A = arith.constant 64 : i32
      %lt3A_284 = arith.cmpi slt, %add3A_283, %lt3A : i32
      %convert_element_type3A = arith.extui %lt3A_284 : i1 to i32
      %cond3A = arith.constant 0 : i32
      %cond3A_285 = arith.cmpi ne, %convert_element_type3A, %cond3A : i32
      scf.if %cond3A_285 {
        %dma_wait3A_355 = arith.constant 0 : i32
        %dma_wait3A_356 = tpu.memref_slice %arg8[%dma_wait3A_355] : memref<2560xi32, #tpu.memory_space<vmem>> -> memref<40xi32, #tpu.memory_space<vmem>>
        %dma_wait3A_357 = arith.constant 0 : i32
        %dma_wait3A_358 = arith.constant 0 : i32
        %dma_wait3A_359 = tpu.memref_slice %arg14[%dma_wait3A_357, %dma_wait3A_358] : memref<10240x128xf32, #tpu.memory_space<vmem_shared>> -> memref<10240x128xf32, #tpu.memory_space<vmem_shared>>
        tpu.wait_indirect_dma semaphore(%arg21 : memref<!tpu.dma_semaphore, #tpu.memory_space<semaphore_mem>>) src(%arg10 : memref<40x128xf32, #tpu.memory_space<vmem>>) dst(%dma_wait3A_359 : memref<10240x128xf32, #tpu.memory_space<vmem_shared>>)
        %add3A_360 = arith.constant 4 : i32
        %add3A_361 = arith.addi %add3A_269, %add3A_360 : i32
        %mul3A_362 = arith.constant 40 : i32
        %mul3A_363 = arith.muli %add3A_361, %mul3A_362 : i32
        %dma_start3A_364 = tpu.memref_slice %arg6[%mul3A_363] : memref<2560xi32, #tpu.memory_space<vmem>> -> memref<40xi32, #tpu.memory_space<vmem>>
        %dma_start3A_365 = arith.constant 0 : i32
        %dma_start3A_366 = arith.constant 0 : i32
        %dma_start3A_367 = tpu.memref_slice %arg2[%dma_start3A_365, %dma_start3A_366] : memref<40000x128xf32, #tpu.memory_space<hbm>> -> memref<40000x128xf32, #tpu.memory_space<hbm>>
        tpu.enqueue_indirect_dma source(%dma_start3A_367 : memref<40000x128xf32, #tpu.memory_space<hbm>>) target(%arg10 : memref<40x128xf32, #tpu.memory_space<vmem>>) offsets(%dma_start3A_364 : memref<40xi32, #tpu.memory_space<vmem>>) semaphore(%arg17 : memref<!tpu.dma_semaphore, #tpu.memory_space<semaphore_mem>>)
      } else {
      }
      %mul3A_286 = arith.constant 4 : i32
      %mul3A_287 = arith.muli %add3A_265, %mul3A_286 : i32
      %add3A_288 = arith.constant 1 : i32
      %add3A_289 = arith.addi %mul3A_287, %add3A_288 : i32
      %mul3A_290 = arith.constant 40 : i32
      %mul3A_291 = arith.muli %add3A_289, %mul3A_290 : i32
      %dma_wait3A_292 = tpu.memref_slice %arg6[%mul3A_291] : memref<2560xi32, #tpu.memory_space<vmem>> -> memref<40xi32, #tpu.memory_space<vmem>>
      %dma_wait3A_293 = arith.constant 0 : i32
      %dma_wait3A_294 = arith.constant 0 : i32
      %dma_wait3A_295 = tpu.memref_slice %arg2[%dma_wait3A_293, %dma_wait3A_294] : memref<40000x128xf32, #tpu.memory_space<hbm>> -> memref<40000x128xf32, #tpu.memory_space<hbm>>
      tpu.wait_indirect_dma semaphore(%arg18 : memref<!tpu.dma_semaphore, #tpu.memory_space<semaphore_mem>>) src(%dma_wait3A_295 : memref<40000x128xf32, #tpu.memory_space<hbm>>) dst(%arg11 : memref<40x128xf32, #tpu.memory_space<vmem>>)
      %mul3A_296 = arith.constant 40 : i32
      %mul3A_297 = arith.muli %add3A_289, %mul3A_296 : i32
      %dma_start3A_298 = tpu.memref_slice %arg8[%mul3A_297] : memref<2560xi32, #tpu.memory_space<vmem>> -> memref<40xi32, #tpu.memory_space<vmem>>
      %dma_start3A_299 = arith.constant 0 : i32
      %dma_start3A_300 = arith.constant 0 : i32
      %dma_start3A_301 = tpu.memref_slice %arg14[%dma_start3A_299, %dma_start3A_300] : memref<10240x128xf32, #tpu.memory_space<vmem_shared>> -> memref<10240x128xf32, #tpu.memory_space<vmem_shared>>
      tpu.enqueue_indirect_dma source(%arg11 : memref<40x128xf32, #tpu.memory_space<vmem>>) target(%dma_start3A_301 : memref<10240x128xf32, #tpu.memory_space<vmem_shared>>) offsets(%dma_start3A_298 : memref<40xi32, #tpu.memory_space<vmem>>) semaphore(%arg22 : memref<!tpu.dma_semaphore, #tpu.memory_space<semaphore_mem>>) {add = true}
      %add3A_302 = arith.constant 4 : i32
      %add3A_303 = arith.addi %add3A_289, %add3A_302 : i32
      %lt3A_304 = arith.constant 64 : i32
      %lt3A_305 = arith.cmpi slt, %add3A_303, %lt3A_304 : i32
      %convert_element_type3A_306 = arith.extui %lt3A_305 : i1 to i32
      %cond3A_307 = arith.constant 0 : i32
      %cond3A_308 = arith.cmpi ne, %convert_element_type3A_306, %cond3A_307 : i32
      scf.if %cond3A_308 {
        %dma_wait3A_355 = arith.constant 0 : i32
        %dma_wait3A_356 = tpu.memref_slice %arg8[%dma_wait3A_355] : memref<2560xi32, #tpu.memory_space<vmem>> -> memref<40xi32, #tpu.memory_space<vmem>>
        %dma_wait3A_357 = arith.constant 0 : i32
        %dma_wait3A_358 = arith.constant 0 : i32
        %dma_wait3A_359 = tpu.memref_slice %arg14[%dma_wait3A_357, %dma_wait3A_358] : memref<10240x128xf32, #tpu.memory_space<vmem_shared>> -> memref<10240x128xf32, #tpu.memory_space<vmem_shared>>
        tpu.wait_indirect_dma semaphore(%arg22 : memref<!tpu.dma_semaphore, #tpu.memory_space<semaphore_mem>>) src(%arg11 : memref<40x128xf32, #tpu.memory_space<vmem>>) dst(%dma_wait3A_359 : memref<10240x128xf32, #tpu.memory_space<vmem_shared>>)
        %add3A_360 = arith.constant 4 : i32
        %add3A_361 = arith.addi %add3A_289, %add3A_360 : i32
        %mul3A_362 = arith.constant 40 : i32
        %mul3A_363 = arith.muli %add3A_361, %mul3A_362 : i32
        %dma_start3A_364 = tpu.memref_slice %arg6[%mul3A_363] : memref<2560xi32, #tpu.memory_space<vmem>> -> memref<40xi32, #tpu.memory_space<vmem>>
        %dma_start3A_365 = arith.constant 0 : i32
        %dma_start3A_366 = arith.constant 0 : i32
        %dma_start3A_367 = tpu.memref_slice %arg2[%dma_start3A_365, %dma_start3A_366] : memref<40000x128xf32, #tpu.memory_space<hbm>> -> memref<40000x128xf32, #tpu.memory_space<hbm>>
        tpu.enqueue_indirect_dma source(%dma_start3A_367 : memref<40000x128xf32, #tpu.memory_space<hbm>>) target(%arg11 : memref<40x128xf32, #tpu.memory_space<vmem>>) offsets(%dma_start3A_364 : memref<40xi32, #tpu.memory_space<vmem>>) semaphore(%arg18 : memref<!tpu.dma_semaphore, #tpu.memory_space<semaphore_mem>>)
      } else {
      }
      %mul3A_309 = arith.constant 4 : i32
      %mul3A_310 = arith.muli %add3A_265, %mul3A_309 : i32
      %add3A_311 = arith.constant 2 : i32
      %add3A_312 = arith.addi %mul3A_310, %add3A_311 : i32
      %mul3A_313 = arith.constant 40 : i32
      %mul3A_314 = arith.muli %add3A_312, %mul3A_313 : i32
      %dma_wait3A_315 = tpu.memref_slice %arg6[%mul3A_314] : memref<2560xi32, #tpu.memory_space<vmem>> -> memref<40xi32, #tpu.memory_space<vmem>>
      %dma_wait3A_316 = arith.constant 0 : i32
      %dma_wait3A_317 = arith.constant 0 : i32
      %dma_wait3A_318 = tpu.memref_slice %arg2[%dma_wait3A_316, %dma_wait3A_317] : memref<40000x128xf32, #tpu.memory_space<hbm>> -> memref<40000x128xf32, #tpu.memory_space<hbm>>
      tpu.wait_indirect_dma semaphore(%arg19 : memref<!tpu.dma_semaphore, #tpu.memory_space<semaphore_mem>>) src(%dma_wait3A_318 : memref<40000x128xf32, #tpu.memory_space<hbm>>) dst(%arg12 : memref<40x128xf32, #tpu.memory_space<vmem>>)
      %mul3A_319 = arith.constant 40 : i32
      %mul3A_320 = arith.muli %add3A_312, %mul3A_319 : i32
      %dma_start3A_321 = tpu.memref_slice %arg8[%mul3A_320] : memref<2560xi32, #tpu.memory_space<vmem>> -> memref<40xi32, #tpu.memory_space<vmem>>
      %dma_start3A_322 = arith.constant 0 : i32
      %dma_start3A_323 = arith.constant 0 : i32
      %dma_start3A_324 = tpu.memref_slice %arg14[%dma_start3A_322, %dma_start3A_323] : memref<10240x128xf32, #tpu.memory_space<vmem_shared>> -> memref<10240x128xf32, #tpu.memory_space<vmem_shared>>
      tpu.enqueue_indirect_dma source(%arg12 : memref<40x128xf32, #tpu.memory_space<vmem>>) target(%dma_start3A_324 : memref<10240x128xf32, #tpu.memory_space<vmem_shared>>) offsets(%dma_start3A_321 : memref<40xi32, #tpu.memory_space<vmem>>) semaphore(%arg23 : memref<!tpu.dma_semaphore, #tpu.memory_space<semaphore_mem>>) {add = true}
      %add3A_325 = arith.constant 4 : i32
      %add3A_326 = arith.addi %add3A_312, %add3A_325 : i32
      %lt3A_327 = arith.constant 64 : i32
      %lt3A_328 = arith.cmpi slt, %add3A_326, %lt3A_327 : i32
      %convert_element_type3A_329 = arith.extui %lt3A_328 : i1 to i32
      %cond3A_330 = arith.constant 0 : i32
      %cond3A_331 = arith.cmpi ne, %convert_element_type3A_329, %cond3A_330 : i32
      scf.if %cond3A_331 {
        %dma_wait3A_355 = arith.constant 0 : i32
        %dma_wait3A_356 = tpu.memref_slice %arg8[%dma_wait3A_355] : memref<2560xi32, #tpu.memory_space<vmem>> -> memref<40xi32, #tpu.memory_space<vmem>>
        %dma_wait3A_357 = arith.constant 0 : i32
        %dma_wait3A_358 = arith.constant 0 : i32
        %dma_wait3A_359 = tpu.memref_slice %arg14[%dma_wait3A_357, %dma_wait3A_358] : memref<10240x128xf32, #tpu.memory_space<vmem_shared>> -> memref<10240x128xf32, #tpu.memory_space<vmem_shared>>
        tpu.wait_indirect_dma semaphore(%arg23 : memref<!tpu.dma_semaphore, #tpu.memory_space<semaphore_mem>>) src(%arg12 : memref<40x128xf32, #tpu.memory_space<vmem>>) dst(%dma_wait3A_359 : memref<10240x128xf32, #tpu.memory_space<vmem_shared>>)
        %add3A_360 = arith.constant 4 : i32
        %add3A_361 = arith.addi %add3A_312, %add3A_360 : i32
        %mul3A_362 = arith.constant 40 : i32
        %mul3A_363 = arith.muli %add3A_361, %mul3A_362 : i32
        %dma_start3A_364 = tpu.memref_slice %arg6[%mul3A_363] : memref<2560xi32, #tpu.memory_space<vmem>> -> memref<40xi32, #tpu.memory_space<vmem>>
        %dma_start3A_365 = arith.constant 0 : i32
        %dma_start3A_366 = arith.constant 0 : i32
        %dma_start3A_367 = tpu.memref_slice %arg2[%dma_start3A_365, %dma_start3A_366] : memref<40000x128xf32, #tpu.memory_space<hbm>> -> memref<40000x128xf32, #tpu.memory_space<hbm>>
        tpu.enqueue_indirect_dma source(%dma_start3A_367 : memref<40000x128xf32, #tpu.memory_space<hbm>>) target(%arg12 : memref<40x128xf32, #tpu.memory_space<vmem>>) offsets(%dma_start3A_364 : memref<40xi32, #tpu.memory_space<vmem>>) semaphore(%arg19 : memref<!tpu.dma_semaphore, #tpu.memory_space<semaphore_mem>>)
      } else {
      }
      %mul3A_332 = arith.constant 4 : i32
      %mul3A_333 = arith.muli %add3A_265, %mul3A_332 : i32
      %add3A_334 = arith.constant 3 : i32
      %add3A_335 = arith.addi %mul3A_333, %add3A_334 : i32
      %mul3A_336 = arith.constant 40 : i32
      %mul3A_337 = arith.muli %add3A_335, %mul3A_336 : i32
      %dma_wait3A_338 = tpu.memref_slice %arg6[%mul3A_337] : memref<2560xi32, #tpu.memory_space<vmem>> -> memref<40xi32, #tpu.memory_space<vmem>>
      %dma_wait3A_339 = arith.constant 0 : i32
      %dma_wait3A_340 = arith.constant 0 : i32
      %dma_wait3A_341 = tpu.memref_slice %arg2[%dma_wait3A_339, %dma_wait3A_340] : memref<40000x128xf32, #tpu.memory_space<hbm>> -> memref<40000x128xf32, #tpu.memory_space<hbm>>
      tpu.wait_indirect_dma semaphore(%arg20 : memref<!tpu.dma_semaphore, #tpu.memory_space<semaphore_mem>>) src(%dma_wait3A_341 : memref<40000x128xf32, #tpu.memory_space<hbm>>) dst(%arg13 : memref<40x128xf32, #tpu.memory_space<vmem>>)
      %mul3A_342 = arith.constant 40 : i32
      %mul3A_343 = arith.muli %add3A_335, %mul3A_342 : i32
      %dma_start3A_344 = tpu.memref_slice %arg8[%mul3A_343] : memref<2560xi32, #tpu.memory_space<vmem>> -> memref<40xi32, #tpu.memory_space<vmem>>
      %dma_start3A_345 = arith.constant 0 : i32
      %dma_start3A_346 = arith.constant 0 : i32
      %dma_start3A_347 = tpu.memref_slice %arg14[%dma_start3A_345, %dma_start3A_346] : memref<10240x128xf32, #tpu.memory_space<vmem_shared>> -> memref<10240x128xf32, #tpu.memory_space<vmem_shared>>
      tpu.enqueue_indirect_dma source(%arg13 : memref<40x128xf32, #tpu.memory_space<vmem>>) target(%dma_start3A_347 : memref<10240x128xf32, #tpu.memory_space<vmem_shared>>) offsets(%dma_start3A_344 : memref<40xi32, #tpu.memory_space<vmem>>) semaphore(%arg24 : memref<!tpu.dma_semaphore, #tpu.memory_space<semaphore_mem>>) {add = true}
      %add3A_348 = arith.constant 4 : i32
      %add3A_349 = arith.addi %add3A_335, %add3A_348 : i32
      %lt3A_350 = arith.constant 64 : i32
      %lt3A_351 = arith.cmpi slt, %add3A_349, %lt3A_350 : i32
      %convert_element_type3A_352 = arith.extui %lt3A_351 : i1 to i32
      %cond3A_353 = arith.constant 0 : i32
      %cond3A_354 = arith.cmpi ne, %convert_element_type3A_352, %cond3A_353 : i32
      scf.if %cond3A_354 {
        %dma_wait3A_355 = arith.constant 0 : i32
        %dma_wait3A_356 = tpu.memref_slice %arg8[%dma_wait3A_355] : memref<2560xi32, #tpu.memory_space<vmem>> -> memref<40xi32, #tpu.memory_space<vmem>>
        %dma_wait3A_357 = arith.constant 0 : i32
        %dma_wait3A_358 = arith.constant 0 : i32
        %dma_wait3A_359 = tpu.memref_slice %arg14[%dma_wait3A_357, %dma_wait3A_358] : memref<10240x128xf32, #tpu.memory_space<vmem_shared>> -> memref<10240x128xf32, #tpu.memory_space<vmem_shared>>
        tpu.wait_indirect_dma semaphore(%arg24 : memref<!tpu.dma_semaphore, #tpu.memory_space<semaphore_mem>>) src(%arg13 : memref<40x128xf32, #tpu.memory_space<vmem>>) dst(%dma_wait3A_359 : memref<10240x128xf32, #tpu.memory_space<vmem_shared>>)
        %add3A_360 = arith.constant 4 : i32
        %add3A_361 = arith.addi %add3A_335, %add3A_360 : i32
        %mul3A_362 = arith.constant 40 : i32
        %mul3A_363 = arith.muli %add3A_361, %mul3A_362 : i32
        %dma_start3A_364 = tpu.memref_slice %arg6[%mul3A_363] : memref<2560xi32, #tpu.memory_space<vmem>> -> memref<40xi32, #tpu.memory_space<vmem>>
        %dma_start3A_365 = arith.constant 0 : i32
        %dma_start3A_366 = arith.constant 0 : i32
        %dma_start3A_367 = tpu.memref_slice %arg2[%dma_start3A_365, %dma_start3A_366] : memref<40000x128xf32, #tpu.memory_space<hbm>> -> memref<40000x128xf32, #tpu.memory_space<hbm>>
        tpu.enqueue_indirect_dma source(%dma_start3A_367 : memref<40000x128xf32, #tpu.memory_space<hbm>>) target(%arg13 : memref<40x128xf32, #tpu.memory_space<vmem>>) offsets(%dma_start3A_364 : memref<40xi32, #tpu.memory_space<vmem>>) semaphore(%arg20 : memref<!tpu.dma_semaphore, #tpu.memory_space<semaphore_mem>>)
      } else {
      }
    }
    %scan3A_59 = arith.constant 16 : i32
    %add3A_60 = arith.constant 2560 : i32
    %add3A_61 = arith.addi %mul3A_2, %add3A_60 : i32
    %dma_wait3A_62 = tpu.memref_slice %arg3[%add3A_61] : memref<327680xi32, #tpu.memory_space<hbm>> -> memref<2560xi32, #tpu.memory_space<hbm>>
    %dma_wait3A_63 = tpu.memref_slice %arg3[%add3A_61] : memref<327680xi32, #tpu.memory_space<hbm>> -> memref<2560xi32, #tpu.memory_space<hbm>>
    tpu.wait_dma2 semaphore(%arg16 : memref<!tpu.dma_semaphore, #tpu.memory_space<semaphore_mem>>) src(%dma_wait3A_63 : memref<2560xi32, #tpu.memory_space<hbm>>) dst(%arg7 : memref<2560xi32, #tpu.memory_space<vmem>>)
    %add3A_64 = arith.constant 2560 : i32
    %add3A_65 = arith.addi %mul3A_2, %add3A_64 : i32
    %dma_wait3A_66 = tpu.memref_slice %arg4[%add3A_65] : memref<327680xi32, #tpu.memory_space<hbm>> -> memref<2560xi32, #tpu.memory_space<hbm>>
    %dma_wait3A_67 = tpu.memref_slice %arg4[%add3A_65] : memref<327680xi32, #tpu.memory_space<hbm>> -> memref<2560xi32, #tpu.memory_space<hbm>>
    tpu.wait_dma2 semaphore(%arg16 : memref<!tpu.dma_semaphore, #tpu.memory_space<semaphore_mem>>) src(%dma_wait3A_67 : memref<2560xi32, #tpu.memory_space<hbm>>) dst(%arg9 : memref<2560xi32, #tpu.memory_space<vmem>>)
    %dma_wait3A_68 = arith.constant 0 : i32
    %dma_wait3A_69 = tpu.memref_slice %arg9[%dma_wait3A_68] : memref<2560xi32, #tpu.memory_space<vmem>> -> memref<40xi32, #tpu.memory_space<vmem>>
    %dma_wait3A_70 = arith.constant 0 : i32
    %dma_wait3A_71 = arith.constant 0 : i32
    %dma_wait3A_72 = tpu.memref_slice %arg14[%dma_wait3A_70, %dma_wait3A_71] : memref<10240x128xf32, #tpu.memory_space<vmem_shared>> -> memref<10240x128xf32, #tpu.memory_space<vmem_shared>>
    tpu.wait_indirect_dma semaphore(%arg21 : memref<!tpu.dma_semaphore, #tpu.memory_space<semaphore_mem>>) src(%arg10 : memref<40x128xf32, #tpu.memory_space<vmem>>) dst(%dma_wait3A_72 : memref<10240x128xf32, #tpu.memory_space<vmem_shared>>)
    %dma_start3A_73 = arith.constant 0 : i32
    %dma_start3A_74 = tpu.memref_slice %arg7[%dma_start3A_73] : memref<2560xi32, #tpu.memory_space<vmem>> -> memref<40xi32, #tpu.memory_space<vmem>>
    %dma_start3A_75 = arith.constant 0 : i32
    %dma_start3A_76 = arith.constant 0 : i32
    %dma_start3A_77 = tpu.memref_slice %arg2[%dma_start3A_75, %dma_start3A_76] : memref<40000x128xf32, #tpu.memory_space<hbm>> -> memref<40000x128xf32, #tpu.memory_space<hbm>>
    tpu.enqueue_indirect_dma source(%dma_start3A_77 : memref<40000x128xf32, #tpu.memory_space<hbm>>) target(%arg10 : memref<40x128xf32, #tpu.memory_space<vmem>>) offsets(%dma_start3A_74 : memref<40xi32, #tpu.memory_space<vmem>>) semaphore(%arg17 : memref<!tpu.dma_semaphore, #tpu.memory_space<semaphore_mem>>)
    %dma_wait3A_78 = arith.constant 0 : i32
    %dma_wait3A_79 = tpu.memref_slice %arg9[%dma_wait3A_78] : memref<2560xi32, #tpu.memory_space<vmem>> -> memref<40xi32, #tpu.memory_space<vmem>>
    %dma_wait3A_80 = arith.constant 0 : i32
    %dma_wait3A_81 = arith.constant 0 : i32
    %dma_wait3A_82 = tpu.memref_slice %arg14[%dma_wait3A_80, %dma_wait3A_81] : memref<10240x128xf32, #tpu.memory_space<vmem_shared>> -> memref<10240x128xf32, #tpu.memory_space<vmem_shared>>
    tpu.wait_indirect_dma semaphore(%arg22 : memref<!tpu.dma_semaphore, #tpu.memory_space<semaphore_mem>>) src(%arg11 : memref<40x128xf32, #tpu.memory_space<vmem>>) dst(%dma_wait3A_82 : memref<10240x128xf32, #tpu.memory_space<vmem_shared>>)
    %dma_start3A_83 = arith.constant 40 : i32
    %dma_start3A_84 = tpu.memref_slice %arg7[%dma_start3A_83] : memref<2560xi32, #tpu.memory_space<vmem>> -> memref<40xi32, #tpu.memory_space<vmem>>
    %dma_start3A_85 = arith.constant 0 : i32
    %dma_start3A_86 = arith.constant 0 : i32
    %dma_start3A_87 = tpu.memref_slice %arg2[%dma_start3A_85, %dma_start3A_86] : memref<40000x128xf32, #tpu.memory_space<hbm>> -> memref<40000x128xf32, #tpu.memory_space<hbm>>
    tpu.enqueue_indirect_dma source(%dma_start3A_87 : memref<40000x128xf32, #tpu.memory_space<hbm>>) target(%arg11 : memref<40x128xf32, #tpu.memory_space<vmem>>) offsets(%dma_start3A_84 : memref<40xi32, #tpu.memory_space<vmem>>) semaphore(%arg18 : memref<!tpu.dma_semaphore, #tpu.memory_space<semaphore_mem>>)
    %dma_wait3A_88 = arith.constant 0 : i32
    %dma_wait3A_89 = tpu.memref_slice %arg9[%dma_wait3A_88] : memref<2560xi32, #tpu.memory_space<vmem>> -> memref<40xi32, #tpu.memory_space<vmem>>
    %dma_wait3A_90 = arith.constant 0 : i32
    %dma_wait3A_91 = arith.constant 0 : i32
    %dma_wait3A_92 = tpu.memref_slice %arg14[%dma_wait3A_90, %dma_wait3A_91] : memref<10240x128xf32, #tpu.memory_space<vmem_shared>> -> memref<10240x128xf32, #tpu.memory_space<vmem_shared>>
    tpu.wait_indirect_dma semaphore(%arg23 : memref<!tpu.dma_semaphore, #tpu.memory_space<semaphore_mem>>) src(%arg12 : memref<40x128xf32, #tpu.memory_space<vmem>>) dst(%dma_wait3A_92 : memref<10240x128xf32, #tpu.memory_space<vmem_shared>>)
    %dma_start3A_93 = arith.constant 80 : i32
    %dma_start3A_94 = tpu.memref_slice %arg7[%dma_start3A_93] : memref<2560xi32, #tpu.memory_space<vmem>> -> memref<40xi32, #tpu.memory_space<vmem>>
    %dma_start3A_95 = arith.constant 0 : i32
    %dma_start3A_96 = arith.constant 0 : i32
    %dma_start3A_97 = tpu.memref_slice %arg2[%dma_start3A_95, %dma_start3A_96] : memref<40000x128xf32, #tpu.memory_space<hbm>> -> memref<40000x128xf32, #tpu.memory_space<hbm>>
    tpu.enqueue_indirect_dma source(%dma_start3A_97 : memref<40000x128xf32, #tpu.memory_space<hbm>>) target(%arg12 : memref<40x128xf32, #tpu.memory_space<vmem>>) offsets(%dma_start3A_94 : memref<40xi32, #tpu.memory_space<vmem>>) semaphore(%arg19 : memref<!tpu.dma_semaphore, #tpu.memory_space<semaphore_mem>>)
    %dma_wait3A_98 = arith.constant 0 : i32
    %dma_wait3A_99 = tpu.memref_slice %arg9[%dma_wait3A_98] : memref<2560xi32, #tpu.memory_space<vmem>> -> memref<40xi32, #tpu.memory_space<vmem>>
    %dma_wait3A_100 = arith.constant 0 : i32
    %dma_wait3A_101 = arith.constant 0 : i32
    %dma_wait3A_102 = tpu.memref_slice %arg14[%dma_wait3A_100, %dma_wait3A_101] : memref<10240x128xf32, #tpu.memory_space<vmem_shared>> -> memref<10240x128xf32, #tpu.memory_space<vmem_shared>>
    tpu.wait_indirect_dma semaphore(%arg24 : memref<!tpu.dma_semaphore, #tpu.memory_space<semaphore_mem>>) src(%arg13 : memref<40x128xf32, #tpu.memory_space<vmem>>) dst(%dma_wait3A_102 : memref<10240x128xf32, #tpu.memory_space<vmem_shared>>)
    %dma_start3A_103 = arith.constant 120 : i32
    %dma_start3A_104 = tpu.memref_slice %arg7[%dma_start3A_103] : memref<2560xi32, #tpu.memory_space<vmem>> -> memref<40xi32, #tpu.memory_space<vmem>>
    %dma_start3A_105 = arith.constant 0 : i32
    %dma_start3A_106 = arith.constant 0 : i32
    %dma_start3A_107 = tpu.memref_slice %arg2[%dma_start3A_105, %dma_start3A_106] : memref<40000x128xf32, #tpu.memory_space<hbm>> -> memref<40000x128xf32, #tpu.memory_space<hbm>>
    tpu.enqueue_indirect_dma source(%dma_start3A_107 : memref<40000x128xf32, #tpu.memory_space<hbm>>) target(%arg13 : memref<40x128xf32, #tpu.memory_space<vmem>>) offsets(%dma_start3A_104 : memref<40xi32, #tpu.memory_space<vmem>>) semaphore(%arg20 : memref<!tpu.dma_semaphore, #tpu.memory_space<semaphore_mem>>)
    %add3A_108 = arith.constant 5120 : i32
    %add3A_109 = arith.addi %mul3A_2, %add3A_108 : i32
    %dma_start3A_110 = tpu.memref_slice %arg3[%add3A_109] : memref<327680xi32, #tpu.memory_space<hbm>> -> memref<2560xi32, #tpu.memory_space<hbm>>
    %dma_start3A_111 = tpu.memref_slice %arg3[%add3A_109] : memref<327680xi32, #tpu.memory_space<hbm>> -> memref<2560xi32, #tpu.memory_space<hbm>>
    tpu.enqueue_dma source(%dma_start3A_111 : memref<2560xi32, #tpu.memory_space<hbm>>) target(%arg6 : memref<2560xi32, #tpu.memory_space<vmem>>) target_semaphore(%arg15 : memref<!tpu.dma_semaphore, #tpu.memory_space<semaphore_mem>>)
    %add3A_112 = arith.constant 5120 : i32
    %add3A_113 = arith.addi %mul3A_2, %add3A_112 : i32
    %dma_start3A_114 = tpu.memref_slice %arg4[%add3A_113] : memref<327680xi32, #tpu.memory_space<hbm>> -> memref<2560xi32, #tpu.memory_space<hbm>>
    %dma_start3A_115 = tpu.memref_slice %arg4[%add3A_113] : memref<327680xi32, #tpu.memory_space<hbm>> -> memref<2560xi32, #tpu.memory_space<hbm>>
    tpu.enqueue_dma source(%dma_start3A_115 : memref<2560xi32, #tpu.memory_space<hbm>>) target(%arg8 : memref<2560xi32, #tpu.memory_space<vmem>>) target_semaphore(%arg15 : memref<!tpu.dma_semaphore, #tpu.memory_space<semaphore_mem>>)
    %scan3A_116 = arith.constant 0 : i32
    %scan3A_117 = arith.constant 16 : i32
    %scan3A_118 = arith.addi %scan3A_116, %scan3A_117 : i32
    %scan3A_119 = arith.constant 1 : i32
    scf.for %scan3A_261 = %scan3A_116 to %scan3A_118 step %scan3A_119  : i32 {
      %mul3A_262 = arith.constant 1 : i32
      %mul3A_263 = arith.muli %scan3A_261, %mul3A_262 : i32
      %add3A_264 = arith.constant 0 : i32
      %add3A_265 = arith.addi %add3A_264, %mul3A_263 : i32
      %mul3A_266 = arith.constant 4 : i32
      %mul3A_267 = arith.muli %add3A_265, %mul3A_266 : i32
      %add3A_268 = arith.constant 0 : i32
      %add3A_269 = arith.addi %mul3A_267, %add3A_268 : i32
      %mul3A_270 = arith.constant 40 : i32
      %mul3A_271 = arith.muli %add3A_269, %mul3A_270 : i32
      %dma_wait3A_272 = tpu.memref_slice %arg7[%mul3A_271] : memref<2560xi32, #tpu.memory_space<vmem>> -> memref<40xi32, #tpu.memory_space<vmem>>
      %dma_wait3A_273 = arith.constant 0 : i32
      %dma_wait3A_274 = arith.constant 0 : i32
      %dma_wait3A_275 = tpu.memref_slice %arg2[%dma_wait3A_273, %dma_wait3A_274] : memref<40000x128xf32, #tpu.memory_space<hbm>> -> memref<40000x128xf32, #tpu.memory_space<hbm>>
      tpu.wait_indirect_dma semaphore(%arg17 : memref<!tpu.dma_semaphore, #tpu.memory_space<semaphore_mem>>) src(%dma_wait3A_275 : memref<40000x128xf32, #tpu.memory_space<hbm>>) dst(%arg10 : memref<40x128xf32, #tpu.memory_space<vmem>>)
      %mul3A_276 = arith.constant 40 : i32
      %mul3A_277 = arith.muli %add3A_269, %mul3A_276 : i32
      %dma_start3A_278 = tpu.memref_slice %arg9[%mul3A_277] : memref<2560xi32, #tpu.memory_space<vmem>> -> memref<40xi32, #tpu.memory_space<vmem>>
      %dma_start3A_279 = arith.constant 0 : i32
      %dma_start3A_280 = arith.constant 0 : i32
      %dma_start3A_281 = tpu.memref_slice %arg14[%dma_start3A_279, %dma_start3A_280] : memref<10240x128xf32, #tpu.memory_space<vmem_shared>> -> memref<10240x128xf32, #tpu.memory_space<vmem_shared>>
      tpu.enqueue_indirect_dma source(%arg10 : memref<40x128xf32, #tpu.memory_space<vmem>>) target(%dma_start3A_281 : memref<10240x128xf32, #tpu.memory_space<vmem_shared>>) offsets(%dma_start3A_278 : memref<40xi32, #tpu.memory_space<vmem>>) semaphore(%arg21 : memref<!tpu.dma_semaphore, #tpu.memory_space<semaphore_mem>>) {add = true}
      %add3A_282 = arith.constant 4 : i32
      %add3A_283 = arith.addi %add3A_269, %add3A_282 : i32
      %lt3A = arith.constant 64 : i32
      %lt3A_284 = arith.cmpi slt, %add3A_283, %lt3A : i32
      %convert_element_type3A = arith.extui %lt3A_284 : i1 to i32
      %cond3A = arith.constant 0 : i32
      %cond3A_285 = arith.cmpi ne, %convert_element_type3A, %cond3A : i32
      scf.if %cond3A_285 {
        %dma_wait3A_355 = arith.constant 0 : i32
        %dma_wait3A_356 = tpu.memref_slice %arg9[%dma_wait3A_355] : memref<2560xi32, #tpu.memory_space<vmem>> -> memref<40xi32, #tpu.memory_space<vmem>>
        %dma_wait3A_357 = arith.constant 0 : i32
        %dma_wait3A_358 = arith.constant 0 : i32
        %dma_wait3A_359 = tpu.memref_slice %arg14[%dma_wait3A_357, %dma_wait3A_358] : memref<10240x128xf32, #tpu.memory_space<vmem_shared>> -> memref<10240x128xf32, #tpu.memory_space<vmem_shared>>
        tpu.wait_indirect_dma semaphore(%arg21 : memref<!tpu.dma_semaphore, #tpu.memory_space<semaphore_mem>>) src(%arg10 : memref<40x128xf32, #tpu.memory_space<vmem>>) dst(%dma_wait3A_359 : memref<10240x128xf32, #tpu.memory_space<vmem_shared>>)
        %add3A_360 = arith.constant 4 : i32
        %add3A_361 = arith.addi %add3A_269, %add3A_360 : i32
        %mul3A_362 = arith.constant 40 : i32
        %mul3A_363 = arith.muli %add3A_361, %mul3A_362 : i32
        %dma_start3A_364 = tpu.memref_slice %arg7[%mul3A_363] : memref<2560xi32, #tpu.memory_space<vmem>> -> memref<40xi32, #tpu.memory_space<vmem>>
        %dma_start3A_365 = arith.constant 0 : i32
        %dma_start3A_366 = arith.constant 0 : i32
        %dma_start3A_367 = tpu.memref_slice %arg2[%dma_start3A_365, %dma_start3A_366] : memref<40000x128xf32, #tpu.memory_space<hbm>> -> memref<40000x128xf32, #tpu.memory_space<hbm>>
        tpu.enqueue_indirect_dma source(%dma_start3A_367 : memref<40000x128xf32, #tpu.memory_space<hbm>>) target(%arg10 : memref<40x128xf32, #tpu.memory_space<vmem>>) offsets(%dma_start3A_364 : memref<40xi32, #tpu.memory_space<vmem>>) semaphore(%arg17 : memref<!tpu.dma_semaphore, #tpu.memory_space<semaphore_mem>>)
      } else {
      }
      %mul3A_286 = arith.constant 4 : i32
      %mul3A_287 = arith.muli %add3A_265, %mul3A_286 : i32
      %add3A_288 = arith.constant 1 : i32
      %add3A_289 = arith.addi %mul3A_287, %add3A_288 : i32
      %mul3A_290 = arith.constant 40 : i32
      %mul3A_291 = arith.muli %add3A_289, %mul3A_290 : i32
      %dma_wait3A_292 = tpu.memref_slice %arg7[%mul3A_291] : memref<2560xi32, #tpu.memory_space<vmem>> -> memref<40xi32, #tpu.memory_space<vmem>>
      %dma_wait3A_293 = arith.constant 0 : i32
      %dma_wait3A_294 = arith.constant 0 : i32
      %dma_wait3A_295 = tpu.memref_slice %arg2[%dma_wait3A_293, %dma_wait3A_294] : memref<40000x128xf32, #tpu.memory_space<hbm>> -> memref<40000x128xf32, #tpu.memory_space<hbm>>
      tpu.wait_indirect_dma semaphore(%arg18 : memref<!tpu.dma_semaphore, #tpu.memory_space<semaphore_mem>>) src(%dma_wait3A_295 : memref<40000x128xf32, #tpu.memory_space<hbm>>) dst(%arg11 : memref<40x128xf32, #tpu.memory_space<vmem>>)
      %mul3A_296 = arith.constant 40 : i32
      %mul3A_297 = arith.muli %add3A_289, %mul3A_296 : i32
      %dma_start3A_298 = tpu.memref_slice %arg9[%mul3A_297] : memref<2560xi32, #tpu.memory_space<vmem>> -> memref<40xi32, #tpu.memory_space<vmem>>
      %dma_start3A_299 = arith.constant 0 : i32
      %dma_start3A_300 = arith.constant 0 : i32
      %dma_start3A_301 = tpu.memref_slice %arg14[%dma_start3A_299, %dma_start3A_300] : memref<10240x128xf32, #tpu.memory_space<vmem_shared>> -> memref<10240x128xf32, #tpu.memory_space<vmem_shared>>
      tpu.enqueue_indirect_dma source(%arg11 : memref<40x128xf32, #tpu.memory_space<vmem>>) target(%dma_start3A_301 : memref<10240x128xf32, #tpu.memory_space<vmem_shared>>) offsets(%dma_start3A_298 : memref<40xi32, #tpu.memory_space<vmem>>) semaphore(%arg22 : memref<!tpu.dma_semaphore, #tpu.memory_space<semaphore_mem>>) {add = true}
      %add3A_302 = arith.constant 4 : i32
      %add3A_303 = arith.addi %add3A_289, %add3A_302 : i32
      %lt3A_304 = arith.constant 64 : i32
      %lt3A_305 = arith.cmpi slt, %add3A_303, %lt3A_304 : i32
      %convert_element_type3A_306 = arith.extui %lt3A_305 : i1 to i32
      %cond3A_307 = arith.constant 0 : i32
      %cond3A_308 = arith.cmpi ne, %convert_element_type3A_306, %cond3A_307 : i32
      scf.if %cond3A_308 {
        %dma_wait3A_355 = arith.constant 0 : i32
        %dma_wait3A_356 = tpu.memref_slice %arg9[%dma_wait3A_355] : memref<2560xi32, #tpu.memory_space<vmem>> -> memref<40xi32, #tpu.memory_space<vmem>>
        %dma_wait3A_357 = arith.constant 0 : i32
        %dma_wait3A_358 = arith.constant 0 : i32
        %dma_wait3A_359 = tpu.memref_slice %arg14[%dma_wait3A_357, %dma_wait3A_358] : memref<10240x128xf32, #tpu.memory_space<vmem_shared>> -> memref<10240x128xf32, #tpu.memory_space<vmem_shared>>
        tpu.wait_indirect_dma semaphore(%arg22 : memref<!tpu.dma_semaphore, #tpu.memory_space<semaphore_mem>>) src(%arg11 : memref<40x128xf32, #tpu.memory_space<vmem>>) dst(%dma_wait3A_359 : memref<10240x128xf32, #tpu.memory_space<vmem_shared>>)
        %add3A_360 = arith.constant 4 : i32
        %add3A_361 = arith.addi %add3A_289, %add3A_360 : i32
        %mul3A_362 = arith.constant 40 : i32
        %mul3A_363 = arith.muli %add3A_361, %mul3A_362 : i32
        %dma_start3A_364 = tpu.memref_slice %arg7[%mul3A_363] : memref<2560xi32, #tpu.memory_space<vmem>> -> memref<40xi32, #tpu.memory_space<vmem>>
        %dma_start3A_365 = arith.constant 0 : i32
        %dma_start3A_366 = arith.constant 0 : i32
        %dma_start3A_367 = tpu.memref_slice %arg2[%dma_start3A_365, %dma_start3A_366] : memref<40000x128xf32, #tpu.memory_space<hbm>> -> memref<40000x128xf32, #tpu.memory_space<hbm>>
        tpu.enqueue_indirect_dma source(%dma_start3A_367 : memref<40000x128xf32, #tpu.memory_space<hbm>>) target(%arg11 : memref<40x128xf32, #tpu.memory_space<vmem>>) offsets(%dma_start3A_364 : memref<40xi32, #tpu.memory_space<vmem>>) semaphore(%arg18 : memref<!tpu.dma_semaphore, #tpu.memory_space<semaphore_mem>>)
      } else {
      }
      %mul3A_309 = arith.constant 4 : i32
      %mul3A_310 = arith.muli %add3A_265, %mul3A_309 : i32
      %add3A_311 = arith.constant 2 : i32
      %add3A_312 = arith.addi %mul3A_310, %add3A_311 : i32
      %mul3A_313 = arith.constant 40 : i32
      %mul3A_314 = arith.muli %add3A_312, %mul3A_313 : i32
      %dma_wait3A_315 = tpu.memref_slice %arg7[%mul3A_314] : memref<2560xi32, #tpu.memory_space<vmem>> -> memref<40xi32, #tpu.memory_space<vmem>>
      %dma_wait3A_316 = arith.constant 0 : i32
      %dma_wait3A_317 = arith.constant 0 : i32
      %dma_wait3A_318 = tpu.memref_slice %arg2[%dma_wait3A_316, %dma_wait3A_317] : memref<40000x128xf32, #tpu.memory_space<hbm>> -> memref<40000x128xf32, #tpu.memory_space<hbm>>
      tpu.wait_indirect_dma semaphore(%arg19 : memref<!tpu.dma_semaphore, #tpu.memory_space<semaphore_mem>>) src(%dma_wait3A_318 : memref<40000x128xf32, #tpu.memory_space<hbm>>) dst(%arg12 : memref<40x128xf32, #tpu.memory_space<vmem>>)
      %mul3A_319 = arith.constant 40 : i32
      %mul3A_320 = arith.muli %add3A_312, %mul3A_319 : i32
      %dma_start3A_321 = tpu.memref_slice %arg9[%mul3A_320] : memref<2560xi32, #tpu.memory_space<vmem>> -> memref<40xi32, #tpu.memory_space<vmem>>
      %dma_start3A_322 = arith.constant 0 : i32
      %dma_start3A_323 = arith.constant 0 : i32
      %dma_start3A_324 = tpu.memref_slice %arg14[%dma_start3A_322, %dma_start3A_323] : memref<10240x128xf32, #tpu.memory_space<vmem_shared>> -> memref<10240x128xf32, #tpu.memory_space<vmem_shared>>
      tpu.enqueue_indirect_dma source(%arg12 : memref<40x128xf32, #tpu.memory_space<vmem>>) target(%dma_start3A_324 : memref<10240x128xf32, #tpu.memory_space<vmem_shared>>) offsets(%dma_start3A_321 : memref<40xi32, #tpu.memory_space<vmem>>) semaphore(%arg23 : memref<!tpu.dma_semaphore, #tpu.memory_space<semaphore_mem>>) {add = true}
      %add3A_325 = arith.constant 4 : i32
      %add3A_326 = arith.addi %add3A_312, %add3A_325 : i32
      %lt3A_327 = arith.constant 64 : i32
      %lt3A_328 = arith.cmpi slt, %add3A_326, %lt3A_327 : i32
      %convert_element_type3A_329 = arith.extui %lt3A_328 : i1 to i32
      %cond3A_330 = arith.constant 0 : i32
      %cond3A_331 = arith.cmpi ne, %convert_element_type3A_329, %cond3A_330 : i32
      scf.if %cond3A_331 {
        %dma_wait3A_355 = arith.constant 0 : i32
        %dma_wait3A_356 = tpu.memref_slice %arg9[%dma_wait3A_355] : memref<2560xi32, #tpu.memory_space<vmem>> -> memref<40xi32, #tpu.memory_space<vmem>>
        %dma_wait3A_357 = arith.constant 0 : i32
        %dma_wait3A_358 = arith.constant 0 : i32
        %dma_wait3A_359 = tpu.memref_slice %arg14[%dma_wait3A_357, %dma_wait3A_358] : memref<10240x128xf32, #tpu.memory_space<vmem_shared>> -> memref<10240x128xf32, #tpu.memory_space<vmem_shared>>
        tpu.wait_indirect_dma semaphore(%arg23 : memref<!tpu.dma_semaphore, #tpu.memory_space<semaphore_mem>>) src(%arg12 : memref<40x128xf32, #tpu.memory_space<vmem>>) dst(%dma_wait3A_359 : memref<10240x128xf32, #tpu.memory_space<vmem_shared>>)
        %add3A_360 = arith.constant 4 : i32
        %add3A_361 = arith.addi %add3A_312, %add3A_360 : i32
        %mul3A_362 = arith.constant 40 : i32
        %mul3A_363 = arith.muli %add3A_361, %mul3A_362 : i32
        %dma_start3A_364 = tpu.memref_slice %arg7[%mul3A_363] : memref<2560xi32, #tpu.memory_space<vmem>> -> memref<40xi32, #tpu.memory_space<vmem>>
        %dma_start3A_365 = arith.constant 0 : i32
        %dma_start3A_366 = arith.constant 0 : i32
        %dma_start3A_367 = tpu.memref_slice %arg2[%dma_start3A_365, %dma_start3A_366] : memref<40000x128xf32, #tpu.memory_space<hbm>> -> memref<40000x128xf32, #tpu.memory_space<hbm>>
        tpu.enqueue_indirect_dma source(%dma_start3A_367 : memref<40000x128xf32, #tpu.memory_space<hbm>>) target(%arg12 : memref<40x128xf32, #tpu.memory_space<vmem>>) offsets(%dma_start3A_364 : memref<40xi32, #tpu.memory_space<vmem>>) semaphore(%arg19 : memref<!tpu.dma_semaphore, #tpu.memory_space<semaphore_mem>>)
      } else {
      }
      %mul3A_332 = arith.constant 4 : i32
      %mul3A_333 = arith.muli %add3A_265, %mul3A_332 : i32
      %add3A_334 = arith.constant 3 : i32
      %add3A_335 = arith.addi %mul3A_333, %add3A_334 : i32
      %mul3A_336 = arith.constant 40 : i32
      %mul3A_337 = arith.muli %add3A_335, %mul3A_336 : i32
      %dma_wait3A_338 = tpu.memref_slice %arg7[%mul3A_337] : memref<2560xi32, #tpu.memory_space<vmem>> -> memref<40xi32, #tpu.memory_space<vmem>>
      %dma_wait3A_339 = arith.constant 0 : i32
      %dma_wait3A_340 = arith.constant 0 : i32
      %dma_wait3A_341 = tpu.memref_slice %arg2[%dma_wait3A_339, %dma_wait3A_340] : memref<40000x128xf32, #tpu.memory_space<hbm>> -> memref<40000x128xf32, #tpu.memory_space<hbm>>
      tpu.wait_indirect_dma semaphore(%arg20 : memref<!tpu.dma_semaphore, #tpu.memory_space<semaphore_mem>>) src(%dma_wait3A_341 : memref<40000x128xf32, #tpu.memory_space<hbm>>) dst(%arg13 : memref<40x128xf32, #tpu.memory_space<vmem>>)
      %mul3A_342 = arith.constant 40 : i32
      %mul3A_343 = arith.muli %add3A_335, %mul3A_342 : i32
      %dma_start3A_344 = tpu.memref_slice %arg9[%mul3A_343] : memref<2560xi32, #tpu.memory_space<vmem>> -> memref<40xi32, #tpu.memory_space<vmem>>
      %dma_start3A_345 = arith.constant 0 : i32
      %dma_start3A_346 = arith.constant 0 : i32
      %dma_start3A_347 = tpu.memref_slice %arg14[%dma_start3A_345, %dma_start3A_346] : memref<10240x128xf32, #tpu.memory_space<vmem_shared>> -> memref<10240x128xf32, #tpu.memory_space<vmem_shared>>
      tpu.enqueue_indirect_dma source(%arg13 : memref<40x128xf32, #tpu.memory_space<vmem>>) target(%dma_start3A_347 : memref<10240x128xf32, #tpu.memory_space<vmem_shared>>) offsets(%dma_start3A_344 : memref<40xi32, #tpu.memory_space<vmem>>) semaphore(%arg24 : memref<!tpu.dma_semaphore, #tpu.memory_space<semaphore_mem>>) {add = true}
      %add3A_348 = arith.constant 4 : i32
      %add3A_349 = arith.addi %add3A_335, %add3A_348 : i32
      %lt3A_350 = arith.constant 64 : i32
      %lt3A_351 = arith.cmpi slt, %add3A_349, %lt3A_350 : i32
      %convert_element_type3A_352 = arith.extui %lt3A_351 : i1 to i32
      %cond3A_353 = arith.constant 0 : i32
      %cond3A_354 = arith.cmpi ne, %convert_element_type3A_352, %cond3A_353 : i32
      scf.if %cond3A_354 {
        %dma_wait3A_355 = arith.constant 0 : i32
        %dma_wait3A_356 = tpu.memref_slice %arg9[%dma_wait3A_355] : memref<2560xi32, #tpu.memory_space<vmem>> -> memref<40xi32, #tpu.memory_space<vmem>>
        %dma_wait3A_357 = arith.constant 0 : i32
        %dma_wait3A_358 = arith.constant 0 : i32
        %dma_wait3A_359 = tpu.memref_slice %arg14[%dma_wait3A_357, %dma_wait3A_358] : memref<10240x128xf32, #tpu.memory_space<vmem_shared>> -> memref<10240x128xf32, #tpu.memory_space<vmem_shared>>
        tpu.wait_indirect_dma semaphore(%arg24 : memref<!tpu.dma_semaphore, #tpu.memory_space<semaphore_mem>>) src(%arg13 : memref<40x128xf32, #tpu.memory_space<vmem>>) dst(%dma_wait3A_359 : memref<10240x128xf32, #tpu.memory_space<vmem_shared>>)
        %add3A_360 = arith.constant 4 : i32
        %add3A_361 = arith.addi %add3A_335, %add3A_360 : i32
        %mul3A_362 = arith.constant 40 : i32
        %mul3A_363 = arith.muli %add3A_361, %mul3A_362 : i32
        %dma_start3A_364 = tpu.memref_slice %arg7[%mul3A_363] : memref<2560xi32, #tpu.memory_space<vmem>> -> memref<40xi32, #tpu.memory_space<vmem>>
        %dma_start3A_365 = arith.constant 0 : i32
        %dma_start3A_366 = arith.constant 0 : i32
        %dma_start3A_367 = tpu.memref_slice %arg2[%dma_start3A_365, %dma_start3A_366] : memref<40000x128xf32, #tpu.memory_space<hbm>> -> memref<40000x128xf32, #tpu.memory_space<hbm>>
        tpu.enqueue_indirect_dma source(%dma_start3A_367 : memref<40000x128xf32, #tpu.memory_space<hbm>>) target(%arg13 : memref<40x128xf32, #tpu.memory_space<vmem>>) offsets(%dma_start3A_364 : memref<40xi32, #tpu.memory_space<vmem>>) semaphore(%arg20 : memref<!tpu.dma_semaphore, #tpu.memory_space<semaphore_mem>>)
      } else {
      }
    }
    %scan3A_120 = arith.constant 16 : i32
    %add3A_121 = arith.constant 5120 : i32
    %add3A_122 = arith.addi %mul3A_2, %add3A_121 : i32
    %dma_wait3A_123 = tpu.memref_slice %arg3[%add3A_122] : memref<327680xi32, #tpu.memory_space<hbm>> -> memref<2560xi32, #tpu.memory_space<hbm>>
    %dma_wait3A_124 = tpu.memref_slice %arg3[%add3A_122] : memref<327680xi32, #tpu.memory_space<hbm>> -> memref<2560xi32, #tpu.memory_space<hbm>>
    tpu.wait_dma2 semaphore(%arg15 : memref<!tpu.dma_semaphore, #tpu.memory_space<semaphore_mem>>) src(%dma_wait3A_124 : memref<2560xi32, #tpu.memory_space<hbm>>) dst(%arg6 : memref<2560xi32, #tpu.memory_space<vmem>>)
    %add3A_125 = arith.constant 5120 : i32
    %add3A_126 = arith.addi %mul3A_2, %add3A_125 : i32
    %dma_wait3A_127 = tpu.memref_slice %arg4[%add3A_126] : memref<327680xi32, #tpu.memory_space<hbm>> -> memref<2560xi32, #tpu.memory_space<hbm>>
    %dma_wait3A_128 = tpu.memref_slice %arg4[%add3A_126] : memref<327680xi32, #tpu.memory_space<hbm>> -> memref<2560xi32, #tpu.memory_space<hbm>>
    tpu.wait_dma2 semaphore(%arg15 : memref<!tpu.dma_semaphore, #tpu.memory_space<semaphore_mem>>) src(%dma_wait3A_128 : memref<2560xi32, #tpu.memory_space<hbm>>) dst(%arg8 : memref<2560xi32, #tpu.memory_space<vmem>>)
    %dma_wait3A_129 = arith.constant 0 : i32
    %dma_wait3A_130 = tpu.memref_slice %arg8[%dma_wait3A_129] : memref<2560xi32, #tpu.memory_space<vmem>> -> memref<40xi32, #tpu.memory_space<vmem>>
    %dma_wait3A_131 = arith.constant 0 : i32
    %dma_wait3A_132 = arith.constant 0 : i32
    %dma_wait3A_133 = tpu.memref_slice %arg14[%dma_wait3A_131, %dma_wait3A_132] : memref<10240x128xf32, #tpu.memory_space<vmem_shared>> -> memref<10240x128xf32, #tpu.memory_space<vmem_shared>>
    tpu.wait_indirect_dma semaphore(%arg21 : memref<!tpu.dma_semaphore, #tpu.memory_space<semaphore_mem>>) src(%arg10 : memref<40x128xf32, #tpu.memory_space<vmem>>) dst(%dma_wait3A_133 : memref<10240x128xf32, #tpu.memory_space<vmem_shared>>)
    %dma_start3A_134 = arith.constant 0 : i32
    %dma_start3A_135 = tpu.memref_slice %arg6[%dma_start3A_134] : memref<2560xi32, #tpu.memory_space<vmem>> -> memref<40xi32, #tpu.memory_space<vmem>>
    %dma_start3A_136 = arith.constant 0 : i32
    %dma_start3A_137 = arith.constant 0 : i32
    %dma_start3A_138 = tpu.memref_slice %arg2[%dma_start3A_136, %dma_start3A_137] : memref<40000x128xf32, #tpu.memory_space<hbm>> -> memref<40000x128xf32, #tpu.memory_space<hbm>>
    tpu.enqueue_indirect_dma source(%dma_start3A_138 : memref<40000x128xf32, #tpu.memory_space<hbm>>) target(%arg10 : memref<40x128xf32, #tpu.memory_space<vmem>>) offsets(%dma_start3A_135 : memref<40xi32, #tpu.memory_space<vmem>>) semaphore(%arg17 : memref<!tpu.dma_semaphore, #tpu.memory_space<semaphore_mem>>)
    %dma_wait3A_139 = arith.constant 0 : i32
    %dma_wait3A_140 = tpu.memref_slice %arg8[%dma_wait3A_139] : memref<2560xi32, #tpu.memory_space<vmem>> -> memref<40xi32, #tpu.memory_space<vmem>>
    %dma_wait3A_141 = arith.constant 0 : i32
    %dma_wait3A_142 = arith.constant 0 : i32
    %dma_wait3A_143 = tpu.memref_slice %arg14[%dma_wait3A_141, %dma_wait3A_142] : memref<10240x128xf32, #tpu.memory_space<vmem_shared>> -> memref<10240x128xf32, #tpu.memory_space<vmem_shared>>
    tpu.wait_indirect_dma semaphore(%arg22 : memref<!tpu.dma_semaphore, #tpu.memory_space<semaphore_mem>>) src(%arg11 : memref<40x128xf32, #tpu.memory_space<vmem>>) dst(%dma_wait3A_143 : memref<10240x128xf32, #tpu.memory_space<vmem_shared>>)
    %dma_start3A_144 = arith.constant 40 : i32
    %dma_start3A_145 = tpu.memref_slice %arg6[%dma_start3A_144] : memref<2560xi32, #tpu.memory_space<vmem>> -> memref<40xi32, #tpu.memory_space<vmem>>
    %dma_start3A_146 = arith.constant 0 : i32
    %dma_start3A_147 = arith.constant 0 : i32
    %dma_start3A_148 = tpu.memref_slice %arg2[%dma_start3A_146, %dma_start3A_147] : memref<40000x128xf32, #tpu.memory_space<hbm>> -> memref<40000x128xf32, #tpu.memory_space<hbm>>
    tpu.enqueue_indirect_dma source(%dma_start3A_148 : memref<40000x128xf32, #tpu.memory_space<hbm>>) target(%arg11 : memref<40x128xf32, #tpu.memory_space<vmem>>) offsets(%dma_start3A_145 : memref<40xi32, #tpu.memory_space<vmem>>) semaphore(%arg18 : memref<!tpu.dma_semaphore, #tpu.memory_space<semaphore_mem>>)
    %dma_wait3A_149 = arith.constant 0 : i32
    %dma_wait3A_150 = tpu.memref_slice %arg8[%dma_wait3A_149] : memref<2560xi32, #tpu.memory_space<vmem>> -> memref<40xi32, #tpu.memory_space<vmem>>
    %dma_wait3A_151 = arith.constant 0 : i32
    %dma_wait3A_152 = arith.constant 0 : i32
    %dma_wait3A_153 = tpu.memref_slice %arg14[%dma_wait3A_151, %dma_wait3A_152] : memref<10240x128xf32, #tpu.memory_space<vmem_shared>> -> memref<10240x128xf32, #tpu.memory_space<vmem_shared>>
    tpu.wait_indirect_dma semaphore(%arg23 : memref<!tpu.dma_semaphore, #tpu.memory_space<semaphore_mem>>) src(%arg12 : memref<40x128xf32, #tpu.memory_space<vmem>>) dst(%dma_wait3A_153 : memref<10240x128xf32, #tpu.memory_space<vmem_shared>>)
    %dma_start3A_154 = arith.constant 80 : i32
    %dma_start3A_155 = tpu.memref_slice %arg6[%dma_start3A_154] : memref<2560xi32, #tpu.memory_space<vmem>> -> memref<40xi32, #tpu.memory_space<vmem>>
    %dma_start3A_156 = arith.constant 0 : i32
    %dma_start3A_157 = arith.constant 0 : i32
    %dma_start3A_158 = tpu.memref_slice %arg2[%dma_start3A_156, %dma_start3A_157] : memref<40000x128xf32, #tpu.memory_space<hbm>> -> memref<40000x128xf32, #tpu.memory_space<hbm>>
    tpu.enqueue_indirect_dma source(%dma_start3A_158 : memref<40000x128xf32, #tpu.memory_space<hbm>>) target(%arg12 : memref<40x128xf32, #tpu.memory_space<vmem>>) offsets(%dma_start3A_155 : memref<40xi32, #tpu.memory_space<vmem>>) semaphore(%arg19 : memref<!tpu.dma_semaphore, #tpu.memory_space<semaphore_mem>>)
    %dma_wait3A_159 = arith.constant 0 : i32
    %dma_wait3A_160 = tpu.memref_slice %arg8[%dma_wait3A_159] : memref<2560xi32, #tpu.memory_space<vmem>> -> memref<40xi32, #tpu.memory_space<vmem>>
    %dma_wait3A_161 = arith.constant 0 : i32
    %dma_wait3A_162 = arith.constant 0 : i32
    %dma_wait3A_163 = tpu.memref_slice %arg14[%dma_wait3A_161, %dma_wait3A_162] : memref<10240x128xf32, #tpu.memory_space<vmem_shared>> -> memref<10240x128xf32, #tpu.memory_space<vmem_shared>>
    tpu.wait_indirect_dma semaphore(%arg24 : memref<!tpu.dma_semaphore, #tpu.memory_space<semaphore_mem>>) src(%arg13 : memref<40x128xf32, #tpu.memory_space<vmem>>) dst(%dma_wait3A_163 : memref<10240x128xf32, #tpu.memory_space<vmem_shared>>)
    %dma_start3A_164 = arith.constant 120 : i32
    %dma_start3A_165 = tpu.memref_slice %arg6[%dma_start3A_164] : memref<2560xi32, #tpu.memory_space<vmem>> -> memref<40xi32, #tpu.memory_space<vmem>>
    %dma_start3A_166 = arith.constant 0 : i32
    %dma_start3A_167 = arith.constant 0 : i32
    %dma_start3A_168 = tpu.memref_slice %arg2[%dma_start3A_166, %dma_start3A_167] : memref<40000x128xf32, #tpu.memory_space<hbm>> -> memref<40000x128xf32, #tpu.memory_space<hbm>>
    tpu.enqueue_indirect_dma source(%dma_start3A_168 : memref<40000x128xf32, #tpu.memory_space<hbm>>) target(%arg13 : memref<40x128xf32, #tpu.memory_space<vmem>>) offsets(%dma_start3A_165 : memref<40xi32, #tpu.memory_space<vmem>>) semaphore(%arg20 : memref<!tpu.dma_semaphore, #tpu.memory_space<semaphore_mem>>)
    %add3A_169 = arith.constant 7680 : i32
    %add3A_170 = arith.addi %mul3A_2, %add3A_169 : i32
    %dma_start3A_171 = tpu.memref_slice %arg3[%add3A_170] : memref<327680xi32, #tpu.memory_space<hbm>> -> memref<2560xi32, #tpu.memory_space<hbm>>
    %dma_start3A_172 = tpu.memref_slice %arg3[%add3A_170] : memref<327680xi32, #tpu.memory_space<hbm>> -> memref<2560xi32, #tpu.memory_space<hbm>>
    tpu.enqueue_dma source(%dma_start3A_172 : memref<2560xi32, #tpu.memory_space<hbm>>) target(%arg7 : memref<2560xi32, #tpu.memory_space<vmem>>) target_semaphore(%arg16 : memref<!tpu.dma_semaphore, #tpu.memory_space<semaphore_mem>>)
    %add3A_173 = arith.constant 7680 : i32
    %add3A_174 = arith.addi %mul3A_2, %add3A_173 : i32
    %dma_start3A_175 = tpu.memref_slice %arg4[%add3A_174] : memref<327680xi32, #tpu.memory_space<hbm>> -> memref<2560xi32, #tpu.memory_space<hbm>>
    %dma_start3A_176 = tpu.memref_slice %arg4[%add3A_174] : memref<327680xi32, #tpu.memory_space<hbm>> -> memref<2560xi32, #tpu.memory_space<hbm>>
    tpu.enqueue_dma source(%dma_start3A_176 : memref<2560xi32, #tpu.memory_space<hbm>>) target(%arg9 : memref<2560xi32, #tpu.memory_space<vmem>>) target_semaphore(%arg16 : memref<!tpu.dma_semaphore, #tpu.memory_space<semaphore_mem>>)
    %scan3A_177 = arith.constant 0 : i32
    %scan3A_178 = arith.constant 16 : i32
    %scan3A_179 = arith.addi %scan3A_177, %scan3A_178 : i32
    %scan3A_180 = arith.constant 1 : i32
    scf.for %scan3A_261 = %scan3A_177 to %scan3A_179 step %scan3A_180  : i32 {
      %mul3A_262 = arith.constant 1 : i32
      %mul3A_263 = arith.muli %scan3A_261, %mul3A_262 : i32
      %add3A_264 = arith.constant 0 : i32
      %add3A_265 = arith.addi %add3A_264, %mul3A_263 : i32
      %mul3A_266 = arith.constant 4 : i32
      %mul3A_267 = arith.muli %add3A_265, %mul3A_266 : i32
      %add3A_268 = arith.constant 0 : i32
      %add3A_269 = arith.addi %mul3A_267, %add3A_268 : i32
      %mul3A_270 = arith.constant 40 : i32
      %mul3A_271 = arith.muli %add3A_269, %mul3A_270 : i32
      %dma_wait3A_272 = tpu.memref_slice %arg6[%mul3A_271] : memref<2560xi32, #tpu.memory_space<vmem>> -> memref<40xi32, #tpu.memory_space<vmem>>
      %dma_wait3A_273 = arith.constant 0 : i32
      %dma_wait3A_274 = arith.constant 0 : i32
      %dma_wait3A_275 = tpu.memref_slice %arg2[%dma_wait3A_273, %dma_wait3A_274] : memref<40000x128xf32, #tpu.memory_space<hbm>> -> memref<40000x128xf32, #tpu.memory_space<hbm>>
      tpu.wait_indirect_dma semaphore(%arg17 : memref<!tpu.dma_semaphore, #tpu.memory_space<semaphore_mem>>) src(%dma_wait3A_275 : memref<40000x128xf32, #tpu.memory_space<hbm>>) dst(%arg10 : memref<40x128xf32, #tpu.memory_space<vmem>>)
      %mul3A_276 = arith.constant 40 : i32
      %mul3A_277 = arith.muli %add3A_269, %mul3A_276 : i32
      %dma_start3A_278 = tpu.memref_slice %arg8[%mul3A_277] : memref<2560xi32, #tpu.memory_space<vmem>> -> memref<40xi32, #tpu.memory_space<vmem>>
      %dma_start3A_279 = arith.constant 0 : i32
      %dma_start3A_280 = arith.constant 0 : i32
      %dma_start3A_281 = tpu.memref_slice %arg14[%dma_start3A_279, %dma_start3A_280] : memref<10240x128xf32, #tpu.memory_space<vmem_shared>> -> memref<10240x128xf32, #tpu.memory_space<vmem_shared>>
      tpu.enqueue_indirect_dma source(%arg10 : memref<40x128xf32, #tpu.memory_space<vmem>>) target(%dma_start3A_281 : memref<10240x128xf32, #tpu.memory_space<vmem_shared>>) offsets(%dma_start3A_278 : memref<40xi32, #tpu.memory_space<vmem>>) semaphore(%arg21 : memref<!tpu.dma_semaphore, #tpu.memory_space<semaphore_mem>>) {add = true}
      %add3A_282 = arith.constant 4 : i32
      %add3A_283 = arith.addi %add3A_269, %add3A_282 : i32
      %lt3A = arith.constant 64 : i32
      %lt3A_284 = arith.cmpi slt, %add3A_283, %lt3A : i32
      %convert_element_type3A = arith.extui %lt3A_284 : i1 to i32
      %cond3A = arith.constant 0 : i32
      %cond3A_285 = arith.cmpi ne, %convert_element_type3A, %cond3A : i32
      scf.if %cond3A_285 {
        %dma_wait3A_355 = arith.constant 0 : i32
        %dma_wait3A_356 = tpu.memref_slice %arg8[%dma_wait3A_355] : memref<2560xi32, #tpu.memory_space<vmem>> -> memref<40xi32, #tpu.memory_space<vmem>>
        %dma_wait3A_357 = arith.constant 0 : i32
        %dma_wait3A_358 = arith.constant 0 : i32
        %dma_wait3A_359 = tpu.memref_slice %arg14[%dma_wait3A_357, %dma_wait3A_358] : memref<10240x128xf32, #tpu.memory_space<vmem_shared>> -> memref<10240x128xf32, #tpu.memory_space<vmem_shared>>
        tpu.wait_indirect_dma semaphore(%arg21 : memref<!tpu.dma_semaphore, #tpu.memory_space<semaphore_mem>>) src(%arg10 : memref<40x128xf32, #tpu.memory_space<vmem>>) dst(%dma_wait3A_359 : memref<10240x128xf32, #tpu.memory_space<vmem_shared>>)
        %add3A_360 = arith.constant 4 : i32
        %add3A_361 = arith.addi %add3A_269, %add3A_360 : i32
        %mul3A_362 = arith.constant 40 : i32
        %mul3A_363 = arith.muli %add3A_361, %mul3A_362 : i32
        %dma_start3A_364 = tpu.memref_slice %arg6[%mul3A_363] : memref<2560xi32, #tpu.memory_space<vmem>> -> memref<40xi32, #tpu.memory_space<vmem>>
        %dma_start3A_365 = arith.constant 0 : i32
        %dma_start3A_366 = arith.constant 0 : i32
        %dma_start3A_367 = tpu.memref_slice %arg2[%dma_start3A_365, %dma_start3A_366] : memref<40000x128xf32, #tpu.memory_space<hbm>> -> memref<40000x128xf32, #tpu.memory_space<hbm>>
        tpu.enqueue_indirect_dma source(%dma_start3A_367 : memref<40000x128xf32, #tpu.memory_space<hbm>>) target(%arg10 : memref<40x128xf32, #tpu.memory_space<vmem>>) offsets(%dma_start3A_364 : memref<40xi32, #tpu.memory_space<vmem>>) semaphore(%arg17 : memref<!tpu.dma_semaphore, #tpu.memory_space<semaphore_mem>>)
      } else {
      }
      %mul3A_286 = arith.constant 4 : i32
      %mul3A_287 = arith.muli %add3A_265, %mul3A_286 : i32
      %add3A_288 = arith.constant 1 : i32
      %add3A_289 = arith.addi %mul3A_287, %add3A_288 : i32
      %mul3A_290 = arith.constant 40 : i32
      %mul3A_291 = arith.muli %add3A_289, %mul3A_290 : i32
      %dma_wait3A_292 = tpu.memref_slice %arg6[%mul3A_291] : memref<2560xi32, #tpu.memory_space<vmem>> -> memref<40xi32, #tpu.memory_space<vmem>>
      %dma_wait3A_293 = arith.constant 0 : i32
      %dma_wait3A_294 = arith.constant 0 : i32
      %dma_wait3A_295 = tpu.memref_slice %arg2[%dma_wait3A_293, %dma_wait3A_294] : memref<40000x128xf32, #tpu.memory_space<hbm>> -> memref<40000x128xf32, #tpu.memory_space<hbm>>
      tpu.wait_indirect_dma semaphore(%arg18 : memref<!tpu.dma_semaphore, #tpu.memory_space<semaphore_mem>>) src(%dma_wait3A_295 : memref<40000x128xf32, #tpu.memory_space<hbm>>) dst(%arg11 : memref<40x128xf32, #tpu.memory_space<vmem>>)
      %mul3A_296 = arith.constant 40 : i32
      %mul3A_297 = arith.muli %add3A_289, %mul3A_296 : i32
      %dma_start3A_298 = tpu.memref_slice %arg8[%mul3A_297] : memref<2560xi32, #tpu.memory_space<vmem>> -> memref<40xi32, #tpu.memory_space<vmem>>
      %dma_start3A_299 = arith.constant 0 : i32
      %dma_start3A_300 = arith.constant 0 : i32
      %dma_start3A_301 = tpu.memref_slice %arg14[%dma_start3A_299, %dma_start3A_300] : memref<10240x128xf32, #tpu.memory_space<vmem_shared>> -> memref<10240x128xf32, #tpu.memory_space<vmem_shared>>
      tpu.enqueue_indirect_dma source(%arg11 : memref<40x128xf32, #tpu.memory_space<vmem>>) target(%dma_start3A_301 : memref<10240x128xf32, #tpu.memory_space<vmem_shared>>) offsets(%dma_start3A_298 : memref<40xi32, #tpu.memory_space<vmem>>) semaphore(%arg22 : memref<!tpu.dma_semaphore, #tpu.memory_space<semaphore_mem>>) {add = true}
      %add3A_302 = arith.constant 4 : i32
      %add3A_303 = arith.addi %add3A_289, %add3A_302 : i32
      %lt3A_304 = arith.constant 64 : i32
      %lt3A_305 = arith.cmpi slt, %add3A_303, %lt3A_304 : i32
      %convert_element_type3A_306 = arith.extui %lt3A_305 : i1 to i32
      %cond3A_307 = arith.constant 0 : i32
      %cond3A_308 = arith.cmpi ne, %convert_element_type3A_306, %cond3A_307 : i32
      scf.if %cond3A_308 {
        %dma_wait3A_355 = arith.constant 0 : i32
        %dma_wait3A_356 = tpu.memref_slice %arg8[%dma_wait3A_355] : memref<2560xi32, #tpu.memory_space<vmem>> -> memref<40xi32, #tpu.memory_space<vmem>>
        %dma_wait3A_357 = arith.constant 0 : i32
        %dma_wait3A_358 = arith.constant 0 : i32
        %dma_wait3A_359 = tpu.memref_slice %arg14[%dma_wait3A_357, %dma_wait3A_358] : memref<10240x128xf32, #tpu.memory_space<vmem_shared>> -> memref<10240x128xf32, #tpu.memory_space<vmem_shared>>
        tpu.wait_indirect_dma semaphore(%arg22 : memref<!tpu.dma_semaphore, #tpu.memory_space<semaphore_mem>>) src(%arg11 : memref<40x128xf32, #tpu.memory_space<vmem>>) dst(%dma_wait3A_359 : memref<10240x128xf32, #tpu.memory_space<vmem_shared>>)
        %add3A_360 = arith.constant 4 : i32
        %add3A_361 = arith.addi %add3A_289, %add3A_360 : i32
        %mul3A_362 = arith.constant 40 : i32
        %mul3A_363 = arith.muli %add3A_361, %mul3A_362 : i32
        %dma_start3A_364 = tpu.memref_slice %arg6[%mul3A_363] : memref<2560xi32, #tpu.memory_space<vmem>> -> memref<40xi32, #tpu.memory_space<vmem>>
        %dma_start3A_365 = arith.constant 0 : i32
        %dma_start3A_366 = arith.constant 0 : i32
        %dma_start3A_367 = tpu.memref_slice %arg2[%dma_start3A_365, %dma_start3A_366] : memref<40000x128xf32, #tpu.memory_space<hbm>> -> memref<40000x128xf32, #tpu.memory_space<hbm>>
        tpu.enqueue_indirect_dma source(%dma_start3A_367 : memref<40000x128xf32, #tpu.memory_space<hbm>>) target(%arg11 : memref<40x128xf32, #tpu.memory_space<vmem>>) offsets(%dma_start3A_364 : memref<40xi32, #tpu.memory_space<vmem>>) semaphore(%arg18 : memref<!tpu.dma_semaphore, #tpu.memory_space<semaphore_mem>>)
      } else {
      }
      %mul3A_309 = arith.constant 4 : i32
      %mul3A_310 = arith.muli %add3A_265, %mul3A_309 : i32
      %add3A_311 = arith.constant 2 : i32
      %add3A_312 = arith.addi %mul3A_310, %add3A_311 : i32
      %mul3A_313 = arith.constant 40 : i32
      %mul3A_314 = arith.muli %add3A_312, %mul3A_313 : i32
      %dma_wait3A_315 = tpu.memref_slice %arg6[%mul3A_314] : memref<2560xi32, #tpu.memory_space<vmem>> -> memref<40xi32, #tpu.memory_space<vmem>>
      %dma_wait3A_316 = arith.constant 0 : i32
      %dma_wait3A_317 = arith.constant 0 : i32
      %dma_wait3A_318 = tpu.memref_slice %arg2[%dma_wait3A_316, %dma_wait3A_317] : memref<40000x128xf32, #tpu.memory_space<hbm>> -> memref<40000x128xf32, #tpu.memory_space<hbm>>
      tpu.wait_indirect_dma semaphore(%arg19 : memref<!tpu.dma_semaphore, #tpu.memory_space<semaphore_mem>>) src(%dma_wait3A_318 : memref<40000x128xf32, #tpu.memory_space<hbm>>) dst(%arg12 : memref<40x128xf32, #tpu.memory_space<vmem>>)
      %mul3A_319 = arith.constant 40 : i32
      %mul3A_320 = arith.muli %add3A_312, %mul3A_319 : i32
      %dma_start3A_321 = tpu.memref_slice %arg8[%mul3A_320] : memref<2560xi32, #tpu.memory_space<vmem>> -> memref<40xi32, #tpu.memory_space<vmem>>
      %dma_start3A_322 = arith.constant 0 : i32
      %dma_start3A_323 = arith.constant 0 : i32
      %dma_start3A_324 = tpu.memref_slice %arg14[%dma_start3A_322, %dma_start3A_323] : memref<10240x128xf32, #tpu.memory_space<vmem_shared>> -> memref<10240x128xf32, #tpu.memory_space<vmem_shared>>
      tpu.enqueue_indirect_dma source(%arg12 : memref<40x128xf32, #tpu.memory_space<vmem>>) target(%dma_start3A_324 : memref<10240x128xf32, #tpu.memory_space<vmem_shared>>) offsets(%dma_start3A_321 : memref<40xi32, #tpu.memory_space<vmem>>) semaphore(%arg23 : memref<!tpu.dma_semaphore, #tpu.memory_space<semaphore_mem>>) {add = true}
      %add3A_325 = arith.constant 4 : i32
      %add3A_326 = arith.addi %add3A_312, %add3A_325 : i32
      %lt3A_327 = arith.constant 64 : i32
      %lt3A_328 = arith.cmpi slt, %add3A_326, %lt3A_327 : i32
      %convert_element_type3A_329 = arith.extui %lt3A_328 : i1 to i32
      %cond3A_330 = arith.constant 0 : i32
      %cond3A_331 = arith.cmpi ne, %convert_element_type3A_329, %cond3A_330 : i32
      scf.if %cond3A_331 {
        %dma_wait3A_355 = arith.constant 0 : i32
        %dma_wait3A_356 = tpu.memref_slice %arg8[%dma_wait3A_355] : memref<2560xi32, #tpu.memory_space<vmem>> -> memref<40xi32, #tpu.memory_space<vmem>>
        %dma_wait3A_357 = arith.constant 0 : i32
        %dma_wait3A_358 = arith.constant 0 : i32
        %dma_wait3A_359 = tpu.memref_slice %arg14[%dma_wait3A_357, %dma_wait3A_358] : memref<10240x128xf32, #tpu.memory_space<vmem_shared>> -> memref<10240x128xf32, #tpu.memory_space<vmem_shared>>
        tpu.wait_indirect_dma semaphore(%arg23 : memref<!tpu.dma_semaphore, #tpu.memory_space<semaphore_mem>>) src(%arg12 : memref<40x128xf32, #tpu.memory_space<vmem>>) dst(%dma_wait3A_359 : memref<10240x128xf32, #tpu.memory_space<vmem_shared>>)
        %add3A_360 = arith.constant 4 : i32
        %add3A_361 = arith.addi %add3A_312, %add3A_360 : i32
        %mul3A_362 = arith.constant 40 : i32
        %mul3A_363 = arith.muli %add3A_361, %mul3A_362 : i32
        %dma_start3A_364 = tpu.memref_slice %arg6[%mul3A_363] : memref<2560xi32, #tpu.memory_space<vmem>> -> memref<40xi32, #tpu.memory_space<vmem>>
        %dma_start3A_365 = arith.constant 0 : i32
        %dma_start3A_366 = arith.constant 0 : i32
        %dma_start3A_367 = tpu.memref_slice %arg2[%dma_start3A_365, %dma_start3A_366] : memref<40000x128xf32, #tpu.memory_space<hbm>> -> memref<40000x128xf32, #tpu.memory_space<hbm>>
        tpu.enqueue_indirect_dma source(%dma_start3A_367 : memref<40000x128xf32, #tpu.memory_space<hbm>>) target(%arg12 : memref<40x128xf32, #tpu.memory_space<vmem>>) offsets(%dma_start3A_364 : memref<40xi32, #tpu.memory_space<vmem>>) semaphore(%arg19 : memref<!tpu.dma_semaphore, #tpu.memory_space<semaphore_mem>>)
      } else {
      }
      %mul3A_332 = arith.constant 4 : i32
      %mul3A_333 = arith.muli %add3A_265, %mul3A_332 : i32
      %add3A_334 = arith.constant 3 : i32
      %add3A_335 = arith.addi %mul3A_333, %add3A_334 : i32
      %mul3A_336 = arith.constant 40 : i32
      %mul3A_337 = arith.muli %add3A_335, %mul3A_336 : i32
      %dma_wait3A_338 = tpu.memref_slice %arg6[%mul3A_337] : memref<2560xi32, #tpu.memory_space<vmem>> -> memref<40xi32, #tpu.memory_space<vmem>>
      %dma_wait3A_339 = arith.constant 0 : i32
      %dma_wait3A_340 = arith.constant 0 : i32
      %dma_wait3A_341 = tpu.memref_slice %arg2[%dma_wait3A_339, %dma_wait3A_340] : memref<40000x128xf32, #tpu.memory_space<hbm>> -> memref<40000x128xf32, #tpu.memory_space<hbm>>
      tpu.wait_indirect_dma semaphore(%arg20 : memref<!tpu.dma_semaphore, #tpu.memory_space<semaphore_mem>>) src(%dma_wait3A_341 : memref<40000x128xf32, #tpu.memory_space<hbm>>) dst(%arg13 : memref<40x128xf32, #tpu.memory_space<vmem>>)
      %mul3A_342 = arith.constant 40 : i32
      %mul3A_343 = arith.muli %add3A_335, %mul3A_342 : i32
      %dma_start3A_344 = tpu.memref_slice %arg8[%mul3A_343] : memref<2560xi32, #tpu.memory_space<vmem>> -> memref<40xi32, #tpu.memory_space<vmem>>
      %dma_start3A_345 = arith.constant 0 : i32
      %dma_start3A_346 = arith.constant 0 : i32
      %dma_start3A_347 = tpu.memref_slice %arg14[%dma_start3A_345, %dma_start3A_346] : memref<10240x128xf32, #tpu.memory_space<vmem_shared>> -> memref<10240x128xf32, #tpu.memory_space<vmem_shared>>
      tpu.enqueue_indirect_dma source(%arg13 : memref<40x128xf32, #tpu.memory_space<vmem>>) target(%dma_start3A_347 : memref<10240x128xf32, #tpu.memory_space<vmem_shared>>) offsets(%dma_start3A_344 : memref<40xi32, #tpu.memory_space<vmem>>) semaphore(%arg24 : memref<!tpu.dma_semaphore, #tpu.memory_space<semaphore_mem>>) {add = true}
      %add3A_348 = arith.constant 4 : i32
      %add3A_349 = arith.addi %add3A_335, %add3A_348 : i32
      %lt3A_350 = arith.constant 64 : i32
      %lt3A_351 = arith.cmpi slt, %add3A_349, %lt3A_350 : i32
      %convert_element_type3A_352 = arith.extui %lt3A_351 : i1 to i32
      %cond3A_353 = arith.constant 0 : i32
      %cond3A_354 = arith.cmpi ne, %convert_element_type3A_352, %cond3A_353 : i32
      scf.if %cond3A_354 {
        %dma_wait3A_355 = arith.constant 0 : i32
        %dma_wait3A_356 = tpu.memref_slice %arg8[%dma_wait3A_355] : memref<2560xi32, #tpu.memory_space<vmem>> -> memref<40xi32, #tpu.memory_space<vmem>>
        %dma_wait3A_357 = arith.constant 0 : i32
        %dma_wait3A_358 = arith.constant 0 : i32
        %dma_wait3A_359 = tpu.memref_slice %arg14[%dma_wait3A_357, %dma_wait3A_358] : memref<10240x128xf32, #tpu.memory_space<vmem_shared>> -> memref<10240x128xf32, #tpu.memory_space<vmem_shared>>
        tpu.wait_indirect_dma semaphore(%arg24 : memref<!tpu.dma_semaphore, #tpu.memory_space<semaphore_mem>>) src(%arg13 : memref<40x128xf32, #tpu.memory_space<vmem>>) dst(%dma_wait3A_359 : memref<10240x128xf32, #tpu.memory_space<vmem_shared>>)
        %add3A_360 = arith.constant 4 : i32
        %add3A_361 = arith.addi %add3A_335, %add3A_360 : i32
        %mul3A_362 = arith.constant 40 : i32
        %mul3A_363 = arith.muli %add3A_361, %mul3A_362 : i32
        %dma_start3A_364 = tpu.memref_slice %arg6[%mul3A_363] : memref<2560xi32, #tpu.memory_space<vmem>> -> memref<40xi32, #tpu.memory_space<vmem>>
        %dma_start3A_365 = arith.constant 0 : i32
        %dma_start3A_366 = arith.constant 0 : i32
        %dma_start3A_367 = tpu.memref_slice %arg2[%dma_start3A_365, %dma_start3A_366] : memref<40000x128xf32, #tpu.memory_space<hbm>> -> memref<40000x128xf32, #tpu.memory_space<hbm>>
        tpu.enqueue_indirect_dma source(%dma_start3A_367 : memref<40000x128xf32, #tpu.memory_space<hbm>>) target(%arg13 : memref<40x128xf32, #tpu.memory_space<vmem>>) offsets(%dma_start3A_364 : memref<40xi32, #tpu.memory_space<vmem>>) semaphore(%arg20 : memref<!tpu.dma_semaphore, #tpu.memory_space<semaphore_mem>>)
      } else {
      }
    }
    %scan3A_181 = arith.constant 16 : i32
    %add3A_182 = arith.constant 7680 : i32
    %add3A_183 = arith.addi %mul3A_2, %add3A_182 : i32
    %dma_wait3A_184 = tpu.memref_slice %arg3[%add3A_183] : memref<327680xi32, #tpu.memory_space<hbm>> -> memref<2560xi32, #tpu.memory_space<hbm>>
    %dma_wait3A_185 = tpu.memref_slice %arg3[%add3A_183] : memref<327680xi32, #tpu.memory_space<hbm>> -> memref<2560xi32, #tpu.memory_space<hbm>>
    tpu.wait_dma2 semaphore(%arg16 : memref<!tpu.dma_semaphore, #tpu.memory_space<semaphore_mem>>) src(%dma_wait3A_185 : memref<2560xi32, #tpu.memory_space<hbm>>) dst(%arg7 : memref<2560xi32, #tpu.memory_space<vmem>>)
    %add3A_186 = arith.constant 7680 : i32
    %add3A_187 = arith.addi %mul3A_2, %add3A_186 : i32
    %dma_wait3A_188 = tpu.memref_slice %arg4[%add3A_187] : memref<327680xi32, #tpu.memory_space<hbm>> -> memref<2560xi32, #tpu.memory_space<hbm>>
    %dma_wait3A_189 = tpu.memref_slice %arg4[%add3A_187] : memref<327680xi32, #tpu.memory_space<hbm>> -> memref<2560xi32, #tpu.memory_space<hbm>>
    tpu.wait_dma2 semaphore(%arg16 : memref<!tpu.dma_semaphore, #tpu.memory_space<semaphore_mem>>) src(%dma_wait3A_189 : memref<2560xi32, #tpu.memory_space<hbm>>) dst(%arg9 : memref<2560xi32, #tpu.memory_space<vmem>>)
    %dma_wait3A_190 = arith.constant 0 : i32
    %dma_wait3A_191 = tpu.memref_slice %arg9[%dma_wait3A_190] : memref<2560xi32, #tpu.memory_space<vmem>> -> memref<40xi32, #tpu.memory_space<vmem>>
    %dma_wait3A_192 = arith.constant 0 : i32
    %dma_wait3A_193 = arith.constant 0 : i32
    %dma_wait3A_194 = tpu.memref_slice %arg14[%dma_wait3A_192, %dma_wait3A_193] : memref<10240x128xf32, #tpu.memory_space<vmem_shared>> -> memref<10240x128xf32, #tpu.memory_space<vmem_shared>>
    tpu.wait_indirect_dma semaphore(%arg21 : memref<!tpu.dma_semaphore, #tpu.memory_space<semaphore_mem>>) src(%arg10 : memref<40x128xf32, #tpu.memory_space<vmem>>) dst(%dma_wait3A_194 : memref<10240x128xf32, #tpu.memory_space<vmem_shared>>)
    %dma_start3A_195 = arith.constant 0 : i32
    %dma_start3A_196 = tpu.memref_slice %arg7[%dma_start3A_195] : memref<2560xi32, #tpu.memory_space<vmem>> -> memref<40xi32, #tpu.memory_space<vmem>>
    %dma_start3A_197 = arith.constant 0 : i32
    %dma_start3A_198 = arith.constant 0 : i32
    %dma_start3A_199 = tpu.memref_slice %arg2[%dma_start3A_197, %dma_start3A_198] : memref<40000x128xf32, #tpu.memory_space<hbm>> -> memref<40000x128xf32, #tpu.memory_space<hbm>>
    tpu.enqueue_indirect_dma source(%dma_start3A_199 : memref<40000x128xf32, #tpu.memory_space<hbm>>) target(%arg10 : memref<40x128xf32, #tpu.memory_space<vmem>>) offsets(%dma_start3A_196 : memref<40xi32, #tpu.memory_space<vmem>>) semaphore(%arg17 : memref<!tpu.dma_semaphore, #tpu.memory_space<semaphore_mem>>)
    %dma_wait3A_200 = arith.constant 0 : i32
    %dma_wait3A_201 = tpu.memref_slice %arg9[%dma_wait3A_200] : memref<2560xi32, #tpu.memory_space<vmem>> -> memref<40xi32, #tpu.memory_space<vmem>>
    %dma_wait3A_202 = arith.constant 0 : i32
    %dma_wait3A_203 = arith.constant 0 : i32
    %dma_wait3A_204 = tpu.memref_slice %arg14[%dma_wait3A_202, %dma_wait3A_203] : memref<10240x128xf32, #tpu.memory_space<vmem_shared>> -> memref<10240x128xf32, #tpu.memory_space<vmem_shared>>
    tpu.wait_indirect_dma semaphore(%arg22 : memref<!tpu.dma_semaphore, #tpu.memory_space<semaphore_mem>>) src(%arg11 : memref<40x128xf32, #tpu.memory_space<vmem>>) dst(%dma_wait3A_204 : memref<10240x128xf32, #tpu.memory_space<vmem_shared>>)
    %dma_start3A_205 = arith.constant 40 : i32
    %dma_start3A_206 = tpu.memref_slice %arg7[%dma_start3A_205] : memref<2560xi32, #tpu.memory_space<vmem>> -> memref<40xi32, #tpu.memory_space<vmem>>
    %dma_start3A_207 = arith.constant 0 : i32
    %dma_start3A_208 = arith.constant 0 : i32
    %dma_start3A_209 = tpu.memref_slice %arg2[%dma_start3A_207, %dma_start3A_208] : memref<40000x128xf32, #tpu.memory_space<hbm>> -> memref<40000x128xf32, #tpu.memory_space<hbm>>
    tpu.enqueue_indirect_dma source(%dma_start3A_209 : memref<40000x128xf32, #tpu.memory_space<hbm>>) target(%arg11 : memref<40x128xf32, #tpu.memory_space<vmem>>) offsets(%dma_start3A_206 : memref<40xi32, #tpu.memory_space<vmem>>) semaphore(%arg18 : memref<!tpu.dma_semaphore, #tpu.memory_space<semaphore_mem>>)
    %dma_wait3A_210 = arith.constant 0 : i32
    %dma_wait3A_211 = tpu.memref_slice %arg9[%dma_wait3A_210] : memref<2560xi32, #tpu.memory_space<vmem>> -> memref<40xi32, #tpu.memory_space<vmem>>
    %dma_wait3A_212 = arith.constant 0 : i32
    %dma_wait3A_213 = arith.constant 0 : i32
    %dma_wait3A_214 = tpu.memref_slice %arg14[%dma_wait3A_212, %dma_wait3A_213] : memref<10240x128xf32, #tpu.memory_space<vmem_shared>> -> memref<10240x128xf32, #tpu.memory_space<vmem_shared>>
    tpu.wait_indirect_dma semaphore(%arg23 : memref<!tpu.dma_semaphore, #tpu.memory_space<semaphore_mem>>) src(%arg12 : memref<40x128xf32, #tpu.memory_space<vmem>>) dst(%dma_wait3A_214 : memref<10240x128xf32, #tpu.memory_space<vmem_shared>>)
    %dma_start3A_215 = arith.constant 80 : i32
    %dma_start3A_216 = tpu.memref_slice %arg7[%dma_start3A_215] : memref<2560xi32, #tpu.memory_space<vmem>> -> memref<40xi32, #tpu.memory_space<vmem>>
    %dma_start3A_217 = arith.constant 0 : i32
    %dma_start3A_218 = arith.constant 0 : i32
    %dma_start3A_219 = tpu.memref_slice %arg2[%dma_start3A_217, %dma_start3A_218] : memref<40000x128xf32, #tpu.memory_space<hbm>> -> memref<40000x128xf32, #tpu.memory_space<hbm>>
    tpu.enqueue_indirect_dma source(%dma_start3A_219 : memref<40000x128xf32, #tpu.memory_space<hbm>>) target(%arg12 : memref<40x128xf32, #tpu.memory_space<vmem>>) offsets(%dma_start3A_216 : memref<40xi32, #tpu.memory_space<vmem>>) semaphore(%arg19 : memref<!tpu.dma_semaphore, #tpu.memory_space<semaphore_mem>>)
    %dma_wait3A_220 = arith.constant 0 : i32
    %dma_wait3A_221 = tpu.memref_slice %arg9[%dma_wait3A_220] : memref<2560xi32, #tpu.memory_space<vmem>> -> memref<40xi32, #tpu.memory_space<vmem>>
    %dma_wait3A_222 = arith.constant 0 : i32
    %dma_wait3A_223 = arith.constant 0 : i32
    %dma_wait3A_224 = tpu.memref_slice %arg14[%dma_wait3A_222, %dma_wait3A_223] : memref<10240x128xf32, #tpu.memory_space<vmem_shared>> -> memref<10240x128xf32, #tpu.memory_space<vmem_shared>>
    tpu.wait_indirect_dma semaphore(%arg24 : memref<!tpu.dma_semaphore, #tpu.memory_space<semaphore_mem>>) src(%arg13 : memref<40x128xf32, #tpu.memory_space<vmem>>) dst(%dma_wait3A_224 : memref<10240x128xf32, #tpu.memory_space<vmem_shared>>)
    %dma_start3A_225 = arith.constant 120 : i32
    %dma_start3A_226 = tpu.memref_slice %arg7[%dma_start3A_225] : memref<2560xi32, #tpu.memory_space<vmem>> -> memref<40xi32, #tpu.memory_space<vmem>>
    %dma_start3A_227 = arith.constant 0 : i32
    %dma_start3A_228 = arith.constant 0 : i32
    %dma_start3A_229 = tpu.memref_slice %arg2[%dma_start3A_227, %dma_start3A_228] : memref<40000x128xf32, #tpu.memory_space<hbm>> -> memref<40000x128xf32, #tpu.memory_space<hbm>>
    tpu.enqueue_indirect_dma source(%dma_start3A_229 : memref<40000x128xf32, #tpu.memory_space<hbm>>) target(%arg13 : memref<40x128xf32, #tpu.memory_space<vmem>>) offsets(%dma_start3A_226 : memref<40xi32, #tpu.memory_space<vmem>>) semaphore(%arg20 : memref<!tpu.dma_semaphore, #tpu.memory_space<semaphore_mem>>)
    %scan3A_230 = arith.constant 0 : i32
    %scan3A_231 = arith.constant 16 : i32
    %scan3A_232 = arith.addi %scan3A_230, %scan3A_231 : i32
    %scan3A_233 = arith.constant 1 : i32
    scf.for %scan3A_261 = %scan3A_230 to %scan3A_232 step %scan3A_233  : i32 {
      %mul3A_262 = arith.constant 1 : i32
      %mul3A_263 = arith.muli %scan3A_261, %mul3A_262 : i32
      %add3A_264 = arith.constant 0 : i32
      %add3A_265 = arith.addi %add3A_264, %mul3A_263 : i32
      %mul3A_266 = arith.constant 4 : i32
      %mul3A_267 = arith.muli %add3A_265, %mul3A_266 : i32
      %add3A_268 = arith.constant 0 : i32
      %add3A_269 = arith.addi %mul3A_267, %add3A_268 : i32
      %mul3A_270 = arith.constant 40 : i32
      %mul3A_271 = arith.muli %add3A_269, %mul3A_270 : i32
      %dma_wait3A_272 = tpu.memref_slice %arg7[%mul3A_271] : memref<2560xi32, #tpu.memory_space<vmem>> -> memref<40xi32, #tpu.memory_space<vmem>>
      %dma_wait3A_273 = arith.constant 0 : i32
      %dma_wait3A_274 = arith.constant 0 : i32
      %dma_wait3A_275 = tpu.memref_slice %arg2[%dma_wait3A_273, %dma_wait3A_274] : memref<40000x128xf32, #tpu.memory_space<hbm>> -> memref<40000x128xf32, #tpu.memory_space<hbm>>
      tpu.wait_indirect_dma semaphore(%arg17 : memref<!tpu.dma_semaphore, #tpu.memory_space<semaphore_mem>>) src(%dma_wait3A_275 : memref<40000x128xf32, #tpu.memory_space<hbm>>) dst(%arg10 : memref<40x128xf32, #tpu.memory_space<vmem>>)
      %mul3A_276 = arith.constant 40 : i32
      %mul3A_277 = arith.muli %add3A_269, %mul3A_276 : i32
      %dma_start3A_278 = tpu.memref_slice %arg9[%mul3A_277] : memref<2560xi32, #tpu.memory_space<vmem>> -> memref<40xi32, #tpu.memory_space<vmem>>
      %dma_start3A_279 = arith.constant 0 : i32
      %dma_start3A_280 = arith.constant 0 : i32
      %dma_start3A_281 = tpu.memref_slice %arg14[%dma_start3A_279, %dma_start3A_280] : memref<10240x128xf32, #tpu.memory_space<vmem_shared>> -> memref<10240x128xf32, #tpu.memory_space<vmem_shared>>
      tpu.enqueue_indirect_dma source(%arg10 : memref<40x128xf32, #tpu.memory_space<vmem>>) target(%dma_start3A_281 : memref<10240x128xf32, #tpu.memory_space<vmem_shared>>) offsets(%dma_start3A_278 : memref<40xi32, #tpu.memory_space<vmem>>) semaphore(%arg21 : memref<!tpu.dma_semaphore, #tpu.memory_space<semaphore_mem>>) {add = true}
      %add3A_282 = arith.constant 4 : i32
      %add3A_283 = arith.addi %add3A_269, %add3A_282 : i32
      %lt3A = arith.constant 64 : i32
      %lt3A_284 = arith.cmpi slt, %add3A_283, %lt3A : i32
      %convert_element_type3A = arith.extui %lt3A_284 : i1 to i32
      %cond3A = arith.constant 0 : i32
      %cond3A_285 = arith.cmpi ne, %convert_element_type3A, %cond3A : i32
      scf.if %cond3A_285 {
        %dma_wait3A_355 = arith.constant 0 : i32
        %dma_wait3A_356 = tpu.memref_slice %arg9[%dma_wait3A_355] : memref<2560xi32, #tpu.memory_space<vmem>> -> memref<40xi32, #tpu.memory_space<vmem>>
        %dma_wait3A_357 = arith.constant 0 : i32
        %dma_wait3A_358 = arith.constant 0 : i32
        %dma_wait3A_359 = tpu.memref_slice %arg14[%dma_wait3A_357, %dma_wait3A_358] : memref<10240x128xf32, #tpu.memory_space<vmem_shared>> -> memref<10240x128xf32, #tpu.memory_space<vmem_shared>>
        tpu.wait_indirect_dma semaphore(%arg21 : memref<!tpu.dma_semaphore, #tpu.memory_space<semaphore_mem>>) src(%arg10 : memref<40x128xf32, #tpu.memory_space<vmem>>) dst(%dma_wait3A_359 : memref<10240x128xf32, #tpu.memory_space<vmem_shared>>)
        %add3A_360 = arith.constant 4 : i32
        %add3A_361 = arith.addi %add3A_269, %add3A_360 : i32
        %mul3A_362 = arith.constant 40 : i32
        %mul3A_363 = arith.muli %add3A_361, %mul3A_362 : i32
        %dma_start3A_364 = tpu.memref_slice %arg7[%mul3A_363] : memref<2560xi32, #tpu.memory_space<vmem>> -> memref<40xi32, #tpu.memory_space<vmem>>
        %dma_start3A_365 = arith.constant 0 : i32
        %dma_start3A_366 = arith.constant 0 : i32
        %dma_start3A_367 = tpu.memref_slice %arg2[%dma_start3A_365, %dma_start3A_366] : memref<40000x128xf32, #tpu.memory_space<hbm>> -> memref<40000x128xf32, #tpu.memory_space<hbm>>
        tpu.enqueue_indirect_dma source(%dma_start3A_367 : memref<40000x128xf32, #tpu.memory_space<hbm>>) target(%arg10 : memref<40x128xf32, #tpu.memory_space<vmem>>) offsets(%dma_start3A_364 : memref<40xi32, #tpu.memory_space<vmem>>) semaphore(%arg17 : memref<!tpu.dma_semaphore, #tpu.memory_space<semaphore_mem>>)
      } else {
      }
      %mul3A_286 = arith.constant 4 : i32
      %mul3A_287 = arith.muli %add3A_265, %mul3A_286 : i32
      %add3A_288 = arith.constant 1 : i32
      %add3A_289 = arith.addi %mul3A_287, %add3A_288 : i32
      %mul3A_290 = arith.constant 40 : i32
      %mul3A_291 = arith.muli %add3A_289, %mul3A_290 : i32
      %dma_wait3A_292 = tpu.memref_slice %arg7[%mul3A_291] : memref<2560xi32, #tpu.memory_space<vmem>> -> memref<40xi32, #tpu.memory_space<vmem>>
      %dma_wait3A_293 = arith.constant 0 : i32
      %dma_wait3A_294 = arith.constant 0 : i32
      %dma_wait3A_295 = tpu.memref_slice %arg2[%dma_wait3A_293, %dma_wait3A_294] : memref<40000x128xf32, #tpu.memory_space<hbm>> -> memref<40000x128xf32, #tpu.memory_space<hbm>>
      tpu.wait_indirect_dma semaphore(%arg18 : memref<!tpu.dma_semaphore, #tpu.memory_space<semaphore_mem>>) src(%dma_wait3A_295 : memref<40000x128xf32, #tpu.memory_space<hbm>>) dst(%arg11 : memref<40x128xf32, #tpu.memory_space<vmem>>)
      %mul3A_296 = arith.constant 40 : i32
      %mul3A_297 = arith.muli %add3A_289, %mul3A_296 : i32
      %dma_start3A_298 = tpu.memref_slice %arg9[%mul3A_297] : memref<2560xi32, #tpu.memory_space<vmem>> -> memref<40xi32, #tpu.memory_space<vmem>>
      %dma_start3A_299 = arith.constant 0 : i32
      %dma_start3A_300 = arith.constant 0 : i32
      %dma_start3A_301 = tpu.memref_slice %arg14[%dma_start3A_299, %dma_start3A_300] : memref<10240x128xf32, #tpu.memory_space<vmem_shared>> -> memref<10240x128xf32, #tpu.memory_space<vmem_shared>>
      tpu.enqueue_indirect_dma source(%arg11 : memref<40x128xf32, #tpu.memory_space<vmem>>) target(%dma_start3A_301 : memref<10240x128xf32, #tpu.memory_space<vmem_shared>>) offsets(%dma_start3A_298 : memref<40xi32, #tpu.memory_space<vmem>>) semaphore(%arg22 : memref<!tpu.dma_semaphore, #tpu.memory_space<semaphore_mem>>) {add = true}
      %add3A_302 = arith.constant 4 : i32
      %add3A_303 = arith.addi %add3A_289, %add3A_302 : i32
      %lt3A_304 = arith.constant 64 : i32
      %lt3A_305 = arith.cmpi slt, %add3A_303, %lt3A_304 : i32
      %convert_element_type3A_306 = arith.extui %lt3A_305 : i1 to i32
      %cond3A_307 = arith.constant 0 : i32
      %cond3A_308 = arith.cmpi ne, %convert_element_type3A_306, %cond3A_307 : i32
      scf.if %cond3A_308 {
        %dma_wait3A_355 = arith.constant 0 : i32
        %dma_wait3A_356 = tpu.memref_slice %arg9[%dma_wait3A_355] : memref<2560xi32, #tpu.memory_space<vmem>> -> memref<40xi32, #tpu.memory_space<vmem>>
        %dma_wait3A_357 = arith.constant 0 : i32
        %dma_wait3A_358 = arith.constant 0 : i32
        %dma_wait3A_359 = tpu.memref_slice %arg14[%dma_wait3A_357, %dma_wait3A_358] : memref<10240x128xf32, #tpu.memory_space<vmem_shared>> -> memref<10240x128xf32, #tpu.memory_space<vmem_shared>>
        tpu.wait_indirect_dma semaphore(%arg22 : memref<!tpu.dma_semaphore, #tpu.memory_space<semaphore_mem>>) src(%arg11 : memref<40x128xf32, #tpu.memory_space<vmem>>) dst(%dma_wait3A_359 : memref<10240x128xf32, #tpu.memory_space<vmem_shared>>)
        %add3A_360 = arith.constant 4 : i32
        %add3A_361 = arith.addi %add3A_289, %add3A_360 : i32
        %mul3A_362 = arith.constant 40 : i32
        %mul3A_363 = arith.muli %add3A_361, %mul3A_362 : i32
        %dma_start3A_364 = tpu.memref_slice %arg7[%mul3A_363] : memref<2560xi32, #tpu.memory_space<vmem>> -> memref<40xi32, #tpu.memory_space<vmem>>
        %dma_start3A_365 = arith.constant 0 : i32
        %dma_start3A_366 = arith.constant 0 : i32
        %dma_start3A_367 = tpu.memref_slice %arg2[%dma_start3A_365, %dma_start3A_366] : memref<40000x128xf32, #tpu.memory_space<hbm>> -> memref<40000x128xf32, #tpu.memory_space<hbm>>
        tpu.enqueue_indirect_dma source(%dma_start3A_367 : memref<40000x128xf32, #tpu.memory_space<hbm>>) target(%arg11 : memref<40x128xf32, #tpu.memory_space<vmem>>) offsets(%dma_start3A_364 : memref<40xi32, #tpu.memory_space<vmem>>) semaphore(%arg18 : memref<!tpu.dma_semaphore, #tpu.memory_space<semaphore_mem>>)
      } else {
      }
      %mul3A_309 = arith.constant 4 : i32
      %mul3A_310 = arith.muli %add3A_265, %mul3A_309 : i32
      %add3A_311 = arith.constant 2 : i32
      %add3A_312 = arith.addi %mul3A_310, %add3A_311 : i32
      %mul3A_313 = arith.constant 40 : i32
      %mul3A_314 = arith.muli %add3A_312, %mul3A_313 : i32
      %dma_wait3A_315 = tpu.memref_slice %arg7[%mul3A_314] : memref<2560xi32, #tpu.memory_space<vmem>> -> memref<40xi32, #tpu.memory_space<vmem>>
      %dma_wait3A_316 = arith.constant 0 : i32
      %dma_wait3A_317 = arith.constant 0 : i32
      %dma_wait3A_318 = tpu.memref_slice %arg2[%dma_wait3A_316, %dma_wait3A_317] : memref<40000x128xf32, #tpu.memory_space<hbm>> -> memref<40000x128xf32, #tpu.memory_space<hbm>>
      tpu.wait_indirect_dma semaphore(%arg19 : memref<!tpu.dma_semaphore, #tpu.memory_space<semaphore_mem>>) src(%dma_wait3A_318 : memref<40000x128xf32, #tpu.memory_space<hbm>>) dst(%arg12 : memref<40x128xf32, #tpu.memory_space<vmem>>)
      %mul3A_319 = arith.constant 40 : i32
      %mul3A_320 = arith.muli %add3A_312, %mul3A_319 : i32
      %dma_start3A_321 = tpu.memref_slice %arg9[%mul3A_320] : memref<2560xi32, #tpu.memory_space<vmem>> -> memref<40xi32, #tpu.memory_space<vmem>>
      %dma_start3A_322 = arith.constant 0 : i32
      %dma_start3A_323 = arith.constant 0 : i32
      %dma_start3A_324 = tpu.memref_slice %arg14[%dma_start3A_322, %dma_start3A_323] : memref<10240x128xf32, #tpu.memory_space<vmem_shared>> -> memref<10240x128xf32, #tpu.memory_space<vmem_shared>>
      tpu.enqueue_indirect_dma source(%arg12 : memref<40x128xf32, #tpu.memory_space<vmem>>) target(%dma_start3A_324 : memref<10240x128xf32, #tpu.memory_space<vmem_shared>>) offsets(%dma_start3A_321 : memref<40xi32, #tpu.memory_space<vmem>>) semaphore(%arg23 : memref<!tpu.dma_semaphore, #tpu.memory_space<semaphore_mem>>) {add = true}
      %add3A_325 = arith.constant 4 : i32
      %add3A_326 = arith.addi %add3A_312, %add3A_325 : i32
      %lt3A_327 = arith.constant 64 : i32
      %lt3A_328 = arith.cmpi slt, %add3A_326, %lt3A_327 : i32
      %convert_element_type3A_329 = arith.extui %lt3A_328 : i1 to i32
      %cond3A_330 = arith.constant 0 : i32
      %cond3A_331 = arith.cmpi ne, %convert_element_type3A_329, %cond3A_330 : i32
      scf.if %cond3A_331 {
        %dma_wait3A_355 = arith.constant 0 : i32
        %dma_wait3A_356 = tpu.memref_slice %arg9[%dma_wait3A_355] : memref<2560xi32, #tpu.memory_space<vmem>> -> memref<40xi32, #tpu.memory_space<vmem>>
        %dma_wait3A_357 = arith.constant 0 : i32
        %dma_wait3A_358 = arith.constant 0 : i32
        %dma_wait3A_359 = tpu.memref_slice %arg14[%dma_wait3A_357, %dma_wait3A_358] : memref<10240x128xf32, #tpu.memory_space<vmem_shared>> -> memref<10240x128xf32, #tpu.memory_space<vmem_shared>>
        tpu.wait_indirect_dma semaphore(%arg23 : memref<!tpu.dma_semaphore, #tpu.memory_space<semaphore_mem>>) src(%arg12 : memref<40x128xf32, #tpu.memory_space<vmem>>) dst(%dma_wait3A_359 : memref<10240x128xf32, #tpu.memory_space<vmem_shared>>)
        %add3A_360 = arith.constant 4 : i32
        %add3A_361 = arith.addi %add3A_312, %add3A_360 : i32
        %mul3A_362 = arith.constant 40 : i32
        %mul3A_363 = arith.muli %add3A_361, %mul3A_362 : i32
        %dma_start3A_364 = tpu.memref_slice %arg7[%mul3A_363] : memref<2560xi32, #tpu.memory_space<vmem>> -> memref<40xi32, #tpu.memory_space<vmem>>
        %dma_start3A_365 = arith.constant 0 : i32
        %dma_start3A_366 = arith.constant 0 : i32
        %dma_start3A_367 = tpu.memref_slice %arg2[%dma_start3A_365, %dma_start3A_366] : memref<40000x128xf32, #tpu.memory_space<hbm>> -> memref<40000x128xf32, #tpu.memory_space<hbm>>
        tpu.enqueue_indirect_dma source(%dma_start3A_367 : memref<40000x128xf32, #tpu.memory_space<hbm>>) target(%arg12 : memref<40x128xf32, #tpu.memory_space<vmem>>) offsets(%dma_start3A_364 : memref<40xi32, #tpu.memory_space<vmem>>) semaphore(%arg19 : memref<!tpu.dma_semaphore, #tpu.memory_space<semaphore_mem>>)
      } else {
      }
      %mul3A_332 = arith.constant 4 : i32
      %mul3A_333 = arith.muli %add3A_265, %mul3A_332 : i32
      %add3A_334 = arith.constant 3 : i32
      %add3A_335 = arith.addi %mul3A_333, %add3A_334 : i32
      %mul3A_336 = arith.constant 40 : i32
      %mul3A_337 = arith.muli %add3A_335, %mul3A_336 : i32
      %dma_wait3A_338 = tpu.memref_slice %arg7[%mul3A_337] : memref<2560xi32, #tpu.memory_space<vmem>> -> memref<40xi32, #tpu.memory_space<vmem>>
      %dma_wait3A_339 = arith.constant 0 : i32
      %dma_wait3A_340 = arith.constant 0 : i32
      %dma_wait3A_341 = tpu.memref_slice %arg2[%dma_wait3A_339, %dma_wait3A_340] : memref<40000x128xf32, #tpu.memory_space<hbm>> -> memref<40000x128xf32, #tpu.memory_space<hbm>>
      tpu.wait_indirect_dma semaphore(%arg20 : memref<!tpu.dma_semaphore, #tpu.memory_space<semaphore_mem>>) src(%dma_wait3A_341 : memref<40000x128xf32, #tpu.memory_space<hbm>>) dst(%arg13 : memref<40x128xf32, #tpu.memory_space<vmem>>)
      %mul3A_342 = arith.constant 40 : i32
      %mul3A_343 = arith.muli %add3A_335, %mul3A_342 : i32
      %dma_start3A_344 = tpu.memref_slice %arg9[%mul3A_343] : memref<2560xi32, #tpu.memory_space<vmem>> -> memref<40xi32, #tpu.memory_space<vmem>>
      %dma_start3A_345 = arith.constant 0 : i32
      %dma_start3A_346 = arith.constant 0 : i32
      %dma_start3A_347 = tpu.memref_slice %arg14[%dma_start3A_345, %dma_start3A_346] : memref<10240x128xf32, #tpu.memory_space<vmem_shared>> -> memref<10240x128xf32, #tpu.memory_space<vmem_shared>>
      tpu.enqueue_indirect_dma source(%arg13 : memref<40x128xf32, #tpu.memory_space<vmem>>) target(%dma_start3A_347 : memref<10240x128xf32, #tpu.memory_space<vmem_shared>>) offsets(%dma_start3A_344 : memref<40xi32, #tpu.memory_space<vmem>>) semaphore(%arg24 : memref<!tpu.dma_semaphore, #tpu.memory_space<semaphore_mem>>) {add = true}
      %add3A_348 = arith.constant 4 : i32
      %add3A_349 = arith.addi %add3A_335, %add3A_348 : i32
      %lt3A_350 = arith.constant 64 : i32
      %lt3A_351 = arith.cmpi slt, %add3A_349, %lt3A_350 : i32
      %convert_element_type3A_352 = arith.extui %lt3A_351 : i1 to i32
      %cond3A_353 = arith.constant 0 : i32
      %cond3A_354 = arith.cmpi ne, %convert_element_type3A_352, %cond3A_353 : i32
      scf.if %cond3A_354 {
        %dma_wait3A_355 = arith.constant 0 : i32
        %dma_wait3A_356 = tpu.memref_slice %arg9[%dma_wait3A_355] : memref<2560xi32, #tpu.memory_space<vmem>> -> memref<40xi32, #tpu.memory_space<vmem>>
        %dma_wait3A_357 = arith.constant 0 : i32
        %dma_wait3A_358 = arith.constant 0 : i32
        %dma_wait3A_359 = tpu.memref_slice %arg14[%dma_wait3A_357, %dma_wait3A_358] : memref<10240x128xf32, #tpu.memory_space<vmem_shared>> -> memref<10240x128xf32, #tpu.memory_space<vmem_shared>>
        tpu.wait_indirect_dma semaphore(%arg24 : memref<!tpu.dma_semaphore, #tpu.memory_space<semaphore_mem>>) src(%arg13 : memref<40x128xf32, #tpu.memory_space<vmem>>) dst(%dma_wait3A_359 : memref<10240x128xf32, #tpu.memory_space<vmem_shared>>)
        %add3A_360 = arith.constant 4 : i32
        %add3A_361 = arith.addi %add3A_335, %add3A_360 : i32
        %mul3A_362 = arith.constant 40 : i32
        %mul3A_363 = arith.muli %add3A_361, %mul3A_362 : i32
        %dma_start3A_364 = tpu.memref_slice %arg7[%mul3A_363] : memref<2560xi32, #tpu.memory_space<vmem>> -> memref<40xi32, #tpu.memory_space<vmem>>
        %dma_start3A_365 = arith.constant 0 : i32
        %dma_start3A_366 = arith.constant 0 : i32
        %dma_start3A_367 = tpu.memref_slice %arg2[%dma_start3A_365, %dma_start3A_366] : memref<40000x128xf32, #tpu.memory_space<hbm>> -> memref<40000x128xf32, #tpu.memory_space<hbm>>
        tpu.enqueue_indirect_dma source(%dma_start3A_367 : memref<40000x128xf32, #tpu.memory_space<hbm>>) target(%arg13 : memref<40x128xf32, #tpu.memory_space<vmem>>) offsets(%dma_start3A_364 : memref<40xi32, #tpu.memory_space<vmem>>) semaphore(%arg20 : memref<!tpu.dma_semaphore, #tpu.memory_space<semaphore_mem>>)
      } else {
      }
    }
    %scan3A_234 = arith.constant 16 : i32
    %dma_wait3A_235 = arith.constant 0 : i32
    %dma_wait3A_236 = tpu.memref_slice %arg9[%dma_wait3A_235] : memref<2560xi32, #tpu.memory_space<vmem>> -> memref<40xi32, #tpu.memory_space<vmem>>
    %dma_wait3A_237 = arith.constant 0 : i32
    %dma_wait3A_238 = arith.constant 0 : i32
    %dma_wait3A_239 = tpu.memref_slice %arg14[%dma_wait3A_237, %dma_wait3A_238] : memref<10240x128xf32, #tpu.memory_space<vmem_shared>> -> memref<10240x128xf32, #tpu.memory_space<vmem_shared>>
    tpu.wait_indirect_dma semaphore(%arg21 : memref<!tpu.dma_semaphore, #tpu.memory_space<semaphore_mem>>) src(%arg10 : memref<40x128xf32, #tpu.memory_space<vmem>>) dst(%dma_wait3A_239 : memref<10240x128xf32, #tpu.memory_space<vmem_shared>>)
    %dma_wait3A_240 = arith.constant 0 : i32
    %dma_wait3A_241 = tpu.memref_slice %arg9[%dma_wait3A_240] : memref<2560xi32, #tpu.memory_space<vmem>> -> memref<40xi32, #tpu.memory_space<vmem>>
    %dma_wait3A_242 = arith.constant 0 : i32
    %dma_wait3A_243 = arith.constant 0 : i32
    %dma_wait3A_244 = tpu.memref_slice %arg14[%dma_wait3A_242, %dma_wait3A_243] : memref<10240x128xf32, #tpu.memory_space<vmem_shared>> -> memref<10240x128xf32, #tpu.memory_space<vmem_shared>>
    tpu.wait_indirect_dma semaphore(%arg22 : memref<!tpu.dma_semaphore, #tpu.memory_space<semaphore_mem>>) src(%arg11 : memref<40x128xf32, #tpu.memory_space<vmem>>) dst(%dma_wait3A_244 : memref<10240x128xf32, #tpu.memory_space<vmem_shared>>)
    %dma_wait3A_245 = arith.constant 0 : i32
    %dma_wait3A_246 = tpu.memref_slice %arg9[%dma_wait3A_245] : memref<2560xi32, #tpu.memory_space<vmem>> -> memref<40xi32, #tpu.memory_space<vmem>>
    %dma_wait3A_247 = arith.constant 0 : i32
    %dma_wait3A_248 = arith.constant 0 : i32
    %dma_wait3A_249 = tpu.memref_slice %arg14[%dma_wait3A_247, %dma_wait3A_248] : memref<10240x128xf32, #tpu.memory_space<vmem_shared>> -> memref<10240x128xf32, #tpu.memory_space<vmem_shared>>
    tpu.wait_indirect_dma semaphore(%arg23 : memref<!tpu.dma_semaphore, #tpu.memory_space<semaphore_mem>>) src(%arg12 : memref<40x128xf32, #tpu.memory_space<vmem>>) dst(%dma_wait3A_249 : memref<10240x128xf32, #tpu.memory_space<vmem_shared>>)
    %dma_wait3A_250 = arith.constant 0 : i32
    %dma_wait3A_251 = tpu.memref_slice %arg9[%dma_wait3A_250] : memref<2560xi32, #tpu.memory_space<vmem>> -> memref<40xi32, #tpu.memory_space<vmem>>
    %dma_wait3A_252 = arith.constant 0 : i32
    %dma_wait3A_253 = arith.constant 0 : i32
    %dma_wait3A_254 = tpu.memref_slice %arg14[%dma_wait3A_252, %dma_wait3A_253] : memref<10240x128xf32, #tpu.memory_space<vmem_shared>> -> memref<10240x128xf32, #tpu.memory_space<vmem_shared>>
    tpu.wait_indirect_dma semaphore(%arg24 : memref<!tpu.dma_semaphore, #tpu.memory_space<semaphore_mem>>) src(%arg13 : memref<40x128xf32, #tpu.memory_space<vmem>>) dst(%dma_wait3A_254 : memref<10240x128xf32, #tpu.memory_space<vmem_shared>>)
    %barrier3A_255 = arith.constant 0 : index
    tpu.barrier barrier_id(%barrier3A_255)
    %scan3A_256 = arith.constant 0 : i32
    %scan3A_257 = arith.constant 16 : i32
    %scan3A_258 = arith.addi %scan3A_256, %scan3A_257 : i32
    %scan3A_259 = arith.constant 1 : i32
    scf.for %scan3A_261 = %scan3A_256 to %scan3A_258 step %scan3A_259  : i32 {
      %mul3A_262 = arith.constant 1 : i32
      %mul3A_263 = arith.muli %scan3A_261, %mul3A_262 : i32
      %add3A_264 = arith.constant 0 : i32
      %add3A_265 = arith.addi %add3A_264, %mul3A_263 : i32
      %mul3A_266 = arith.constant 640 : i32
      %mul3A_267 = arith.muli %arg1, %mul3A_266 : i32
      %mul3A_268 = arith.constant 40 : i32
      %mul3A_269 = arith.muli %add3A_265, %mul3A_268 : i32
      %add3A_270 = arith.addi %mul3A_267, %mul3A_269 : i32
      "tpu.region"() ({
        %run_scoped3A = tpu.sem_alloc : memref<!tpu.dma_semaphore, #tpu.memory_space<semaphore_mem>>
        %dma_start3A_271 = arith.constant 0 : i32
        %dma_start3A_272 = arith.constant 0 : i32
        %dma_start3A_273 = tpu.memref_slice %arg10[%dma_start3A_271, %dma_start3A_272] : memref<40x128xf32, #tpu.memory_space<vmem>> -> memref<40x128xf32, #tpu.memory_space<vmem>>
        %dma_start3A_274 = arith.constant 0 : i32
        %dma_start3A_275 = tpu.memref_slice %arg14[%add3A_270, %dma_start3A_274] : memref<10240x128xf32, #tpu.memory_space<vmem_shared>> -> memref<40x128xf32, #tpu.memory_space<vmem_shared>>
        %dma_start3A_276 = arith.constant 0 : i32
        %dma_start3A_277 = arith.constant 0 : i32
        %dma_start3A_278 = tpu.memref_slice %arg10[%dma_start3A_276, %dma_start3A_277] : memref<40x128xf32, #tpu.memory_space<vmem>> -> memref<40x128xf32, #tpu.memory_space<vmem>>
        %dma_start3A_279 = arith.constant 0 : i32
        %dma_start3A_280 = tpu.memref_slice %arg14[%add3A_270, %dma_start3A_279] : memref<10240x128xf32, #tpu.memory_space<vmem_shared>> -> memref<40x128xf32, #tpu.memory_space<vmem_shared>>
        tpu.enqueue_dma source(%dma_start3A_280 : memref<40x128xf32, #tpu.memory_space<vmem_shared>>) target(%dma_start3A_278 : memref<40x128xf32, #tpu.memory_space<vmem>>) target_semaphore(%run_scoped3A : memref<!tpu.dma_semaphore, #tpu.memory_space<semaphore_mem>>)
        %dma_wait3A_281 = arith.constant 0 : i32
        %dma_wait3A_282 = arith.constant 0 : i32
        %dma_wait3A_283 = tpu.memref_slice %arg10[%dma_wait3A_281, %dma_wait3A_282] : memref<40x128xf32, #tpu.memory_space<vmem>> -> memref<40x128xf32, #tpu.memory_space<vmem>>
        %dma_wait3A_284 = arith.constant 0 : i32
        %dma_wait3A_285 = tpu.memref_slice %arg14[%add3A_270, %dma_wait3A_284] : memref<10240x128xf32, #tpu.memory_space<vmem_shared>> -> memref<40x128xf32, #tpu.memory_space<vmem_shared>>
        %dma_wait3A_286 = arith.constant 0 : i32
        %dma_wait3A_287 = arith.constant 0 : i32
        %dma_wait3A_288 = tpu.memref_slice %arg10[%dma_wait3A_286, %dma_wait3A_287] : memref<40x128xf32, #tpu.memory_space<vmem>> -> memref<40x128xf32, #tpu.memory_space<vmem>>
        %dma_wait3A_289 = arith.constant 0 : i32
        %dma_wait3A_290 = tpu.memref_slice %arg14[%add3A_270, %dma_wait3A_289] : memref<10240x128xf32, #tpu.memory_space<vmem_shared>> -> memref<40x128xf32, #tpu.memory_space<vmem_shared>>
        tpu.wait_dma2 semaphore(%run_scoped3A : memref<!tpu.dma_semaphore, #tpu.memory_space<semaphore_mem>>) src(%dma_wait3A_290 : memref<40x128xf32, #tpu.memory_space<vmem_shared>>) dst(%dma_wait3A_288 : memref<40x128xf32, #tpu.memory_space<vmem>>)
        tpu.yield
      }) : () -> ()
      "tpu.region"() ({
        %run_scoped3A = tpu.sem_alloc : memref<!tpu.dma_semaphore, #tpu.memory_space<semaphore_mem>>
        %dma_start3A_271 = arith.constant 0 : i32
        %dma_start3A_272 = arith.constant 0 : i32
        %dma_start3A_273 = tpu.memref_slice %arg10[%dma_start3A_271, %dma_start3A_272] : memref<40x128xf32, #tpu.memory_space<vmem>> -> memref<40x128xf32, #tpu.memory_space<vmem>>
        %dma_start3A_274 = arith.constant 0 : i32
        %dma_start3A_275 = tpu.memref_slice %arg5[%arg0, %add3A_270, %dma_start3A_274] : memref<2x10240x128xf32, #tpu.memory_space<hbm>> -> memref<1x40x128xf32, #tpu.memory_space<hbm>>
        %dma_start3A_276 = tpu.memref_squeeze %dma_start3A_275 : memref<1x40x128xf32, #tpu.memory_space<hbm>> -> memref<40x128xf32, #tpu.memory_space<hbm>>
        %dma_start3A_277 = arith.constant 0 : i32
        %dma_start3A_278 = tpu.memref_slice %arg5[%arg0, %add3A_270, %dma_start3A_277] : memref<2x10240x128xf32, #tpu.memory_space<hbm>> -> memref<1x40x128xf32, #tpu.memory_space<hbm>>
        %dma_start3A_279 = tpu.memref_squeeze %dma_start3A_278 : memref<1x40x128xf32, #tpu.memory_space<hbm>> -> memref<40x128xf32, #tpu.memory_space<hbm>>
        %dma_start3A_280 = arith.constant 0 : i32
        %dma_start3A_281 = arith.constant 0 : i32
        %dma_start3A_282 = tpu.memref_slice %arg10[%dma_start3A_280, %dma_start3A_281] : memref<40x128xf32, #tpu.memory_space<vmem>> -> memref<40x128xf32, #tpu.memory_space<vmem>>
        tpu.enqueue_dma source(%dma_start3A_282 : memref<40x128xf32, #tpu.memory_space<vmem>>) target(%dma_start3A_279 : memref<40x128xf32, #tpu.memory_space<hbm>>) target_semaphore(%run_scoped3A : memref<!tpu.dma_semaphore, #tpu.memory_space<semaphore_mem>>)
        %dma_wait3A_283 = arith.constant 0 : i32
        %dma_wait3A_284 = arith.constant 0 : i32
        %dma_wait3A_285 = tpu.memref_slice %arg10[%dma_wait3A_283, %dma_wait3A_284] : memref<40x128xf32, #tpu.memory_space<vmem>> -> memref<40x128xf32, #tpu.memory_space<vmem>>
        %dma_wait3A_286 = arith.constant 0 : i32
        %dma_wait3A_287 = tpu.memref_slice %arg5[%arg0, %add3A_270, %dma_wait3A_286] : memref<2x10240x128xf32, #tpu.memory_space<hbm>> -> memref<1x40x128xf32, #tpu.memory_space<hbm>>
        %dma_wait3A_288 = tpu.memref_squeeze %dma_wait3A_287 : memref<1x40x128xf32, #tpu.memory_space<hbm>> -> memref<40x128xf32, #tpu.memory_space<hbm>>
        %dma_wait3A_289 = arith.constant 0 : i32
        %dma_wait3A_290 = tpu.memref_slice %arg5[%arg0, %add3A_270, %dma_wait3A_289] : memref<2x10240x128xf32, #tpu.memory_space<hbm>> -> memref<1x40x128xf32, #tpu.memory_space<hbm>>
        %dma_wait3A_291 = tpu.memref_squeeze %dma_wait3A_290 : memref<1x40x128xf32, #tpu.memory_space<hbm>> -> memref<40x128xf32, #tpu.memory_space<hbm>>
        %dma_wait3A_292 = arith.constant 0 : i32
        %dma_wait3A_293 = arith.constant 0 : i32
        %dma_wait3A_294 = tpu.memref_slice %arg10[%dma_wait3A_292, %dma_wait3A_293] : memref<40x128xf32, #tpu.memory_space<vmem>> -> memref<40x128xf32, #tpu.memory_space<vmem>>
        tpu.wait_dma2 semaphore(%run_scoped3A : memref<!tpu.dma_semaphore, #tpu.memory_space<semaphore_mem>>) src(%dma_wait3A_294 : memref<40x128xf32, #tpu.memory_space<vmem>>) dst(%dma_wait3A_291 : memref<40x128xf32, #tpu.memory_space<hbm>>)
        tpu.yield
      }) : () -> ()
    }
    %scan3A_260 = arith.constant 16 : i32
    return
  }
}

module attributes {stable_mosaic.version = 14 : i64} {
  func.func @_tc1_body(%arg0: i32, %arg1: memref<2000x32xf32, #tpu.memory_space<vmem>>, %arg2: memref<2000x128xf32, #tpu.memory_space<vmem>>, %arg3: memref<512x128xbf16, #tpu.memory_space<vmem>>, %arg4: memref<4x2000x128xf32, #tpu.memory_space<vmem>>) attributes {dimension_semantics = [#tpu.dimension_semantics<arbitrary>], iteration_bounds = array<i64: 5>, scalar_prefetch = 0 : i64, scratch_operands = 0 : i64, tpu.core_type = #tpu.core_type<tc>, window_params = [{transform_indices = @transform_0, window_bounds = array<i64: 2000, 32>}, {transform_indices = @transform_1, window_bounds = array<i64: 2000, 128>}, {pipeline_mode = #tpu.pipeline_mode<synchronous>, transform_indices = @transform_2, window_bounds = array<i64: 512, 128>}, {transform_indices = @transform_3, window_bounds = array<i64: 4, 2000, 128>}]} {
    %get3A = arith.constant 0 : index
    %get3A_0 = arith.constant 0 : index
    %get3A_1 = vector.load %arg2[%get3A, %get3A_0] : memref<2000x128xf32, #tpu.memory_space<vmem>>, vector<2000x128xf32>
    %get3A_2 = arith.constant 0 : index
    %get3A_3 = arith.constant 0 : index
    %get3A_4 = vector.load %arg1[%get3A_2, %get3A_3] : memref<2000x32xf32, #tpu.memory_space<vmem>>, vector<2000x32xf32>
    %reduce_sum3A = arith.constant dense<0.000000e+00> : vector<2000xf32>
    %reduce_sum3A_5 = vector.multi_reduction <add>, %get3A_4, %reduce_sum3A [1] : vector<2000x32xf32> to vector<2000xf32>
    %gt3A = arith.constant 0.000000e+00 : f32
    %gt3A_6 = vector.broadcast %gt3A : f32 to vector<2000xf32>
    %gt3A_7 = arith.cmpf ogt, %reduce_sum3A_5, %gt3A_6 : vector<2000xf32>
    %rsqrt3A = math.rsqrt %reduce_sum3A_5 : vector<2000xf32>
    %jit3A = arith.constant 0.000000e+00 : f32
    %broadcast_in_dim3A = vector.broadcast %jit3A : f32 to vector<2000xf32>
    %select_n3A = arith.select %gt3A_7, %rsqrt3A, %broadcast_in_dim3A : vector<2000xi1>, vector<2000xf32>
    %broadcast_in_dim3A_8 = vector.shape_cast %select_n3A : vector<2000xf32> to vector<2000x1xf32>
    %mul3A = vector.broadcast %broadcast_in_dim3A_8 : vector<2000x1xf32> to vector<2000x128xf32>
    %mul3A_9 = arith.mulf %get3A_1, %mul3A : vector<2000x128xf32>
    %convert_element_type3A = arith.truncf %mul3A_9 : vector<2000x128xf32> to vector<2000x128xbf16>
    %get3A_10 = arith.constant 0 : index
    %get3A_11 = arith.constant 0 : index
    %get3A_12 = vector.load %arg3[%get3A_10, %get3A_11] : memref<512x128xbf16, #tpu.memory_space<vmem>>, vector<128x128xbf16>
    %dot_general3A = arith.constant dense<0.000000e+00> : vector<2000x128xf32>
    %dot_general3A_13 = tpu.matmul %convert_element_type3A, %get3A_12, %dot_general3A {dimension_numbers = #tpu.dot_dimension_numbers<[1], [0], [0], [1], [0, 0, 1, 1], [], []>, transpose_lhs_hint = false} : vector<2000x128xbf16>, vector<128x128xbf16>, vector<2000x128xf32> -> vector<2000x128xf32>
    %swap3A = arith.constant 0 : index
    %swap3A_14 = arith.constant 0 : index
    %swap3A_15 = arith.constant 0 : index
    %swap3A_16 = vector.load %arg4[%swap3A, %swap3A_14, %swap3A_15] : memref<4x2000x128xf32, #tpu.memory_space<vmem>>, vector<1x2000x128xf32>
    %swap3A_17 = vector.shape_cast %swap3A_16 : vector<1x2000x128xf32> to vector<2000x128xf32>
    %swap3A_18 = vector.shape_cast %dot_general3A_13 : vector<2000x128xf32> to vector<1x2000x128xf32>
    tpu.vector_store %arg4[%swap3A, %swap3A_14, %swap3A_15], %swap3A_18 {strides = array<i32>} : memref<4x2000x128xf32, #tpu.memory_space<vmem>>, vector<1x2000x128xf32>,
    %get3A_19 = arith.constant 128 : index
    %get3A_20 = arith.constant 0 : index
    %get3A_21 = vector.load %arg3[%get3A_19, %get3A_20] : memref<512x128xbf16, #tpu.memory_space<vmem>>, vector<128x128xbf16>
    %dot_general3A_22 = arith.constant dense<0.000000e+00> : vector<2000x128xf32>
    %dot_general3A_23 = tpu.matmul %convert_element_type3A, %get3A_21, %dot_general3A_22 {dimension_numbers = #tpu.dot_dimension_numbers<[1], [0], [0], [1], [0, 0, 1, 1], [], []>, transpose_lhs_hint = false} : vector<2000x128xbf16>, vector<128x128xbf16>, vector<2000x128xf32> -> vector<2000x128xf32>
    %swap3A_24 = arith.constant 1 : index
    %swap3A_25 = arith.constant 0 : index
    %swap3A_26 = arith.constant 0 : index
    %swap3A_27 = vector.load %arg4[%swap3A_24, %swap3A_25, %swap3A_26] : memref<4x2000x128xf32, #tpu.memory_space<vmem>>, vector<1x2000x128xf32>
    %swap3A_28 = vector.shape_cast %swap3A_27 : vector<1x2000x128xf32> to vector<2000x128xf32>
    %swap3A_29 = vector.shape_cast %dot_general3A_23 : vector<2000x128xf32> to vector<1x2000x128xf32>
    tpu.vector_store %arg4[%swap3A_24, %swap3A_25, %swap3A_26], %swap3A_29 {strides = array<i32>} : memref<4x2000x128xf32, #tpu.memory_space<vmem>>, vector<1x2000x128xf32>,
    %get3A_30 = arith.constant 256 : index
    %get3A_31 = arith.constant 0 : index
    %get3A_32 = vector.load %arg3[%get3A_30, %get3A_31] : memref<512x128xbf16, #tpu.memory_space<vmem>>, vector<128x128xbf16>
    %dot_general3A_33 = arith.constant dense<0.000000e+00> : vector<2000x128xf32>
    %dot_general3A_34 = tpu.matmul %convert_element_type3A, %get3A_32, %dot_general3A_33 {dimension_numbers = #tpu.dot_dimension_numbers<[1], [0], [0], [1], [0, 0, 1, 1], [], []>, transpose_lhs_hint = false} : vector<2000x128xbf16>, vector<128x128xbf16>, vector<2000x128xf32> -> vector<2000x128xf32>
    %swap3A_35 = arith.constant 2 : index
    %swap3A_36 = arith.constant 0 : index
    %swap3A_37 = arith.constant 0 : index
    %swap3A_38 = vector.load %arg4[%swap3A_35, %swap3A_36, %swap3A_37] : memref<4x2000x128xf32, #tpu.memory_space<vmem>>, vector<1x2000x128xf32>
    %swap3A_39 = vector.shape_cast %swap3A_38 : vector<1x2000x128xf32> to vector<2000x128xf32>
    %swap3A_40 = vector.shape_cast %dot_general3A_34 : vector<2000x128xf32> to vector<1x2000x128xf32>
    tpu.vector_store %arg4[%swap3A_35, %swap3A_36, %swap3A_37], %swap3A_40 {strides = array<i32>} : memref<4x2000x128xf32, #tpu.memory_space<vmem>>, vector<1x2000x128xf32>,
    %get3A_41 = arith.constant 384 : index
    %get3A_42 = arith.constant 0 : index
    %get3A_43 = vector.load %arg3[%get3A_41, %get3A_42] : memref<512x128xbf16, #tpu.memory_space<vmem>>, vector<128x128xbf16>
    %dot_general3A_44 = arith.constant dense<0.000000e+00> : vector<2000x128xf32>
    %dot_general3A_45 = tpu.matmul %convert_element_type3A, %get3A_43, %dot_general3A_44 {dimension_numbers = #tpu.dot_dimension_numbers<[1], [0], [0], [1], [0, 0, 1, 1], [], []>, transpose_lhs_hint = false} : vector<2000x128xbf16>, vector<128x128xbf16>, vector<2000x128xf32> -> vector<2000x128xf32>
    %swap3A_46 = arith.constant 3 : index
    %swap3A_47 = arith.constant 0 : index
    %swap3A_48 = arith.constant 0 : index
    %swap3A_49 = vector.load %arg4[%swap3A_46, %swap3A_47, %swap3A_48] : memref<4x2000x128xf32, #tpu.memory_space<vmem>>, vector<1x2000x128xf32>
    %swap3A_50 = vector.shape_cast %swap3A_49 : vector<1x2000x128xf32> to vector<2000x128xf32>
    %swap3A_51 = vector.shape_cast %dot_general3A_45 : vector<2000x128xf32> to vector<1x2000x128xf32>
    tpu.vector_store %arg4[%swap3A_46, %swap3A_47, %swap3A_48], %swap3A_51 {strides = array<i32>} : memref<4x2000x128xf32, #tpu.memory_space<vmem>>, vector<1x2000x128xf32>,
    return
  }
  func.func @transform_0(%arg0: i32) -> (i32, i32) {
    %c0_i32 = arith.constant 0 : i32
    %c0_i32_0 = arith.constant 0 : i32
    return %arg0, %c0_i32 : i32, i32
  }
  func.func @transform_1(%arg0: i32) -> (i32, i32) {
    %c0_i32 = arith.constant 0 : i32
    %c0_i32_0 = arith.constant 0 : i32
    return %arg0, %c0_i32 : i32, i32
  }
  func.func @transform_2(%arg0: i32) -> (i32, i32) {
    %c0_i32 = arith.constant 0 : i32
    %c0_i32_0 = arith.constant 0 : i32
    %c0_i32_1 = arith.constant 0 : i32
    return %c0_i32, %c0_i32_0 : i32, i32
  }
  func.func @transform_3(%arg0: i32) -> (i32, i32, i32) {
    %c0_i32 = arith.constant 0 : i32
    %c0_i32_0 = arith.constant 0 : i32
    %c0_i32_1 = arith.constant 0 : i32
    return %c0_i32, %arg0, %c0_i32_0 : i32, i32, i32
  }
}

module attributes {stable_mosaic.version = 14 : i64} {
  func.func @_tc2_body(%arg0: i32, %arg1: memref<2000x32xf32, #tpu.memory_space<vmem>>, %arg2: memref<2x2000x128xf32, #tpu.memory_space<vmem>>, %arg3: memref<1x128xf32, #tpu.memory_space<vmem>>, %arg4: memref<512x16xbf16, #tpu.memory_space<vmem>>, %arg5: memref<2000x64xf32, #tpu.memory_space<vmem>>) attributes {dimension_semantics = [#tpu.dimension_semantics<arbitrary>], iteration_bounds = array<i64: 5>, scalar_prefetch = 0 : i64, scratch_operands = 0 : i64, tpu.core_type = #tpu.core_type<tc>, window_params = [{transform_indices = @transform_0, window_bounds = array<i64: 2000, 32>}, {transform_indices = @transform_1, window_bounds = array<i64: 2, 2000, 128>}, {pipeline_mode = #tpu.pipeline_mode<synchronous>, transform_indices = @transform_2, window_bounds = array<i64: 1, 128>}, {pipeline_mode = #tpu.pipeline_mode<synchronous>, transform_indices = @transform_3, window_bounds = array<i64: 512, 16>}, {transform_indices = @transform_4, window_bounds = array<i64: 2000, 64>}]} {
    %get3A = arith.constant 0 : index
    %get3A_0 = arith.constant 0 : index
    %get3A_1 = vector.load %arg1[%get3A, %get3A_0] : memref<2000x32xf32, #tpu.memory_space<vmem>>, vector<2000x32xf32>
    %reduce_sum3A = arith.constant dense<0.000000e+00> : vector<2000xf32>
    %reduce_sum3A_2 = vector.multi_reduction <add>, %get3A_1, %reduce_sum3A [1] : vector<2000x32xf32> to vector<2000xf32>
    %gt3A = arith.constant 0.000000e+00 : f32
    %gt3A_3 = vector.broadcast %gt3A : f32 to vector<2000xf32>
    %gt3A_4 = arith.cmpf ogt, %reduce_sum3A_2, %gt3A_3 : vector<2000xf32>
    %rsqrt3A = math.rsqrt %reduce_sum3A_2 : vector<2000xf32>
    %jit3A = arith.constant 0.000000e+00 : f32
    %broadcast_in_dim3A = vector.broadcast %jit3A : f32 to vector<2000xf32>
    %select_n3A = arith.select %gt3A_4, %rsqrt3A, %broadcast_in_dim3A : vector<2000xi1>, vector<2000xf32>
    %get3A_5 = arith.constant 0 : index
    %get3A_6 = arith.constant 0 : index
    %get3A_7 = vector.load %arg3[%get3A_5, %get3A_6] : memref<1x128xf32, #tpu.memory_space<vmem>>, vector<1x128xf32>
    %broadcast_in_dim3A_8 = vector.shape_cast %select_n3A : vector<2000xf32> to vector<2000x1xf32>
    %get3A_9 = arith.constant 0 : index
    %get3A_10 = arith.constant 0 : index
    %get3A_11 = arith.constant 0 : index
    %get3A_12 = vector.load %arg2[%get3A_9, %get3A_10, %get3A_11] : memref<2x2000x128xf32, #tpu.memory_space<vmem>>, vector<1x2000x128xf32>
    %get3A_13 = vector.shape_cast %get3A_12 : vector<1x2000x128xf32> to vector<2000x128xf32>
    %get3A_14 = arith.constant 1 : index
    %get3A_15 = arith.constant 0 : index
    %get3A_16 = arith.constant 0 : index
    %get3A_17 = vector.load %arg2[%get3A_14, %get3A_15, %get3A_16] : memref<2x2000x128xf32, #tpu.memory_space<vmem>>, vector<1x2000x128xf32>
    %get3A_18 = vector.shape_cast %get3A_17 : vector<1x2000x128xf32> to vector<2000x128xf32>
    %add3A = arith.addf %get3A_13, %get3A_18 : vector<2000x128xf32>
    %mul3A = vector.broadcast %broadcast_in_dim3A_8 : vector<2000x1xf32> to vector<2000x128xf32>
    %mul3A_19 = arith.mulf %mul3A, %add3A : vector<2000x128xf32>
    %add3A_20 = vector.broadcast %get3A_7 : vector<1x128xf32> to vector<2000x128xf32>
    %add3A_21 = arith.addf %add3A_20, %mul3A_19 : vector<2000x128xf32>
    %broadcast_in_dim3A_22 = vector.shape_cast %select_n3A : vector<2000xf32> to vector<2000x1xf32>
    %mul3A_23 = vector.broadcast %broadcast_in_dim3A_22 : vector<2000x1xf32> to vector<2000x128xf32>
    %mul3A_24 = arith.mulf %add3A_21, %mul3A_23 : vector<2000x128xf32>
    %convert_element_type3A = arith.truncf %mul3A_24 : vector<2000x128xf32> to vector<2000x128xbf16>
    %get3A_25 = arith.constant 0 : index
    %get3A_26 = arith.constant 0 : index
    %get3A_27 = vector.load %arg4[%get3A_25, %get3A_26] : memref<512x16xbf16, #tpu.memory_space<vmem>>, vector<128x16xbf16>
    %dot_general3A = arith.constant dense<0.000000e+00> : vector<2000x16xf32>
    %dot_general3A_28 = tpu.matmul %convert_element_type3A, %get3A_27, %dot_general3A {dimension_numbers = #tpu.dot_dimension_numbers<[1], [0], [0], [1], [0, 0, 1, 1], [], []>, transpose_lhs_hint = false} : vector<2000x128xbf16>, vector<128x16xbf16>, vector<2000x16xf32> -> vector<2000x16xf32>
    %get3A_29 = arith.constant 128 : index
    %get3A_30 = arith.constant 0 : index
    %get3A_31 = vector.load %arg4[%get3A_29, %get3A_30] : memref<512x16xbf16, #tpu.memory_space<vmem>>, vector<128x16xbf16>
    %dot_general3A_32 = arith.constant dense<0.000000e+00> : vector<2000x16xf32>
    %dot_general3A_33 = tpu.matmul %convert_element_type3A, %get3A_31, %dot_general3A_32 {dimension_numbers = #tpu.dot_dimension_numbers<[1], [0], [0], [1], [0, 0, 1, 1], [], []>, transpose_lhs_hint = false} : vector<2000x128xbf16>, vector<128x16xbf16>, vector<2000x16xf32> -> vector<2000x16xf32>
    %get3A_34 = arith.constant 256 : index
    %get3A_35 = arith.constant 0 : index
    %get3A_36 = vector.load %arg4[%get3A_34, %get3A_35] : memref<512x16xbf16, #tpu.memory_space<vmem>>, vector<128x16xbf16>
    %dot_general3A_37 = arith.constant dense<0.000000e+00> : vector<2000x16xf32>
    %dot_general3A_38 = tpu.matmul %convert_element_type3A, %get3A_36, %dot_general3A_37 {dimension_numbers = #tpu.dot_dimension_numbers<[1], [0], [0], [1], [0, 0, 1, 1], [], []>, transpose_lhs_hint = false} : vector<2000x128xbf16>, vector<128x16xbf16>, vector<2000x16xf32> -> vector<2000x16xf32>
    %get3A_39 = arith.constant 384 : index
    %get3A_40 = arith.constant 0 : index
    %get3A_41 = vector.load %arg4[%get3A_39, %get3A_40] : memref<512x16xbf16, #tpu.memory_space<vmem>>, vector<128x16xbf16>
    %dot_general3A_42 = arith.constant dense<0.000000e+00> : vector<2000x16xf32>
    %dot_general3A_43 = tpu.matmul %convert_element_type3A, %get3A_41, %dot_general3A_42 {dimension_numbers = #tpu.dot_dimension_numbers<[1], [0], [0], [1], [0, 0, 1, 1], [], []>, transpose_lhs_hint = false} : vector<2000x128xbf16>, vector<128x16xbf16>, vector<2000x16xf32> -> vector<2000x16xf32>
    %concatenate3A = tpu.concatenate %dot_general3A_28, %dot_general3A_33, %dot_general3A_38, %dot_general3A_43 in 1 : vector<2000x16xf32>, vector<2000x16xf32>, vector<2000x16xf32>, vector<2000x16xf32> -> vector<2000x64xf32>
    %swap3A = arith.constant 0 : index
    %swap3A_44 = arith.constant 0 : index
    %swap3A_45 = vector.load %arg5[%swap3A, %swap3A_44] : memref<2000x64xf32, #tpu.memory_space<vmem>>, vector<2000x64xf32>
    tpu.vector_store %arg5[%swap3A, %swap3A_44], %concatenate3A {strides = array<i32>} : memref<2000x64xf32, #tpu.memory_space<vmem>>, vector<2000x64xf32>,
    return
  }
  func.func @transform_0(%arg0: i32) -> (i32, i32) {
    %c0_i32 = arith.constant 0 : i32
    %c0_i32_0 = arith.constant 0 : i32
    return %arg0, %c0_i32 : i32, i32
  }
  func.func @transform_1(%arg0: i32) -> (i32, i32, i32) {
    %c0_i32 = arith.constant 0 : i32
    %c0_i32_0 = arith.constant 0 : i32
    %c0_i32_1 = arith.constant 0 : i32
    return %c0_i32, %arg0, %c0_i32_0 : i32, i32, i32
  }
  func.func @transform_2(%arg0: i32) -> (i32, i32) {
    %c0_i32 = arith.constant 0 : i32
    %c0_i32_0 = arith.constant 0 : i32
    %c0_i32_1 = arith.constant 0 : i32
    return %c0_i32, %c0_i32_0 : i32, i32
  }
  func.func @transform_3(%arg0: i32) -> (i32, i32) {
    %c0_i32 = arith.constant 0 : i32
    %c0_i32_0 = arith.constant 0 : i32
    %c0_i32_1 = arith.constant 0 : i32
    return %c0_i32, %c0_i32_0 : i32, i32
  }
  func.func @transform_4(%arg0: i32) -> (i32, i32) {
    %c0_i32 = arith.constant 0 : i32
    %c0_i32_0 = arith.constant 0 : i32
    return %arg0, %c0_i32 : i32, i32
  }
}

module attributes {stable_mosaic.version = 14 : i64} {
  func.func @_tc3_body(%arg0: i32, %arg1: memref<2000x32xf32, #tpu.memory_space<vmem>>, %arg2: memref<2x2000x16xf32, #tpu.memory_space<vmem>>, %arg3: memref<1x8xf32, #tpu.memory_space<vmem>>, %arg4: memref<2000x8xf32, #tpu.memory_space<vmem>>) attributes {dimension_semantics = [#tpu.dimension_semantics<arbitrary>], iteration_bounds = array<i64: 5>, scalar_prefetch = 0 : i64, scratch_operands = 0 : i64, tpu.core_type = #tpu.core_type<tc>, window_params = [{transform_indices = @transform_0, window_bounds = array<i64: 2000, 32>}, {transform_indices = @transform_1, window_bounds = array<i64: 2, 2000, 16>}, {pipeline_mode = #tpu.pipeline_mode<synchronous>, transform_indices = @transform_2, window_bounds = array<i64: 1, 8>}, {transform_indices = @transform_3, window_bounds = array<i64: 2000, 8>}]} {
    %get3A = arith.constant 0 : index
    %get3A_0 = arith.constant 0 : index
    %get3A_1 = vector.load %arg1[%get3A, %get3A_0] : memref<2000x32xf32, #tpu.memory_space<vmem>>, vector<2000x32xf32>
    %reduce_sum3A = arith.constant dense<0.000000e+00> : vector<2000xf32>
    %reduce_sum3A_2 = vector.multi_reduction <add>, %get3A_1, %reduce_sum3A [1] : vector<2000x32xf32> to vector<2000xf32>
    %gt3A = arith.constant 0.000000e+00 : f32
    %gt3A_3 = vector.broadcast %gt3A : f32 to vector<2000xf32>
    %gt3A_4 = arith.cmpf ogt, %reduce_sum3A_2, %gt3A_3 : vector<2000xf32>
    %rsqrt3A = math.rsqrt %reduce_sum3A_2 : vector<2000xf32>
    %jit3A = arith.constant 0.000000e+00 : f32
    %broadcast_in_dim3A = vector.broadcast %jit3A : f32 to vector<2000xf32>
    %select_n3A = arith.select %gt3A_4, %rsqrt3A, %broadcast_in_dim3A : vector<2000xi1>, vector<2000xf32>
    %get3A_5 = arith.constant 0 : index
    %get3A_6 = arith.constant 0 : index
    %get3A_7 = vector.load %arg3[%get3A_5, %get3A_6] : memref<1x8xf32, #tpu.memory_space<vmem>>, vector<1x8xf32>
    %broadcast_in_dim3A_8 = vector.shape_cast %select_n3A : vector<2000xf32> to vector<2000x1xf32>
    %get3A_9 = arith.constant 0 : index
    %get3A_10 = arith.constant 0 : index
    %get3A_11 = arith.constant 0 : index
    %get3A_12 = vector.load %arg2[%get3A_9, %get3A_10, %get3A_11] : memref<2x2000x16xf32, #tpu.memory_space<vmem>>, vector<1x2000x16xf32>
    %get3A_13 = vector.shape_cast %get3A_12 : vector<1x2000x16xf32> to vector<2000x16xf32>
    %get3A_14 = arith.constant 1 : index
    %get3A_15 = arith.constant 0 : index
    %get3A_16 = arith.constant 0 : index
    %get3A_17 = vector.load %arg2[%get3A_14, %get3A_15, %get3A_16] : memref<2x2000x16xf32, #tpu.memory_space<vmem>>, vector<1x2000x16xf32>
    %get3A_18 = vector.shape_cast %get3A_17 : vector<1x2000x16xf32> to vector<2000x16xf32>
    %add3A = arith.addf %get3A_13, %get3A_18 : vector<2000x16xf32>
    %slice3A = vector.extract_strided_slice %add3A {offsets = [0, 0], sizes = [2000, 8], strides = [1, 1]} : vector<2000x16xf32> to vector<2000x8xf32>
    %mul3A = vector.broadcast %broadcast_in_dim3A_8 : vector<2000x1xf32> to vector<2000x8xf32>
    %mul3A_19 = arith.mulf %mul3A, %slice3A : vector<2000x8xf32>
    %add3A_20 = vector.broadcast %get3A_7 : vector<1x8xf32> to vector<2000x8xf32>
    %add3A_21 = arith.addf %add3A_20, %mul3A_19 : vector<2000x8xf32>
    %reduce_max3A = arith.constant dense<0xFF800000> : vector<2000xf32>
    %reduce_max3A_22 = vector.multi_reduction <maximumf>, %add3A_21, %reduce_max3A [1] : vector<2000x8xf32> to vector<2000xf32>
    %broadcast_in_dim3A_23 = vector.shape_cast %reduce_max3A_22 : vector<2000xf32> to vector<2000x1xf32>
    %sub3A = vector.broadcast %broadcast_in_dim3A_23 : vector<2000x1xf32> to vector<2000x8xf32>
    %sub3A_24 = arith.subf %add3A_21, %sub3A : vector<2000x8xf32>
    %exp3A = math.exp %sub3A_24 : vector<2000x8xf32>
    %sub3A_25 = vector.broadcast %broadcast_in_dim3A_23 : vector<2000x1xf32> to vector<2000x8xf32>
    %sub3A_26 = arith.subf %add3A_21, %sub3A_25 : vector<2000x8xf32>
    %reduce_sum3A_27 = arith.constant dense<0.000000e+00> : vector<2000xf32>
    %reduce_sum3A_28 = vector.multi_reduction <add>, %exp3A, %reduce_sum3A_27 [1] : vector<2000x8xf32> to vector<2000xf32>
    %broadcast_in_dim3A_29 = vector.shape_cast %reduce_sum3A_28 : vector<2000xf32> to vector<2000x1xf32>
    %log3A = math.log %broadcast_in_dim3A_29 : vector<2000x1xf32>
    %sub3A_30 = vector.broadcast %log3A : vector<2000x1xf32> to vector<2000x8xf32>
    %sub3A_31 = arith.subf %sub3A_26, %sub3A_30 : vector<2000x8xf32>
    %swap3A = arith.constant 0 : index
    %swap3A_32 = arith.constant 0 : index
    %swap3A_33 = vector.load %arg4[%swap3A, %swap3A_32] : memref<2000x8xf32, #tpu.memory_space<vmem>>, vector<2000x8xf32>
    tpu.vector_store %arg4[%swap3A, %swap3A_32], %sub3A_31 {strides = array<i32>} : memref<2000x8xf32, #tpu.memory_space<vmem>>, vector<2000x8xf32>,
    return
  }
  func.func @transform_0(%arg0: i32) -> (i32, i32) {
    %c0_i32 = arith.constant 0 : i32
    %c0_i32_0 = arith.constant 0 : i32
    return %arg0, %c0_i32 : i32, i32
  }
  func.func @transform_1(%arg0: i32) -> (i32, i32, i32) {
    %c0_i32 = arith.constant 0 : i32
    %c0_i32_0 = arith.constant 0 : i32
    %c0_i32_1 = arith.constant 0 : i32
    return %c0_i32, %arg0, %c0_i32_0 : i32, i32, i32
  }
  func.func @transform_2(%arg0: i32) -> (i32, i32) {
    %c0_i32 = arith.constant 0 : i32
    %c0_i32_0 = arith.constant 0 : i32
    %c0_i32_1 = arith.constant 0 : i32
    return %c0_i32, %c0_i32_0 : i32, i32
  }
  func.func @transform_3(%arg0: i32) -> (i32, i32) {
    %c0_i32 = arith.constant 0 : i32
    %c0_i32_0 = arith.constant 0 : i32
    return %arg0, %c0_i32 : i32, i32
  }
}

</mosaic_0001>

<sc_bundles>
// kernel: kernel.11.cloned.1.call-start
scs
__scs_entry_jumppad:
0x0: {  	(pc) =	sbr.rel $0x88, $3  }
0x1: {  	(tag) =	ssettag $0x0;
	lr =	simm.s32 $0x1  }
0x2: {  	[smem:$0x3F9A] =	sst lr;
	_ =	strace $0xD0000000  }
0x3: {  	_ = 	snop  }
0x4: {  	_ = 	snop  }
0x5: {  	_ = 	snop  }
0x6: {  	_ = 	snop  }
0x7: {  	_ = 	snop  }
__scs_overlays_trampoline_lowered:
0x8: {  	[smem:$0x3FA9] =	sst s0  }
0x9: {  	[smem:$0x3FAA] =	sst s1  }
0xa: {  	[smem:$0x3FAB] =	sst s2  }
0xb: {  	[smem:$0x3FAC] =	sst s3  }
0xc: {  	[smem:$0x3FAD] =	sst s4  }
0xd: {  	[smem:$0x3FAE] =	sst s5  }
0xe: {  	[smem:$0x3FAF] =	sst s6  }
0xf: {  	[smem:$0x3FB0] =	sst s7  }
0x10: {  	[smem:$0x3FB1] =	sst s8  }
0x11: {  	[smem:$0x3FB2] =	sst s9;
	s0 =	simm.s32 @!p0 $0x0  }
0x12: {  	s1 =	sld [smem:$0x3F98];
	s0 =	simm.s32 @p0 $0x1  }
0x13: {  	[smem:$0x3FB3] =	sst s0;
	s0 =	simm.s32 @!p1 $0x0  }
0x14: {  	s2 =	sld [smem:$0x3F97];
	s0 =	simm.s32 @p1 $0x1  }
0x15: {  	[smem:$0x3FB4] =	sst s0;
	s0 =	simm.s32 @!p2 $0x0  }
0x16: {  	s3 =	sld [smem:$0x3FDB];
	s0 =	simm.s32 @p2 $0x1  }
0x17: {  	s4 =	simm.s32 $0x1BF5;
	[smem:$0x3FB6] =	sst s0  }
0x18: {  	s0 =	sld [smem:$0x3F99];
	_ =	swait.ge [sflag:s4], $0x0  }
0x19: {  	s7 =	sld [smem:$0x3F9A]  }
0x1a: {  	s8 =	sadd.s32 $0xFFFFE003, lr  }
0x1b: {  	s9 =	sadd.s32 $0xFFFFFEF7, lr;
	s5 =	simm.s32 $0xFFFFFFFF;
	p2 =	slt.u32 s8, $0xFFFFF086  }
0x1c: {  	p1 =	slt.u32 s9, $0xF7A;
	s5 =	simm.s32 @!p2 $0x0  }
0x1d: {  	s5 =	simm.s32 @p1 $0x1;
	p0 =	seq.s32 s7, s2  }
0x1e: {  	s7 =	smul.u32 @!p0 $0xF7A, s2;
	p2 =	seq.s32 @!p0 s5, $0x0  }
0x1f: {  	s9 =	smul.u32 $0xF7A, s1;
	s8 =	simm.s32 @!p0 $0x1BF5;
	p2 =	por !p2, p0  }
0x20: {  	[sflag:s8] =	ssyncset.s32 @!p0 $0xFFFFF086;
	s6 =	sadd.s32 @!p0 s3, s7;
	s7 =	simm.s32 @!p0 $0x108  }
0x21: {  	s3 =	sadd.s32 s3, s9;
	s6 =	sadd.s32 @!p0 $0x88, s6;
	s7 =	simm.s32 @p2 $0x1082  }
0x22: {  	[simem:s7], [sflag:s8] =	dma.local @!p0 [hbm:s6], $0xF7A  }
0x23: {  	s9 =	sor.u32 $0xD0000000, s2;
	s6 =	simm.s32 $0x108;
	_ =	swait.ge @!p0 [sflag:s8], $0x0  }
0x24: {  	s3 =	sadd.s32 $0x88, s3;
	s6 =	simm.s32 @!p1 $0x1082;
	[sflag:s4] =	ssyncset.s32 $0xFFFFF086  }
0x25: {  	[simem:s6], [sflag:s4] =	dma.local [hbm:s3], $0xF7A  }
0x26: {  	[smem:$0x3F9A] =	sst s1;
	(tag) =	ssettag s2;
	_ =	strace s9  }
0x27: {  	s1 =	sld [smem:$0x3FAA]  }
0x28: {  	s2 =	sld [smem:$0x3FAB]  }
0x29: {  	s4 =	sld [smem:$0x3FAD]  }
0x2a: {  	p0 =	seq.s32 s5, $0x0;
	s5 =	sld [smem:$0x3FAE]  }
0x2b: {  	s6 =	sld [smem:$0x3FAF]  }
0x2c: {  	s7 =	sld [smem:$0x3FB0]  }
0x2d: {  	s3 =	simm.s32 $0x108;
	s8 =	sld [smem:$0x3FB1]  }
0x2e: {  	s3 =	simm.s32 @!p0 $0x1082;
	s9 =	sld [smem:$0x3FB2]  }
0x2f: {  	lr =	sadd.s32 s0, s3;
	s0 =	sld [smem:$0x3FA9]  }
0x30: {  	s3 =	sld [smem:$0x3FAC]  }
0x31: {  	[smem:$0x3FB5] =	sst s10  }
0x32: {  	s10 =	sld [smem:$0x3FB3];
	_ =	sdelay $0x3  }
0x33: {  	p0 =	seq.s32 s10, $0x1;
	s10 =	sld [smem:$0x3FB5];
	_ =	sdelay $0x3  }
0x34: {  	[smem:$0x3FB5] =	sst s10  }
0x35: {  	s10 =	sld [smem:$0x3FB4];
	_ =	sdelay $0x3  }
0x36: {  	p1 =	seq.s32 s10, $0x1;
	s10 =	sld [smem:$0x3FB5];
	_ =	sdelay $0x3  }
0x37: {  	[smem:$0x3FB5] =	sst s10  }
0x38: {  	s10 =	sld [smem:$0x3FB6]  }
0x39: {  	_ = 	snop;
	(pc) =	sbr.ind lr, $3  }
0x3a: {  	_ = 	snop  }
0x3b: {  	_ = 	snop  }
0x3c: {  	p2 =	seq.s32 s10, $0x1;
	s10 =	sld [smem:$0x3FB5]  }
0x3d: {  	_ =	shalt  }
0x3e: {  	_ =	shalt  }
0x3f: {  	_ =	shalt  }
0x40: {  	_ =	shalt  }
0x41: {  	_ =	shalt  }
0x42: {  	_ =	shalt  }
0x43: {  	_ =	shalt  }
0x44: {  	_ =	shalt  }
0x45: {  	_ =	shalt  }
0x46: {  	_ =	shalt  }
0x47: {  	_ =	shalt  }
0x48: {  	_ =	shalt  }
0x49: {  	_ =	shalt  }
0x4a: {  	_ =	shalt  }
0x4b: {  	_ =	shalt  }
0x4c: {  	_ =	shalt  }
0x4d: {  	_ =	shalt  }
0x4e: {  	_ =	shalt  }
0x4f: {  	_ =	shalt  }
0x50: {  	_ =	shalt  }
0x51: {  	_ =	shalt  }
0x52: {  	_ =	shalt  }
0x53: {  	_ =	shalt  }
0x54: {  	_ =	shalt  }
0x55: {  	_ =	shalt  }
0x56: {  	_ =	shalt  }
0x57: {  	_ =	shalt  }
0x58: {  	_ =	shalt  }
0x59: {  	_ =	shalt  }
0x5a: {  	_ =	shalt  }
0x5b: {  	_ =	shalt  }
0x5c: {  	_ =	shalt  }
0x5d: {  	_ =	shalt  }
0x5e: {  	_ =	shalt  }
0x5f: {  	_ =	shalt  }
0x60: {  	_ =	shalt  }
0x61: {  	_ =	shalt  }
0x62: {  	_ =	shalt  }
0x63: {  	_ =	shalt  }
0x64: {  	_ =	shalt  }
0x65: {  	_ =	shalt  }
0x66: {  	_ =	shalt  }
0x67: {  	_ =	shalt  }
0x68: {  	_ =	shalt  }
0x69: {  	_ =	shalt  }
0x6a: {  	_ =	shalt  }
0x6b: {  	_ =	shalt  }
0x6c: {  	_ =	shalt  }
0x6d: {  	_ =	shalt  }
0x6e: {  	_ =	shalt  }
0x6f: {  	_ =	shalt  }
0x70: {  	_ =	shalt  }
0x71: {  	_ =	shalt  }
0x72: {  	_ =	shalt  }
0x73: {  	_ =	shalt  }
0x74: {  	_ =	shalt  }
0x75: {  	_ =	shalt  }
0x76: {  	_ =	shalt  }
0x77: {  	_ =	shalt  }
0x78: {  	_ =	shalt  }
0x79: {  	_ =	shalt  }
0x7a: {  	_ =	shalt  }
0x7b: {  	_ =	shalt  }
0x7c: {  	_ =	shalt  }
0x7d: {  	_ =	shalt  }
0x7e: {  	_ =	shalt  }
0x7f: {  	_ =	shalt  }
0x80: {  	_ =	shalt  }
0x81: {  	_ =	shalt  }
0x82: {  	_ =	shalt  }
0x83: {  	_ =	shalt  }
0x84: {  	_ =	shalt  }
0x85: {  	_ =	shalt  }
0x86: {  	_ =	shalt  }
0x87: {  	_ =	shalt  }
.Lfunc_end0:
.L_simem_size_0:
called_computation.1_lowered:
.L_overlay_start_0:
0x88: {  	s2 =	sld [smem:$0x3FD9]  }
0x89: {  	s3 =	sld [smem:$0x3FFE];
	_ =	sdelay $0x1  }
0x8a: {  	s1 =	srdreg.scid  }
0x8b: {  	s0 =	sand.u32 $0x1, s1  }
0x8c: {  	s16 =	sshll.u32 s0, $0xA;
	s2 =	sadd.s32 s3, s2  }
0x8d: {  	s2 =	sadd.s32 s2, s16  }
0x8e: {  	[smem:$0x3FC1] =	sst s2  }
0x8f: {  	_ = 	snop  }
0x90: {  	(tm) =	ssettm $0x1  }
0x91: {  	s17 =	sld [smem:$0x3FFB];
	_ =	sdelay $0x3  }
0x92: {  	_ =	strace s17  }
0x93: {  	s2 =	sld [smem:$0x3FFC];
	_ =	sdelay $0x3  }
0x94: {  	_ =	strace s2  }
0x95: {  	s2 =	sld [smem:$0x3FFD];
	_ =	sdelay $0x3  }
0x96: {  	_ =	strace s2  }
0x97: {  	_ =	strace $0x8FFFFFFF  }
0x98: {  	s18 =	sld [smem:$0x3FDB];
	_ =	sdelay $0x1  }
0x99: {  	s19 =	simm.s32 $_scs_section_size  }
0x9a: {  	s4 =	simm.s32 $_size__tile_overlayer_lowered;
	s5 =	simm.s32 $_tile_overlayer_lowered  }
0x9b: {  	s22 =	simm.s32 $0x1BFF;
	s21 =	sshll.u32 s5, $0x1;
	s2 =	sadd.s32 s19, s18  }
0x9c: {  	s6 =	simm.s32 $0x0;
	s20 =	sshll.u32 s4, $0x1;
	s4 =	sadd.s32 s21, s2  }
0x9d: {  	[timem:s6], [sflag:s22] =	dma.local [hbm:s4], s20  }
0x9e: {  	_ =	swait.ge [sflag:s22], s20  }
0x9f: {  	s3 =	ssub.s32 $0x0, s20;
	[sflag:s22] =	ssyncset.done $0x0  }
0xa0: {  	[sflag:s22] =	ssyncadd.s32 s3;
	_ =	sdelay $0x1  }
0xa1: {  	s23 =	simm.s32 $0x1B8B  }
0xa2: {  	_ =	swait.ge [sflag:s23], $0x1  }
0xa3: {  	[sflag:s23] =	ssyncset.done $0x0  }
0xa4: {  	s25 =	simm.s32 $0x1B8E;
	s24 =	sld [smem:$0x3FFE];
	[sflag:s23] =	ssyncadd.s32 $0xFFFFFFFF  }
0xa5: {  	s26 =	simm.s32 $execute0_lowered;
	[smem:$0x3FD2] =	sst s25  }
0xa6: {  	s4 =	sshll.u32 s26, $0x1;
	_ =	strace $0x80000049;
	[dreg:$0x1] =	wrdreg $0xFFFFFFFF  }
0xa7: {  	s28 =	simm.s32 $_size_execute0_lowered;
	s2 =	sadd.s32 s2, s4;
	[dreg:$0x0] =	wrdreg $0x0  }
0xa8: {  	s4 =	sshll.u32 s28, $0x1;
	[dreg:$0x2] =	wrdreg s2  }
0xa9: {  	[dreg:$0x3] =	wrdreg s4  }
0xaa: {  	[dreg:$0x4] =	wrdreg $0xC0  }
0xab: {  	_ =	task [dreg:s6], $0x5FFFF  }
0xac: {  	[dreg:$0x1] =	wrdreg $0xFFFFFFFF  }
0xad: {  	[dreg:$0x0] =	wrdreg $0x60  }
0xae: {  	[dreg:$0x2] =	wrdreg s24  }
0xaf: {  	[dreg:$0x3] =	wrdreg $0x78000  }
0xb0: {  	[dreg:$0x4] =	wrdreg $0x9  }
0xb1: {  	_ =	task.clear_ibuf [dreg:s6], $0x5FFFF;
	_ =	strace $0x90000049  }
0xb2: {  	s29 =	simm.s32 $0x9;
	_ =	strace $0x8000004B  }
0xb3: {  	_ =	swait.ge [sflag:s29], $0x1  }
0xb4: {  	[sflag:s29] =	ssyncadd.s32 $0xFFFFFFFF  }
0xb5: {  	_ =	strace $0x9000004B  }
0xb6: {  	_ =	sfence  }
0xb7: {  	s30 =	sld [smem:$0x0];
	_ =	sdelay $0x2  }
0xb8: {  	s31 =	sshll.u32 s1, $0xD;
	s1 =	sshrl.u32 s1, $0x2  }
0xb9: {  	s3 =	sand.u32 $0x4000, s31;
	s1 =	sadd.s32 s1, s30  }
0xba: {  	s0 =	sor.u32 s3, s0;
	s1 =	sshll.u32 s1, $0x11  }
0xbb: {  	s0 =	sor.u32 s1, s0  }
0xbc: {  	s0 =	sadd.s32 $0x8F2B, s0  }
0xbd: {  	[sflag:s0] =	ssyncadd.remote.s32 $0x1  }
0xbe: {  	_ =	sfence.sel $0xFFFF  }
0xbf: {  	[dreg:$0x0] =	wrdreg $0xFFFFFFFF;
	(pc) =	sbr.abs _section_cstart, $3  }
0xc0: {  	[dreg:$0x1] =	wrdreg $0xFFFFFFFF  }
0xc1: {  	_ =	task.clear_ibuf [dreg:s6], $0x2FFFF;
	_ =	strace $0x9FFFFFFF  }
0xc2: {  	(tm) =	ssettm $0x7FFFFFFF  }
0xc3: {  	_ =	shalt  }
tec
execute0_lowered:
.L_overlay_start_1:
0x0: {  	(tag) =	ssettag $0x1  }
0x1: {  	s0 =	rddreg [dreg:$0x0]  }
0x2: {  	s2 =	rddreg [dreg:$0x1]  }
0x3: {  	s1 =	srdreg.scid;
	s3 =	simm.s32 $0x0;
	s10 =	stileid.u32  }
0x4: {  	s30 =	simm.s32 $0xA78;
	s31 =	simm.s32 $0x2788;
	s1 =	sand.u32 $0x1, s1  }
0x5: {  	[smem:$0x7FF] =	sst s3;
	s4 =	sshll.u32 s10, $0x1;
	s6 =	smul.u32 $0x14000, s10  }
0x6: {  	s8 =	sadd.s32 $0x1FC00, s0;
	s9 =	sadd.s32 $0x33C00, s0;
	s25 =	smul.u32 $0x50000, s10  }
0x7: {  	s5 =	smul.u32 $0x140000, s1;
	s7 =	sor.u32 s1, s4;
	s1 =	ssub.s32 $0x2, s1  }
0x8: {  	_ =	strace $0x8000004A;
	s7 =	smul.u32 $0x2800, s7;
	s21 =	sshrl.u32 s1, $0x1  }
0x9: {  	s4 =	sadd.s32 $0x3DC00, s0;
	s5 =	sadd.s32 s6, s5;
	s1 =	ssub.s32 s1, s21  }
0xa: {  	s6 =	sshrl.u32 s25, $0x2;
	s7 =	sshrl.u32 s7, $0x3;
	s1 =	smax.u32 s1, $0x1  }
0xb: {  	s5 =	sshrl.u32 s5, $0x3;
	s22 =	sadd.s32 s8, s7;
	[dreg:$0xb] =	wrdreg s1  }
0xc: {  	s12 =	sadd.s32 s6, s2;
	s23 =	sadd.s32 s9, s7;
	[dreg:$0x3] =	wrdreg s22  }
0xd: {  	s6 =	simm.s32 $0x1;
	s13 =	sadd.s32 $0x1400, s12;
	[dreg:$0x4] =	wrdreg s23  }
0xe: {  	s0 =	sadd.s32 s5, s0;
	s14 =	sadd.s32 $0x2800, s12;
	[dreg:$0xc] =	wrdreg s13  }
0xf: {  	s24 =	sadd.s32 $0x140, s7;
	s15 =	sadd.s32 $0x3C00, s12;
	[dreg:$0xd] =	wrdreg s14  }
0x10: {  	s28 =	sadd.s32 $0x280, s7;
	s16 =	sadd.s32 $0x5000, s12;
	[dreg:$0xe] =	wrdreg s15  }
0x11: {  	s7 =	sadd.s32 $0x3C0, s7;
	s17 =	sadd.s32 $0x6400, s12;
	[dreg:$0xf] =	wrdreg s16  }
0x12: {  	s18 =	sadd.s32 $0x7800, s12;
	s19 =	sadd.s32 $0x8C00, s12;
	[dreg:$0x10] =	wrdreg s17  }
0x13: {  	s20 =	sadd.s32 $0xA000, s12;
	s21 =	sadd.s32 $0xB400, s12;
	[dreg:$0x11] =	wrdreg s18  }
0x14: {  	s1 =	simm.s32 $0xB;
	s26 =	sadd.s32 s8, s24;
	[dreg:$0x12] =	wrdreg s19  }
0x15: {  	s5 =	sadd.s32 s9, s24;
	s29 =	sadd.s32 s8, s28;
	[dreg:$0x13] =	wrdreg s20  }
0x16: {  	s10 =	sadd.s32 s8, s7;
	s11 =	sadd.s32 s9, s7;
	[dreg:$0x14] =	wrdreg s21  }
0x17: {  	s22 =	sadd.s32 $0xC800, s12;
	s25 =	sadd.s32 $0xDA000, s0;
	s23 =	sadd.s32 $0xDC00, s12  }
0x18: {  	s24 =	sadd.s32 $0xF000, s12;
	s0 =	simm.s32 $0x2800;
	[dreg:$0x5] =	wrdreg s26  }
0x19: {  	s7 =	simm.s32 $0x28;
	s8 =	simm.s32 $0x3C00;
	[dreg:$0x6] =	wrdreg s5  }
0x1a: {  	s13 =	simm.s32 $0x6400;
	s14 =	simm.s32 $0xA00;
	[dreg:$0x7] =	wrdreg s29  }
0x1b: {  	s16 =	simm.s32 $0x3;
	s17 =	simm.s32 $0x7;
	[dreg:$0x9] =	wrdreg s10  }
0x1c: {  	s18 =	simm.s32 $0x4;
	s19 =	simm.s32 $0x8;
	[dreg:$0xa] =	wrdreg s11  }
0x1d: {  	s20 =	simm.s32 $0x5;
	s21 =	simm.s32 $0x6;
	[dreg:$0x15] =	wrdreg s22  }
0x1e: {  	s15 =	simm.s32 $0x2760;
	s5 =	sadd.s32 s9, s28;
	[dreg:$0x16] =	wrdreg s23  }
0x1f: {  	[dreg:$0x17] =	wrdreg s24;
	s26 =	sadd.s32 $0x10400, s12;
	s28 =	sadd.s32 $0x11800, s12  }
0x20: {  	s29 =	sadd.s32 $0x12C00, s12;
	s10 =	simm.s32 $0x5000;
	[dreg:$0x8] =	wrdreg s5  }
0x21: {  	s22 =	simm.s32 $0xA;
	s11 =	simm.s32 $0x2;
	[dreg:$0x18] =	wrdreg s26  }
0x22: {  	s23 =	simm.s32 $0x27B0;
	s24 =	simm.s32 $0x27D8;
	[dreg:$0x19] =	wrdreg s28  }
0x23: {  	v0 =	vimm.f32 $0.0e+00;
	s9 =	simm.s32 $0x0;
	[dreg:$0x1a] =	wrdreg s29;
	s5 =	simm.s32 $0x9  }
.LBB2_1:
0x24: {  	s26 =	simm.s32 $0x70;
	s28 =	simm.s32 $0x3C0  }
.LBB2_2:
0x25: {  	p0 =	sne.s32 s28, $0x4FC0;
	[tilespmem:s26+$0x2800] =	vst v0  }
0x26: {  	[tilespmem:s26+$0x2790] =	vst v0  }
0x27: {  	[tilespmem:s26+$0x27A0] =	vst v0  }
.Ltmp0:
0x28: {  	[tilespmem:s26+$0x27B0] =	vst v0;
	(pc) =	sbr.rel @p0 .LBB2_2-.Ltmp0, $4  }
0x29: {  	[tilespmem:s26+$0x27C0] =	vst v0  }
0x2a: {  	[tilespmem:s26+$0x27D0] =	vst v0  }
0x2b: {  	[tilespmem:s26+$0x27E0] =	vst v0  }
0x2c: {  	[tilespmem:s26+$0x27F0] =	vst v0;
	s26 =	sshra.s32 s28, $0x2;
	s28 =	sadd.s32 $0x200, s28  }
0x2d: {  	[tilespmem:s26+$0x2800] =	vst v0  }
0x2e: {  	[tilespmem:s26+$0x2790] =	vst v0  }
0x2f: {  	[tilespmem:s26+$0x27A0] =	vst v0  }
0x30: {  	[tilespmem:s26+$0x27B0] =	vst v0  }
0x31: {  	[tilespmem:s26+$0x27C0] =	vst v0  }
0x32: {  	[tilespmem:s26+$0x27D0] =	vst v0  }
0x33: {  	[tilespmem:s26+$0x27E0] =	vst v0  }
0x34: {  	[tilespmem:s26+$0x27F0] =	vst v0  }
0x35: {  	[spmem:s12] =	stream.linear.scatter [tilespmem:s0], [sflag:$0xB], $0x1400, $0x38;
	[tilespmem:$0x1B800] =	vst v63  }
0x36: {  	_ =	swait.ge [sflag:s1], $0x1400  }
0x37: {  	[sflag:s1] =	ssyncset.done $0x0  }
0x38: {  	s29 =	rddreg [dreg:$0xc];
	[sflag:s1] =	ssyncadd.s32 $0xFFFFEC00  }
0x39: {  	[spmem:s29] =	stream.linear.scatter [tilespmem:s0], [sflag:$0xB], $0x1400, $0x38;
	[tilespmem:$0x1B800] =	vst v63  }
0x3a: {  	_ =	swait.ge [sflag:s1], $0x1400  }
0x3b: {  	[sflag:s1] =	ssyncset.done $0x0  }
0x3c: {  	s29 =	rddreg [dreg:$0xd];
	[sflag:s1] =	ssyncadd.s32 $0xFFFFEC00  }
0x3d: {  	[spmem:s29] =	stream.linear.scatter [tilespmem:s0], [sflag:$0xB], $0x1400, $0x38;
	[tilespmem:$0x1B800] =	vst v63  }
0x3e: {  	_ =	swait.ge [sflag:s1], $0x1400  }
0x3f: {  	[sflag:s1] =	ssyncset.done $0x0  }
0x40: {  	s29 =	rddreg [dreg:$0xe];
	[sflag:s1] =	ssyncadd.s32 $0xFFFFEC00  }
0x41: {  	[spmem:s29] =	stream.linear.scatter [tilespmem:s0], [sflag:$0xB], $0x1400, $0x38;
	[tilespmem:$0x1B800] =	vst v63  }
0x42: {  	_ =	swait.ge [sflag:s1], $0x1400  }
0x43: {  	[sflag:s1] =	ssyncset.done $0x0  }
0x44: {  	s29 =	rddreg [dreg:$0xf];
	[sflag:s1] =	ssyncadd.s32 $0xFFFFEC00  }
0x45: {  	[spmem:s29] =	stream.linear.scatter [tilespmem:s0], [sflag:$0xB], $0x1400, $0x38;
	[tilespmem:$0x1B800] =	vst v63  }
0x46: {  	_ =	swait.ge [sflag:s1], $0x1400  }
0x47: {  	[sflag:s1] =	ssyncset.done $0x0  }
0x48: {  	s29 =	rddreg [dreg:$0x10];
	[sflag:s1] =	ssyncadd.s32 $0xFFFFEC00  }
0x49: {  	[spmem:s29] =	stream.linear.scatter [tilespmem:s0], [sflag:$0xB], $0x1400, $0x38;
	[tilespmem:$0x1B800] =	vst v63  }
0x4a: {  	_ =	swait.ge [sflag:s1], $0x1400  }
0x4b: {  	[sflag:s1] =	ssyncset.done $0x0  }
0x4c: {  	s29 =	rddreg [dreg:$0x11];
	[sflag:s1] =	ssyncadd.s32 $0xFFFFEC00  }
0x4d: {  	[spmem:s29] =	stream.linear.scatter [tilespmem:s0], [sflag:$0xB], $0x1400, $0x38;
	[tilespmem:$0x1B800] =	vst v63  }
0x4e: {  	_ =	swait.ge [sflag:s1], $0x1400  }
0x4f: {  	[sflag:s1] =	ssyncset.done $0x0  }
0x50: {  	s29 =	rddreg [dreg:$0x12];
	[sflag:s1] =	ssyncadd.s32 $0xFFFFEC00  }
0x51: {  	[spmem:s29] =	stream.linear.scatter [tilespmem:s0], [sflag:$0xB], $0x1400, $0x38;
	[tilespmem:$0x1B800] =	vst v63  }
0x52: {  	_ =	swait.ge [sflag:s1], $0x1400  }
0x53: {  	[sflag:s1] =	ssyncset.done $0x0  }
0x54: {  	s29 =	rddreg [dreg:$0x13];
	[sflag:s1] =	ssyncadd.s32 $0xFFFFEC00  }
0x55: {  	[spmem:s29] =	stream.linear.scatter [tilespmem:s0], [sflag:$0xB], $0x1400, $0x38;
	[tilespmem:$0x1B800] =	vst v63  }
0x56: {  	_ =	swait.ge [sflag:s1], $0x1400  }
0x57: {  	[sflag:s1] =	ssyncset.done $0x0  }
0x58: {  	s29 =	rddreg [dreg:$0x14];
	[sflag:s1] =	ssyncadd.s32 $0xFFFFEC00  }
0x59: {  	[spmem:s29] =	stream.linear.scatter [tilespmem:s0], [sflag:$0xB], $0x1400, $0x38;
	[tilespmem:$0x1B800] =	vst v63  }
0x5a: {  	_ =	swait.ge [sflag:s1], $0x1400  }
0x5b: {  	[sflag:s1] =	ssyncset.done $0x0  }
0x5c: {  	s29 =	rddreg [dreg:$0x15];
	[sflag:s1] =	ssyncadd.s32 $0xFFFFEC00  }
0x5d: {  	[spmem:s29] =	stream.linear.scatter [tilespmem:s0], [sflag:$0xB], $0x1400, $0x38;
	[tilespmem:$0x1B800] =	vst v63  }
0x5e: {  	_ =	swait.ge [sflag:s1], $0x1400  }
0x5f: {  	[sflag:s1] =	ssyncset.done $0x0  }
0x60: {  	s29 =	rddreg [dreg:$0x16];
	[sflag:s1] =	ssyncadd.s32 $0xFFFFEC00  }
0x61: {  	[spmem:s29] =	stream.linear.scatter [tilespmem:s0], [sflag:$0xB], $0x1400, $0x38;
	[tilespmem:$0x1B800] =	vst v63  }
0x62: {  	_ =	swait.ge [sflag:s1], $0x1400  }
0x63: {  	[sflag:s1] =	ssyncset.done $0x0  }
0x64: {  	s29 =	rddreg [dreg:$0x17];
	[sflag:s1] =	ssyncadd.s32 $0xFFFFEC00  }
0x65: {  	[spmem:s29] =	stream.linear.scatter [tilespmem:s0], [sflag:$0xB], $0x1400, $0x38;
	[tilespmem:$0x1B800] =	vst v63  }
0x66: {  	_ =	swait.ge [sflag:s1], $0x1400  }
0x67: {  	[sflag:s1] =	ssyncset.done $0x0  }
0x68: {  	s29 =	rddreg [dreg:$0x18];
	[sflag:s1] =	ssyncadd.s32 $0xFFFFEC00  }
0x69: {  	[spmem:s29] =	stream.linear.scatter [tilespmem:s0], [sflag:$0xB], $0x1400, $0x38;
	[tilespmem:$0x1B800] =	vst v63  }
0x6a: {  	_ =	swait.ge [sflag:s1], $0x1400  }
0x6b: {  	[sflag:s1] =	ssyncset.done $0x0  }
0x6c: {  	s29 =	rddreg [dreg:$0x19];
	[sflag:s1] =	ssyncadd.s32 $0xFFFFEC00  }
0x6d: {  	[spmem:s29] =	stream.linear.scatter [tilespmem:s0], [sflag:$0xB], $0x1400, $0x38;
	[tilespmem:$0x1B800] =	vst v63  }
0x6e: {  	_ =	swait.ge [sflag:s1], $0x1400  }
0x6f: {  	[sflag:s1] =	ssyncset.done $0x0  }
0x70: {  	s29 =	rddreg [dreg:$0x1a];
	[sflag:s1] =	ssyncadd.s32 $0xFFFFEC00  }
0x71: {  	[spmem:s29] =	stream.linear.scatter [tilespmem:s0], [sflag:$0xB], $0x1400, $0x38;
	[tilespmem:$0x1B800] =	vst v63  }
0x72: {  	_ =	swait.ge [sflag:s1], $0x1400  }
0x73: {  	[sflag:s1] =	ssyncset.done $0x0  }
0x74: {  	[sflag:s1] =	ssyncadd.s32 $0xFFFFEC00  }
0x75: {  	[bflag:$0x0] =	sbarrier.arrive $0xFFFF  }
0x76: {  	s26 =	simm.s32 $0x0;
	s28 =	rddreg [dreg:$0x3]  }
0x77: {  	[tilespmem:s26], [sflag:$0x1] =	stream.linear.gather [hbm4b:s28+s26], $0xA00, $0x38;
	[tilespmem:$0x1B800] =	vst v63  }
0x78: {  	s29 =	simm.s32 $0x1400;
	s28 =	rddreg [dreg:$0x4]  }
0x79: {  	[tilespmem:s29], [sflag:$0x1] =	stream.linear.gather [hbm4b:s28+s26], $0xA00, $0x38;
	[tilespmem:$0x1B800] =	vst v63  }
0x7a: {  	_ =	swait.ge [sflag:s6], $0xA00  }
0x7b: {  	[sflag:s6] =	ssyncset.done $0x0  }
0x7c: {  	[sflag:s6] =	ssyncadd.s32 $0xFFFFF600  }
0x7d: {  	_ =	swait.ge [sflag:s6], $0xA00  }
0x7e: {  	[sflag:s6] =	ssyncset.done $0x0  }
0x7f: {  	[sflag:s6] =	ssyncadd.s32 $0xFFFFF600  }
0x80: {  	[tilespmem:s0], [sflag:$0x3] =	stream.indirect.gather [hbm4b:s4+s7], $0x80, s26, s7, $0xb8;
	[tilespmem:$0x1B800] =	vst v63  }
0x81: {  	_ = 	snop  }
0x82: {  	[tilespmem:s8], [sflag:$0x4] =	stream.indirect.gather [hbm4b:s4+s7], $0x80, s7, s7, $0xb8;
	[tilespmem:$0x1B800] =	vst v63  }
0x83: {  	s28 =	simm.s32 $0x50  }
0x84: {  	[tilespmem:s10], [sflag:$0x5] =	stream.indirect.gather [hbm4b:s4+s7], $0x80, s28, s7, $0xb8;
	[tilespmem:$0x1B800] =	vst v63  }
0x85: {  	s28 =	simm.s32 $0x78  }
0x86: {  	[tilespmem:s13], [sflag:$0x6] =	stream.indirect.gather [hbm4b:s4+s7], $0x80, s28, s7, $0xb8;
	[tilespmem:$0x1B800] =	vst v63  }
0x87: {  	s28 =	rddreg [dreg:$0x5]  }
0x88: {  	[tilespmem:s14], [sflag:$0x2] =	stream.linear.gather [hbm4b:s28+s26], $0xA00, $0x38;
	[tilespmem:$0x1B800] =	vst v63  }
0x89: {  	s29 =	simm.s32 $0x1E00;
	s28 =	rddreg [dreg:$0x6]  }
0x8a: {  	[tilespmem:s29], [sflag:$0x2] =	stream.linear.gather [hbm4b:s28+s26], $0xA00, $0x38;
	[tilespmem:$0x1B800] =	vst v63  }
0x8b: {  	_ =	swait.ge [sflag:s16], $0x1400  }
0x8c: {  	[sflag:s16] =	ssyncset.done $0x0  }
0x8d: {  	s29 =	simm.s32 $0x1400;
	[sflag:s16] =	ssyncadd.s32 $0xFFFFEC00  }
0x8e: {  	[spmem:s2] =	stream.indirect.scatter.add.f32 [tilespmem:s0], [sflag:$0x7], $0x80, s29, s7, $0xb8;
	[tilespmem:$0x1B800] =	vst v63  }
0x8f: {  	_ =	swait.ge [sflag:s17], $0x1400  }
0x90: {  	[sflag:s17] =	ssyncset.done $0x0  }
0x91: {  	s29 =	simm.s32 $0xA0;
	[sflag:s17] =	ssyncadd.s32 $0xFFFFEC00  }
0x92: {  	[tilespmem:s0], [sflag:$0x3] =	stream.indirect.gather [hbm4b:s4+s7], $0x80, s29, s7, $0xb8;
	[tilespmem:$0x1B800] =	vst v63  }
0x93: {  	_ =	swait.ge [sflag:s18], $0x1400  }
0x94: {  	[sflag:s18] =	ssyncset.done $0x0  }
0x95: {  	s29 =	simm.s32 $0x1428;
	[sflag:s18] =	ssyncadd.s32 $0xFFFFEC00  }
0x96: {  	[spmem:s2] =	stream.indirect.scatter.add.f32 [tilespmem:s8], [sflag:$0x8], $0x80, s29, s7, $0xb8;
	[tilespmem:$0x1B800] =	vst v63  }
0x97: {  	_ =	swait.ge [sflag:s19], $0x1400  }
0x98: {  	[sflag:s19] =	ssyncset.done $0x0  }
0x99: {  	s29 =	simm.s32 $0xC8;
	[sflag:s19] =	ssyncadd.s32 $0xFFFFEC00  }
0x9a: {  	[tilespmem:s8], [sflag:$0x4] =	stream.indirect.gather [hbm4b:s4+s7], $0x80, s29, s7, $0xb8;
	[tilespmem:$0x1B800] =	vst v63  }
0x9b: {  	_ =	swait.ge [sflag:s20], $0x1400  }
0x9c: {  	[sflag:s20] =	ssyncset.done $0x0  }
0x9d: {  	s29 =	simm.s32 $0x1450;
	[sflag:s20] =	ssyncadd.s32 $0xFFFFEC00  }
0x9e: {  	[spmem:s2] =	stream.indirect.scatter.add.f32 [tilespmem:s10], [sflag:$0x9], $0x80, s29, s7, $0xb8;
	[tilespmem:$0x1B800] =	vst v63  }
0x9f: {  	_ =	swait.ge [sflag:s5], $0x1400  }
0xa0: {  	[sflag:s5] =	ssyncset.done $0x0  }
0xa1: {  	s29 =	simm.s32 $0xF0;
	[sflag:s5] =	ssyncadd.s32 $0xFFFFEC00  }
0xa2: {  	[tilespmem:s10], [sflag:$0x5] =	stream.indirect.gather [hbm4b:s4+s7], $0x80, s29, s7, $0xb8;
	[tilespmem:$0x1B800] =	vst v63  }
0xa3: {  	_ =	swait.ge [sflag:s21], $0x1400  }
0xa4: {  	[sflag:s21] =	ssyncset.done $0x0  }
0xa5: {  	s29 =	simm.s32 $0x1478;
	[sflag:s21] =	ssyncadd.s32 $0xFFFFEC00  }
0xa6: {  	[spmem:s2] =	stream.indirect.scatter.add.f32 [tilespmem:s13], [sflag:$0xA], $0x80, s29, s7, $0xb8;
	[tilespmem:$0x1B800] =	vst v63  }
0xa7: {  	_ =	swait.ge [sflag:s22], $0x1400  }
0xa8: {  	[sflag:s22] =	ssyncset.done $0x0  }
0xa9: {  	s26 =	simm.s32 $0x280;
	s28 =	simm.s32 $0x118;
	[sflag:s22] =	ssyncadd.s32 $0xFFFFEC00  }
.LBB2_4:
0xaa: {  	[tilespmem:s13], [sflag:$0x6] =	stream.indirect.gather [hbm4b:s4+s7], $0x80, s28, s7, $0xb8;
	[tilespmem:$0x1B800] =	vst v63  }
0xab: {  	s28 =	smov.u32 s26  }
0xac: {  	p0 =	sne.s32 s26, $0x2300;
	s26 =	sadd.s32 $0x280, s26;
	_ =	swait.ge [sflag:s16], $0x1400  }
0xad: {  	s28 =	sshra.s32 s28, $0x2;
	[sflag:s16] =	ssyncset.done $0x0  }
0xae: {  	s29 =	sadd.s32 $0x1400, s28;
	[sflag:s16] =	ssyncadd.s32 $0xFFFFEC00  }
0xaf: {  	[spmem:s2] =	stream.indirect.scatter.add.f32 [tilespmem:s0], [sflag:$0x7], $0x80, s29, s7, $0xb8;
	[tilespmem:$0x1B800] =	vst v63  }
0xb0: {  	_ =	swait.ge [sflag:s17], $0x1400  }
0xb1: {  	[sflag:s17] =	ssyncset.done $0x0  }
0xb2: {  	s29 =	sadd.s32 $0xA0, s28;
	[sflag:s17] =	ssyncadd.s32 $0xFFFFEC00  }
0xb3: {  	[tilespmem:s0], [sflag:$0x3] =	stream.indirect.gather [hbm4b:s4+s7], $0x80, s29, s7, $0xb8;
	[tilespmem:$0x1B800] =	vst v63  }
0xb4: {  	_ =	swait.ge [sflag:s18], $0x1400  }
0xb5: {  	[sflag:s18] =	ssyncset.done $0x0  }
0xb6: {  	s29 =	sadd.s32 $0x1428, s28;
	[sflag:s18] =	ssyncadd.s32 $0xFFFFEC00  }
0xb7: {  	[spmem:s2] =	stream.indirect.scatter.add.f32 [tilespmem:s8], [sflag:$0x8], $0x80, s29, s7, $0xb8;
	[tilespmem:$0x1B800] =	vst v63  }
0xb8: {  	_ =	swait.ge [sflag:s19], $0x1400  }
0xb9: {  	[sflag:s19] =	ssyncset.done $0x0  }
0xba: {  	s29 =	sadd.s32 $0xC8, s28;
	[sflag:s19] =	ssyncadd.s32 $0xFFFFEC00  }
0xbb: {  	[tilespmem:s8], [sflag:$0x4] =	stream.indirect.gather [hbm4b:s4+s7], $0x80, s29, s7, $0xb8;
	[tilespmem:$0x1B800] =	vst v63  }
0xbc: {  	_ =	swait.ge [sflag:s20], $0x1400  }
0xbd: {  	[sflag:s20] =	ssyncset.done $0x0  }
0xbe: {  	s29 =	sadd.s32 $0x1450, s28;
	[sflag:s20] =	ssyncadd.s32 $0xFFFFEC00  }
0xbf: {  	[spmem:s2] =	stream.indirect.scatter.add.f32 [tilespmem:s10], [sflag:$0x9], $0x80, s29, s7, $0xb8;
	[tilespmem:$0x1B800] =	vst v63  }
0xc0: {  	_ =	swait.ge [sflag:s5], $0x1400  }
0xc1: {  	[sflag:s5] =	ssyncset.done $0x0  }
0xc2: {  	s29 =	sadd.s32 $0xF0, s28;
	[sflag:s5] =	ssyncadd.s32 $0xFFFFEC00  }
0xc3: {  	[tilespmem:s10], [sflag:$0x5] =	stream.indirect.gather [hbm4b:s4+s7], $0x80, s29, s7, $0xb8;
	[tilespmem:$0x1B800] =	vst v63  }
0xc4: {  	_ =	swait.ge [sflag:s21], $0x1400  }
0xc5: {  	[sflag:s21] =	ssyncset.done $0x0  }
.Ltmp1:
0xc6: {  	s29 =	sadd.s32 $0x1478, s28;
	[sflag:s21] =	ssyncadd.s32 $0xFFFFEC00;
	(pc) =	sbr.rel @p0 .LBB2_4-.Ltmp1, $4  }
0xc7: {  	[spmem:s2] =	stream.indirect.scatter.add.f32 [tilespmem:s13], [sflag:$0xA], $0x80, s29, s7, $0xb8;
	[tilespmem:$0x1B800] =	vst v63  }
0xc8: {  	_ =	swait.ge [sflag:s22], $0x1400  }
0xc9: {  	[sflag:s22] =	ssyncset.done $0x0  }
0xca: {  	s28 =	sadd.s32 $0x118, s28;
	[sflag:s22] =	ssyncadd.s32 $0xFFFFEC00  }
0xcb: {  	[tilespmem:s13], [sflag:$0x6] =	stream.indirect.gather [hbm4b:s4+s7], $0x80, s28, s7, $0xb8;
	[tilespmem:$0x1B800] =	vst v63  }
0xcc: {  	_ =	swait.ge [sflag:s16], $0x1400  }
0xcd: {  	[sflag:s16] =	ssyncset.done $0x0  }
0xce: {  	s26 =	simm.s32 $0x1D60;
	[sflag:s16] =	ssyncadd.s32 $0xFFFFEC00  }
0xcf: {  	[spmem:s2] =	stream.indirect.scatter.add.f32 [tilespmem:s0], [sflag:$0x7], $0x80, s26, s7, $0xb8;
	[tilespmem:$0x1B800] =	vst v63  }
0xd0: {  	_ =	swait.ge [sflag:s18], $0x1400  }
0xd1: {  	[sflag:s18] =	ssyncset.done $0x0  }
0xd2: {  	s29 =	simm.s32 $0x1D88;
	[sflag:s18] =	ssyncadd.s32 $0xFFFFEC00  }
0xd3: {  	[spmem:s2] =	stream.indirect.scatter.add.f32 [tilespmem:s8], [sflag:$0x8], $0x80, s29, s7, $0xb8;
	[tilespmem:$0x1B800] =	vst v63  }
0xd4: {  	_ =	swait.ge [sflag:s20], $0x1400  }
0xd5: {  	[sflag:s20] =	ssyncset.done $0x0  }
0xd6: {  	s29 =	simm.s32 $0x1DB0;
	[sflag:s20] =	ssyncadd.s32 $0xFFFFEC00  }
0xd7: {  	[spmem:s2] =	stream.indirect.scatter.add.f32 [tilespmem:s10], [sflag:$0x9], $0x80, s29, s7, $0xb8;
	[tilespmem:$0x1B800] =	vst v63  }
0xd8: {  	_ =	swait.ge [sflag:s21], $0x1400  }
0xd9: {  	[sflag:s21] =	ssyncset.done $0x0  }
0xda: {  	s29 =	simm.s32 $0x1DD8;
	[sflag:s21] =	ssyncadd.s32 $0xFFFFEC00  }
0xdb: {  	[spmem:s2] =	stream.indirect.scatter.add.f32 [tilespmem:s13], [sflag:$0xA], $0x80, s29, s7, $0xb8;
	[tilespmem:$0x1B800] =	vst v63  }
0xdc: {  	_ =	swait.ge [sflag:s11], $0xA00  }
0xdd: {  	[sflag:s11] =	ssyncset.done $0x0  }
0xde: {  	[sflag:s11] =	ssyncadd.s32 $0xFFFFF600  }
0xdf: {  	_ =	swait.ge [sflag:s11], $0xA00  }
0xe0: {  	[sflag:s11] =	ssyncset.done $0x0  }
0xe1: {  	[sflag:s11] =	ssyncadd.s32 $0xFFFFF600  }
0xe2: {  	_ =	swait.ge [sflag:s17], $0x1400  }
0xe3: {  	[sflag:s17] =	ssyncset.done $0x0  }
0xe4: {  	[sflag:s17] =	ssyncadd.s32 $0xFFFFEC00  }
0xe5: {  	[tilespmem:s0], [sflag:$0x3] =	stream.indirect.gather [hbm4b:s4+s7], $0x80, s14, s7, $0xb8;
	[tilespmem:$0x1B800] =	vst v63  }
0xe6: {  	_ =	swait.ge [sflag:s19], $0x1400  }
0xe7: {  	[sflag:s19] =	ssyncset.done $0x0  }
0xe8: {  	s29 =	simm.s32 $0xA28;
	[sflag:s19] =	ssyncadd.s32 $0xFFFFEC00  }
0xe9: {  	[tilespmem:s8], [sflag:$0x4] =	stream.indirect.gather [hbm4b:s4+s7], $0x80, s29, s7, $0xb8;
	[tilespmem:$0x1B800] =	vst v63  }
0xea: {  	_ =	swait.ge [sflag:s5], $0x1400  }
0xeb: {  	[sflag:s5] =	ssyncset.done $0x0  }
0xec: {  	s29 =	simm.s32 $0xA50;
	[sflag:s5] =	ssyncadd.s32 $0xFFFFEC00  }
0xed: {  	[tilespmem:s10], [sflag:$0x5] =	stream.indirect.gather [hbm4b:s4+s7], $0x80, s29, s7, $0xb8;
	[tilespmem:$0x1B800] =	vst v63  }
0xee: {  	_ =	swait.ge [sflag:s22], $0x1400  }
0xef: {  	[sflag:s22] =	ssyncset.done $0x0  }
0xf0: {  	[sflag:s22] =	ssyncadd.s32 $0xFFFFEC00  }
0xf1: {  	[tilespmem:s13], [sflag:$0x6] =	stream.indirect.gather [hbm4b:s4+s7], $0x80, s30, s7, $0xb8;
	[tilespmem:$0x1B800] =	vst v63  }
0xf2: {  	s26 =	simm.s32 $0x0;
	s28 =	rddreg [dreg:$0x7]  }
0xf3: {  	[tilespmem:s26], [sflag:$0x1] =	stream.linear.gather [hbm4b:s28+s26], $0xA00, $0x38;
	[tilespmem:$0x1B800] =	vst v63  }
0xf4: {  	s29 =	simm.s32 $0x1400;
	s28 =	rddreg [dreg:$0x8]  }
0xf5: {  	[tilespmem:s29], [sflag:$0x1] =	stream.linear.gather [hbm4b:s28+s26], $0xA00, $0x38;
	[tilespmem:$0x1B800] =	vst v63  }
0xf6: {  	_ =	swait.ge [sflag:s16], $0x1400  }
0xf7: {  	[sflag:s16] =	ssyncset.done $0x0  }
0xf8: {  	s29 =	simm.s32 $0x1E00;
	[sflag:s16] =	ssyncadd.s32 $0xFFFFEC00  }
0xf9: {  	[spmem:s2] =	stream.indirect.scatter.add.f32 [tilespmem:s0], [sflag:$0x7], $0x80, s29, s7, $0xb8;
	[tilespmem:$0x1B800] =	vst v63  }
0xfa: {  	_ =	swait.ge [sflag:s17], $0x1400  }
0xfb: {  	[sflag:s17] =	ssyncset.done $0x0  }
0xfc: {  	s29 =	simm.s32 $0xAA0;
	[sflag:s17] =	ssyncadd.s32 $0xFFFFEC00  }
0xfd: {  	[tilespmem:s0], [sflag:$0x3] =	stream.indirect.gather [hbm4b:s4+s7], $0x80, s29, s7, $0xb8;
	[tilespmem:$0x1B800] =	vst v63  }
0xfe: {  	_ =	swait.ge [sflag:s18], $0x1400  }
0xff: {  	[sflag:s18] =	ssyncset.done $0x0  }
0x100: {  	s29 =	simm.s32 $0x1E28;
	[sflag:s18] =	ssyncadd.s32 $0xFFFFEC00  }
0x101: {  	[spmem:s2] =	stream.indirect.scatter.add.f32 [tilespmem:s8], [sflag:$0x8], $0x80, s29, s7, $0xb8;
	[tilespmem:$0x1B800] =	vst v63  }
0x102: {  	_ =	swait.ge [sflag:s19], $0x1400  }
0x103: {  	[sflag:s19] =	ssyncset.done $0x0  }
0x104: {  	s29 =	simm.s32 $0xAC8;
	[sflag:s19] =	ssyncadd.s32 $0xFFFFEC00  }
0x105: {  	[tilespmem:s8], [sflag:$0x4] =	stream.indirect.gather [hbm4b:s4+s7], $0x80, s29, s7, $0xb8;
	[tilespmem:$0x1B800] =	vst v63  }
0x106: {  	_ =	swait.ge [sflag:s20], $0x1400  }
0x107: {  	[sflag:s20] =	ssyncset.done $0x0  }
0x108: {  	s29 =	simm.s32 $0x1E50;
	[sflag:s20] =	ssyncadd.s32 $0xFFFFEC00  }
0x109: {  	[spmem:s2] =	stream.indirect.scatter.add.f32 [tilespmem:s10], [sflag:$0x9], $0x80, s29, s7, $0xb8;
	[tilespmem:$0x1B800] =	vst v63  }
0x10a: {  	_ =	swait.ge [sflag:s5], $0x1400  }
0x10b: {  	[sflag:s5] =	ssyncset.done $0x0  }
0x10c: {  	s29 =	simm.s32 $0xAF0;
	[sflag:s5] =	ssyncadd.s32 $0xFFFFEC00  }
0x10d: {  	[tilespmem:s10], [sflag:$0x5] =	stream.indirect.gather [hbm4b:s4+s7], $0x80, s29, s7, $0xb8;
	[tilespmem:$0x1B800] =	vst v63  }
0x10e: {  	_ =	swait.ge [sflag:s21], $0x1400  }
0x10f: {  	[sflag:s21] =	ssyncset.done $0x0  }
0x110: {  	s29 =	simm.s32 $0x1E78;
	[sflag:s21] =	ssyncadd.s32 $0xFFFFEC00  }
0x111: {  	[spmem:s2] =	stream.indirect.scatter.add.f32 [tilespmem:s13], [sflag:$0xA], $0x80, s29, s7, $0xb8;
	[tilespmem:$0x1B800] =	vst v63  }
0x112: {  	_ =	swait.ge [sflag:s22], $0x1400  }
0x113: {  	[sflag:s22] =	ssyncset.done $0x0  }
0x114: {  	s26 =	simm.s32 $0x280;
	s28 =	simm.s32 $0xB18;
	[sflag:s22] =	ssyncadd.s32 $0xFFFFEC00  }
.LBB2_6:
0x115: {  	[tilespmem:s13], [sflag:$0x6] =	stream.indirect.gather [hbm4b:s4+s7], $0x80, s28, s7, $0xb8;
	[tilespmem:$0x1B800] =	vst v63  }
0x116: {  	s28 =	smov.u32 s26  }
0x117: {  	p0 =	sne.s32 s26, $0x2300;
	s26 =	sadd.s32 $0x280, s26;
	_ =	swait.ge [sflag:s16], $0x1400  }
0x118: {  	s28 =	sshra.s32 s28, $0x2;
	[sflag:s16] =	ssyncset.done $0x0  }
0x119: {  	s29 =	sadd.s32 $0x1E00, s28;
	[sflag:s16] =	ssyncadd.s32 $0xFFFFEC00  }
0x11a: {  	[spmem:s2] =	stream.indirect.scatter.add.f32 [tilespmem:s0], [sflag:$0x7], $0x80, s29, s7, $0xb8;
	[tilespmem:$0x1B800] =	vst v63  }
0x11b: {  	_ =	swait.ge [sflag:s17], $0x1400  }
0x11c: {  	[sflag:s17] =	ssyncset.done $0x0  }
0x11d: {  	s29 =	sadd.s32 $0xAA0, s28;
	[sflag:s17] =	ssyncadd.s32 $0xFFFFEC00  }
0x11e: {  	[tilespmem:s0], [sflag:$0x3] =	stream.indirect.gather [hbm4b:s4+s7], $0x80, s29, s7, $0xb8;
	[tilespmem:$0x1B800] =	vst v63  }
0x11f: {  	_ =	swait.ge [sflag:s18], $0x1400  }
0x120: {  	[sflag:s18] =	ssyncset.done $0x0  }
0x121: {  	s29 =	sadd.s32 $0x1E28, s28;
	[sflag:s18] =	ssyncadd.s32 $0xFFFFEC00  }
0x122: {  	[spmem:s2] =	stream.indirect.scatter.add.f32 [tilespmem:s8], [sflag:$0x8], $0x80, s29, s7, $0xb8;
	[tilespmem:$0x1B800] =	vst v63  }
0x123: {  	_ =	swait.ge [sflag:s19], $0x1400  }
0x124: {  	[sflag:s19] =	ssyncset.done $0x0  }
0x125: {  	s29 =	sadd.s32 $0xAC8, s28;
	[sflag:s19] =	ssyncadd.s32 $0xFFFFEC00  }
0x126: {  	[tilespmem:s8], [sflag:$0x4] =	stream.indirect.gather [hbm4b:s4+s7], $0x80, s29, s7, $0xb8;
	[tilespmem:$0x1B800] =	vst v63  }
0x127: {  	_ =	swait.ge [sflag:s20], $0x1400  }
0x128: {  	[sflag:s20] =	ssyncset.done $0x0  }
0x129: {  	s29 =	sadd.s32 $0x1E50, s28;
	[sflag:s20] =	ssyncadd.s32 $0xFFFFEC00  }
0x12a: {  	[spmem:s2] =	stream.indirect.scatter.add.f32 [tilespmem:s10], [sflag:$0x9], $0x80, s29, s7, $0xb8;
	[tilespmem:$0x1B800] =	vst v63  }
0x12b: {  	_ =	swait.ge [sflag:s5], $0x1400  }
0x12c: {  	[sflag:s5] =	ssyncset.done $0x0  }
0x12d: {  	s29 =	sadd.s32 $0xAF0, s28;
	[sflag:s5] =	ssyncadd.s32 $0xFFFFEC00  }
0x12e: {  	[tilespmem:s10], [sflag:$0x5] =	stream.indirect.gather [hbm4b:s4+s7], $0x80, s29, s7, $0xb8;
	[tilespmem:$0x1B800] =	vst v63  }
0x12f: {  	_ =	swait.ge [sflag:s21], $0x1400  }
0x130: {  	[sflag:s21] =	ssyncset.done $0x0  }
.Ltmp2:
0x131: {  	s29 =	sadd.s32 $0x1E78, s28;
	[sflag:s21] =	ssyncadd.s32 $0xFFFFEC00;
	(pc) =	sbr.rel @p0 .LBB2_6-.Ltmp2, $4  }
0x132: {  	[spmem:s2] =	stream.indirect.scatter.add.f32 [tilespmem:s13], [sflag:$0xA], $0x80, s29, s7, $0xb8;
	[tilespmem:$0x1B800] =	vst v63  }
0x133: {  	_ =	swait.ge [sflag:s22], $0x1400  }
0x134: {  	[sflag:s22] =	ssyncset.done $0x0  }
0x135: {  	s28 =	sadd.s32 $0xB18, s28;
	[sflag:s22] =	ssyncadd.s32 $0xFFFFEC00  }
0x136: {  	[tilespmem:s13], [sflag:$0x6] =	stream.indirect.gather [hbm4b:s4+s7], $0x80, s28, s7, $0xb8;
	[tilespmem:$0x1B800] =	vst v63  }
0x137: {  	_ =	swait.ge [sflag:s16], $0x1400  }
0x138: {  	[sflag:s16] =	ssyncset.done $0x0  }
0x139: {  	[sflag:s16] =	ssyncadd.s32 $0xFFFFEC00  }
0x13a: {  	[spmem:s2] =	stream.indirect.scatter.add.f32 [tilespmem:s0], [sflag:$0x7], $0x80, s15, s7, $0xb8;
	[tilespmem:$0x1B800] =	vst v63  }
0x13b: {  	_ =	swait.ge [sflag:s18], $0x1400  }
0x13c: {  	[sflag:s18] =	ssyncset.done $0x0  }
0x13d: {  	[sflag:s18] =	ssyncadd.s32 $0xFFFFEC00  }
0x13e: {  	[spmem:s2] =	stream.indirect.scatter.add.f32 [tilespmem:s8], [sflag:$0x8], $0x80, s31, s7, $0xb8;
	[tilespmem:$0x1B800] =	vst v63  }
0x13f: {  	_ =	swait.ge [sflag:s20], $0x1400  }
0x140: {  	[sflag:s20] =	ssyncset.done $0x0  }
0x141: {  	[sflag:s20] =	ssyncadd.s32 $0xFFFFEC00  }
0x142: {  	[spmem:s2] =	stream.indirect.scatter.add.f32 [tilespmem:s10], [sflag:$0x9], $0x80, s23, s7, $0xb8;
	[tilespmem:$0x1B800] =	vst v63  }
0x143: {  	_ =	swait.ge [sflag:s21], $0x1400  }
0x144: {  	[sflag:s21] =	ssyncset.done $0x0  }
0x145: {  	[sflag:s21] =	ssyncadd.s32 $0xFFFFEC00  }
0x146: {  	[spmem:s2] =	stream.indirect.scatter.add.f32 [tilespmem:s13], [sflag:$0xA], $0x80, s24, s7, $0xb8;
	[tilespmem:$0x1B800] =	vst v63  }
0x147: {  	_ =	swait.ge [sflag:s6], $0xA00  }
0x148: {  	[sflag:s6] =	ssyncset.done $0x0  }
0x149: {  	[sflag:s6] =	ssyncadd.s32 $0xFFFFF600  }
0x14a: {  	_ =	swait.ge [sflag:s6], $0xA00  }
0x14b: {  	[sflag:s6] =	ssyncset.done $0x0  }
0x14c: {  	[sflag:s6] =	ssyncadd.s32 $0xFFFFF600  }
0x14d: {  	_ =	swait.ge [sflag:s17], $0x1400  }
0x14e: {  	[sflag:s17] =	ssyncset.done $0x0  }
0x14f: {  	s26 =	simm.s32 $0x0;
	[sflag:s17] =	ssyncadd.s32 $0xFFFFEC00  }
0x150: {  	[tilespmem:s0], [sflag:$0x3] =	stream.indirect.gather [hbm4b:s4+s7], $0x80, s26, s7, $0xb8;
	[tilespmem:$0x1B800] =	vst v63  }
0x151: {  	_ =	swait.ge [sflag:s19], $0x1400  }
0x152: {  	[sflag:s19] =	ssyncset.done $0x0  }
0x153: {  	[sflag:s19] =	ssyncadd.s32 $0xFFFFEC00  }
0x154: {  	[tilespmem:s8], [sflag:$0x4] =	stream.indirect.gather [hbm4b:s4+s7], $0x80, s7, s7, $0xb8;
	[tilespmem:$0x1B800] =	vst v63  }
0x155: {  	_ =	swait.ge [sflag:s5], $0x1400  }
0x156: {  	[sflag:s5] =	ssyncset.done $0x0  }
0x157: {  	s28 =	simm.s32 $0x50;
	[sflag:s5] =	ssyncadd.s32 $0xFFFFEC00  }
0x158: {  	[tilespmem:s10], [sflag:$0x5] =	stream.indirect.gather [hbm4b:s4+s7], $0x80, s28, s7, $0xb8;
	[tilespmem:$0x1B800] =	vst v63  }
0x159: {  	_ =	swait.ge [sflag:s22], $0x1400  }
0x15a: {  	[sflag:s22] =	ssyncset.done $0x0  }
0x15b: {  	s28 =	simm.s32 $0x78;
	[sflag:s22] =	ssyncadd.s32 $0xFFFFEC00  }
0x15c: {  	[tilespmem:s13], [sflag:$0x6] =	stream.indirect.gather [hbm4b:s4+s7], $0x80, s28, s7, $0xb8;
	[tilespmem:$0x1B800] =	vst v63  }
0x15d: {  	s28 =	rddreg [dreg:$0x9]  }
0x15e: {  	[tilespmem:s14], [sflag:$0x2] =	stream.linear.gather [hbm4b:s28+s26], $0xA00, $0x38;
	[tilespmem:$0x1B800] =	vst v63  }
0x15f: {  	s29 =	simm.s32 $0x1E00;
	s28 =	rddreg [dreg:$0xa]  }
0x160: {  	[tilespmem:s29], [sflag:$0x2] =	stream.linear.gather [hbm4b:s28+s26], $0xA00, $0x38;
	[tilespmem:$0x1B800] =	vst v63  }
0x161: {  	_ =	swait.ge [sflag:s16], $0x1400  }
0x162: {  	[sflag:s16] =	ssyncset.done $0x0  }
0x163: {  	s29 =	simm.s32 $0x1400;
	[sflag:s16] =	ssyncadd.s32 $0xFFFFEC00  }
0x164: {  	[spmem:s2] =	stream.indirect.scatter.add.f32 [tilespmem:s0], [sflag:$0x7], $0x80, s29, s7, $0xb8;
	[tilespmem:$0x1B800] =	vst v63  }
0x165: {  	_ =	swait.ge [sflag:s17], $0x1400  }
0x166: {  	[sflag:s17] =	ssyncset.done $0x0  }
0x167: {  	s29 =	simm.s32 $0xA0;
	[sflag:s17] =	ssyncadd.s32 $0xFFFFEC00  }
0x168: {  	[tilespmem:s0], [sflag:$0x3] =	stream.indirect.gather [hbm4b:s4+s7], $0x80, s29, s7, $0xb8;
	[tilespmem:$0x1B800] =	vst v63  }
0x169: {  	_ =	swait.ge [sflag:s18], $0x1400  }
0x16a: {  	[sflag:s18] =	ssyncset.done $0x0  }
0x16b: {  	s29 =	simm.s32 $0x1428;
	[sflag:s18] =	ssyncadd.s32 $0xFFFFEC00  }
0x16c: {  	[spmem:s2] =	stream.indirect.scatter.add.f32 [tilespmem:s8], [sflag:$0x8], $0x80, s29, s7, $0xb8;
	[tilespmem:$0x1B800] =	vst v63  }
0x16d: {  	_ =	swait.ge [sflag:s19], $0x1400  }
0x16e: {  	[sflag:s19] =	ssyncset.done $0x0  }
0x16f: {  	s29 =	simm.s32 $0xC8;
	[sflag:s19] =	ssyncadd.s32 $0xFFFFEC00  }
0x170: {  	[tilespmem:s8], [sflag:$0x4] =	stream.indirect.gather [hbm4b:s4+s7], $0x80, s29, s7, $0xb8;
	[tilespmem:$0x1B800] =	vst v63  }
0x171: {  	_ =	swait.ge [sflag:s20], $0x1400  }
0x172: {  	[sflag:s20] =	ssyncset.done $0x0  }
0x173: {  	s29 =	simm.s32 $0x1450;
	[sflag:s20] =	ssyncadd.s32 $0xFFFFEC00  }
0x174: {  	[spmem:s2] =	stream.indirect.scatter.add.f32 [tilespmem:s10], [sflag:$0x9], $0x80, s29, s7, $0xb8;
	[tilespmem:$0x1B800] =	vst v63  }
0x175: {  	_ =	swait.ge [sflag:s5], $0x1400  }
0x176: {  	[sflag:s5] =	ssyncset.done $0x0  }
0x177: {  	s29 =	simm.s32 $0xF0;
	[sflag:s5] =	ssyncadd.s32 $0xFFFFEC00  }
0x178: {  	[tilespmem:s10], [sflag:$0x5] =	stream.indirect.gather [hbm4b:s4+s7], $0x80, s29, s7, $0xb8;
	[tilespmem:$0x1B800] =	vst v63  }
0x179: {  	_ =	swait.ge [sflag:s21], $0x1400  }
0x17a: {  	[sflag:s21] =	ssyncset.done $0x0  }
0x17b: {  	s29 =	simm.s32 $0x1478;
	[sflag:s21] =	ssyncadd.s32 $0xFFFFEC00  }
0x17c: {  	[spmem:s2] =	stream.indirect.scatter.add.f32 [tilespmem:s13], [sflag:$0xA], $0x80, s29, s7, $0xb8;
	[tilespmem:$0x1B800] =	vst v63  }
0x17d: {  	_ =	swait.ge [sflag:s22], $0x1400  }
0x17e: {  	[sflag:s22] =	ssyncset.done $0x0  }
0x17f: {  	s26 =	simm.s32 $0x280;
	s28 =	simm.s32 $0x118;
	[sflag:s22] =	ssyncadd.s32 $0xFFFFEC00  }
.LBB2_8:
0x180: {  	[tilespmem:s13], [sflag:$0x6] =	stream.indirect.gather [hbm4b:s4+s7], $0x80, s28, s7, $0xb8;
	[tilespmem:$0x1B800] =	vst v63  }
0x181: {  	s28 =	smov.u32 s26  }
0x182: {  	p0 =	sne.s32 s26, $0x2300;
	s26 =	sadd.s32 $0x280, s26;
	_ =	swait.ge [sflag:s16], $0x1400  }
0x183: {  	s28 =	sshra.s32 s28, $0x2;
	[sflag:s16] =	ssyncset.done $0x0  }
0x184: {  	s29 =	sadd.s32 $0x1400, s28;
	[sflag:s16] =	ssyncadd.s32 $0xFFFFEC00  }
0x185: {  	[spmem:s2] =	stream.indirect.scatter.add.f32 [tilespmem:s0], [sflag:$0x7], $0x80, s29, s7, $0xb8;
	[tilespmem:$0x1B800] =	vst v63  }
0x186: {  	_ =	swait.ge [sflag:s17], $0x1400  }
0x187: {  	[sflag:s17] =	ssyncset.done $0x0  }
0x188: {  	s29 =	sadd.s32 $0xA0, s28;
	[sflag:s17] =	ssyncadd.s32 $0xFFFFEC00  }
0x189: {  	[tilespmem:s0], [sflag:$0x3] =	stream.indirect.gather [hbm4b:s4+s7], $0x80, s29, s7, $0xb8;
	[tilespmem:$0x1B800] =	vst v63  }
0x18a: {  	_ =	swait.ge [sflag:s18], $0x1400  }
0x18b: {  	[sflag:s18] =	ssyncset.done $0x0  }
0x18c: {  	s29 =	sadd.s32 $0x1428, s28;
	[sflag:s18] =	ssyncadd.s32 $0xFFFFEC00  }
0x18d: {  	[spmem:s2] =	stream.indirect.scatter.add.f32 [tilespmem:s8], [sflag:$0x8], $0x80, s29, s7, $0xb8;
	[tilespmem:$0x1B800] =	vst v63  }
0x18e: {  	_ =	swait.ge [sflag:s19], $0x1400  }
0x18f: {  	[sflag:s19] =	ssyncset.done $0x0  }
0x190: {  	s29 =	sadd.s32 $0xC8, s28;
	[sflag:s19] =	ssyncadd.s32 $0xFFFFEC00  }
0x191: {  	[tilespmem:s8], [sflag:$0x4] =	stream.indirect.gather [hbm4b:s4+s7], $0x80, s29, s7, $0xb8;
	[tilespmem:$0x1B800] =	vst v63  }
0x192: {  	_ =	swait.ge [sflag:s20], $0x1400  }
0x193: {  	[sflag:s20] =	ssyncset.done $0x0  }
0x194: {  	s29 =	sadd.s32 $0x1450, s28;
	[sflag:s20] =	ssyncadd.s32 $0xFFFFEC00  }
0x195: {  	[spmem:s2] =	stream.indirect.scatter.add.f32 [tilespmem:s10], [sflag:$0x9], $0x80, s29, s7, $0xb8;
	[tilespmem:$0x1B800] =	vst v63  }
0x196: {  	_ =	swait.ge [sflag:s5], $0x1400  }
0x197: {  	[sflag:s5] =	ssyncset.done $0x0  }
0x198: {  	s29 =	sadd.s32 $0xF0, s28;
	[sflag:s5] =	ssyncadd.s32 $0xFFFFEC00  }
0x199: {  	[tilespmem:s10], [sflag:$0x5] =	stream.indirect.gather [hbm4b:s4+s7], $0x80, s29, s7, $0xb8;
	[tilespmem:$0x1B800] =	vst v63  }
0x19a: {  	_ =	swait.ge [sflag:s21], $0x1400  }
0x19b: {  	[sflag:s21] =	ssyncset.done $0x0  }
.Ltmp3:
0x19c: {  	s29 =	sadd.s32 $0x1478, s28;
	[sflag:s21] =	ssyncadd.s32 $0xFFFFEC00;
	(pc) =	sbr.rel @p0 .LBB2_8-.Ltmp3, $4  }
0x19d: {  	[spmem:s2] =	stream.indirect.scatter.add.f32 [tilespmem:s13], [sflag:$0xA], $0x80, s29, s7, $0xb8;
	[tilespmem:$0x1B800] =	vst v63  }
0x19e: {  	_ =	swait.ge [sflag:s22], $0x1400  }
0x19f: {  	[sflag:s22] =	ssyncset.done $0x0  }
0x1a0: {  	s28 =	sadd.s32 $0x118, s28;
	[sflag:s22] =	ssyncadd.s32 $0xFFFFEC00  }
0x1a1: {  	[tilespmem:s13], [sflag:$0x6] =	stream.indirect.gather [hbm4b:s4+s7], $0x80, s28, s7, $0xb8;
	[tilespmem:$0x1B800] =	vst v63  }
0x1a2: {  	_ =	swait.ge [sflag:s16], $0x1400  }
0x1a3: {  	[sflag:s16] =	ssyncset.done $0x0  }
0x1a4: {  	s26 =	simm.s32 $0x1D60;
	[sflag:s16] =	ssyncadd.s32 $0xFFFFEC00  }
0x1a5: {  	[spmem:s2] =	stream.indirect.scatter.add.f32 [tilespmem:s0], [sflag:$0x7], $0x80, s26, s7, $0xb8;
	[tilespmem:$0x1B800] =	vst v63  }
0x1a6: {  	_ =	swait.ge [sflag:s18], $0x1400  }
0x1a7: {  	[sflag:s18] =	ssyncset.done $0x0  }
0x1a8: {  	s29 =	simm.s32 $0x1D88;
	[sflag:s18] =	ssyncadd.s32 $0xFFFFEC00  }
0x1a9: {  	[spmem:s2] =	stream.indirect.scatter.add.f32 [tilespmem:s8], [sflag:$0x8], $0x80, s29, s7, $0xb8;
	[tilespmem:$0x1B800] =	vst v63  }
0x1aa: {  	_ =	swait.ge [sflag:s20], $0x1400  }
0x1ab: {  	[sflag:s20] =	ssyncset.done $0x0  }
0x1ac: {  	s29 =	simm.s32 $0x1DB0;
	[sflag:s20] =	ssyncadd.s32 $0xFFFFEC00  }
0x1ad: {  	[spmem:s2] =	stream.indirect.scatter.add.f32 [tilespmem:s10], [sflag:$0x9], $0x80, s29, s7, $0xb8;
	[tilespmem:$0x1B800] =	vst v63  }
0x1ae: {  	_ =	swait.ge [sflag:s21], $0x1400  }
0x1af: {  	[sflag:s21] =	ssyncset.done $0x0  }
0x1b0: {  	s29 =	simm.s32 $0x1DD8;
	[sflag:s21] =	ssyncadd.s32 $0xFFFFEC00  }
0x1b1: {  	[spmem:s2] =	stream.indirect.scatter.add.f32 [tilespmem:s13], [sflag:$0xA], $0x80, s29, s7, $0xb8;
	[tilespmem:$0x1B800] =	vst v63  }
0x1b2: {  	_ =	swait.ge [sflag:s11], $0xA00  }
0x1b3: {  	[sflag:s11] =	ssyncset.done $0x0  }
0x1b4: {  	[sflag:s11] =	ssyncadd.s32 $0xFFFFF600  }
0x1b5: {  	_ =	swait.ge [sflag:s11], $0xA00  }
0x1b6: {  	[sflag:s11] =	ssyncset.done $0x0  }
0x1b7: {  	[sflag:s11] =	ssyncadd.s32 $0xFFFFF600  }
0x1b8: {  	_ =	swait.ge [sflag:s17], $0x1400  }
0x1b9: {  	[sflag:s17] =	ssyncset.done $0x0  }
0x1ba: {  	[sflag:s17] =	ssyncadd.s32 $0xFFFFEC00  }
0x1bb: {  	[tilespmem:s0], [sflag:$0x3] =	stream.indirect.gather [hbm4b:s4+s7], $0x80, s14, s7, $0xb8;
	[tilespmem:$0x1B800] =	vst v63  }
0x1bc: {  	_ =	swait.ge [sflag:s19], $0x1400  }
0x1bd: {  	[sflag:s19] =	ssyncset.done $0x0  }
0x1be: {  	s29 =	simm.s32 $0xA28;
	[sflag:s19] =	ssyncadd.s32 $0xFFFFEC00  }
0x1bf: {  	[tilespmem:s8], [sflag:$0x4] =	stream.indirect.gather [hbm4b:s4+s7], $0x80, s29, s7, $0xb8;
	[tilespmem:$0x1B800] =	vst v63  }
0x1c0: {  	_ =	swait.ge [sflag:s5], $0x1400  }
0x1c1: {  	[sflag:s5] =	ssyncset.done $0x0  }
0x1c2: {  	s29 =	simm.s32 $0xA50;
	[sflag:s5] =	ssyncadd.s32 $0xFFFFEC00  }
0x1c3: {  	[tilespmem:s10], [sflag:$0x5] =	stream.indirect.gather [hbm4b:s4+s7], $0x80, s29, s7, $0xb8;
	[tilespmem:$0x1B800] =	vst v63  }
0x1c4: {  	_ =	swait.ge [sflag:s22], $0x1400  }
0x1c5: {  	[sflag:s22] =	ssyncset.done $0x0  }
0x1c6: {  	[sflag:s22] =	ssyncadd.s32 $0xFFFFEC00  }
0x1c7: {  	[tilespmem:s13], [sflag:$0x6] =	stream.indirect.gather [hbm4b:s4+s7], $0x80, s30, s7, $0xb8;
	[tilespmem:$0x1B800] =	vst v63  }
0x1c8: {  	_ =	swait.ge [sflag:s16], $0x1400  }
0x1c9: {  	[sflag:s16] =	ssyncset.done $0x0  }
0x1ca: {  	s29 =	simm.s32 $0x1E00;
	[sflag:s16] =	ssyncadd.s32 $0xFFFFEC00  }
0x1cb: {  	[spmem:s2] =	stream.indirect.scatter.add.f32 [tilespmem:s0], [sflag:$0x7], $0x80, s29, s7, $0xb8;
	[tilespmem:$0x1B800] =	vst v63  }
0x1cc: {  	_ =	swait.ge [sflag:s17], $0x1400  }
0x1cd: {  	[sflag:s17] =	ssyncset.done $0x0  }
0x1ce: {  	s29 =	simm.s32 $0xAA0;
	[sflag:s17] =	ssyncadd.s32 $0xFFFFEC00  }
0x1cf: {  	[tilespmem:s0], [sflag:$0x3] =	stream.indirect.gather [hbm4b:s4+s7], $0x80, s29, s7, $0xb8;
	[tilespmem:$0x1B800] =	vst v63  }
0x1d0: {  	_ =	swait.ge [sflag:s18], $0x1400  }
0x1d1: {  	[sflag:s18] =	ssyncset.done $0x0  }
0x1d2: {  	s29 =	simm.s32 $0x1E28;
	[sflag:s18] =	ssyncadd.s32 $0xFFFFEC00  }
0x1d3: {  	[spmem:s2] =	stream.indirect.scatter.add.f32 [tilespmem:s8], [sflag:$0x8], $0x80, s29, s7, $0xb8;
	[tilespmem:$0x1B800] =	vst v63  }
0x1d4: {  	_ =	swait.ge [sflag:s19], $0x1400  }
0x1d5: {  	[sflag:s19] =	ssyncset.done $0x0  }
0x1d6: {  	s29 =	simm.s32 $0xAC8;
	[sflag:s19] =	ssyncadd.s32 $0xFFFFEC00  }
0x1d7: {  	[tilespmem:s8], [sflag:$0x4] =	stream.indirect.gather [hbm4b:s4+s7], $0x80, s29, s7, $0xb8;
	[tilespmem:$0x1B800] =	vst v63  }
0x1d8: {  	_ =	swait.ge [sflag:s20], $0x1400  }
0x1d9: {  	[sflag:s20] =	ssyncset.done $0x0  }
0x1da: {  	s29 =	simm.s32 $0x1E50;
	[sflag:s20] =	ssyncadd.s32 $0xFFFFEC00  }
0x1db: {  	[spmem:s2] =	stream.indirect.scatter.add.f32 [tilespmem:s10], [sflag:$0x9], $0x80, s29, s7, $0xb8;
	[tilespmem:$0x1B800] =	vst v63  }
0x1dc: {  	_ =	swait.ge [sflag:s5], $0x1400  }
0x1dd: {  	[sflag:s5] =	ssyncset.done $0x0  }
0x1de: {  	s29 =	simm.s32 $0xAF0;
	[sflag:s5] =	ssyncadd.s32 $0xFFFFEC00  }
0x1df: {  	[tilespmem:s10], [sflag:$0x5] =	stream.indirect.gather [hbm4b:s4+s7], $0x80, s29, s7, $0xb8;
	[tilespmem:$0x1B800] =	vst v63  }
0x1e0: {  	_ =	swait.ge [sflag:s21], $0x1400  }
0x1e1: {  	[sflag:s21] =	ssyncset.done $0x0  }
0x1e2: {  	s29 =	simm.s32 $0x1E78;
	[sflag:s21] =	ssyncadd.s32 $0xFFFFEC00  }
0x1e3: {  	[spmem:s2] =	stream.indirect.scatter.add.f32 [tilespmem:s13], [sflag:$0xA], $0x80, s29, s7, $0xb8;
	[tilespmem:$0x1B800] =	vst v63  }
0x1e4: {  	_ =	swait.ge [sflag:s22], $0x1400  }
0x1e5: {  	[sflag:s22] =	ssyncset.done $0x0  }
0x1e6: {  	s28 =	simm.s32 $0xB18;
	s26 =	simm.s32 $0x280;
	[sflag:s22] =	ssyncadd.s32 $0xFFFFEC00  }
.LBB2_10:
0x1e7: {  	[tilespmem:s13], [sflag:$0x6] =	stream.indirect.gather [hbm4b:s4+s7], $0x80, s28, s7, $0xb8;
	[tilespmem:$0x1B800] =	vst v63  }
0x1e8: {  	s28 =	smov.u32 s26  }
0x1e9: {  	p0 =	sne.s32 s26, $0x2300;
	s26 =	sadd.s32 $0x280, s26;
	_ =	swait.ge [sflag:s16], $0x1400  }
0x1ea: {  	s28 =	sshra.s32 s28, $0x2;
	[sflag:s16] =	ssyncset.done $0x0  }
0x1eb: {  	s29 =	sadd.s32 $0x1E00, s28;
	[sflag:s16] =	ssyncadd.s32 $0xFFFFEC00  }
0x1ec: {  	[spmem:s2] =	stream.indirect.scatter.add.f32 [tilespmem:s0], [sflag:$0x7], $0x80, s29, s7, $0xb8;
	[tilespmem:$0x1B800] =	vst v63  }
0x1ed: {  	_ =	swait.ge [sflag:s17], $0x1400  }
0x1ee: {  	[sflag:s17] =	ssyncset.done $0x0  }
0x1ef: {  	s29 =	sadd.s32 $0xAA0, s28;
	[sflag:s17] =	ssyncadd.s32 $0xFFFFEC00  }
0x1f0: {  	[tilespmem:s0], [sflag:$0x3] =	stream.indirect.gather [hbm4b:s4+s7], $0x80, s29, s7, $0xb8;
	[tilespmem:$0x1B800] =	vst v63  }
0x1f1: {  	_ =	swait.ge [sflag:s18], $0x1400  }
0x1f2: {  	[sflag:s18] =	ssyncset.done $0x0  }
0x1f3: {  	s29 =	sadd.s32 $0x1E28, s28;
	[sflag:s18] =	ssyncadd.s32 $0xFFFFEC00  }
0x1f4: {  	[spmem:s2] =	stream.indirect.scatter.add.f32 [tilespmem:s8], [sflag:$0x8], $0x80, s29, s7, $0xb8;
	[tilespmem:$0x1B800] =	vst v63  }
0x1f5: {  	_ =	swait.ge [sflag:s19], $0x1400  }
0x1f6: {  	[sflag:s19] =	ssyncset.done $0x0  }
0x1f7: {  	s29 =	sadd.s32 $0xAC8, s28;
	[sflag:s19] =	ssyncadd.s32 $0xFFFFEC00  }
0x1f8: {  	[tilespmem:s8], [sflag:$0x4] =	stream.indirect.gather [hbm4b:s4+s7], $0x80, s29, s7, $0xb8;
	[tilespmem:$0x1B800] =	vst v63  }
0x1f9: {  	_ =	swait.ge [sflag:s20], $0x1400  }
0x1fa: {  	[sflag:s20] =	ssyncset.done $0x0  }
0x1fb: {  	s29 =	sadd.s32 $0x1E50, s28;
	[sflag:s20] =	ssyncadd.s32 $0xFFFFEC00  }
0x1fc: {  	[spmem:s2] =	stream.indirect.scatter.add.f32 [tilespmem:s10], [sflag:$0x9], $0x80, s29, s7, $0xb8;
	[tilespmem:$0x1B800] =	vst v63  }
0x1fd: {  	_ =	swait.ge [sflag:s5], $0x1400  }
0x1fe: {  	[sflag:s5] =	ssyncset.done $0x0  }
0x1ff: {  	s29 =	sadd.s32 $0xAF0, s28;
	[sflag:s5] =	ssyncadd.s32 $0xFFFFEC00  }
0x200: {  	[tilespmem:s10], [sflag:$0x5] =	stream.indirect.gather [hbm4b:s4+s7], $0x80, s29, s7, $0xb8;
	[tilespmem:$0x1B800] =	vst v63  }
0x201: {  	_ =	swait.ge [sflag:s21], $0x1400  }
0x202: {  	[sflag:s21] =	ssyncset.done $0x0  }
.Ltmp4:
0x203: {  	s29 =	sadd.s32 $0x1E78, s28;
	[sflag:s21] =	ssyncadd.s32 $0xFFFFEC00;
	(pc) =	sbr.rel @p0 .LBB2_10-.Ltmp4, $4  }
0x204: {  	[spmem:s2] =	stream.indirect.scatter.add.f32 [tilespmem:s13], [sflag:$0xA], $0x80, s29, s7, $0xb8;
	[tilespmem:$0x1B800] =	vst v63  }
0x205: {  	_ =	swait.ge [sflag:s22], $0x1400  }
0x206: {  	[sflag:s22] =	ssyncset.done $0x0  }
0x207: {  	s28 =	sadd.s32 $0xB18, s28;
	[sflag:s22] =	ssyncadd.s32 $0xFFFFEC00  }
0x208: {  	[tilespmem:s13], [sflag:$0x6] =	stream.indirect.gather [hbm4b:s4+s7], $0x80, s28, s7, $0xb8;
	[tilespmem:$0x1B800] =	vst v63  }
0x209: {  	_ =	swait.ge [sflag:s16], $0x1400  }
0x20a: {  	[sflag:s16] =	ssyncset.done $0x0  }
0x20b: {  	[sflag:s16] =	ssyncadd.s32 $0xFFFFEC00  }
0x20c: {  	[spmem:s2] =	stream.indirect.scatter.add.f32 [tilespmem:s0], [sflag:$0x7], $0x80, s15, s7, $0xb8;
	[tilespmem:$0x1B800] =	vst v63  }
0x20d: {  	_ =	swait.ge [sflag:s18], $0x1400  }
0x20e: {  	[sflag:s18] =	ssyncset.done $0x0  }
0x20f: {  	[sflag:s18] =	ssyncadd.s32 $0xFFFFEC00  }
0x210: {  	[spmem:s2] =	stream.indirect.scatter.add.f32 [tilespmem:s8], [sflag:$0x8], $0x80, s31, s7, $0xb8;
	[tilespmem:$0x1B800] =	vst v63  }
0x211: {  	_ =	swait.ge [sflag:s20], $0x1400  }
0x212: {  	[sflag:s20] =	ssyncset.done $0x0  }
0x213: {  	[sflag:s20] =	ssyncadd.s32 $0xFFFFEC00  }
0x214: {  	[spmem:s2] =	stream.indirect.scatter.add.f32 [tilespmem:s10], [sflag:$0x9], $0x80, s23, s7, $0xb8;
	[tilespmem:$0x1B800] =	vst v63  }
0x215: {  	_ =	swait.ge [sflag:s21], $0x1400  }
0x216: {  	[sflag:s21] =	ssyncset.done $0x0  }
0x217: {  	[sflag:s21] =	ssyncadd.s32 $0xFFFFEC00  }
0x218: {  	[spmem:s2] =	stream.indirect.scatter.add.f32 [tilespmem:s13], [sflag:$0xA], $0x80, s24, s7, $0xb8;
	[tilespmem:$0x1B800] =	vst v63  }
0x219: {  	_ =	swait.ge [sflag:s17], $0x1400  }
0x21a: {  	[sflag:s17] =	ssyncset.done $0x0  }
0x21b: {  	[sflag:s17] =	ssyncadd.s32 $0xFFFFEC00  }
0x21c: {  	_ =	swait.ge [sflag:s19], $0x1400  }
0x21d: {  	[sflag:s19] =	ssyncset.done $0x0  }
0x21e: {  	[sflag:s19] =	ssyncadd.s32 $0xFFFFEC00  }
0x21f: {  	_ =	swait.ge [sflag:s5], $0x1400  }
0x220: {  	[sflag:s5] =	ssyncset.done $0x0  }
0x221: {  	[sflag:s5] =	ssyncadd.s32 $0xFFFFEC00  }
0x222: {  	_ =	swait.ge [sflag:s22], $0x1400  }
0x223: {  	[sflag:s22] =	ssyncset.done $0x0  }
0x224: {  	[sflag:s22] =	ssyncadd.s32 $0xFFFFEC00  }
0x225: {  	[bflag:$0x0] =	sbarrier.arrive $0xFFFF  }
0x226: {  	[tilespmem:s0], [sflag:$0xB] =	stream.linear.gather [spmem:s12], $0x1400, $0x38;
	[tilespmem:$0x1B800] =	vst v63  }
0x227: {  	_ =	swait.ge [sflag:s1], $0x1400  }
0x228: {  	[sflag:s1] =	ssyncset.done $0x0  }
0x229: {  	s26 =	sadd.s32 $0x0, s25;
	[sflag:s1] =	ssyncadd.s32 $0xFFFFEC00  }
0x22a: {  	[hbm4b:s26+s3] =	stream.linear.scatter [tilespmem:s0], [sflag:$0xB], $0x1400, $0x38;
	[tilespmem:$0x1B800] =	vst v63  }
0x22b: {  	_ =	swait.ge [sflag:s1], $0x1400  }
0x22c: {  	s28 =	smov.u32 s12;
	s26 =	simm.s32 $0x280;
	[sflag:s1] =	ssyncset.done $0x0  }
.LBB2_12:
0x22d: {  	p0 =	sne.s32 s26, $0x2580;
	[sflag:s1] =	ssyncadd.s32 $0xFFFFEC00;
	s28 =	sadd.s32 $0x1400, s28  }
0x22e: {  	[tilespmem:s0], [sflag:$0xB] =	stream.linear.gather [spmem:s28], $0x1400, $0x38;
	[tilespmem:$0x1B800] =	vst v63  }
0x22f: {  	s29 =	smov.u32 s26;
	s26 =	sadd.s32 $0x280, s26;
	_ =	swait.ge [sflag:s1], $0x1400  }
.Ltmp5:
0x230: {  	[sflag:s1] =	ssyncset.done $0x0;
	(pc) =	sbr.rel @p0 .LBB2_12-.Ltmp5, $4  }
0x231: {  	s29 =	sadd.s32 s29, s25;
	[sflag:s1] =	ssyncadd.s32 $0xFFFFEC00  }
0x232: {  	[hbm4b:s29+s3] =	stream.linear.scatter [tilespmem:s0], [sflag:$0xB], $0x1400, $0x38;
	[tilespmem:$0x1B800] =	vst v63  }
0x233: {  	_ =	swait.ge [sflag:s1], $0x1400  }
0x234: {  	[sflag:s1] =	ssyncset.done $0x0  }
0x235: {  	s9 =	sadd.s32 $0x1, s9;
	s26 =	rddreg [dreg:$0xb]  }
0x236: {  	p0 =	sne.s32 s9, s26  }
.Ltmp6:
0x237: {  	_ = 	snop;
	(pc) =	sbr.rel @p0 .LBB2_1-.Ltmp6, $2  }
0x238: {  	_ =	sdelay $0x2  }
0x239: {  	[sflag:s1] =	ssyncadd.s32 $0xFFFFEC00  }
0x23a: {  	_ =	sfence.sel $0x180000  }
0x23b: {  	[bflag:$0x0] =	sbarrier.arrive $0xFFFF  }
0x23c: {  	_ =	strace $0x9000004A  }
0x23d: {  	s0 =	stileid.u32;
	[bflag:$0x2] =	sbarrier.arrive $0xFFFF  }
0x23e: {  	p0 =	sne.s32 s0, $0x0;
	s0 =	rddreg [dreg:$0x2]  }
0x23f: {  	s0 =	sadd.s32 @!p0 $0x100000, s0  }
0x240: {  	[sflag:s0] =	ssyncadd.tile.s32 @!p0 $0x1;
	_ =	shalt  }
.Lfunc_end2:
_tile_overlayer_lowered:
.L_overlay_start_2:
0x241: {  	(tag) =	ssettag $0x2  }
0x242: {  	s0 =	rddreg [dreg:$0x0];
	s2 =	stileid.u32  }
0x243: {  	s1 =	rddreg [dreg:$0x1];
	p0 =	sne.s32 s2, $0x0  }
0x244: {  	s3 =	rddreg [dreg:$0x2];
	[bflag:$0x3] =	sbarrier.arrive $0xFFFF;
	s2 =	simm.s32 @!p0 $0x1C0B  }
0x245: {  	[timem:s3], [sflag:s2] =	dma.local @!p0 [hbm:s0], s1  }
0x246: {  	s0 =	simm.s32 @!p0 $0xB  }
0x247: {  	_ =	swait.ge @!p0 [sflag:s0], s1  }
0x248: {  	s1 =	ssub.s32 @!p0 $0x0, s1;
	[sflag:s0] =	ssyncset.done @!p0 $0x0  }
0x249: {  	[sflag:s0] =	ssyncadd.s32 @!p0 s1  }
0x24a: {  	[bflag:$0x3] =	sbarrier.arrive $0xFFFF  }
0x24b: {  	_ =	shalt  }

// kernel: kernel.14.cloned.1.call-start
scs
__scs_entry_jumppad:
0x0: {  	(pc) =	sbr.rel $0x88, $3  }
0x1: {  	(tag) =	ssettag $0x0;
	lr =	simm.s32 $0x1  }
0x2: {  	[smem:$0x3F9A] =	sst lr;
	_ =	strace $0xD0000000  }
0x3: {  	_ = 	snop  }
0x4: {  	_ = 	snop  }
0x5: {  	_ = 	snop  }
0x6: {  	_ = 	snop  }
0x7: {  	_ = 	snop  }
__scs_overlays_trampoline_lowered:
0x8: {  	[smem:$0x3FA9] =	sst s0  }
0x9: {  	[smem:$0x3FAA] =	sst s1  }
0xa: {  	[smem:$0x3FAB] =	sst s2  }
0xb: {  	[smem:$0x3FAC] =	sst s3  }
0xc: {  	[smem:$0x3FAD] =	sst s4  }
0xd: {  	[smem:$0x3FAE] =	sst s5  }
0xe: {  	[smem:$0x3FAF] =	sst s6  }
0xf: {  	[smem:$0x3FB0] =	sst s7  }
0x10: {  	[smem:$0x3FB1] =	sst s8  }
0x11: {  	[smem:$0x3FB2] =	sst s9;
	s0 =	simm.s32 @!p0 $0x0  }
0x12: {  	s1 =	sld [smem:$0x3F98];
	s0 =	simm.s32 @p0 $0x1  }
0x13: {  	[smem:$0x3FB3] =	sst s0;
	s0 =	simm.s32 @!p1 $0x0  }
0x14: {  	s2 =	sld [smem:$0x3F97];
	s0 =	simm.s32 @p1 $0x1  }
0x15: {  	[smem:$0x3FB4] =	sst s0;
	s0 =	simm.s32 @!p2 $0x0  }
0x16: {  	s3 =	sld [smem:$0x3FDB];
	s0 =	simm.s32 @p2 $0x1  }
0x17: {  	s4 =	simm.s32 $0x1BF5;
	[smem:$0x3FB6] =	sst s0  }
0x18: {  	s0 =	sld [smem:$0x3F99];
	_ =	swait.ge [sflag:s4], $0x0  }
0x19: {  	s7 =	sld [smem:$0x3F9A]  }
0x1a: {  	s8 =	sadd.s32 $0xFFFFE003, lr  }
0x1b: {  	s9 =	sadd.s32 $0xFFFFFEF7, lr;
	s5 =	simm.s32 $0xFFFFFFFF;
	p2 =	slt.u32 s8, $0xFFFFF086  }
0x1c: {  	p1 =	slt.u32 s9, $0xF7A;
	s5 =	simm.s32 @!p2 $0x0  }
0x1d: {  	s5 =	simm.s32 @p1 $0x1;
	p0 =	seq.s32 s7, s2  }
0x1e: {  	s7 =	smul.u32 @!p0 $0xF7A, s2;
	p2 =	seq.s32 @!p0 s5, $0x0  }
0x1f: {  	s9 =	smul.u32 $0xF7A, s1;
	s8 =	simm.s32 @!p0 $0x1BF5;
	p2 =	por !p2, p0  }
0x20: {  	[sflag:s8] =	ssyncset.s32 @!p0 $0xFFFFF086;
	s6 =	sadd.s32 @!p0 s3, s7;
	s7 =	simm.s32 @!p0 $0x108  }
0x21: {  	s3 =	sadd.s32 s3, s9;
	s6 =	sadd.s32 @!p0 $0x88, s6;
	s7 =	simm.s32 @p2 $0x1082  }
0x22: {  	[simem:s7], [sflag:s8] =	dma.local @!p0 [hbm:s6], $0xF7A  }
0x23: {  	s9 =	sor.u32 $0xD0000000, s2;
	s6 =	simm.s32 $0x108;
	_ =	swait.ge @!p0 [sflag:s8], $0x0  }
0x24: {  	s3 =	sadd.s32 $0x88, s3;
	s6 =	simm.s32 @!p1 $0x1082;
	[sflag:s4] =	ssyncset.s32 $0xFFFFF086  }
0x25: {  	[simem:s6], [sflag:s4] =	dma.local [hbm:s3], $0xF7A  }
0x26: {  	[smem:$0x3F9A] =	sst s1;
	(tag) =	ssettag s2;
	_ =	strace s9  }
0x27: {  	s1 =	sld [smem:$0x3FAA]  }
0x28: {  	s2 =	sld [smem:$0x3FAB]  }
0x29: {  	s4 =	sld [smem:$0x3FAD]  }
0x2a: {  	p0 =	seq.s32 s5, $0x0;
	s5 =	sld [smem:$0x3FAE]  }
0x2b: {  	s6 =	sld [smem:$0x3FAF]  }
0x2c: {  	s7 =	sld [smem:$0x3FB0]  }
0x2d: {  	s3 =	simm.s32 $0x108;
	s8 =	sld [smem:$0x3FB1]  }
0x2e: {  	s3 =	simm.s32 @!p0 $0x1082;
	s9 =	sld [smem:$0x3FB2]  }
0x2f: {  	lr =	sadd.s32 s0, s3;
	s0 =	sld [smem:$0x3FA9]  }
0x30: {  	s3 =	sld [smem:$0x3FAC]  }
0x31: {  	[smem:$0x3FB5] =	sst s10  }
0x32: {  	s10 =	sld [smem:$0x3FB3];
	_ =	sdelay $0x3  }
0x33: {  	p0 =	seq.s32 s10, $0x1;
	s10 =	sld [smem:$0x3FB5];
	_ =	sdelay $0x3  }
0x34: {  	[smem:$0x3FB5] =	sst s10  }
0x35: {  	s10 =	sld [smem:$0x3FB4];
	_ =	sdelay $0x3  }
0x36: {  	p1 =	seq.s32 s10, $0x1;
	s10 =	sld [smem:$0x3FB5];
	_ =	sdelay $0x3  }
0x37: {  	[smem:$0x3FB5] =	sst s10  }
0x38: {  	s10 =	sld [smem:$0x3FB6]  }
0x39: {  	_ = 	snop;
	(pc) =	sbr.ind lr, $3  }
0x3a: {  	_ = 	snop  }
0x3b: {  	_ = 	snop  }
0x3c: {  	p2 =	seq.s32 s10, $0x1;
	s10 =	sld [smem:$0x3FB5]  }
0x3d: {  	_ =	shalt  }
0x3e: {  	_ =	shalt  }
0x3f: {  	_ =	shalt  }
0x40: {  	_ =	shalt  }
0x41: {  	_ =	shalt  }
0x42: {  	_ =	shalt  }
0x43: {  	_ =	shalt  }
0x44: {  	_ =	shalt  }
0x45: {  	_ =	shalt  }
0x46: {  	_ =	shalt  }
0x47: {  	_ =	shalt  }
0x48: {  	_ =	shalt  }
0x49: {  	_ =	shalt  }
0x4a: {  	_ =	shalt  }
0x4b: {  	_ =	shalt  }
0x4c: {  	_ =	shalt  }
0x4d: {  	_ =	shalt  }
0x4e: {  	_ =	shalt  }
0x4f: {  	_ =	shalt  }
0x50: {  	_ =	shalt  }
0x51: {  	_ =	shalt  }
0x52: {  	_ =	shalt  }
0x53: {  	_ =	shalt  }
0x54: {  	_ =	shalt  }
0x55: {  	_ =	shalt  }
0x56: {  	_ =	shalt  }
0x57: {  	_ =	shalt  }
0x58: {  	_ =	shalt  }
0x59: {  	_ =	shalt  }
0x5a: {  	_ =	shalt  }
0x5b: {  	_ =	shalt  }
0x5c: {  	_ =	shalt  }
0x5d: {  	_ =	shalt  }
0x5e: {  	_ =	shalt  }
0x5f: {  	_ =	shalt  }
0x60: {  	_ =	shalt  }
0x61: {  	_ =	shalt  }
0x62: {  	_ =	shalt  }
0x63: {  	_ =	shalt  }
0x64: {  	_ =	shalt  }
0x65: {  	_ =	shalt  }
0x66: {  	_ =	shalt  }
0x67: {  	_ =	shalt  }
0x68: {  	_ =	shalt  }
0x69: {  	_ =	shalt  }
0x6a: {  	_ =	shalt  }
0x6b: {  	_ =	shalt  }
0x6c: {  	_ =	shalt  }
0x6d: {  	_ =	shalt  }
0x6e: {  	_ =	shalt  }
0x6f: {  	_ =	shalt  }
0x70: {  	_ =	shalt  }
0x71: {  	_ =	shalt  }
0x72: {  	_ =	shalt  }
0x73: {  	_ =	shalt  }
0x74: {  	_ =	shalt  }
0x75: {  	_ =	shalt  }
0x76: {  	_ =	shalt  }
0x77: {  	_ =	shalt  }
0x78: {  	_ =	shalt  }
0x79: {  	_ =	shalt  }
0x7a: {  	_ =	shalt  }
0x7b: {  	_ =	shalt  }
0x7c: {  	_ =	shalt  }
0x7d: {  	_ =	shalt  }
0x7e: {  	_ =	shalt  }
0x7f: {  	_ =	shalt  }
0x80: {  	_ =	shalt  }
0x81: {  	_ =	shalt  }
0x82: {  	_ =	shalt  }
0x83: {  	_ =	shalt  }
0x84: {  	_ =	shalt  }
0x85: {  	_ =	shalt  }
0x86: {  	_ =	shalt  }
0x87: {  	_ =	shalt  }
.Lfunc_end0:
.L_simem_size_0:
called_computation.2_lowered:
.L_overlay_start_0:
0x88: {  	s2 =	sld [smem:$0x3FD9]  }
0x89: {  	s3 =	sld [smem:$0x3FFE];
	_ =	sdelay $0x1  }
0x8a: {  	s1 =	srdreg.scid  }
0x8b: {  	s0 =	sand.u32 $0x1, s1  }
0x8c: {  	s16 =	sshll.u32 s0, $0xA;
	s2 =	sadd.s32 s3, s2  }
0x8d: {  	s2 =	sadd.s32 s2, s16  }
0x8e: {  	[smem:$0x3FC1] =	sst s2  }
0x8f: {  	_ = 	snop  }
0x90: {  	(tm) =	ssettm $0x1  }
0x91: {  	s17 =	sld [smem:$0x3FFB];
	_ =	sdelay $0x3  }
0x92: {  	_ =	strace s17  }
0x93: {  	s2 =	sld [smem:$0x3FFC];
	_ =	sdelay $0x3  }
0x94: {  	_ =	strace s2  }
0x95: {  	s2 =	sld [smem:$0x3FFD];
	_ =	sdelay $0x3  }
0x96: {  	_ =	strace s2  }
0x97: {  	_ =	strace $0x8FFFFFFF  }
0x98: {  	s18 =	sld [smem:$0x3FDB];
	_ =	sdelay $0x1  }
0x99: {  	s19 =	simm.s32 $_scs_section_size  }
0x9a: {  	s4 =	simm.s32 $_size__tile_overlayer_lowered;
	s5 =	simm.s32 $_tile_overlayer_lowered  }
0x9b: {  	s22 =	simm.s32 $0x1BFF;
	s21 =	sshll.u32 s5, $0x1;
	s2 =	sadd.s32 s19, s18  }
0x9c: {  	s6 =	simm.s32 $0x0;
	s20 =	sshll.u32 s4, $0x1;
	s4 =	sadd.s32 s21, s2  }
0x9d: {  	[timem:s6], [sflag:s22] =	dma.local [hbm:s4], s20  }
0x9e: {  	_ =	swait.ge [sflag:s22], s20  }
0x9f: {  	s3 =	ssub.s32 $0x0, s20;
	[sflag:s22] =	ssyncset.done $0x0  }
0xa0: {  	[sflag:s22] =	ssyncadd.s32 s3;
	_ =	sdelay $0x1  }
0xa1: {  	s23 =	simm.s32 $0x1B8B  }
0xa2: {  	_ =	swait.ge [sflag:s23], $0x1  }
0xa3: {  	[sflag:s23] =	ssyncset.done $0x0  }
0xa4: {  	s25 =	simm.s32 $0x1B8E;
	s24 =	sld [smem:$0x3FFE];
	[sflag:s23] =	ssyncadd.s32 $0xFFFFFFFF  }
0xa5: {  	s26 =	simm.s32 $execute0_lowered;
	[smem:$0x3FD2] =	sst s25  }
0xa6: {  	s4 =	sshll.u32 s26, $0x1;
	_ =	strace $0x8000004C;
	[dreg:$0x1] =	wrdreg $0xFFFFFFFF  }
0xa7: {  	s28 =	simm.s32 $_size_execute0_lowered;
	s2 =	sadd.s32 s2, s4;
	[dreg:$0x0] =	wrdreg $0x0  }
0xa8: {  	s4 =	sshll.u32 s28, $0x1;
	[dreg:$0x2] =	wrdreg s2  }
0xa9: {  	[dreg:$0x3] =	wrdreg s4  }
0xaa: {  	[dreg:$0x4] =	wrdreg $0xC0  }
0xab: {  	_ =	task [dreg:s6], $0x5FFFF  }
0xac: {  	[dreg:$0x1] =	wrdreg $0xFFFFFFFF  }
0xad: {  	[dreg:$0x0] =	wrdreg $0x60  }
0xae: {  	[dreg:$0x2] =	wrdreg s24  }
0xaf: {  	[dreg:$0x3] =	wrdreg $0x48000  }
0xb0: {  	[dreg:$0x4] =	wrdreg $0x9  }
0xb1: {  	_ =	task.clear_ibuf [dreg:s6], $0x5FFFF;
	_ =	strace $0x9000004C  }
0xb2: {  	s29 =	simm.s32 $0x9;
	_ =	strace $0x8000004E  }
0xb3: {  	_ =	swait.ge [sflag:s29], $0x1  }
0xb4: {  	[sflag:s29] =	ssyncadd.s32 $0xFFFFFFFF  }
0xb5: {  	_ =	strace $0x9000004E  }
0xb6: {  	_ =	sfence  }
0xb7: {  	s30 =	sld [smem:$0x0];
	_ =	sdelay $0x2  }
0xb8: {  	s31 =	sshll.u32 s1, $0xD;
	s1 =	sshrl.u32 s1, $0x2  }
0xb9: {  	s3 =	sand.u32 $0x4000, s31;
	s1 =	sadd.s32 s1, s30  }
0xba: {  	s0 =	sor.u32 s3, s0;
	s1 =	sshll.u32 s1, $0x11  }
0xbb: {  	s0 =	sor.u32 s1, s0  }
0xbc: {  	s0 =	sadd.s32 $0x8F2B, s0  }
0xbd: {  	[sflag:s0] =	ssyncadd.remote.s32 $0x1  }
0xbe: {  	_ =	sfence.sel $0xFFFF  }
0xbf: {  	[dreg:$0x0] =	wrdreg $0xFFFFFFFF;
	(pc) =	sbr.abs _section_cstart, $3  }
0xc0: {  	[dreg:$0x1] =	wrdreg $0xFFFFFFFF  }
0xc1: {  	_ =	task.clear_ibuf [dreg:s6], $0x2FFFF;
	_ =	strace $0x9FFFFFFF  }
0xc2: {  	(tm) =	ssettm $0x7FFFFFFF  }
0xc3: {  	_ =	shalt  }
tec
execute0_lowered:
.L_overlay_start_1:
0x0: {  	(tag) =	ssettag $0x1  }
0x1: {  	s0 =	srdreg.scid  }
0x2: {  	s15 =	stileid.u32;
	s3 =	rddreg [dreg:$0x0]  }
0x3: {  	s1 =	simm.s32 $0x0;
	s28 =	simm.s32 $0xC80;
	s29 =	simm.s32 $0x1F00  }
0x4: {  	s30 =	simm.s32 $0xD00;
	s0 =	sand.u32 $0x1, s0;
	s2 =	sshll.u32 s15, $0x1  }
0x5: {  	s31 =	simm.s32 $0x1F80;
	s16 =	smul.u32 $0x2800, s15;
	s2 =	sor.u32 s0, s2  }
0x6: {  	[smem:$0x7FF] =	sst s1;
	s4 =	sadd.s32 $0x29C00, s3;
	s2 =	smul.u32 $0x2800, s2  }
0x7: {  	s5 =	sadd.s32 $0x33C00, s3;
	s7 =	sadd.s32 $0x15C00, s3;
	s26 =	smul.u32 $0xA000, s15  }
0x8: {  	s6 =	ssub.s32 $0x2, s0;
	s0 =	smul.u32 $0x28000, s0;
	s2 =	sshrl.u32 s2, $0x3  }
0x9: {  	s8 =	sshrl.u32 s6, $0x1;
	s15 =	sshrl.u32 s26, $0x2;
	s11 =	sadd.s32 s4, s2  }
0xa: {  	s12 =	sadd.s32 $0x140, s2;
	s9 =	sadd.s32 s5, s2;
	[dreg:$0x3] =	wrdreg s11  }
0xb: {  	s6 =	ssub.s32 s6, s8;
	[dreg:$0x4] =	wrdreg s9;
	s13 =	sadd.s32 s4, s12  }
0xc: {  	s14 =	sadd.s32 $0x280, s2;
	s8 =	sadd.s32 s5, s12;
	[dreg:$0x5] =	wrdreg s13  }
0xd: {  	s2 =	sadd.s32 $0x3C0, s2;
	s10 =	sadd.s32 s4, s14;
	[dreg:$0x6] =	wrdreg s8  }
0xe: {  	s4 =	sadd.s32 s4, s2;
	s2 =	sadd.s32 s5, s2;
	[dreg:$0x7] =	wrdreg s10  }
0xf: {  	s11 =	sadd.s32 s0, s16;
	s9 =	simm.s32 $0x4000;
	[dreg:$0x9] =	wrdreg s4  }
0x10: {  	s8 =	sadd.s32 s5, s14;
	[dreg:$0xa] =	wrdreg s2;
	s2 =	sor.u32 $0x500, s16  }
0x11: {  	s4 =	sadd.s32 $0xA00, s16;
	s5 =	sadd.s32 $0xF00, s16;
	s10 =	sadd.s32 $0x1900, s16  }
0x12: {  	s13 =	sadd.s32 $0x1E00, s16;
	s11 =	sshrl.u32 s11, $0x3;
	[dreg:$0x8] =	wrdreg s8  }
0x13: {  	s8 =	sadd.s32 $0x1400, s16;
	s12 =	sadd.s32 s0, s2;
	s11 =	sadd.s32 s7, s11  }
0x14: {  	s18 =	sadd.s32 s0, s4;
	s19 =	sadd.s32 s0, s5;
	s23 =	sadd.s32 s0, s10  }
0x15: {  	s24 =	sadd.s32 s0, s13;
	s12 =	sshrl.u32 s12, $0x3;
	[dreg:$0xb] =	wrdreg s11  }
0x16: {  	s11 =	sshrl.u32 s18, $0x3;
	s14 =	sadd.s32 s0, s8;
	s17 =	sadd.s32 s7, s12  }
0x17: {  	s20 =	sshrl.u32 s19, $0x3;
	s11 =	sadd.s32 s7, s11;
	[dreg:$0xc] =	wrdreg s17  }
0x18: {  	s21 =	sshrl.u32 s14, $0x3;
	s12 =	sadd.s32 $0x2300, s16;
	[dreg:$0xd] =	wrdreg s11  }
0x19: {  	s11 =	sadd.s32 s7, s20;
	s22 =	sadd.s32 s7, s21;
	s17 =	rddreg [dreg:$0x1]  }
0x1a: {  	s0 =	sadd.s32 s0, s12;
	[dreg:$0xe] =	wrdreg s11;
	s11 =	sshrl.u32 s23, $0x3  }
0x1b: {  	[dreg:$0xf] =	wrdreg s22;
	s0 =	sshrl.u32 s0, $0x3;
	s11 =	sadd.s32 s7, s11  }
0x1c: {  	s25 =	sshrl.u32 s24, $0x3;
	s0 =	sadd.s32 s7, s0;
	[dreg:$0x10] =	wrdreg s11  }
0x1d: {  	s18 =	smax.u32 s6, $0x1;
	s11 =	sadd.s32 s7, s25;
	[dreg:$0x12] =	wrdreg s0  }
0x1e: {  	s6 =	simm.s32 $0x9;
	s16 =	sadd.s32 s16, s17;
	[dreg:$0x11] =	wrdreg s11  }
0x1f: {  	s14 =	simm.s32 $0x6;
	_ =	strace $0x8000004D;
	[dreg:$0x13] =	wrdreg s16  }
0x20: {  	s20 =	sadd.s32 $0x2200, s3;
	s0 =	sadd.s32 s15, s17;
	[dreg:$0x14] =	wrdreg s18  }
0x21: {  	s3 =	simm.s32 $0x1;
	s19 =	sadd.s32 s2, s17;
	[dreg:$0x15] =	wrdreg s0  }
0x22: {  	s21 =	sadd.s32 s4, s17;
	s22 =	sadd.s32 s5, s17;
	[dreg:$0x16] =	wrdreg s19  }
0x23: {  	s23 =	sadd.s32 s8, s17;
	s24 =	sadd.s32 s10, s17;
	[dreg:$0x17] =	wrdreg s21  }
0x24: {  	s26 =	sadd.s32 s12, s17;
	s4 =	simm.s32 $0x80;
	[dreg:$0x18] =	wrdreg s22  }
0x25: {  	s5 =	simm.s32 $0x3000;
	s12 =	simm.s32 $0x3;
	[dreg:$0x19] =	wrdreg s23  }
0x26: {  	s10 =	simm.s32 $0x1E00;
	s25 =	sadd.s32 s13, s17;
	[dreg:$0x1a] =	wrdreg s24  }
0x27: {  	s7 =	simm.s32 $0x3800;
	s13 =	simm.s32 $0x7;
	[dreg:$0x1b] =	wrdreg s25  }
0x28: {  	s15 =	simm.s32 $0x4;
	s11 =	simm.s32 $0xC00;
	[dreg:$0x1c] =	wrdreg s26  }
0x29: {  	s16 =	simm.s32 $0x2800;
	s0 =	simm.s32 $0xB;
	s19 =	simm.s32 $0x8  }
0x2a: {  	s22 =	simm.s32 $0x5;
	s21 =	simm.s32 $0xA;
	s18 =	simm.s32 $0x2  }
0x2b: {  	v0 =	vimm.f32 $0.0e+00;
	s23 =	simm.s32 $0x0;
	s26 =	simm.s32 $0x1400;
	s25 =	simm.s32 $0x100  }
.LBB2_1:
0x2c: {  	s8 =	simm.s32 $0x40;
	s24 =	simm.s32 $0x0  }
.LBB2_2:
0x2d: {  	p0 =	sne.s32 s8, $0x13C0;
	[tilespmem:s24+$0x2800] =	vst v0;
	s24 =	smov.u32 s8;
	s8 =	sadd.s32 $0x40, s8  }
.Ltmp0:
0x2e: {  	(pc) =	sbr.rel @p0 .LBB2_2-.Ltmp0, $2  }
0x2f: {  	_ =	sdelay $0x2  }
0x30: {  	s24 =	sshra.s32 s24, $0x2  }
0x31: {  	[tilespmem:s24+$0x2800] =	vst v0;
	s8 =	rddreg [dreg:$0x15]  }
0x32: {  	[spmem:s8] =	stream.linear.scatter [tilespmem:s16], [sflag:$0xB], $0x500, $0x38;
	[tilespmem:$0x7000] =	vst v63  }
0x33: {  	_ =	swait.ge [sflag:s0], $0x500  }
0x34: {  	[sflag:s0] =	ssyncset.done $0x0  }
0x35: {  	s2 =	rddreg [dreg:$0x16];
	[sflag:s0] =	ssyncadd.s32 $0xFFFFFB00  }
0x36: {  	[spmem:s2] =	stream.linear.scatter [tilespmem:s16], [sflag:$0xB], $0x500, $0x38;
	[tilespmem:$0x7000] =	vst v63  }
0x37: {  	_ =	swait.ge [sflag:s0], $0x500  }
0x38: {  	[sflag:s0] =	ssyncset.done $0x0  }
0x39: {  	s24 =	rddreg [dreg:$0x17];
	[sflag:s0] =	ssyncadd.s32 $0xFFFFFB00  }
0x3a: {  	[spmem:s24] =	stream.linear.scatter [tilespmem:s16], [sflag:$0xB], $0x500, $0x38;
	[tilespmem:$0x7000] =	vst v63  }
0x3b: {  	_ =	swait.ge [sflag:s0], $0x500  }
0x3c: {  	[sflag:s0] =	ssyncset.done $0x0  }
0x3d: {  	s8 =	rddreg [dreg:$0x18];
	[sflag:s0] =	ssyncadd.s32 $0xFFFFFB00  }
0x3e: {  	[spmem:s8] =	stream.linear.scatter [tilespmem:s16], [sflag:$0xB], $0x500, $0x38;
	[tilespmem:$0x7000] =	vst v63  }
0x3f: {  	_ =	swait.ge [sflag:s0], $0x500  }
0x40: {  	[sflag:s0] =	ssyncset.done $0x0  }
0x41: {  	s24 =	rddreg [dreg:$0x19];
	[sflag:s0] =	ssyncadd.s32 $0xFFFFFB00  }
0x42: {  	[spmem:s24] =	stream.linear.scatter [tilespmem:s16], [sflag:$0xB], $0x500, $0x38;
	[tilespmem:$0x7000] =	vst v63  }
0x43: {  	_ =	swait.ge [sflag:s0], $0x500  }
0x44: {  	[sflag:s0] =	ssyncset.done $0x0  }
0x45: {  	s8 =	rddreg [dreg:$0x1a];
	[sflag:s0] =	ssyncadd.s32 $0xFFFFFB00  }
0x46: {  	[spmem:s8] =	stream.linear.scatter [tilespmem:s16], [sflag:$0xB], $0x500, $0x38;
	[tilespmem:$0x7000] =	vst v63  }
0x47: {  	_ =	swait.ge [sflag:s0], $0x500  }
0x48: {  	[sflag:s0] =	ssyncset.done $0x0  }
0x49: {  	s24 =	rddreg [dreg:$0x1b];
	[sflag:s0] =	ssyncadd.s32 $0xFFFFFB00  }
0x4a: {  	[spmem:s24] =	stream.linear.scatter [tilespmem:s16], [sflag:$0xB], $0x500, $0x38;
	[tilespmem:$0x7000] =	vst v63  }
0x4b: {  	_ =	swait.ge [sflag:s0], $0x500  }
0x4c: {  	[sflag:s0] =	ssyncset.done $0x0  }
0x4d: {  	s8 =	rddreg [dreg:$0x1c];
	[sflag:s0] =	ssyncadd.s32 $0xFFFFFB00  }
0x4e: {  	[spmem:s8] =	stream.linear.scatter [tilespmem:s16], [sflag:$0xB], $0x500, $0x38;
	[tilespmem:$0x7000] =	vst v63  }
0x4f: {  	_ =	swait.ge [sflag:s0], $0x500  }
0x50: {  	[sflag:s0] =	ssyncset.done $0x0  }
0x51: {  	[sflag:s0] =	ssyncadd.s32 $0xFFFFFB00  }
0x52: {  	[bflag:$0x0] =	sbarrier.arrive $0xFFFF  }
0x53: {  	s24 =	rddreg [dreg:$0x3]  }
0x54: {  	[tilespmem:s1], [sflag:$0x1] =	stream.linear.gather [hbm4b:s24+s1], $0xA00, $0x38;
	[tilespmem:$0x7000] =	vst v63  }
0x55: {  	s2 =	rddreg [dreg:$0x4]  }
0x56: {  	[tilespmem:s26], [sflag:$0x1] =	stream.linear.gather [hbm4b:s2+s1], $0xA00, $0x38;
	[tilespmem:$0x7000] =	vst v63  }
0x57: {  	_ =	swait.ge [sflag:s3], $0xA00  }
0x58: {  	[sflag:s3] =	ssyncset.done $0x0  }
0x59: {  	[sflag:s3] =	ssyncadd.s32 $0xFFFFF600  }
0x5a: {  	_ =	swait.ge [sflag:s3], $0xA00  }
0x5b: {  	[sflag:s3] =	ssyncset.done $0x0  }
0x5c: {  	[sflag:s3] =	ssyncadd.s32 $0xFFFFF600  }
0x5d: {  	[tilespmem:s16], [sflag:$0x3] =	stream.indirect.gather [hbm4b:s20+s4], $0x10, s1, s4, $0xb8;
	[tilespmem:$0x7000] =	vst v63  }
0x5e: {  	_ = 	snop  }
0x5f: {  	[tilespmem:s5], [sflag:$0x4] =	stream.indirect.gather [hbm4b:s20+s4], $0x10, s4, s4, $0xb8;
	[tilespmem:$0x7000] =	vst v63  }
0x60: {  	_ = 	snop  }
0x61: {  	[tilespmem:s7], [sflag:$0x5] =	stream.indirect.gather [hbm4b:s20+s4], $0x10, s25, s4, $0xb8;
	[tilespmem:$0x7000] =	vst v63  }
0x62: {  	s8 =	simm.s32 $0x180  }
0x63: {  	[tilespmem:s9], [sflag:$0x6] =	stream.indirect.gather [hbm4b:s20+s4], $0x10, s8, s4, $0xb8;
	[tilespmem:$0x7000] =	vst v63  }
0x64: {  	s2 =	simm.s32 $0xA00;
	s24 =	rddreg [dreg:$0x5]  }
0x65: {  	[tilespmem:s2], [sflag:$0x2] =	stream.linear.gather [hbm4b:s24+s1], $0xA00, $0x38;
	[tilespmem:$0x7000] =	vst v63  }
0x66: {  	s24 =	rddreg [dreg:$0x6]  }
0x67: {  	[tilespmem:s10], [sflag:$0x2] =	stream.linear.gather [hbm4b:s24+s1], $0xA00, $0x38;
	[tilespmem:$0x7000] =	vst v63  }
0x68: {  	_ =	swait.ge [sflag:s12], $0x800  }
0x69: {  	[sflag:s12] =	ssyncset.done $0x0  }
0x6a: {  	[sflag:s12] =	ssyncadd.s32 $0xFFFFF800  }
0x6b: {  	[spmem:s17] =	stream.indirect.scatter.add.f32 [tilespmem:s16], [sflag:$0x7], $0x10, s26, s4, $0xb8;
	[tilespmem:$0x7000] =	vst v63  }
0x6c: {  	_ =	swait.ge [sflag:s13], $0x800  }
0x6d: {  	[sflag:s13] =	ssyncset.done $0x0  }
0x6e: {  	s24 =	simm.s32 $0x200;
	[sflag:s13] =	ssyncadd.s32 $0xFFFFF800  }
0x6f: {  	[tilespmem:s16], [sflag:$0x3] =	stream.indirect.gather [hbm4b:s20+s4], $0x10, s24, s4, $0xb8;
	[tilespmem:$0x7000] =	vst v63  }
0x70: {  	_ =	swait.ge [sflag:s15], $0x800  }
0x71: {  	[sflag:s15] =	ssyncset.done $0x0  }
0x72: {  	s24 =	simm.s32 $0x1480;
	[sflag:s15] =	ssyncadd.s32 $0xFFFFF800  }
0x73: {  	[spmem:s17] =	stream.indirect.scatter.add.f32 [tilespmem:s5], [sflag:$0x8], $0x10, s24, s4, $0xb8;
	[tilespmem:$0x7000] =	vst v63  }
0x74: {  	_ =	swait.ge [sflag:s19], $0x800  }
0x75: {  	[sflag:s19] =	ssyncset.done $0x0  }
0x76: {  	s24 =	simm.s32 $0x280;
	[sflag:s19] =	ssyncadd.s32 $0xFFFFF800  }
0x77: {  	[tilespmem:s5], [sflag:$0x4] =	stream.indirect.gather [hbm4b:s20+s4], $0x10, s24, s4, $0xb8;
	[tilespmem:$0x7000] =	vst v63  }
0x78: {  	_ =	swait.ge [sflag:s22], $0x800  }
0x79: {  	[sflag:s22] =	ssyncset.done $0x0  }
0x7a: {  	s24 =	simm.s32 $0x1500;
	[sflag:s22] =	ssyncadd.s32 $0xFFFFF800  }
0x7b: {  	[spmem:s17] =	stream.indirect.scatter.add.f32 [tilespmem:s7], [sflag:$0x9], $0x10, s24, s4, $0xb8;
	[tilespmem:$0x7000] =	vst v63  }
0x7c: {  	_ =	swait.ge [sflag:s6], $0x800  }
0x7d: {  	[sflag:s6] =	ssyncset.done $0x0  }
0x7e: {  	s24 =	simm.s32 $0x300;
	[sflag:s6] =	ssyncadd.s32 $0xFFFFF800  }
0x7f: {  	[tilespmem:s7], [sflag:$0x5] =	stream.indirect.gather [hbm4b:s20+s4], $0x10, s24, s4, $0xb8;
	[tilespmem:$0x7000] =	vst v63  }
0x80: {  	_ =	swait.ge [sflag:s14], $0x800  }
0x81: {  	[sflag:s14] =	ssyncset.done $0x0  }
0x82: {  	s24 =	simm.s32 $0x1580;
	[sflag:s14] =	ssyncadd.s32 $0xFFFFF800  }
0x83: {  	[spmem:s17] =	stream.indirect.scatter.add.f32 [tilespmem:s9], [sflag:$0xA], $0x10, s24, s4, $0xb8;
	[tilespmem:$0x7000] =	vst v63  }
0x84: {  	_ =	swait.ge [sflag:s21], $0x800  }
0x85: {  	[sflag:s21] =	ssyncset.done $0x0  }
0x86: {  	s24 =	simm.s32 $0x380;
	[sflag:s21] =	ssyncadd.s32 $0xFFFFF800  }
0x87: {  	[tilespmem:s9], [sflag:$0x6] =	stream.indirect.gather [hbm4b:s20+s4], $0x10, s24, s4, $0xb8;
	[tilespmem:$0x7000] =	vst v63  }
0x88: {  	_ =	swait.ge [sflag:s12], $0x800  }
0x89: {  	[sflag:s12] =	ssyncset.done $0x0  }
0x8a: {  	s24 =	simm.s32 $0x1600;
	[sflag:s12] =	ssyncadd.s32 $0xFFFFF800  }
0x8b: {  	[spmem:s17] =	stream.indirect.scatter.add.f32 [tilespmem:s16], [sflag:$0x7], $0x10, s24, s4, $0xb8;
	[tilespmem:$0x7000] =	vst v63  }
0x8c: {  	_ =	swait.ge [sflag:s13], $0x800  }
0x8d: {  	[sflag:s13] =	ssyncset.done $0x0  }
0x8e: {  	s24 =	simm.s32 $0x400;
	[sflag:s13] =	ssyncadd.s32 $0xFFFFF800  }
0x8f: {  	[tilespmem:s16], [sflag:$0x3] =	stream.indirect.gather [hbm4b:s20+s4], $0x10, s24, s4, $0xb8;
	[tilespmem:$0x7000] =	vst v63  }
0x90: {  	_ =	swait.ge [sflag:s15], $0x800  }
0x91: {  	[sflag:s15] =	ssyncset.done $0x0  }
0x92: {  	s24 =	simm.s32 $0x1680;
	[sflag:s15] =	ssyncadd.s32 $0xFFFFF800  }
0x93: {  	[spmem:s17] =	stream.indirect.scatter.add.f32 [tilespmem:s5], [sflag:$0x8], $0x10, s24, s4, $0xb8;
	[tilespmem:$0x7000] =	vst v63  }
0x94: {  	_ =	swait.ge [sflag:s19], $0x800  }
0x95: {  	[sflag:s19] =	ssyncset.done $0x0  }
0x96: {  	s24 =	simm.s32 $0x480;
	[sflag:s19] =	ssyncadd.s32 $0xFFFFF800  }
0x97: {  	[tilespmem:s5], [sflag:$0x4] =	stream.indirect.gather [hbm4b:s20+s4], $0x10, s24, s4, $0xb8;
	[tilespmem:$0x7000] =	vst v63  }
0x98: {  	_ =	swait.ge [sflag:s22], $0x800  }
0x99: {  	[sflag:s22] =	ssyncset.done $0x0  }
0x9a: {  	s24 =	simm.s32 $0x1700;
	[sflag:s22] =	ssyncadd.s32 $0xFFFFF800  }
0x9b: {  	[spmem:s17] =	stream.indirect.scatter.add.f32 [tilespmem:s7], [sflag:$0x9], $0x10, s24, s4, $0xb8;
	[tilespmem:$0x7000] =	vst v63  }
0x9c: {  	_ =	swait.ge [sflag:s6], $0x800  }
0x9d: {  	[sflag:s6] =	ssyncset.done $0x0  }
0x9e: {  	s24 =	simm.s32 $0x500;
	[sflag:s6] =	ssyncadd.s32 $0xFFFFF800  }
0x9f: {  	[tilespmem:s7], [sflag:$0x5] =	stream.indirect.gather [hbm4b:s20+s4], $0x10, s24, s4, $0xb8;
	[tilespmem:$0x7000] =	vst v63  }
0xa0: {  	_ =	swait.ge [sflag:s14], $0x800  }
0xa1: {  	[sflag:s14] =	ssyncset.done $0x0  }
0xa2: {  	s24 =	simm.s32 $0x1780;
	[sflag:s14] =	ssyncadd.s32 $0xFFFFF800  }
0xa3: {  	[spmem:s17] =	stream.indirect.scatter.add.f32 [tilespmem:s9], [sflag:$0xA], $0x10, s24, s4, $0xb8;
	[tilespmem:$0x7000] =	vst v63  }
0xa4: {  	_ =	swait.ge [sflag:s21], $0x800  }
0xa5: {  	[sflag:s21] =	ssyncset.done $0x0  }
0xa6: {  	s24 =	simm.s32 $0x580;
	[sflag:s21] =	ssyncadd.s32 $0xFFFFF800  }
0xa7: {  	[tilespmem:s9], [sflag:$0x6] =	stream.indirect.gather [hbm4b:s20+s4], $0x10, s24, s4, $0xb8;
	[tilespmem:$0x7000] =	vst v63  }
0xa8: {  	_ =	swait.ge [sflag:s12], $0x800  }
0xa9: {  	[sflag:s12] =	ssyncset.done $0x0  }
0xaa: {  	s24 =	simm.s32 $0x1800;
	[sflag:s12] =	ssyncadd.s32 $0xFFFFF800  }
0xab: {  	[spmem:s17] =	stream.indirect.scatter.add.f32 [tilespmem:s16], [sflag:$0x7], $0x10, s24, s4, $0xb8;
	[tilespmem:$0x7000] =	vst v63  }
0xac: {  	_ =	swait.ge [sflag:s13], $0x800  }
0xad: {  	[sflag:s13] =	ssyncset.done $0x0  }
0xae: {  	s24 =	simm.s32 $0x600;
	[sflag:s13] =	ssyncadd.s32 $0xFFFFF800  }
0xaf: {  	[tilespmem:s16], [sflag:$0x3] =	stream.indirect.gather [hbm4b:s20+s4], $0x10, s24, s4, $0xb8;
	[tilespmem:$0x7000] =	vst v63  }
0xb0: {  	_ =	swait.ge [sflag:s15], $0x800  }
0xb1: {  	[sflag:s15] =	ssyncset.done $0x0  }
0xb2: {  	s24 =	simm.s32 $0x1880;
	[sflag:s15] =	ssyncadd.s32 $0xFFFFF800  }
0xb3: {  	[spmem:s17] =	stream.indirect.scatter.add.f32 [tilespmem:s5], [sflag:$0x8], $0x10, s24, s4, $0xb8;
	[tilespmem:$0x7000] =	vst v63  }
0xb4: {  	_ =	swait.ge [sflag:s19], $0x800  }
0xb5: {  	[sflag:s19] =	ssyncset.done $0x0  }
0xb6: {  	s24 =	simm.s32 $0x680;
	[sflag:s19] =	ssyncadd.s32 $0xFFFFF800  }
0xb7: {  	[tilespmem:s5], [sflag:$0x4] =	stream.indirect.gather [hbm4b:s20+s4], $0x10, s24, s4, $0xb8;
	[tilespmem:$0x7000] =	vst v63  }
0xb8: {  	_ =	swait.ge [sflag:s22], $0x800  }
0xb9: {  	[sflag:s22] =	ssyncset.done $0x0  }
0xba: {  	s24 =	simm.s32 $0x1900;
	[sflag:s22] =	ssyncadd.s32 $0xFFFFF800  }
0xbb: {  	[spmem:s17] =	stream.indirect.scatter.add.f32 [tilespmem:s7], [sflag:$0x9], $0x10, s24, s4, $0xb8;
	[tilespmem:$0x7000] =	vst v63  }
0xbc: {  	_ =	swait.ge [sflag:s6], $0x800  }
0xbd: {  	[sflag:s6] =	ssyncset.done $0x0  }
0xbe: {  	s24 =	simm.s32 $0x700;
	[sflag:s6] =	ssyncadd.s32 $0xFFFFF800  }
0xbf: {  	[tilespmem:s7], [sflag:$0x5] =	stream.indirect.gather [hbm4b:s20+s4], $0x10, s24, s4, $0xb8;
	[tilespmem:$0x7000] =	vst v63  }
0xc0: {  	_ =	swait.ge [sflag:s14], $0x800  }
0xc1: {  	[sflag:s14] =	ssyncset.done $0x0  }
0xc2: {  	s24 =	simm.s32 $0x1980;
	[sflag:s14] =	ssyncadd.s32 $0xFFFFF800  }
0xc3: {  	[spmem:s17] =	stream.indirect.scatter.add.f32 [tilespmem:s9], [sflag:$0xA], $0x10, s24, s4, $0xb8;
	[tilespmem:$0x7000] =	vst v63  }
0xc4: {  	_ =	swait.ge [sflag:s21], $0x800  }
0xc5: {  	[sflag:s21] =	ssyncset.done $0x0  }
0xc6: {  	s24 =	simm.s32 $0x780;
	[sflag:s21] =	ssyncadd.s32 $0xFFFFF800  }
0xc7: {  	[tilespmem:s9], [sflag:$0x6] =	stream.indirect.gather [hbm4b:s20+s4], $0x10, s24, s4, $0xb8;
	[tilespmem:$0x7000] =	vst v63  }
0xc8: {  	_ =	swait.ge [sflag:s12], $0x800  }
0xc9: {  	[sflag:s12] =	ssyncset.done $0x0  }
0xca: {  	s24 =	simm.s32 $0x1A00;
	[sflag:s12] =	ssyncadd.s32 $0xFFFFF800  }
0xcb: {  	[spmem:s17] =	stream.indirect.scatter.add.f32 [tilespmem:s16], [sflag:$0x7], $0x10, s24, s4, $0xb8;
	[tilespmem:$0x7000] =	vst v63  }
0xcc: {  	_ =	swait.ge [sflag:s13], $0x800  }
0xcd: {  	[sflag:s13] =	ssyncset.done $0x0  }
0xce: {  	s24 =	simm.s32 $0x800;
	[sflag:s13] =	ssyncadd.s32 $0xFFFFF800  }
0xcf: {  	[tilespmem:s16], [sflag:$0x3] =	stream.indirect.gather [hbm4b:s20+s4], $0x10, s24, s4, $0xb8;
	[tilespmem:$0x7000] =	vst v63  }
0xd0: {  	_ =	swait.ge [sflag:s15], $0x800  }
0xd1: {  	[sflag:s15] =	ssyncset.done $0x0  }
0xd2: {  	s24 =	simm.s32 $0x1A80;
	[sflag:s15] =	ssyncadd.s32 $0xFFFFF800  }
0xd3: {  	[spmem:s17] =	stream.indirect.scatter.add.f32 [tilespmem:s5], [sflag:$0x8], $0x10, s24, s4, $0xb8;
	[tilespmem:$0x7000] =	vst v63  }
0xd4: {  	_ =	swait.ge [sflag:s19], $0x800  }
0xd5: {  	[sflag:s19] =	ssyncset.done $0x0  }
0xd6: {  	s24 =	simm.s32 $0x880;
	[sflag:s19] =	ssyncadd.s32 $0xFFFFF800  }
0xd7: {  	[tilespmem:s5], [sflag:$0x4] =	stream.indirect.gather [hbm4b:s20+s4], $0x10, s24, s4, $0xb8;
	[tilespmem:$0x7000] =	vst v63  }
0xd8: {  	_ =	swait.ge [sflag:s22], $0x800  }
0xd9: {  	[sflag:s22] =	ssyncset.done $0x0  }
0xda: {  	s24 =	simm.s32 $0x1B00;
	[sflag:s22] =	ssyncadd.s32 $0xFFFFF800  }
0xdb: {  	[spmem:s17] =	stream.indirect.scatter.add.f32 [tilespmem:s7], [sflag:$0x9], $0x10, s24, s4, $0xb8;
	[tilespmem:$0x7000] =	vst v63  }
0xdc: {  	_ =	swait.ge [sflag:s6], $0x800  }
0xdd: {  	[sflag:s6] =	ssyncset.done $0x0  }
0xde: {  	s24 =	simm.s32 $0x900;
	[sflag:s6] =	ssyncadd.s32 $0xFFFFF800  }
0xdf: {  	[tilespmem:s7], [sflag:$0x5] =	stream.indirect.gather [hbm4b:s20+s4], $0x10, s24, s4, $0xb8;
	[tilespmem:$0x7000] =	vst v63  }
0xe0: {  	_ =	swait.ge [sflag:s14], $0x800  }
0xe1: {  	[sflag:s14] =	ssyncset.done $0x0  }
0xe2: {  	s24 =	simm.s32 $0x1B80;
	[sflag:s14] =	ssyncadd.s32 $0xFFFFF800  }
0xe3: {  	[spmem:s17] =	stream.indirect.scatter.add.f32 [tilespmem:s9], [sflag:$0xA], $0x10, s24, s4, $0xb8;
	[tilespmem:$0x7000] =	vst v63  }
0xe4: {  	_ =	swait.ge [sflag:s21], $0x800  }
0xe5: {  	[sflag:s21] =	ssyncset.done $0x0  }
0xe6: {  	s24 =	simm.s32 $0x980;
	[sflag:s21] =	ssyncadd.s32 $0xFFFFF800  }
0xe7: {  	[tilespmem:s9], [sflag:$0x6] =	stream.indirect.gather [hbm4b:s20+s4], $0x10, s24, s4, $0xb8;
	[tilespmem:$0x7000] =	vst v63  }
0xe8: {  	_ =	swait.ge [sflag:s12], $0x800  }
0xe9: {  	[sflag:s12] =	ssyncset.done $0x0  }
0xea: {  	s24 =	simm.s32 $0x1C00;
	[sflag:s12] =	ssyncadd.s32 $0xFFFFF800  }
0xeb: {  	[spmem:s17] =	stream.indirect.scatter.add.f32 [tilespmem:s16], [sflag:$0x7], $0x10, s24, s4, $0xb8;
	[tilespmem:$0x7000] =	vst v63  }
0xec: {  	_ =	swait.ge [sflag:s15], $0x800  }
0xed: {  	[sflag:s15] =	ssyncset.done $0x0  }
0xee: {  	s24 =	simm.s32 $0x1C80;
	[sflag:s15] =	ssyncadd.s32 $0xFFFFF800  }
0xef: {  	[spmem:s17] =	stream.indirect.scatter.add.f32 [tilespmem:s5], [sflag:$0x8], $0x10, s24, s4, $0xb8;
	[tilespmem:$0x7000] =	vst v63  }
0xf0: {  	_ =	swait.ge [sflag:s22], $0x800  }
0xf1: {  	[sflag:s22] =	ssyncset.done $0x0  }
0xf2: {  	s24 =	simm.s32 $0x1D00;
	[sflag:s22] =	ssyncadd.s32 $0xFFFFF800  }
0xf3: {  	[spmem:s17] =	stream.indirect.scatter.add.f32 [tilespmem:s7], [sflag:$0x9], $0x10, s24, s4, $0xb8;
	[tilespmem:$0x7000] =	vst v63  }
0xf4: {  	_ =	swait.ge [sflag:s14], $0x800  }
0xf5: {  	[sflag:s14] =	ssyncset.done $0x0  }
0xf6: {  	s24 =	simm.s32 $0x1D80;
	[sflag:s14] =	ssyncadd.s32 $0xFFFFF800  }
0xf7: {  	[spmem:s17] =	stream.indirect.scatter.add.f32 [tilespmem:s9], [sflag:$0xA], $0x10, s24, s4, $0xb8;
	[tilespmem:$0x7000] =	vst v63  }
0xf8: {  	_ =	swait.ge [sflag:s18], $0xA00  }
0xf9: {  	[sflag:s18] =	ssyncset.done $0x0  }
0xfa: {  	[sflag:s18] =	ssyncadd.s32 $0xFFFFF600  }
0xfb: {  	_ =	swait.ge [sflag:s18], $0xA00  }
0xfc: {  	[sflag:s18] =	ssyncset.done $0x0  }
0xfd: {  	[sflag:s18] =	ssyncadd.s32 $0xFFFFF600  }
0xfe: {  	_ =	swait.ge [sflag:s13], $0x800  }
0xff: {  	[sflag:s13] =	ssyncset.done $0x0  }
0x100: {  	[sflag:s13] =	ssyncadd.s32 $0xFFFFF800  }
0x101: {  	[tilespmem:s16], [sflag:$0x3] =	stream.indirect.gather [hbm4b:s20+s4], $0x10, s2, s4, $0xb8;
	[tilespmem:$0x7000] =	vst v63  }
0x102: {  	_ =	swait.ge [sflag:s19], $0x800  }
0x103: {  	[sflag:s19] =	ssyncset.done $0x0  }
0x104: {  	s24 =	simm.s32 $0xA80;
	[sflag:s19] =	ssyncadd.s32 $0xFFFFF800  }
0x105: {  	[tilespmem:s5], [sflag:$0x4] =	stream.indirect.gather [hbm4b:s20+s4], $0x10, s24, s4, $0xb8;
	[tilespmem:$0x7000] =	vst v63  }
0x106: {  	_ =	swait.ge [sflag:s6], $0x800  }
0x107: {  	[sflag:s6] =	ssyncset.done $0x0  }
0x108: {  	s24 =	simm.s32 $0xB00;
	[sflag:s6] =	ssyncadd.s32 $0xFFFFF800  }
0x109: {  	[tilespmem:s7], [sflag:$0x5] =	stream.indirect.gather [hbm4b:s20+s4], $0x10, s24, s4, $0xb8;
	[tilespmem:$0x7000] =	vst v63  }
0x10a: {  	_ =	swait.ge [sflag:s21], $0x800  }
0x10b: {  	[sflag:s21] =	ssyncset.done $0x0  }
0x10c: {  	s24 =	simm.s32 $0xB80;
	[sflag:s21] =	ssyncadd.s32 $0xFFFFF800  }
0x10d: {  	[tilespmem:s9], [sflag:$0x6] =	stream.indirect.gather [hbm4b:s20+s4], $0x10, s24, s4, $0xb8;
	[tilespmem:$0x7000] =	vst v63  }
0x10e: {  	s24 =	rddreg [dreg:$0x7]  }
0x10f: {  	[tilespmem:s1], [sflag:$0x1] =	stream.linear.gather [hbm4b:s24+s1], $0xA00, $0x38;
	[tilespmem:$0x7000] =	vst v63  }
0x110: {  	s24 =	rddreg [dreg:$0x8]  }
0x111: {  	[tilespmem:s26], [sflag:$0x1] =	stream.linear.gather [hbm4b:s24+s1], $0xA00, $0x38;
	[tilespmem:$0x7000] =	vst v63  }
0x112: {  	_ =	swait.ge [sflag:s12], $0x800  }
0x113: {  	[sflag:s12] =	ssyncset.done $0x0  }
0x114: {  	[sflag:s12] =	ssyncadd.s32 $0xFFFFF800  }
0x115: {  	[spmem:s17] =	stream.indirect.scatter.add.f32 [tilespmem:s16], [sflag:$0x7], $0x10, s10, s4, $0xb8;
	[tilespmem:$0x7000] =	vst v63  }
0x116: {  	_ =	swait.ge [sflag:s13], $0x800  }
0x117: {  	[sflag:s13] =	ssyncset.done $0x0  }
0x118: {  	[sflag:s13] =	ssyncadd.s32 $0xFFFFF800  }
0x119: {  	[tilespmem:s16], [sflag:$0x3] =	stream.indirect.gather [hbm4b:s20+s4], $0x10, s11, s4, $0xb8;
	[tilespmem:$0x7000] =	vst v63  }
0x11a: {  	_ =	swait.ge [sflag:s15], $0x800  }
0x11b: {  	[sflag:s15] =	ssyncset.done $0x0  }
0x11c: {  	s24 =	simm.s32 $0x1E80;
	[sflag:s15] =	ssyncadd.s32 $0xFFFFF800  }
0x11d: {  	[spmem:s17] =	stream.indirect.scatter.add.f32 [tilespmem:s5], [sflag:$0x8], $0x10, s24, s4, $0xb8;
	[tilespmem:$0x7000] =	vst v63  }
0x11e: {  	_ =	swait.ge [sflag:s19], $0x800  }
0x11f: {  	[sflag:s19] =	ssyncset.done $0x0  }
0x120: {  	[sflag:s19] =	ssyncadd.s32 $0xFFFFF800  }
0x121: {  	[tilespmem:s5], [sflag:$0x4] =	stream.indirect.gather [hbm4b:s20+s4], $0x10, s28, s4, $0xb8;
	[tilespmem:$0x7000] =	vst v63  }
0x122: {  	_ =	swait.ge [sflag:s22], $0x800  }
0x123: {  	[sflag:s22] =	ssyncset.done $0x0  }
0x124: {  	[sflag:s22] =	ssyncadd.s32 $0xFFFFF800  }
0x125: {  	[spmem:s17] =	stream.indirect.scatter.add.f32 [tilespmem:s7], [sflag:$0x9], $0x10, s29, s4, $0xb8;
	[tilespmem:$0x7000] =	vst v63  }
0x126: {  	_ =	swait.ge [sflag:s6], $0x800  }
0x127: {  	[sflag:s6] =	ssyncset.done $0x0  }
0x128: {  	[sflag:s6] =	ssyncadd.s32 $0xFFFFF800  }
0x129: {  	[tilespmem:s7], [sflag:$0x5] =	stream.indirect.gather [hbm4b:s20+s4], $0x10, s30, s4, $0xb8;
	[tilespmem:$0x7000] =	vst v63  }
0x12a: {  	_ =	swait.ge [sflag:s14], $0x800  }
0x12b: {  	[sflag:s14] =	ssyncset.done $0x0  }
0x12c: {  	[sflag:s14] =	ssyncadd.s32 $0xFFFFF800  }
0x12d: {  	[spmem:s17] =	stream.indirect.scatter.add.f32 [tilespmem:s9], [sflag:$0xA], $0x10, s31, s4, $0xb8;
	[tilespmem:$0x7000] =	vst v63  }
0x12e: {  	_ =	swait.ge [sflag:s21], $0x800  }
0x12f: {  	[sflag:s21] =	ssyncset.done $0x0  }
0x130: {  	s8 =	simm.s32 $0xD80;
	[sflag:s21] =	ssyncadd.s32 $0xFFFFF800  }
0x131: {  	[tilespmem:s9], [sflag:$0x6] =	stream.indirect.gather [hbm4b:s20+s4], $0x10, s8, s4, $0xb8;
	[tilespmem:$0x7000] =	vst v63  }
0x132: {  	_ =	swait.ge [sflag:s12], $0x800  }
0x133: {  	[sflag:s12] =	ssyncset.done $0x0  }
0x134: {  	s8 =	simm.s32 $0x2000;
	[sflag:s12] =	ssyncadd.s32 $0xFFFFF800  }
0x135: {  	[spmem:s17] =	stream.indirect.scatter.add.f32 [tilespmem:s16], [sflag:$0x7], $0x10, s8, s4, $0xb8;
	[tilespmem:$0x7000] =	vst v63  }
0x136: {  	_ =	swait.ge [sflag:s13], $0x800  }
0x137: {  	[sflag:s13] =	ssyncset.done $0x0  }
0x138: {  	s8 =	simm.s32 $0xE00;
	[sflag:s13] =	ssyncadd.s32 $0xFFFFF800  }
0x139: {  	[tilespmem:s16], [sflag:$0x3] =	stream.indirect.gather [hbm4b:s20+s4], $0x10, s8, s4, $0xb8;
	[tilespmem:$0x7000] =	vst v63  }
0x13a: {  	_ =	swait.ge [sflag:s15], $0x800  }
0x13b: {  	[sflag:s15] =	ssyncset.done $0x0  }
0x13c: {  	s8 =	simm.s32 $0x2080;
	[sflag:s15] =	ssyncadd.s32 $0xFFFFF800  }
0x13d: {  	[spmem:s17] =	stream.indirect.scatter.add.f32 [tilespmem:s5], [sflag:$0x8], $0x10, s8, s4, $0xb8;
	[tilespmem:$0x7000] =	vst v63  }
0x13e: {  	_ =	swait.ge [sflag:s19], $0x800  }
0x13f: {  	[sflag:s19] =	ssyncset.done $0x0  }
0x140: {  	s8 =	simm.s32 $0xE80;
	[sflag:s19] =	ssyncadd.s32 $0xFFFFF800  }
0x141: {  	[tilespmem:s5], [sflag:$0x4] =	stream.indirect.gather [hbm4b:s20+s4], $0x10, s8, s4, $0xb8;
	[tilespmem:$0x7000] =	vst v63  }
0x142: {  	_ =	swait.ge [sflag:s22], $0x800  }
0x143: {  	[sflag:s22] =	ssyncset.done $0x0  }
0x144: {  	s8 =	simm.s32 $0x2100;
	[sflag:s22] =	ssyncadd.s32 $0xFFFFF800  }
0x145: {  	[spmem:s17] =	stream.indirect.scatter.add.f32 [tilespmem:s7], [sflag:$0x9], $0x10, s8, s4, $0xb8;
	[tilespmem:$0x7000] =	vst v63  }
0x146: {  	_ =	swait.ge [sflag:s6], $0x800  }
0x147: {  	[sflag:s6] =	ssyncset.done $0x0  }
0x148: {  	s8 =	simm.s32 $0xF00;
	[sflag:s6] =	ssyncadd.s32 $0xFFFFF800  }
0x149: {  	[tilespmem:s7], [sflag:$0x5] =	stream.indirect.gather [hbm4b:s20+s4], $0x10, s8, s4, $0xb8;
	[tilespmem:$0x7000] =	vst v63  }
0x14a: {  	_ =	swait.ge [sflag:s14], $0x800  }
0x14b: {  	[sflag:s14] =	ssyncset.done $0x0  }
0x14c: {  	s8 =	simm.s32 $0x2180;
	[sflag:s14] =	ssyncadd.s32 $0xFFFFF800  }
0x14d: {  	[spmem:s17] =	stream.indirect.scatter.add.f32 [tilespmem:s9], [sflag:$0xA], $0x10, s8, s4, $0xb8;
	[tilespmem:$0x7000] =	vst v63  }
0x14e: {  	_ =	swait.ge [sflag:s21], $0x800  }
0x14f: {  	[sflag:s21] =	ssyncset.done $0x0  }
0x150: {  	s8 =	simm.s32 $0xF80;
	[sflag:s21] =	ssyncadd.s32 $0xFFFFF800  }
0x151: {  	[tilespmem:s9], [sflag:$0x6] =	stream.indirect.gather [hbm4b:s20+s4], $0x10, s8, s4, $0xb8;
	[tilespmem:$0x7000] =	vst v63  }
0x152: {  	_ =	swait.ge [sflag:s12], $0x800  }
0x153: {  	[sflag:s12] =	ssyncset.done $0x0  }
0x154: {  	s8 =	simm.s32 $0x2200;
	[sflag:s12] =	ssyncadd.s32 $0xFFFFF800  }
0x155: {  	[spmem:s17] =	stream.indirect.scatter.add.f32 [tilespmem:s16], [sflag:$0x7], $0x10, s8, s4, $0xb8;
	[tilespmem:$0x7000] =	vst v63  }
0x156: {  	_ =	swait.ge [sflag:s13], $0x800  }
0x157: {  	[sflag:s13] =	ssyncset.done $0x0  }
0x158: {  	s8 =	simm.s32 $0x1000;
	[sflag:s13] =	ssyncadd.s32 $0xFFFFF800  }
0x159: {  	[tilespmem:s16], [sflag:$0x3] =	stream.indirect.gather [hbm4b:s20+s4], $0x10, s8, s4, $0xb8;
	[tilespmem:$0x7000] =	vst v63  }
0x15a: {  	_ =	swait.ge [sflag:s15], $0x800  }
0x15b: {  	[sflag:s15] =	ssyncset.done $0x0  }
0x15c: {  	s8 =	simm.s32 $0x2280;
	[sflag:s15] =	ssyncadd.s32 $0xFFFFF800  }
0x15d: {  	[spmem:s17] =	stream.indirect.scatter.add.f32 [tilespmem:s5], [sflag:$0x8], $0x10, s8, s4, $0xb8;
	[tilespmem:$0x7000] =	vst v63  }
0x15e: {  	_ =	swait.ge [sflag:s19], $0x800  }
0x15f: {  	[sflag:s19] =	ssyncset.done $0x0  }
0x160: {  	s8 =	simm.s32 $0x1080;
	[sflag:s19] =	ssyncadd.s32 $0xFFFFF800  }
0x161: {  	[tilespmem:s5], [sflag:$0x4] =	stream.indirect.gather [hbm4b:s20+s4], $0x10, s8, s4, $0xb8;
	[tilespmem:$0x7000] =	vst v63  }
0x162: {  	_ =	swait.ge [sflag:s22], $0x800  }
0x163: {  	[sflag:s22] =	ssyncset.done $0x0  }
0x164: {  	s8 =	simm.s32 $0x2300;
	[sflag:s22] =	ssyncadd.s32 $0xFFFFF800  }
0x165: {  	[spmem:s17] =	stream.indirect.scatter.add.f32 [tilespmem:s7], [sflag:$0x9], $0x10, s8, s4, $0xb8;
	[tilespmem:$0x7000] =	vst v63  }
0x166: {  	_ =	swait.ge [sflag:s6], $0x800  }
0x167: {  	[sflag:s6] =	ssyncset.done $0x0  }
0x168: {  	s8 =	simm.s32 $0x1100;
	[sflag:s6] =	ssyncadd.s32 $0xFFFFF800  }
0x169: {  	[tilespmem:s7], [sflag:$0x5] =	stream.indirect.gather [hbm4b:s20+s4], $0x10, s8, s4, $0xb8;
	[tilespmem:$0x7000] =	vst v63  }
0x16a: {  	_ =	swait.ge [sflag:s14], $0x800  }
0x16b: {  	[sflag:s14] =	ssyncset.done $0x0  }
0x16c: {  	s8 =	simm.s32 $0x2380;
	[sflag:s14] =	ssyncadd.s32 $0xFFFFF800  }
0x16d: {  	[spmem:s17] =	stream.indirect.scatter.add.f32 [tilespmem:s9], [sflag:$0xA], $0x10, s8, s4, $0xb8;
	[tilespmem:$0x7000] =	vst v63  }
0x16e: {  	_ =	swait.ge [sflag:s21], $0x800  }
0x16f: {  	[sflag:s21] =	ssyncset.done $0x0  }
0x170: {  	s8 =	simm.s32 $0x1180;
	[sflag:s21] =	ssyncadd.s32 $0xFFFFF800  }
0x171: {  	[tilespmem:s9], [sflag:$0x6] =	stream.indirect.gather [hbm4b:s20+s4], $0x10, s8, s4, $0xb8;
	[tilespmem:$0x7000] =	vst v63  }
0x172: {  	_ =	swait.ge [sflag:s12], $0x800  }
0x173: {  	[sflag:s12] =	ssyncset.done $0x0  }
0x174: {  	s8 =	simm.s32 $0x2400;
	[sflag:s12] =	ssyncadd.s32 $0xFFFFF800  }
0x175: {  	[spmem:s17] =	stream.indirect.scatter.add.f32 [tilespmem:s16], [sflag:$0x7], $0x10, s8, s4, $0xb8;
	[tilespmem:$0x7000] =	vst v63  }
0x176: {  	_ =	swait.ge [sflag:s13], $0x800  }
0x177: {  	[sflag:s13] =	ssyncset.done $0x0  }
0x178: {  	s8 =	simm.s32 $0x1200;
	[sflag:s13] =	ssyncadd.s32 $0xFFFFF800  }
0x179: {  	[tilespmem:s16], [sflag:$0x3] =	stream.indirect.gather [hbm4b:s20+s4], $0x10, s8, s4, $0xb8;
	[tilespmem:$0x7000] =	vst v63  }
0x17a: {  	_ =	swait.ge [sflag:s15], $0x800  }
0x17b: {  	[sflag:s15] =	ssyncset.done $0x0  }
0x17c: {  	s8 =	simm.s32 $0x2480;
	[sflag:s15] =	ssyncadd.s32 $0xFFFFF800  }
0x17d: {  	[spmem:s17] =	stream.indirect.scatter.add.f32 [tilespmem:s5], [sflag:$0x8], $0x10, s8, s4, $0xb8;
	[tilespmem:$0x7000] =	vst v63  }
0x17e: {  	_ =	swait.ge [sflag:s19], $0x800  }
0x17f: {  	[sflag:s19] =	ssyncset.done $0x0  }
0x180: {  	s8 =	simm.s32 $0x1280;
	[sflag:s19] =	ssyncadd.s32 $0xFFFFF800  }
0x181: {  	[tilespmem:s5], [sflag:$0x4] =	stream.indirect.gather [hbm4b:s20+s4], $0x10, s8, s4, $0xb8;
	[tilespmem:$0x7000] =	vst v63  }
0x182: {  	_ =	swait.ge [sflag:s22], $0x800  }
0x183: {  	[sflag:s22] =	ssyncset.done $0x0  }
0x184: {  	s8 =	simm.s32 $0x2500;
	[sflag:s22] =	ssyncadd.s32 $0xFFFFF800  }
0x185: {  	[spmem:s17] =	stream.indirect.scatter.add.f32 [tilespmem:s7], [sflag:$0x9], $0x10, s8, s4, $0xb8;
	[tilespmem:$0x7000] =	vst v63  }
0x186: {  	_ =	swait.ge [sflag:s6], $0x800  }
0x187: {  	[sflag:s6] =	ssyncset.done $0x0  }
0x188: {  	s8 =	simm.s32 $0x1300;
	[sflag:s6] =	ssyncadd.s32 $0xFFFFF800  }
0x189: {  	[tilespmem:s7], [sflag:$0x5] =	stream.indirect.gather [hbm4b:s20+s4], $0x10, s8, s4, $0xb8;
	[tilespmem:$0x7000] =	vst v63  }
0x18a: {  	_ =	swait.ge [sflag:s14], $0x800  }
0x18b: {  	[sflag:s14] =	ssyncset.done $0x0  }
0x18c: {  	s8 =	simm.s32 $0x2580;
	[sflag:s14] =	ssyncadd.s32 $0xFFFFF800  }
0x18d: {  	[spmem:s17] =	stream.indirect.scatter.add.f32 [tilespmem:s9], [sflag:$0xA], $0x10, s8, s4, $0xb8;
	[tilespmem:$0x7000] =	vst v63  }
0x18e: {  	_ =	swait.ge [sflag:s21], $0x800  }
0x18f: {  	[sflag:s21] =	ssyncset.done $0x0  }
0x190: {  	s8 =	simm.s32 $0x1380;
	[sflag:s21] =	ssyncadd.s32 $0xFFFFF800  }
0x191: {  	[tilespmem:s9], [sflag:$0x6] =	stream.indirect.gather [hbm4b:s20+s4], $0x10, s8, s4, $0xb8;
	[tilespmem:$0x7000] =	vst v63  }
0x192: {  	_ =	swait.ge [sflag:s12], $0x800  }
0x193: {  	[sflag:s12] =	ssyncset.done $0x0  }
0x194: {  	s8 =	simm.s32 $0x2600;
	[sflag:s12] =	ssyncadd.s32 $0xFFFFF800  }
0x195: {  	[spmem:s17] =	stream.indirect.scatter.add.f32 [tilespmem:s16], [sflag:$0x7], $0x10, s8, s4, $0xb8;
	[tilespmem:$0x7000] =	vst v63  }
0x196: {  	_ =	swait.ge [sflag:s15], $0x800  }
0x197: {  	[sflag:s15] =	ssyncset.done $0x0  }
0x198: {  	s8 =	simm.s32 $0x2680;
	[sflag:s15] =	ssyncadd.s32 $0xFFFFF800  }
0x199: {  	[spmem:s17] =	stream.indirect.scatter.add.f32 [tilespmem:s5], [sflag:$0x8], $0x10, s8, s4, $0xb8;
	[tilespmem:$0x7000] =	vst v63  }
0x19a: {  	_ =	swait.ge [sflag:s22], $0x800  }
0x19b: {  	[sflag:s22] =	ssyncset.done $0x0  }
0x19c: {  	s8 =	simm.s32 $0x2700;
	[sflag:s22] =	ssyncadd.s32 $0xFFFFF800  }
0x19d: {  	[spmem:s17] =	stream.indirect.scatter.add.f32 [tilespmem:s7], [sflag:$0x9], $0x10, s8, s4, $0xb8;
	[tilespmem:$0x7000] =	vst v63  }
0x19e: {  	_ =	swait.ge [sflag:s14], $0x800  }
0x19f: {  	[sflag:s14] =	ssyncset.done $0x0  }
0x1a0: {  	s8 =	simm.s32 $0x2780;
	[sflag:s14] =	ssyncadd.s32 $0xFFFFF800  }
0x1a1: {  	[spmem:s17] =	stream.indirect.scatter.add.f32 [tilespmem:s9], [sflag:$0xA], $0x10, s8, s4, $0xb8;
	[tilespmem:$0x7000] =	vst v63  }
0x1a2: {  	_ =	swait.ge [sflag:s3], $0xA00  }
0x1a3: {  	[sflag:s3] =	ssyncset.done $0x0  }
0x1a4: {  	[sflag:s3] =	ssyncadd.s32 $0xFFFFF600  }
0x1a5: {  	_ =	swait.ge [sflag:s3], $0xA00  }
0x1a6: {  	[sflag:s3] =	ssyncset.done $0x0  }
0x1a7: {  	[sflag:s3] =	ssyncadd.s32 $0xFFFFF600  }
0x1a8: {  	_ =	swait.ge [sflag:s13], $0x800  }
0x1a9: {  	[sflag:s13] =	ssyncset.done $0x0  }
0x1aa: {  	[sflag:s13] =	ssyncadd.s32 $0xFFFFF800  }
0x1ab: {  	[tilespmem:s16], [sflag:$0x3] =	stream.indirect.gather [hbm4b:s20+s4], $0x10, s1, s4, $0xb8;
	[tilespmem:$0x7000] =	vst v63  }
0x1ac: {  	_ =	swait.ge [sflag:s19], $0x800  }
0x1ad: {  	[sflag:s19] =	ssyncset.done $0x0  }
0x1ae: {  	[sflag:s19] =	ssyncadd.s32 $0xFFFFF800  }
0x1af: {  	[tilespmem:s5], [sflag:$0x4] =	stream.indirect.gather [hbm4b:s20+s4], $0x10, s4, s4, $0xb8;
	[tilespmem:$0x7000] =	vst v63  }
0x1b0: {  	_ =	swait.ge [sflag:s6], $0x800  }
0x1b1: {  	[sflag:s6] =	ssyncset.done $0x0  }
0x1b2: {  	[sflag:s6] =	ssyncadd.s32 $0xFFFFF800  }
0x1b3: {  	[tilespmem:s7], [sflag:$0x5] =	stream.indirect.gather [hbm4b:s20+s4], $0x10, s25, s4, $0xb8;
	[tilespmem:$0x7000] =	vst v63  }
0x1b4: {  	_ =	swait.ge [sflag:s21], $0x800  }
0x1b5: {  	[sflag:s21] =	ssyncset.done $0x0  }
0x1b6: {  	s8 =	simm.s32 $0x180;
	[sflag:s21] =	ssyncadd.s32 $0xFFFFF800  }
0x1b7: {  	[tilespmem:s9], [sflag:$0x6] =	stream.indirect.gather [hbm4b:s20+s4], $0x10, s8, s4, $0xb8;
	[tilespmem:$0x7000] =	vst v63  }
0x1b8: {  	s8 =	rddreg [dreg:$0x9]  }
0x1b9: {  	[tilespmem:s2], [sflag:$0x2] =	stream.linear.gather [hbm4b:s8+s1], $0xA00, $0x38;
	[tilespmem:$0x7000] =	vst v63  }
0x1ba: {  	s8 =	rddreg [dreg:$0xa]  }
0x1bb: {  	[tilespmem:s10], [sflag:$0x2] =	stream.linear.gather [hbm4b:s8+s1], $0xA00, $0x38;
	[tilespmem:$0x7000] =	vst v63  }
0x1bc: {  	_ =	swait.ge [sflag:s12], $0x800  }
0x1bd: {  	[sflag:s12] =	ssyncset.done $0x0  }
0x1be: {  	[sflag:s12] =	ssyncadd.s32 $0xFFFFF800  }
0x1bf: {  	[spmem:s17] =	stream.indirect.scatter.add.f32 [tilespmem:s16], [sflag:$0x7], $0x10, s26, s4, $0xb8;
	[tilespmem:$0x7000] =	vst v63  }
0x1c0: {  	_ =	swait.ge [sflag:s13], $0x800  }
0x1c1: {  	[sflag:s13] =	ssyncset.done $0x0  }
0x1c2: {  	s8 =	simm.s32 $0x200;
	[sflag:s13] =	ssyncadd.s32 $0xFFFFF800  }
0x1c3: {  	[tilespmem:s16], [sflag:$0x3] =	stream.indirect.gather [hbm4b:s20+s4], $0x10, s8, s4, $0xb8;
	[tilespmem:$0x7000] =	vst v63  }
0x1c4: {  	_ =	swait.ge [sflag:s15], $0x800  }
0x1c5: {  	[sflag:s15] =	ssyncset.done $0x0  }
0x1c6: {  	s8 =	simm.s32 $0x1480;
	[sflag:s15] =	ssyncadd.s32 $0xFFFFF800  }
0x1c7: {  	[spmem:s17] =	stream.indirect.scatter.add.f32 [tilespmem:s5], [sflag:$0x8], $0x10, s8, s4, $0xb8;
	[tilespmem:$0x7000] =	vst v63  }
0x1c8: {  	_ =	swait.ge [sflag:s19], $0x800  }
0x1c9: {  	[sflag:s19] =	ssyncset.done $0x0  }
0x1ca: {  	s8 =	simm.s32 $0x280;
	[sflag:s19] =	ssyncadd.s32 $0xFFFFF800  }
0x1cb: {  	[tilespmem:s5], [sflag:$0x4] =	stream.indirect.gather [hbm4b:s20+s4], $0x10, s8, s4, $0xb8;
	[tilespmem:$0x7000] =	vst v63  }
0x1cc: {  	_ =	swait.ge [sflag:s22], $0x800  }
0x1cd: {  	[sflag:s22] =	ssyncset.done $0x0  }
0x1ce: {  	s8 =	simm.s32 $0x1500;
	[sflag:s22] =	ssyncadd.s32 $0xFFFFF800  }
0x1cf: {  	[spmem:s17] =	stream.indirect.scatter.add.f32 [tilespmem:s7], [sflag:$0x9], $0x10, s8, s4, $0xb8;
	[tilespmem:$0x7000] =	vst v63  }
0x1d0: {  	_ =	swait.ge [sflag:s6], $0x800  }
0x1d1: {  	[sflag:s6] =	ssyncset.done $0x0  }
0x1d2: {  	s8 =	simm.s32 $0x300;
	[sflag:s6] =	ssyncadd.s32 $0xFFFFF800  }
0x1d3: {  	[tilespmem:s7], [sflag:$0x5] =	stream.indirect.gather [hbm4b:s20+s4], $0x10, s8, s4, $0xb8;
	[tilespmem:$0x7000] =	vst v63  }
0x1d4: {  	_ =	swait.ge [sflag:s14], $0x800  }
0x1d5: {  	[sflag:s14] =	ssyncset.done $0x0  }
0x1d6: {  	s8 =	simm.s32 $0x1580;
	[sflag:s14] =	ssyncadd.s32 $0xFFFFF800  }
0x1d7: {  	[spmem:s17] =	stream.indirect.scatter.add.f32 [tilespmem:s9], [sflag:$0xA], $0x10, s8, s4, $0xb8;
	[tilespmem:$0x7000] =	vst v63  }
0x1d8: {  	_ =	swait.ge [sflag:s21], $0x800  }
0x1d9: {  	[sflag:s21] =	ssyncset.done $0x0  }
0x1da: {  	s8 =	simm.s32 $0x380;
	[sflag:s21] =	ssyncadd.s32 $0xFFFFF800  }
0x1db: {  	[tilespmem:s9], [sflag:$0x6] =	stream.indirect.gather [hbm4b:s20+s4], $0x10, s8, s4, $0xb8;
	[tilespmem:$0x7000] =	vst v63  }
0x1dc: {  	_ =	swait.ge [sflag:s12], $0x800  }
0x1dd: {  	[sflag:s12] =	ssyncset.done $0x0  }
0x1de: {  	s8 =	simm.s32 $0x1600;
	[sflag:s12] =	ssyncadd.s32 $0xFFFFF800  }
0x1df: {  	[spmem:s17] =	stream.indirect.scatter.add.f32 [tilespmem:s16], [sflag:$0x7], $0x10, s8, s4, $0xb8;
	[tilespmem:$0x7000] =	vst v63  }
0x1e0: {  	_ =	swait.ge [sflag:s13], $0x800  }
0x1e1: {  	[sflag:s13] =	ssyncset.done $0x0  }
0x1e2: {  	s8 =	simm.s32 $0x400;
	[sflag:s13] =	ssyncadd.s32 $0xFFFFF800  }
0x1e3: {  	[tilespmem:s16], [sflag:$0x3] =	stream.indirect.gather [hbm4b:s20+s4], $0x10, s8, s4, $0xb8;
	[tilespmem:$0x7000] =	vst v63  }
0x1e4: {  	_ =	swait.ge [sflag:s15], $0x800  }
0x1e5: {  	[sflag:s15] =	ssyncset.done $0x0  }
0x1e6: {  	s8 =	simm.s32 $0x1680;
	[sflag:s15] =	ssyncadd.s32 $0xFFFFF800  }
0x1e7: {  	[spmem:s17] =	stream.indirect.scatter.add.f32 [tilespmem:s5], [sflag:$0x8], $0x10, s8, s4, $0xb8;
	[tilespmem:$0x7000] =	vst v63  }
0x1e8: {  	_ =	swait.ge [sflag:s19], $0x800  }
0x1e9: {  	[sflag:s19] =	ssyncset.done $0x0  }
0x1ea: {  	s8 =	simm.s32 $0x480;
	[sflag:s19] =	ssyncadd.s32 $0xFFFFF800  }
0x1eb: {  	[tilespmem:s5], [sflag:$0x4] =	stream.indirect.gather [hbm4b:s20+s4], $0x10, s8, s4, $0xb8;
	[tilespmem:$0x7000] =	vst v63  }
0x1ec: {  	_ =	swait.ge [sflag:s22], $0x800  }
0x1ed: {  	[sflag:s22] =	ssyncset.done $0x0  }
0x1ee: {  	s8 =	simm.s32 $0x1700;
	[sflag:s22] =	ssyncadd.s32 $0xFFFFF800  }
0x1ef: {  	[spmem:s17] =	stream.indirect.scatter.add.f32 [tilespmem:s7], [sflag:$0x9], $0x10, s8, s4, $0xb8;
	[tilespmem:$0x7000] =	vst v63  }
0x1f0: {  	_ =	swait.ge [sflag:s6], $0x800  }
0x1f1: {  	[sflag:s6] =	ssyncset.done $0x0  }
0x1f2: {  	s8 =	simm.s32 $0x500;
	[sflag:s6] =	ssyncadd.s32 $0xFFFFF800  }
0x1f3: {  	[tilespmem:s7], [sflag:$0x5] =	stream.indirect.gather [hbm4b:s20+s4], $0x10, s8, s4, $0xb8;
	[tilespmem:$0x7000] =	vst v63  }
0x1f4: {  	_ =	swait.ge [sflag:s14], $0x800  }
0x1f5: {  	[sflag:s14] =	ssyncset.done $0x0  }
0x1f6: {  	s8 =	simm.s32 $0x1780;
	[sflag:s14] =	ssyncadd.s32 $0xFFFFF800  }
0x1f7: {  	[spmem:s17] =	stream.indirect.scatter.add.f32 [tilespmem:s9], [sflag:$0xA], $0x10, s8, s4, $0xb8;
	[tilespmem:$0x7000] =	vst v63  }
0x1f8: {  	_ =	swait.ge [sflag:s21], $0x800  }
0x1f9: {  	[sflag:s21] =	ssyncset.done $0x0  }
0x1fa: {  	s8 =	simm.s32 $0x580;
	[sflag:s21] =	ssyncadd.s32 $0xFFFFF800  }
0x1fb: {  	[tilespmem:s9], [sflag:$0x6] =	stream.indirect.gather [hbm4b:s20+s4], $0x10, s8, s4, $0xb8;
	[tilespmem:$0x7000] =	vst v63  }
0x1fc: {  	_ =	swait.ge [sflag:s12], $0x800  }
0x1fd: {  	[sflag:s12] =	ssyncset.done $0x0  }
0x1fe: {  	s8 =	simm.s32 $0x1800;
	[sflag:s12] =	ssyncadd.s32 $0xFFFFF800  }
0x1ff: {  	[spmem:s17] =	stream.indirect.scatter.add.f32 [tilespmem:s16], [sflag:$0x7], $0x10, s8, s4, $0xb8;
	[tilespmem:$0x7000] =	vst v63  }
0x200: {  	_ =	swait.ge [sflag:s13], $0x800  }
0x201: {  	[sflag:s13] =	ssyncset.done $0x0  }
0x202: {  	s8 =	simm.s32 $0x600;
	[sflag:s13] =	ssyncadd.s32 $0xFFFFF800  }
0x203: {  	[tilespmem:s16], [sflag:$0x3] =	stream.indirect.gather [hbm4b:s20+s4], $0x10, s8, s4, $0xb8;
	[tilespmem:$0x7000] =	vst v63  }
0x204: {  	_ =	swait.ge [sflag:s15], $0x800  }
0x205: {  	[sflag:s15] =	ssyncset.done $0x0  }
0x206: {  	s8 =	simm.s32 $0x1880;
	[sflag:s15] =	ssyncadd.s32 $0xFFFFF800  }
0x207: {  	[spmem:s17] =	stream.indirect.scatter.add.f32 [tilespmem:s5], [sflag:$0x8], $0x10, s8, s4, $0xb8;
	[tilespmem:$0x7000] =	vst v63  }
0x208: {  	_ =	swait.ge [sflag:s19], $0x800  }
0x209: {  	[sflag:s19] =	ssyncset.done $0x0  }
0x20a: {  	s8 =	simm.s32 $0x680;
	[sflag:s19] =	ssyncadd.s32 $0xFFFFF800  }
0x20b: {  	[tilespmem:s5], [sflag:$0x4] =	stream.indirect.gather [hbm4b:s20+s4], $0x10, s8, s4, $0xb8;
	[tilespmem:$0x7000] =	vst v63  }
0x20c: {  	_ =	swait.ge [sflag:s22], $0x800  }
0x20d: {  	[sflag:s22] =	ssyncset.done $0x0  }
0x20e: {  	s8 =	simm.s32 $0x1900;
	[sflag:s22] =	ssyncadd.s32 $0xFFFFF800  }
0x20f: {  	[spmem:s17] =	stream.indirect.scatter.add.f32 [tilespmem:s7], [sflag:$0x9], $0x10, s8, s4, $0xb8;
	[tilespmem:$0x7000] =	vst v63  }
0x210: {  	_ =	swait.ge [sflag:s6], $0x800  }
0x211: {  	[sflag:s6] =	ssyncset.done $0x0  }
0x212: {  	s8 =	simm.s32 $0x700;
	[sflag:s6] =	ssyncadd.s32 $0xFFFFF800  }
0x213: {  	[tilespmem:s7], [sflag:$0x5] =	stream.indirect.gather [hbm4b:s20+s4], $0x10, s8, s4, $0xb8;
	[tilespmem:$0x7000] =	vst v63  }
0x214: {  	_ =	swait.ge [sflag:s14], $0x800  }
0x215: {  	[sflag:s14] =	ssyncset.done $0x0  }
0x216: {  	s8 =	simm.s32 $0x1980;
	[sflag:s14] =	ssyncadd.s32 $0xFFFFF800  }
0x217: {  	[spmem:s17] =	stream.indirect.scatter.add.f32 [tilespmem:s9], [sflag:$0xA], $0x10, s8, s4, $0xb8;
	[tilespmem:$0x7000] =	vst v63  }
0x218: {  	_ =	swait.ge [sflag:s21], $0x800  }
0x219: {  	[sflag:s21] =	ssyncset.done $0x0  }
0x21a: {  	s8 =	simm.s32 $0x780;
	[sflag:s21] =	ssyncadd.s32 $0xFFFFF800  }
0x21b: {  	[tilespmem:s9], [sflag:$0x6] =	stream.indirect.gather [hbm4b:s20+s4], $0x10, s8, s4, $0xb8;
	[tilespmem:$0x7000] =	vst v63  }
0x21c: {  	_ =	swait.ge [sflag:s12], $0x800  }
0x21d: {  	[sflag:s12] =	ssyncset.done $0x0  }
0x21e: {  	s8 =	simm.s32 $0x1A00;
	[sflag:s12] =	ssyncadd.s32 $0xFFFFF800  }
0x21f: {  	[spmem:s17] =	stream.indirect.scatter.add.f32 [tilespmem:s16], [sflag:$0x7], $0x10, s8, s4, $0xb8;
	[tilespmem:$0x7000] =	vst v63  }
0x220: {  	_ =	swait.ge [sflag:s13], $0x800  }
0x221: {  	[sflag:s13] =	ssyncset.done $0x0  }
0x222: {  	s8 =	simm.s32 $0x800;
	[sflag:s13] =	ssyncadd.s32 $0xFFFFF800  }
0x223: {  	[tilespmem:s16], [sflag:$0x3] =	stream.indirect.gather [hbm4b:s20+s4], $0x10, s8, s4, $0xb8;
	[tilespmem:$0x7000] =	vst v63  }
0x224: {  	_ =	swait.ge [sflag:s15], $0x800  }
0x225: {  	[sflag:s15] =	ssyncset.done $0x0  }
0x226: {  	s8 =	simm.s32 $0x1A80;
	[sflag:s15] =	ssyncadd.s32 $0xFFFFF800  }
0x227: {  	[spmem:s17] =	stream.indirect.scatter.add.f32 [tilespmem:s5], [sflag:$0x8], $0x10, s8, s4, $0xb8;
	[tilespmem:$0x7000] =	vst v63  }
0x228: {  	_ =	swait.ge [sflag:s19], $0x800  }
0x229: {  	[sflag:s19] =	ssyncset.done $0x0  }
0x22a: {  	s8 =	simm.s32 $0x880;
	[sflag:s19] =	ssyncadd.s32 $0xFFFFF800  }
0x22b: {  	[tilespmem:s5], [sflag:$0x4] =	stream.indirect.gather [hbm4b:s20+s4], $0x10, s8, s4, $0xb8;
	[tilespmem:$0x7000] =	vst v63  }
0x22c: {  	_ =	swait.ge [sflag:s22], $0x800  }
0x22d: {  	[sflag:s22] =	ssyncset.done $0x0  }
0x22e: {  	s8 =	simm.s32 $0x1B00;
	[sflag:s22] =	ssyncadd.s32 $0xFFFFF800  }
0x22f: {  	[spmem:s17] =	stream.indirect.scatter.add.f32 [tilespmem:s7], [sflag:$0x9], $0x10, s8, s4, $0xb8;
	[tilespmem:$0x7000] =	vst v63  }
0x230: {  	_ =	swait.ge [sflag:s6], $0x800  }
0x231: {  	[sflag:s6] =	ssyncset.done $0x0  }
0x232: {  	s8 =	simm.s32 $0x900;
	[sflag:s6] =	ssyncadd.s32 $0xFFFFF800  }
0x233: {  	[tilespmem:s7], [sflag:$0x5] =	stream.indirect.gather [hbm4b:s20+s4], $0x10, s8, s4, $0xb8;
	[tilespmem:$0x7000] =	vst v63  }
0x234: {  	_ =	swait.ge [sflag:s14], $0x800  }
0x235: {  	[sflag:s14] =	ssyncset.done $0x0  }
0x236: {  	s8 =	simm.s32 $0x1B80;
	[sflag:s14] =	ssyncadd.s32 $0xFFFFF800  }
0x237: {  	[spmem:s17] =	stream.indirect.scatter.add.f32 [tilespmem:s9], [sflag:$0xA], $0x10, s8, s4, $0xb8;
	[tilespmem:$0x7000] =	vst v63  }
0x238: {  	_ =	swait.ge [sflag:s21], $0x800  }
0x239: {  	[sflag:s21] =	ssyncset.done $0x0  }
0x23a: {  	s8 =	simm.s32 $0x980;
	[sflag:s21] =	ssyncadd.s32 $0xFFFFF800  }
0x23b: {  	[tilespmem:s9], [sflag:$0x6] =	stream.indirect.gather [hbm4b:s20+s4], $0x10, s8, s4, $0xb8;
	[tilespmem:$0x7000] =	vst v63  }
0x23c: {  	_ =	swait.ge [sflag:s12], $0x800  }
0x23d: {  	[sflag:s12] =	ssyncset.done $0x0  }
0x23e: {  	s8 =	simm.s32 $0x1C00;
	[sflag:s12] =	ssyncadd.s32 $0xFFFFF800  }
0x23f: {  	[spmem:s17] =	stream.indirect.scatter.add.f32 [tilespmem:s16], [sflag:$0x7], $0x10, s8, s4, $0xb8;
	[tilespmem:$0x7000] =	vst v63  }
0x240: {  	_ =	swait.ge [sflag:s15], $0x800  }
0x241: {  	[sflag:s15] =	ssyncset.done $0x0  }
0x242: {  	s8 =	simm.s32 $0x1C80;
	[sflag:s15] =	ssyncadd.s32 $0xFFFFF800  }
0x243: {  	[spmem:s17] =	stream.indirect.scatter.add.f32 [tilespmem:s5], [sflag:$0x8], $0x10, s8, s4, $0xb8;
	[tilespmem:$0x7000] =	vst v63  }
0x244: {  	_ =	swait.ge [sflag:s22], $0x800  }
0x245: {  	[sflag:s22] =	ssyncset.done $0x0  }
0x246: {  	s8 =	simm.s32 $0x1D00;
	[sflag:s22] =	ssyncadd.s32 $0xFFFFF800  }
0x247: {  	[spmem:s17] =	stream.indirect.scatter.add.f32 [tilespmem:s7], [sflag:$0x9], $0x10, s8, s4, $0xb8;
	[tilespmem:$0x7000] =	vst v63  }
0x248: {  	_ =	swait.ge [sflag:s14], $0x800  }
0x249: {  	[sflag:s14] =	ssyncset.done $0x0  }
0x24a: {  	s8 =	simm.s32 $0x1D80;
	[sflag:s14] =	ssyncadd.s32 $0xFFFFF800  }
0x24b: {  	[spmem:s17] =	stream.indirect.scatter.add.f32 [tilespmem:s9], [sflag:$0xA], $0x10, s8, s4, $0xb8;
	[tilespmem:$0x7000] =	vst v63  }
0x24c: {  	_ =	swait.ge [sflag:s18], $0xA00  }
0x24d: {  	[sflag:s18] =	ssyncset.done $0x0  }
0x24e: {  	[sflag:s18] =	ssyncadd.s32 $0xFFFFF600  }
0x24f: {  	_ =	swait.ge [sflag:s18], $0xA00  }
0x250: {  	[sflag:s18] =	ssyncset.done $0x0  }
0x251: {  	[sflag:s18] =	ssyncadd.s32 $0xFFFFF600  }
0x252: {  	_ =	swait.ge [sflag:s13], $0x800  }
0x253: {  	[sflag:s13] =	ssyncset.done $0x0  }
0x254: {  	[sflag:s13] =	ssyncadd.s32 $0xFFFFF800  }
0x255: {  	[tilespmem:s16], [sflag:$0x3] =	stream.indirect.gather [hbm4b:s20+s4], $0x10, s2, s4, $0xb8;
	[tilespmem:$0x7000] =	vst v63  }
0x256: {  	_ =	swait.ge [sflag:s19], $0x800  }
0x257: {  	[sflag:s19] =	ssyncset.done $0x0  }
0x258: {  	s8 =	simm.s32 $0xA80;
	[sflag:s19] =	ssyncadd.s32 $0xFFFFF800  }
0x259: {  	[tilespmem:s5], [sflag:$0x4] =	stream.indirect.gather [hbm4b:s20+s4], $0x10, s8, s4, $0xb8;
	[tilespmem:$0x7000] =	vst v63  }
0x25a: {  	_ =	swait.ge [sflag:s6], $0x800  }
0x25b: {  	[sflag:s6] =	ssyncset.done $0x0  }
0x25c: {  	s8 =	simm.s32 $0xB00;
	[sflag:s6] =	ssyncadd.s32 $0xFFFFF800  }
0x25d: {  	[tilespmem:s7], [sflag:$0x5] =	stream.indirect.gather [hbm4b:s20+s4], $0x10, s8, s4, $0xb8;
	[tilespmem:$0x7000] =	vst v63  }
0x25e: {  	_ =	swait.ge [sflag:s21], $0x800  }
0x25f: {  	[sflag:s21] =	ssyncset.done $0x0  }
0x260: {  	s8 =	simm.s32 $0xB80;
	[sflag:s21] =	ssyncadd.s32 $0xFFFFF800  }
0x261: {  	[tilespmem:s9], [sflag:$0x6] =	stream.indirect.gather [hbm4b:s20+s4], $0x10, s8, s4, $0xb8;
	[tilespmem:$0x7000] =	vst v63  }
0x262: {  	_ =	swait.ge [sflag:s12], $0x800  }
0x263: {  	[sflag:s12] =	ssyncset.done $0x0  }
0x264: {  	[sflag:s12] =	ssyncadd.s32 $0xFFFFF800  }
0x265: {  	[spmem:s17] =	stream.indirect.scatter.add.f32 [tilespmem:s16], [sflag:$0x7], $0x10, s10, s4, $0xb8;
	[tilespmem:$0x7000] =	vst v63  }
0x266: {  	_ =	swait.ge [sflag:s13], $0x800  }
0x267: {  	[sflag:s13] =	ssyncset.done $0x0  }
0x268: {  	[sflag:s13] =	ssyncadd.s32 $0xFFFFF800  }
0x269: {  	[tilespmem:s16], [sflag:$0x3] =	stream.indirect.gather [hbm4b:s20+s4], $0x10, s11, s4, $0xb8;
	[tilespmem:$0x7000] =	vst v63  }
0x26a: {  	_ =	swait.ge [sflag:s15], $0x800  }
0x26b: {  	[sflag:s15] =	ssyncset.done $0x0  }
0x26c: {  	[sflag:s15] =	ssyncadd.s32 $0xFFFFF800  }
0x26d: {  	[spmem:s17] =	stream.indirect.scatter.add.f32 [tilespmem:s5], [sflag:$0x8], $0x10, s24, s4, $0xb8;
	[tilespmem:$0x7000] =	vst v63  }
0x26e: {  	_ =	swait.ge [sflag:s19], $0x800  }
0x26f: {  	[sflag:s19] =	ssyncset.done $0x0  }
0x270: {  	[sflag:s19] =	ssyncadd.s32 $0xFFFFF800  }
0x271: {  	[tilespmem:s5], [sflag:$0x4] =	stream.indirect.gather [hbm4b:s20+s4], $0x10, s28, s4, $0xb8;
	[tilespmem:$0x7000] =	vst v63  }
0x272: {  	_ =	swait.ge [sflag:s22], $0x800  }
0x273: {  	[sflag:s22] =	ssyncset.done $0x0  }
0x274: {  	[sflag:s22] =	ssyncadd.s32 $0xFFFFF800  }
0x275: {  	[spmem:s17] =	stream.indirect.scatter.add.f32 [tilespmem:s7], [sflag:$0x9], $0x10, s29, s4, $0xb8;
	[tilespmem:$0x7000] =	vst v63  }
0x276: {  	_ =	swait.ge [sflag:s6], $0x800  }
0x277: {  	[sflag:s6] =	ssyncset.done $0x0  }
0x278: {  	[sflag:s6] =	ssyncadd.s32 $0xFFFFF800  }
0x279: {  	[tilespmem:s7], [sflag:$0x5] =	stream.indirect.gather [hbm4b:s20+s4], $0x10, s30, s4, $0xb8;
	[tilespmem:$0x7000] =	vst v63  }
0x27a: {  	_ =	swait.ge [sflag:s14], $0x800  }
0x27b: {  	[sflag:s14] =	ssyncset.done $0x0  }
0x27c: {  	[sflag:s14] =	ssyncadd.s32 $0xFFFFF800  }
0x27d: {  	[spmem:s17] =	stream.indirect.scatter.add.f32 [tilespmem:s9], [sflag:$0xA], $0x10, s31, s4, $0xb8;
	[tilespmem:$0x7000] =	vst v63  }
0x27e: {  	_ =	swait.ge [sflag:s21], $0x800  }
0x27f: {  	[sflag:s21] =	ssyncset.done $0x0  }
0x280: {  	s8 =	simm.s32 $0xD80;
	[sflag:s21] =	ssyncadd.s32 $0xFFFFF800  }
0x281: {  	[tilespmem:s9], [sflag:$0x6] =	stream.indirect.gather [hbm4b:s20+s4], $0x10, s8, s4, $0xb8;
	[tilespmem:$0x7000] =	vst v63  }
0x282: {  	_ =	swait.ge [sflag:s12], $0x800  }
0x283: {  	[sflag:s12] =	ssyncset.done $0x0  }
0x284: {  	s24 =	simm.s32 $0x2000;
	[sflag:s12] =	ssyncadd.s32 $0xFFFFF800  }
0x285: {  	[spmem:s17] =	stream.indirect.scatter.add.f32 [tilespmem:s16], [sflag:$0x7], $0x10, s24, s4, $0xb8;
	[tilespmem:$0x7000] =	vst v63  }
0x286: {  	_ =	swait.ge [sflag:s13], $0x800  }
0x287: {  	[sflag:s13] =	ssyncset.done $0x0  }
0x288: {  	s8 =	simm.s32 $0xE00;
	[sflag:s13] =	ssyncadd.s32 $0xFFFFF800  }
0x289: {  	[tilespmem:s16], [sflag:$0x3] =	stream.indirect.gather [hbm4b:s20+s4], $0x10, s8, s4, $0xb8;
	[tilespmem:$0x7000] =	vst v63  }
0x28a: {  	_ =	swait.ge [sflag:s15], $0x800  }
0x28b: {  	[sflag:s15] =	ssyncset.done $0x0  }
0x28c: {  	s24 =	simm.s32 $0x2080;
	[sflag:s15] =	ssyncadd.s32 $0xFFFFF800  }
0x28d: {  	[spmem:s17] =	stream.indirect.scatter.add.f32 [tilespmem:s5], [sflag:$0x8], $0x10, s24, s4, $0xb8;
	[tilespmem:$0x7000] =	vst v63  }
0x28e: {  	_ =	swait.ge [sflag:s19], $0x800  }
0x28f: {  	[sflag:s19] =	ssyncset.done $0x0  }
0x290: {  	s8 =	simm.s32 $0xE80;
	[sflag:s19] =	ssyncadd.s32 $0xFFFFF800  }
0x291: {  	[tilespmem:s5], [sflag:$0x4] =	stream.indirect.gather [hbm4b:s20+s4], $0x10, s8, s4, $0xb8;
	[tilespmem:$0x7000] =	vst v63  }
0x292: {  	_ =	swait.ge [sflag:s22], $0x800  }
0x293: {  	[sflag:s22] =	ssyncset.done $0x0  }
0x294: {  	s24 =	simm.s32 $0x2100;
	[sflag:s22] =	ssyncadd.s32 $0xFFFFF800  }
0x295: {  	[spmem:s17] =	stream.indirect.scatter.add.f32 [tilespmem:s7], [sflag:$0x9], $0x10, s24, s4, $0xb8;
	[tilespmem:$0x7000] =	vst v63  }
0x296: {  	_ =	swait.ge [sflag:s6], $0x800  }
0x297: {  	[sflag:s6] =	ssyncset.done $0x0  }
0x298: {  	s8 =	simm.s32 $0xF00;
	[sflag:s6] =	ssyncadd.s32 $0xFFFFF800  }
0x299: {  	[tilespmem:s7], [sflag:$0x5] =	stream.indirect.gather [hbm4b:s20+s4], $0x10, s8, s4, $0xb8;
	[tilespmem:$0x7000] =	vst v63  }
0x29a: {  	_ =	swait.ge [sflag:s14], $0x800  }
0x29b: {  	[sflag:s14] =	ssyncset.done $0x0  }
0x29c: {  	s24 =	simm.s32 $0x2180;
	[sflag:s14] =	ssyncadd.s32 $0xFFFFF800  }
0x29d: {  	[spmem:s17] =	stream.indirect.scatter.add.f32 [tilespmem:s9], [sflag:$0xA], $0x10, s24, s4, $0xb8;
	[tilespmem:$0x7000] =	vst v63  }
0x29e: {  	_ =	swait.ge [sflag:s21], $0x800  }
0x29f: {  	[sflag:s21] =	ssyncset.done $0x0  }
0x2a0: {  	s8 =	simm.s32 $0xF80;
	[sflag:s21] =	ssyncadd.s32 $0xFFFFF800  }
0x2a1: {  	[tilespmem:s9], [sflag:$0x6] =	stream.indirect.gather [hbm4b:s20+s4], $0x10, s8, s4, $0xb8;
	[tilespmem:$0x7000] =	vst v63  }
0x2a2: {  	_ =	swait.ge [sflag:s12], $0x800  }
0x2a3: {  	[sflag:s12] =	ssyncset.done $0x0  }
0x2a4: {  	s24 =	simm.s32 $0x2200;
	[sflag:s12] =	ssyncadd.s32 $0xFFFFF800  }
0x2a5: {  	[spmem:s17] =	stream.indirect.scatter.add.f32 [tilespmem:s16], [sflag:$0x7], $0x10, s24, s4, $0xb8;
	[tilespmem:$0x7000] =	vst v63  }
0x2a6: {  	_ =	swait.ge [sflag:s13], $0x800  }
0x2a7: {  	[sflag:s13] =	ssyncset.done $0x0  }
0x2a8: {  	s8 =	simm.s32 $0x1000;
	[sflag:s13] =	ssyncadd.s32 $0xFFFFF800  }
0x2a9: {  	[tilespmem:s16], [sflag:$0x3] =	stream.indirect.gather [hbm4b:s20+s4], $0x10, s8, s4, $0xb8;
	[tilespmem:$0x7000] =	vst v63  }
0x2aa: {  	_ =	swait.ge [sflag:s15], $0x800  }
0x2ab: {  	[sflag:s15] =	ssyncset.done $0x0  }
0x2ac: {  	s24 =	simm.s32 $0x2280;
	[sflag:s15] =	ssyncadd.s32 $0xFFFFF800  }
0x2ad: {  	[spmem:s17] =	stream.indirect.scatter.add.f32 [tilespmem:s5], [sflag:$0x8], $0x10, s24, s4, $0xb8;
	[tilespmem:$0x7000] =	vst v63  }
0x2ae: {  	_ =	swait.ge [sflag:s19], $0x800  }
0x2af: {  	[sflag:s19] =	ssyncset.done $0x0  }
0x2b0: {  	s8 =	simm.s32 $0x1080;
	[sflag:s19] =	ssyncadd.s32 $0xFFFFF800  }
0x2b1: {  	[tilespmem:s5], [sflag:$0x4] =	stream.indirect.gather [hbm4b:s20+s4], $0x10, s8, s4, $0xb8;
	[tilespmem:$0x7000] =	vst v63  }
0x2b2: {  	_ =	swait.ge [sflag:s22], $0x800  }
0x2b3: {  	[sflag:s22] =	ssyncset.done $0x0  }
0x2b4: {  	s24 =	simm.s32 $0x2300;
	[sflag:s22] =	ssyncadd.s32 $0xFFFFF800  }
0x2b5: {  	[spmem:s17] =	stream.indirect.scatter.add.f32 [tilespmem:s7], [sflag:$0x9], $0x10, s24, s4, $0xb8;
	[tilespmem:$0x7000] =	vst v63  }
0x2b6: {  	_ =	swait.ge [sflag:s6], $0x800  }
0x2b7: {  	[sflag:s6] =	ssyncset.done $0x0  }
0x2b8: {  	s8 =	simm.s32 $0x1100;
	[sflag:s6] =	ssyncadd.s32 $0xFFFFF800  }
0x2b9: {  	[tilespmem:s7], [sflag:$0x5] =	stream.indirect.gather [hbm4b:s20+s4], $0x10, s8, s4, $0xb8;
	[tilespmem:$0x7000] =	vst v63  }
0x2ba: {  	_ =	swait.ge [sflag:s14], $0x800  }
0x2bb: {  	[sflag:s14] =	ssyncset.done $0x0  }
0x2bc: {  	s24 =	simm.s32 $0x2380;
	[sflag:s14] =	ssyncadd.s32 $0xFFFFF800  }
0x2bd: {  	[spmem:s17] =	stream.indirect.scatter.add.f32 [tilespmem:s9], [sflag:$0xA], $0x10, s24, s4, $0xb8;
	[tilespmem:$0x7000] =	vst v63  }
0x2be: {  	_ =	swait.ge [sflag:s21], $0x800  }
0x2bf: {  	[sflag:s21] =	ssyncset.done $0x0  }
0x2c0: {  	s8 =	simm.s32 $0x1180;
	[sflag:s21] =	ssyncadd.s32 $0xFFFFF800  }
0x2c1: {  	[tilespmem:s9], [sflag:$0x6] =	stream.indirect.gather [hbm4b:s20+s4], $0x10, s8, s4, $0xb8;
	[tilespmem:$0x7000] =	vst v63  }
0x2c2: {  	_ =	swait.ge [sflag:s12], $0x800  }
0x2c3: {  	[sflag:s12] =	ssyncset.done $0x0  }
0x2c4: {  	s24 =	simm.s32 $0x2400;
	[sflag:s12] =	ssyncadd.s32 $0xFFFFF800  }
0x2c5: {  	[spmem:s17] =	stream.indirect.scatter.add.f32 [tilespmem:s16], [sflag:$0x7], $0x10, s24, s4, $0xb8;
	[tilespmem:$0x7000] =	vst v63  }
0x2c6: {  	_ =	swait.ge [sflag:s13], $0x800  }
0x2c7: {  	[sflag:s13] =	ssyncset.done $0x0  }
0x2c8: {  	s8 =	simm.s32 $0x1200;
	[sflag:s13] =	ssyncadd.s32 $0xFFFFF800  }
0x2c9: {  	[tilespmem:s16], [sflag:$0x3] =	stream.indirect.gather [hbm4b:s20+s4], $0x10, s8, s4, $0xb8;
	[tilespmem:$0x7000] =	vst v63  }
0x2ca: {  	_ =	swait.ge [sflag:s15], $0x800  }
0x2cb: {  	[sflag:s15] =	ssyncset.done $0x0  }
0x2cc: {  	s24 =	simm.s32 $0x2480;
	[sflag:s15] =	ssyncadd.s32 $0xFFFFF800  }
0x2cd: {  	[spmem:s17] =	stream.indirect.scatter.add.f32 [tilespmem:s5], [sflag:$0x8], $0x10, s24, s4, $0xb8;
	[tilespmem:$0x7000] =	vst v63  }
0x2ce: {  	_ =	swait.ge [sflag:s19], $0x800  }
0x2cf: {  	[sflag:s19] =	ssyncset.done $0x0  }
0x2d0: {  	s8 =	simm.s32 $0x1280;
	[sflag:s19] =	ssyncadd.s32 $0xFFFFF800  }
0x2d1: {  	[tilespmem:s5], [sflag:$0x4] =	stream.indirect.gather [hbm4b:s20+s4], $0x10, s8, s4, $0xb8;
	[tilespmem:$0x7000] =	vst v63  }
0x2d2: {  	_ =	swait.ge [sflag:s22], $0x800  }
0x2d3: {  	[sflag:s22] =	ssyncset.done $0x0  }
0x2d4: {  	s24 =	simm.s32 $0x2500;
	[sflag:s22] =	ssyncadd.s32 $0xFFFFF800  }
0x2d5: {  	[spmem:s17] =	stream.indirect.scatter.add.f32 [tilespmem:s7], [sflag:$0x9], $0x10, s24, s4, $0xb8;
	[tilespmem:$0x7000] =	vst v63  }
0x2d6: {  	_ =	swait.ge [sflag:s6], $0x800  }
0x2d7: {  	[sflag:s6] =	ssyncset.done $0x0  }
0x2d8: {  	s8 =	simm.s32 $0x1300;
	[sflag:s6] =	ssyncadd.s32 $0xFFFFF800  }
0x2d9: {  	[tilespmem:s7], [sflag:$0x5] =	stream.indirect.gather [hbm4b:s20+s4], $0x10, s8, s4, $0xb8;
	[tilespmem:$0x7000] =	vst v63  }
0x2da: {  	_ =	swait.ge [sflag:s14], $0x800  }
0x2db: {  	[sflag:s14] =	ssyncset.done $0x0  }
0x2dc: {  	s24 =	simm.s32 $0x2580;
	[sflag:s14] =	ssyncadd.s32 $0xFFFFF800  }
0x2dd: {  	[spmem:s17] =	stream.indirect.scatter.add.f32 [tilespmem:s9], [sflag:$0xA], $0x10, s24, s4, $0xb8;
	[tilespmem:$0x7000] =	vst v63  }
0x2de: {  	_ =	swait.ge [sflag:s21], $0x800  }
0x2df: {  	[sflag:s21] =	ssyncset.done $0x0  }
0x2e0: {  	s8 =	simm.s32 $0x1380;
	[sflag:s21] =	ssyncadd.s32 $0xFFFFF800  }
0x2e1: {  	[tilespmem:s9], [sflag:$0x6] =	stream.indirect.gather [hbm4b:s20+s4], $0x10, s8, s4, $0xb8;
	[tilespmem:$0x7000] =	vst v63  }
0x2e2: {  	_ =	swait.ge [sflag:s12], $0x800  }
0x2e3: {  	[sflag:s12] =	ssyncset.done $0x0  }
0x2e4: {  	s24 =	simm.s32 $0x2600;
	[sflag:s12] =	ssyncadd.s32 $0xFFFFF800  }
0x2e5: {  	[spmem:s17] =	stream.indirect.scatter.add.f32 [tilespmem:s16], [sflag:$0x7], $0x10, s24, s4, $0xb8;
	[tilespmem:$0x7000] =	vst v63  }
0x2e6: {  	_ =	swait.ge [sflag:s15], $0x800  }
0x2e7: {  	[sflag:s15] =	ssyncset.done $0x0  }
0x2e8: {  	s8 =	simm.s32 $0x2680;
	[sflag:s15] =	ssyncadd.s32 $0xFFFFF800  }
0x2e9: {  	[spmem:s17] =	stream.indirect.scatter.add.f32 [tilespmem:s5], [sflag:$0x8], $0x10, s8, s4, $0xb8;
	[tilespmem:$0x7000] =	vst v63  }
0x2ea: {  	_ =	swait.ge [sflag:s22], $0x800  }
0x2eb: {  	[sflag:s22] =	ssyncset.done $0x0  }
0x2ec: {  	s24 =	simm.s32 $0x2700;
	[sflag:s22] =	ssyncadd.s32 $0xFFFFF800  }
0x2ed: {  	[spmem:s17] =	stream.indirect.scatter.add.f32 [tilespmem:s7], [sflag:$0x9], $0x10, s24, s4, $0xb8;
	[tilespmem:$0x7000] =	vst v63  }
0x2ee: {  	_ =	swait.ge [sflag:s14], $0x800  }
0x2ef: {  	[sflag:s14] =	ssyncset.done $0x0  }
0x2f0: {  	s8 =	simm.s32 $0x2780;
	[sflag:s14] =	ssyncadd.s32 $0xFFFFF800  }
0x2f1: {  	[spmem:s17] =	stream.indirect.scatter.add.f32 [tilespmem:s9], [sflag:$0xA], $0x10, s8, s4, $0xb8;
	[tilespmem:$0x7000] =	vst v63  }
0x2f2: {  	_ =	swait.ge [sflag:s13], $0x800  }
0x2f3: {  	[sflag:s13] =	ssyncset.done $0x0  }
0x2f4: {  	[sflag:s13] =	ssyncadd.s32 $0xFFFFF800  }
0x2f5: {  	_ =	swait.ge [sflag:s19], $0x800  }
0x2f6: {  	[sflag:s19] =	ssyncset.done $0x0  }
0x2f7: {  	[sflag:s19] =	ssyncadd.s32 $0xFFFFF800  }
0x2f8: {  	_ =	swait.ge [sflag:s6], $0x800  }
0x2f9: {  	[sflag:s6] =	ssyncset.done $0x0  }
0x2fa: {  	[sflag:s6] =	ssyncadd.s32 $0xFFFFF800  }
0x2fb: {  	_ =	swait.ge [sflag:s21], $0x800  }
0x2fc: {  	[sflag:s21] =	ssyncset.done $0x0  }
0x2fd: {  	[sflag:s21] =	ssyncadd.s32 $0xFFFFF800  }
0x2fe: {  	[bflag:$0x0] =	sbarrier.arrive $0xFFFF  }
0x2ff: {  	s24 =	rddreg [dreg:$0x13]  }
0x300: {  	[tilespmem:s16], [sflag:$0xB] =	stream.linear.gather [spmem:s24], $0x500, $0x38;
	[tilespmem:$0x7000] =	vst v63  }
0x301: {  	_ =	swait.ge [sflag:s0], $0x500  }
0x302: {  	[sflag:s0] =	ssyncset.done $0x0  }
0x303: {  	s2 =	rddreg [dreg:$0xb];
	[sflag:s0] =	ssyncadd.s32 $0xFFFFFB00  }
0x304: {  	[hbm4b:s2+s1] =	stream.linear.scatter [tilespmem:s16], [sflag:$0xB], $0x500, $0x38;
	[tilespmem:$0x7000] =	vst v63  }
0x305: {  	_ =	swait.ge [sflag:s0], $0x500  }
0x306: {  	[sflag:s0] =	ssyncset.done $0x0  }
0x307: {  	s24 =	rddreg [dreg:$0x16];
	[sflag:s0] =	ssyncadd.s32 $0xFFFFFB00  }
0x308: {  	[tilespmem:s16], [sflag:$0xB] =	stream.linear.gather [spmem:s24], $0x500, $0x38;
	[tilespmem:$0x7000] =	vst v63  }
0x309: {  	_ =	swait.ge [sflag:s0], $0x500  }
0x30a: {  	[sflag:s0] =	ssyncset.done $0x0  }
0x30b: {  	s2 =	rddreg [dreg:$0xc];
	[sflag:s0] =	ssyncadd.s32 $0xFFFFFB00  }
0x30c: {  	[hbm4b:s2+s1] =	stream.linear.scatter [tilespmem:s16], [sflag:$0xB], $0x500, $0x38;
	[tilespmem:$0x7000] =	vst v63  }
0x30d: {  	_ =	swait.ge [sflag:s0], $0x500  }
0x30e: {  	[sflag:s0] =	ssyncset.done $0x0  }
0x30f: {  	s24 =	rddreg [dreg:$0x17];
	[sflag:s0] =	ssyncadd.s32 $0xFFFFFB00  }
0x310: {  	[tilespmem:s16], [sflag:$0xB] =	stream.linear.gather [spmem:s24], $0x500, $0x38;
	[tilespmem:$0x7000] =	vst v63  }
0x311: {  	_ =	swait.ge [sflag:s0], $0x500  }
0x312: {  	[sflag:s0] =	ssyncset.done $0x0  }
0x313: {  	s2 =	rddreg [dreg:$0xd];
	[sflag:s0] =	ssyncadd.s32 $0xFFFFFB00  }
0x314: {  	[hbm4b:s2+s1] =	stream.linear.scatter [tilespmem:s16], [sflag:$0xB], $0x500, $0x38;
	[tilespmem:$0x7000] =	vst v63  }
0x315: {  	_ =	swait.ge [sflag:s0], $0x500  }
0x316: {  	[sflag:s0] =	ssyncset.done $0x0  }
0x317: {  	s24 =	rddreg [dreg:$0x18];
	[sflag:s0] =	ssyncadd.s32 $0xFFFFFB00  }
0x318: {  	[tilespmem:s16], [sflag:$0xB] =	stream.linear.gather [spmem:s24], $0x500, $0x38;
	[tilespmem:$0x7000] =	vst v63  }
0x319: {  	_ =	swait.ge [sflag:s0], $0x500  }
0x31a: {  	[sflag:s0] =	ssyncset.done $0x0  }
0x31b: {  	s2 =	rddreg [dreg:$0xe];
	[sflag:s0] =	ssyncadd.s32 $0xFFFFFB00  }
0x31c: {  	[hbm4b:s2+s1] =	stream.linear.scatter [tilespmem:s16], [sflag:$0xB], $0x500, $0x38;
	[tilespmem:$0x7000] =	vst v63  }
0x31d: {  	_ =	swait.ge [sflag:s0], $0x500  }
0x31e: {  	[sflag:s0] =	ssyncset.done $0x0  }
0x31f: {  	s24 =	rddreg [dreg:$0x19];
	[sflag:s0] =	ssyncadd.s32 $0xFFFFFB00  }
0x320: {  	[tilespmem:s16], [sflag:$0xB] =	stream.linear.gather [spmem:s24], $0x500, $0x38;
	[tilespmem:$0x7000] =	vst v63  }
0x321: {  	_ =	swait.ge [sflag:s0], $0x500  }
0x322: {  	[sflag:s0] =	ssyncset.done $0x0  }
0x323: {  	s2 =	rddreg [dreg:$0xf];
	[sflag:s0] =	ssyncadd.s32 $0xFFFFFB00  }
0x324: {  	[hbm4b:s2+s1] =	stream.linear.scatter [tilespmem:s16], [sflag:$0xB], $0x500, $0x38;
	[tilespmem:$0x7000] =	vst v63  }
0x325: {  	_ =	swait.ge [sflag:s0], $0x500  }
0x326: {  	[sflag:s0] =	ssyncset.done $0x0  }
0x327: {  	s24 =	rddreg [dreg:$0x1a];
	[sflag:s0] =	ssyncadd.s32 $0xFFFFFB00  }
0x328: {  	[tilespmem:s16], [sflag:$0xB] =	stream.linear.gather [spmem:s24], $0x500, $0x38;
	[tilespmem:$0x7000] =	vst v63  }
0x329: {  	_ =	swait.ge [sflag:s0], $0x500  }
0x32a: {  	[sflag:s0] =	ssyncset.done $0x0  }
0x32b: {  	s2 =	rddreg [dreg:$0x10];
	[sflag:s0] =	ssyncadd.s32 $0xFFFFFB00  }
0x32c: {  	[hbm4b:s2+s1] =	stream.linear.scatter [tilespmem:s16], [sflag:$0xB], $0x500, $0x38;
	[tilespmem:$0x7000] =	vst v63  }
0x32d: {  	_ =	swait.ge [sflag:s0], $0x500  }
0x32e: {  	[sflag:s0] =	ssyncset.done $0x0  }
0x32f: {  	s24 =	rddreg [dreg:$0x1b];
	[sflag:s0] =	ssyncadd.s32 $0xFFFFFB00  }
0x330: {  	[tilespmem:s16], [sflag:$0xB] =	stream.linear.gather [spmem:s24], $0x500, $0x38;
	[tilespmem:$0x7000] =	vst v63  }
0x331: {  	_ =	swait.ge [sflag:s0], $0x500  }
0x332: {  	[sflag:s0] =	ssyncset.done $0x0  }
0x333: {  	s2 =	rddreg [dreg:$0x11];
	[sflag:s0] =	ssyncadd.s32 $0xFFFFFB00  }
0x334: {  	[hbm4b:s2+s1] =	stream.linear.scatter [tilespmem:s16], [sflag:$0xB], $0x500, $0x38;
	[tilespmem:$0x7000] =	vst v63  }
0x335: {  	_ =	swait.ge [sflag:s0], $0x500  }
0x336: {  	[sflag:s0] =	ssyncset.done $0x0  }
0x337: {  	s24 =	rddreg [dreg:$0x1c];
	[sflag:s0] =	ssyncadd.s32 $0xFFFFFB00  }
0x338: {  	[tilespmem:s16], [sflag:$0xB] =	stream.linear.gather [spmem:s24], $0x500, $0x38;
	[tilespmem:$0x7000] =	vst v63  }
0x339: {  	_ =	swait.ge [sflag:s0], $0x500  }
0x33a: {  	[sflag:s0] =	ssyncset.done $0x0  }
0x33b: {  	s2 =	rddreg [dreg:$0x12];
	[sflag:s0] =	ssyncadd.s32 $0xFFFFFB00  }
0x33c: {  	[hbm4b:s2+s1] =	stream.linear.scatter [tilespmem:s16], [sflag:$0xB], $0x500, $0x38;
	[tilespmem:$0x7000] =	vst v63  }
0x33d: {  	_ =	swait.ge [sflag:s0], $0x500  }
0x33e: {  	s23 =	sadd.s32 $0x1, s23;
	s24 =	rddreg [dreg:$0x14]  }
0x33f: {  	p0 =	sne.s32 s23, s24  }
.Ltmp1:
0x340: {  	_ = 	snop;
	(pc) =	sbr.rel @p0 .LBB2_1-.Ltmp1, $3  }
0x341: {  	_ =	sdelay $0x1  }
0x342: {  	[sflag:s0] =	ssyncset.done $0x0  }
0x343: {  	[sflag:s0] =	ssyncadd.s32 $0xFFFFFB00  }
0x344: {  	_ =	sfence.sel $0x180000  }
0x345: {  	[bflag:$0x0] =	sbarrier.arrive $0xFFFF  }
0x346: {  	_ =	strace $0x9000004D  }
0x347: {  	s0 =	stileid.u32;
	[bflag:$0x2] =	sbarrier.arrive $0xFFFF  }
0x348: {  	p0 =	sne.s32 s0, $0x0;
	s0 =	rddreg [dreg:$0x2]  }
0x349: {  	s0 =	sadd.s32 @!p0 $0x100000, s0  }
0x34a: {  	[sflag:s0] =	ssyncadd.tile.s32 @!p0 $0x1;
	_ =	shalt  }
.Lfunc_end2:
_tile_overlayer_lowered:
.L_overlay_start_2:
0x34b: {  	(tag) =	ssettag $0x2  }
0x34c: {  	s0 =	rddreg [dreg:$0x0];
	s2 =	stileid.u32  }
0x34d: {  	s1 =	rddreg [dreg:$0x1];
	p0 =	sne.s32 s2, $0x0  }
0x34e: {  	s3 =	rddreg [dreg:$0x2];
	[bflag:$0x3] =	sbarrier.arrive $0xFFFF;
	s2 =	simm.s32 @!p0 $0x1C0B  }
0x34f: {  	[timem:s3], [sflag:s2] =	dma.local @!p0 [hbm:s0], s1  }
0x350: {  	s0 =	simm.s32 @!p0 $0xB  }
0x351: {  	_ =	swait.ge @!p0 [sflag:s0], s1  }
0x352: {  	s1 =	ssub.s32 @!p0 $0x0, s1;
	[sflag:s0] =	ssyncset.done @!p0 $0x0  }
0x353: {  	[sflag:s0] =	ssyncadd.s32 @!p0 s1  }
0x354: {  	[bflag:$0x3] =	sbarrier.arrive $0xFFFF  }
0x355: {  	_ =	shalt  }

// kernel: kernel.8.cloned.1.call-start
scs
__scs_entry_jumppad:
0x0: {  	(pc) =	sbr.rel $0x88, $3  }
0x1: {  	(tag) =	ssettag $0x0;
	lr =	simm.s32 $0x1  }
0x2: {  	[smem:$0x3F9A] =	sst lr;
	_ =	strace $0xD0000000  }
0x3: {  	_ = 	snop  }
0x4: {  	_ = 	snop  }
0x5: {  	_ = 	snop  }
0x6: {  	_ = 	snop  }
0x7: {  	_ = 	snop  }
__scs_overlays_trampoline_lowered:
0x8: {  	[smem:$0x3FA9] =	sst s0  }
0x9: {  	[smem:$0x3FAA] =	sst s1  }
0xa: {  	[smem:$0x3FAB] =	sst s2  }
0xb: {  	[smem:$0x3FAC] =	sst s3  }
0xc: {  	[smem:$0x3FAD] =	sst s4  }
0xd: {  	[smem:$0x3FAE] =	sst s5  }
0xe: {  	[smem:$0x3FAF] =	sst s6  }
0xf: {  	[smem:$0x3FB0] =	sst s7  }
0x10: {  	[smem:$0x3FB1] =	sst s8  }
0x11: {  	[smem:$0x3FB2] =	sst s9;
	s0 =	simm.s32 @!p0 $0x0  }
0x12: {  	s1 =	sld [smem:$0x3F98];
	s0 =	simm.s32 @p0 $0x1  }
0x13: {  	[smem:$0x3FB3] =	sst s0;
	s0 =	simm.s32 @!p1 $0x0  }
0x14: {  	s2 =	sld [smem:$0x3F97];
	s0 =	simm.s32 @p1 $0x1  }
0x15: {  	[smem:$0x3FB4] =	sst s0;
	s0 =	simm.s32 @!p2 $0x0  }
0x16: {  	s3 =	sld [smem:$0x3FDB];
	s0 =	simm.s32 @p2 $0x1  }
0x17: {  	s4 =	simm.s32 $0x1BF5;
	[smem:$0x3FB6] =	sst s0  }
0x18: {  	s0 =	sld [smem:$0x3F99];
	_ =	swait.ge [sflag:s4], $0x0  }
0x19: {  	s7 =	sld [smem:$0x3F9A]  }
0x1a: {  	s8 =	sadd.s32 $0xFFFFE003, lr  }
0x1b: {  	s9 =	sadd.s32 $0xFFFFFEF7, lr;
	s5 =	simm.s32 $0xFFFFFFFF;
	p2 =	slt.u32 s8, $0xFFFFF086  }
0x1c: {  	p1 =	slt.u32 s9, $0xF7A;
	s5 =	simm.s32 @!p2 $0x0  }
0x1d: {  	s5 =	simm.s32 @p1 $0x1;
	p0 =	seq.s32 s7, s2  }
0x1e: {  	s7 =	smul.u32 @!p0 $0xF7A, s2;
	p2 =	seq.s32 @!p0 s5, $0x0  }
0x1f: {  	s9 =	smul.u32 $0xF7A, s1;
	s8 =	simm.s32 @!p0 $0x1BF5;
	p2 =	por !p2, p0  }
0x20: {  	[sflag:s8] =	ssyncset.s32 @!p0 $0xFFFFF086;
	s6 =	sadd.s32 @!p0 s3, s7;
	s7 =	simm.s32 @!p0 $0x108  }
0x21: {  	s3 =	sadd.s32 s3, s9;
	s6 =	sadd.s32 @!p0 $0x88, s6;
	s7 =	simm.s32 @p2 $0x1082  }
0x22: {  	[simem:s7], [sflag:s8] =	dma.local @!p0 [hbm:s6], $0xF7A  }
0x23: {  	s9 =	sor.u32 $0xD0000000, s2;
	s6 =	simm.s32 $0x108;
	_ =	swait.ge @!p0 [sflag:s8], $0x0  }
0x24: {  	s3 =	sadd.s32 $0x88, s3;
	s6 =	simm.s32 @!p1 $0x1082;
	[sflag:s4] =	ssyncset.s32 $0xFFFFF086  }
0x25: {  	[simem:s6], [sflag:s4] =	dma.local [hbm:s3], $0xF7A  }
0x26: {  	[smem:$0x3F9A] =	sst s1;
	(tag) =	ssettag s2;
	_ =	strace s9  }
0x27: {  	s1 =	sld [smem:$0x3FAA]  }
0x28: {  	s2 =	sld [smem:$0x3FAB]  }
0x29: {  	s4 =	sld [smem:$0x3FAD]  }
0x2a: {  	p0 =	seq.s32 s5, $0x0;
	s5 =	sld [smem:$0x3FAE]  }
0x2b: {  	s6 =	sld [smem:$0x3FAF]  }
0x2c: {  	s7 =	sld [smem:$0x3FB0]  }
0x2d: {  	s3 =	simm.s32 $0x108;
	s8 =	sld [smem:$0x3FB1]  }
0x2e: {  	s3 =	simm.s32 @!p0 $0x1082;
	s9 =	sld [smem:$0x3FB2]  }
0x2f: {  	lr =	sadd.s32 s0, s3;
	s0 =	sld [smem:$0x3FA9]  }
0x30: {  	s3 =	sld [smem:$0x3FAC]  }
0x31: {  	[smem:$0x3FB5] =	sst s10  }
0x32: {  	s10 =	sld [smem:$0x3FB3];
	_ =	sdelay $0x3  }
0x33: {  	p0 =	seq.s32 s10, $0x1;
	s10 =	sld [smem:$0x3FB5];
	_ =	sdelay $0x3  }
0x34: {  	[smem:$0x3FB5] =	sst s10  }
0x35: {  	s10 =	sld [smem:$0x3FB4];
	_ =	sdelay $0x3  }
0x36: {  	p1 =	seq.s32 s10, $0x1;
	s10 =	sld [smem:$0x3FB5];
	_ =	sdelay $0x3  }
0x37: {  	[smem:$0x3FB5] =	sst s10  }
0x38: {  	s10 =	sld [smem:$0x3FB6]  }
0x39: {  	_ = 	snop;
	(pc) =	sbr.ind lr, $3  }
0x3a: {  	_ = 	snop  }
0x3b: {  	_ = 	snop  }
0x3c: {  	p2 =	seq.s32 s10, $0x1;
	s10 =	sld [smem:$0x3FB5]  }
0x3d: {  	_ =	shalt  }
0x3e: {  	_ =	shalt  }
0x3f: {  	_ =	shalt  }
0x40: {  	_ =	shalt  }
0x41: {  	_ =	shalt  }
0x42: {  	_ =	shalt  }
0x43: {  	_ =	shalt  }
0x44: {  	_ =	shalt  }
0x45: {  	_ =	shalt  }
0x46: {  	_ =	shalt  }
0x47: {  	_ =	shalt  }
0x48: {  	_ =	shalt  }
0x49: {  	_ =	shalt  }
0x4a: {  	_ =	shalt  }
0x4b: {  	_ =	shalt  }
0x4c: {  	_ =	shalt  }
0x4d: {  	_ =	shalt  }
0x4e: {  	_ =	shalt  }
0x4f: {  	_ =	shalt  }
0x50: {  	_ =	shalt  }
0x51: {  	_ =	shalt  }
0x52: {  	_ =	shalt  }
0x53: {  	_ =	shalt  }
0x54: {  	_ =	shalt  }
0x55: {  	_ =	shalt  }
0x56: {  	_ =	shalt  }
0x57: {  	_ =	shalt  }
0x58: {  	_ =	shalt  }
0x59: {  	_ =	shalt  }
0x5a: {  	_ =	shalt  }
0x5b: {  	_ =	shalt  }
0x5c: {  	_ =	shalt  }
0x5d: {  	_ =	shalt  }
0x5e: {  	_ =	shalt  }
0x5f: {  	_ =	shalt  }
0x60: {  	_ =	shalt  }
0x61: {  	_ =	shalt  }
0x62: {  	_ =	shalt  }
0x63: {  	_ =	shalt  }
0x64: {  	_ =	shalt  }
0x65: {  	_ =	shalt  }
0x66: {  	_ =	shalt  }
0x67: {  	_ =	shalt  }
0x68: {  	_ =	shalt  }
0x69: {  	_ =	shalt  }
0x6a: {  	_ =	shalt  }
0x6b: {  	_ =	shalt  }
0x6c: {  	_ =	shalt  }
0x6d: {  	_ =	shalt  }
0x6e: {  	_ =	shalt  }
0x6f: {  	_ =	shalt  }
0x70: {  	_ =	shalt  }
0x71: {  	_ =	shalt  }
0x72: {  	_ =	shalt  }
0x73: {  	_ =	shalt  }
0x74: {  	_ =	shalt  }
0x75: {  	_ =	shalt  }
0x76: {  	_ =	shalt  }
0x77: {  	_ =	shalt  }
0x78: {  	_ =	shalt  }
0x79: {  	_ =	shalt  }
0x7a: {  	_ =	shalt  }
0x7b: {  	_ =	shalt  }
0x7c: {  	_ =	shalt  }
0x7d: {  	_ =	shalt  }
0x7e: {  	_ =	shalt  }
0x7f: {  	_ =	shalt  }
0x80: {  	_ =	shalt  }
0x81: {  	_ =	shalt  }
0x82: {  	_ =	shalt  }
0x83: {  	_ =	shalt  }
0x84: {  	_ =	shalt  }
0x85: {  	_ =	shalt  }
0x86: {  	_ =	shalt  }
0x87: {  	_ =	shalt  }
.Lfunc_end0:
.L_simem_size_0:
called_computation_lowered:
.L_overlay_start_0:
0x88: {  	s2 =	sld [smem:$0x3FD9]  }
0x89: {  	s3 =	sld [smem:$0x3FFE];
	_ =	sdelay $0x1  }
0x8a: {  	s1 =	srdreg.scid  }
0x8b: {  	s0 =	sand.u32 $0x1, s1  }
0x8c: {  	s17 =	sshll.u32 s0, $0xA;
	s2 =	sadd.s32 s3, s2  }
0x8d: {  	s2 =	sadd.s32 s2, s17  }
0x8e: {  	[smem:$0x3FC1] =	sst s2  }
0x8f: {  	_ = 	snop  }
0x90: {  	s2 =	sld [smem:$0x3FC7];
	(tm) =	ssettm $0x1  }
0x91: {  	s18 =	sld [smem:$0x3FFB];
	_ =	sdelay $0x3  }
0x92: {  	_ =	strace s18  }
0x93: {  	s3 =	sld [smem:$0x3FFC];
	_ =	sdelay $0x3  }
0x94: {  	_ =	strace s3  }
0x95: {  	s3 =	sld [smem:$0x3FFD];
	_ =	sdelay $0x3  }
0x96: {  	_ =	strace s3  }
0x97: {  	_ =	strace $0x8FFFFFFF  }
0x98: {  	s19 =	sld [smem:$0x3FDB];
	_ =	sdelay $0x1  }
0x99: {  	s4 =	simm.s32 $_scs_section_size  }
0x9a: {  	s5 =	simm.s32 $_size__tile_overlayer_lowered;
	s6 =	simm.s32 $_tile_overlayer_lowered  }
0x9b: {  	s22 =	simm.s32 $0x1BFF;
	s21 =	sshll.u32 s6, $0x1;
	s3 =	sadd.s32 s4, s19  }
0x9c: {  	s7 =	simm.s32 $0x0;
	s20 =	sshll.u32 s5, $0x1;
	s5 =	sadd.s32 s21, s3  }
0x9d: {  	[timem:s7], [sflag:s22] =	dma.local [hbm:s5], s20  }
0x9e: {  	_ =	swait.ge [sflag:s22], s20  }
0x9f: {  	s4 =	ssub.s32 $0x0, s20;
	[sflag:s22] =	ssyncset.done $0x0  }
0xa0: {  	[sflag:s22] =	ssyncadd.s32 s4;
	_ =	sdelay $0x1  }
0xa1: {  	s23 =	simm.s32 $0x1B8B  }
0xa2: {  	_ =	swait.ge [sflag:s23], $0x1  }
0xa3: {  	[sflag:s23] =	ssyncset.done $0x0  }
0xa4: {  	s25 =	simm.s32 $0x1B8E;
	s24 =	sld [smem:$0x3FFE];
	[sflag:s23] =	ssyncadd.s32 $0xFFFFFFFF  }
0xa5: {  	s26 =	simm.s32 $execute0_lowered;
	[smem:$0x3FD2] =	sst s25  }
0xa6: {  	s5 =	sshll.u32 s26, $0x1;
	_ =	strace $0x80000046;
	[dreg:$0x1] =	wrdreg $0xFFFFFFFF  }
0xa7: {  	s28 =	simm.s32 $_size_execute0_lowered;
	s3 =	sadd.s32 s3, s5;
	[dreg:$0x0] =	wrdreg $0x0  }
0xa8: {  	s5 =	sshll.u32 s28, $0x1;
	[dreg:$0x2] =	wrdreg s3  }
0xa9: {  	[dreg:$0x3] =	wrdreg s5  }
0xaa: {  	[dreg:$0x4] =	wrdreg $0xC0  }
0xab: {  	_ =	task [dreg:s7], $0x5FFFF  }
0xac: {  	[dreg:$0x1] =	wrdreg $0xFFFFFFFF  }
0xad: {  	[dreg:$0x0] =	wrdreg $0x60  }
0xae: {  	[dreg:$0x2] =	wrdreg s24  }
0xaf: {  	[dreg:$0x3] =	wrdreg s2  }
0xb0: {  	[dreg:$0x4] =	wrdreg $0x9  }
0xb1: {  	_ =	task.clear_ibuf [dreg:s7], $0x5FFFF;
	_ =	strace $0x90000046  }
0xb2: {  	s29 =	simm.s32 $0x9;
	_ =	strace $0x80000048  }
0xb3: {  	_ =	swait.ge [sflag:s29], $0x1  }
0xb4: {  	[sflag:s29] =	ssyncadd.s32 $0xFFFFFFFF  }
0xb5: {  	_ =	strace $0x90000048  }
0xb6: {  	_ =	sfence  }
0xb7: {  	s30 =	sld [smem:$0x0];
	_ =	sdelay $0x2  }
0xb8: {  	s31 =	sshll.u32 s1, $0xD;
	s1 =	sshrl.u32 s1, $0x2  }
0xb9: {  	s3 =	sand.u32 $0x4000, s31;
	s1 =	sadd.s32 s1, s30  }
0xba: {  	s0 =	sor.u32 s3, s0;
	s1 =	sshll.u32 s1, $0x11  }
0xbb: {  	s0 =	sor.u32 s1, s0  }
0xbc: {  	s0 =	sadd.s32 $0x8F2B, s0  }
0xbd: {  	[sflag:s0] =	ssyncadd.remote.s32 $0x1  }
0xbe: {  	_ =	sfence.sel $0xFFFF  }
0xbf: {  	[dreg:$0x0] =	wrdreg $0xFFFFFFFF;
	(pc) =	sbr.abs _section_cstart, $3  }
0xc0: {  	[dreg:$0x1] =	wrdreg $0xFFFFFFFF  }
0xc1: {  	_ =	task.clear_ibuf [dreg:s7], $0x2FFFF;
	_ =	strace $0x9FFFFFFF  }
0xc2: {  	(tm) =	ssettm $0x7FFFFFFF  }
0xc3: {  	_ =	shalt  }
tec
execute0_lowered:
.L_overlay_start_1:
0x0: {  	(tag) =	ssettag $0x1  }
0x1: {  	s1 =	srdreg.scid;
	s3 =	rddreg [dreg:$0x0]  }
0x2: {  	s0 =	stileid.u32;
	s5 =	rddreg [dreg:$0x1];
	s2 =	simm.s32 $0x0  }
0x3: {  	s12 =	simm.s32 $0x4F10;
	s13 =	simm.s32 $0x1;
	s14 =	simm.s32 $0xC620  }
0x4: {  	s15 =	simm.s32 $0x2;
	s4 =	sand.u32 $0x1, s1;
	s31 =	sshll.u32 s0, $0x1  }
0x5: {  	s16 =	simm.s32 $0x7620;
	s17 =	simm.s32 $0x9E20;
	s6 =	sor.u32 s4, s31  }
0x6: {  	s18 =	simm.s32 $0x0;
	s1 =	rddreg [dreg:$0x2];
	s7 =	smul.u32 $0x2710, s6  }
0x7: {  	[smem:$0x7FF] =	sst s2;
	s4 =	ssub.s32 $0x2, s4;
	s6 =	smul.u32 $0x500, s6  }
0x8: {  	_ =	strace $0x80000047;
	s9 =	sshrl.u32 s4, $0x1;
	s7 =	sshrl.u32 s7, $0x3  }
0x9: {  	s11 =	ssub.s32 s4, s9;
	s10 =	sadd.s32 s6, s3;
	s8 =	sadd.s32 s7, s3  }
0xa: {  	s5 =	sadd.s32 s5, s7;
	s6 =	sadd.s32 $0x15C00, s10;
	s7 =	sadd.s32 $0x1FC00, s10  }
0xb: {  	v0 =	vimm.f32 $0.0e+00;
	v2 =	vlaneseq.u32;
	s9 =	sadd.s32 $0x33C00, s10;
	s3 =	sadd.s32 $0x2200, s8;
	s4 =	sadd.s32 $0xBE40, s8  }
0xc: {  	v1 =	vimm.s32 $0x0;
	v3 =	vimm.f32 $1.000000000e+00;
	v2 =	vor.u32 $0x2710, v2;
	s8 =	sadd.s32 $0x29C00, s10;
	s10 =	smax.u32 s11, $0x1;
	s11 =	simm.s32 $0x2800  }
.LBB2_1:
0xd: {  	[tilespmem:s2], [sflag:$0x1] =	stream.linear.gather [hbm4b:s3+s2], $0x2710, $0x38;
	[tilespmem:$0xEE20] =	vst v63  }
0xe: {  	_ = 	snop  }
0xf: {  	[tilespmem:s11], [sflag:$0x1] =	stream.linear.gather [hbm4b:s4+s2], $0x2710, $0x38;
	[tilespmem:$0xEE20] =	vst v63  }
0x10: {  	s19 =	simm.s32 $0x0  }
0x11: {  	[tilespmem:s12], [sflag:$0x1] =	stream.linear.gather [hbm4b:s5+s2], $0x2710, $0x38;
	[tilespmem:$0xEE20] =	vst v63  }
.LBB2_2:
0x12: {  	p0 =	sne.s32 s19, $0x9FC0  }
.Ltmp0:
0x13: {  	_ = 	snop;
	(pc) =	sbr.rel @p0 .LBB2_2-.Ltmp0, $3  }
0x14: {  	_ =	sdelay $0x1  }
0x15: {  	s20 =	sshra.s32 s19, $0x2  }
0x16: {  	s19 =	sadd.s32 $0x40, s19;
	[tilespmem:s20+$0xC620] =	vst v0  }
0x17: {  	s20 =	simm.s32 $0x9D30  }
0x18: {  	s21 =	simm.s32 $0x0;
	s19 =	simm.s32 $0xC530;
	[tilespmem:s20+$0x0] =	vst v1  }
0x19: {  	s20 =	simm.s32 $0x2710;
	v4 =	vadd.s32 s21, v2;
	[tilespmem:s19+$0x0] =	vst v1  }
0x1a: {  	s22 =	simm.s32 $0x9D40;
	s21 =	simm.s32 $0x10;
	[tilespmem:s20+$0x0] =	vst v4  }
.LBB2_4:
0x1b: {  	[tilespmem:s22+$0x0] =	vst v1;
	s19 =	sadd.s32 $0x10, s19;
	p0 =	sne.s32 s21, $0xE0  }
.Ltmp1:
0x1c: {  	v4 =	vadd.s32 s21, v2;
	s21 =	sadd.s32 $0x10, s21;
	s20 =	sadd.s32 $0x10, s20;
	[tilespmem:s19+$0x0] =	vst v1;
	(pc) =	sbr.rel @p0 .LBB2_4-.Ltmp1, $2  }
0x1d: {  	[tilespmem:s20+$0x0] =	vst v4;
	_ =	sdelay $0x2  }
0x1e: {  	s22 =	sadd.s32 $0x10, s22  }
0x1f: {  	_ =	swait.ge [sflag:s13], $0x2710  }
0x20: {  	[sflag:s13] =	ssyncset.done $0x0  }
0x21: {  	[sflag:s13] =	ssyncadd.s32 $0xFFFFD8F0  }
0x22: {  	_ =	swait.ge [sflag:s13], $0x2710  }
0x23: {  	[sflag:s13] =	ssyncset.done $0x0  }
0x24: {  	[sflag:s13] =	ssyncadd.s32 $0xFFFFD8F0  }
0x25: {  	_ =	swait.ge [sflag:s13], $0x2710  }
0x26: {  	[sflag:s13] =	ssyncset.done $0x0  }
0x27: {  	s19 =	simm.s32 $0x0;
	[sflag:s13] =	ssyncadd.s32 $0xFFFFD8F0  }
0x28: {  	v4 =	vld [tilespmem:s19+$0x4F10]  }
0x29: {  	s20 =	simm.s32 $0x40;
	v5 =	vld [tilespmem:s19+$0x2800]  }
.LBB2_6:
0x2a: {  	p0 =	sne.s32 s20, $0x9C00;
	v6 =	vld [tilespmem:s19+$0x0];
	_ =	sdelay $0x3  }
0x2b: {  	v7 =	vmul.u32 $0x2710, v4;
	v8 =	vshll.u32 v5, $0x2  }
0x2c: {  	v4 =	vadd.s32 v4, v8  }
.Ltmp2:
0x2d: {  	v5 =	vadd.s32 v5, v7;
	[tilespmem:s19+$0x9E20] =	vst v4;
	(pc) =	sbr.rel @p0 .LBB2_6-.Ltmp2, $4  }
0x2e: {  	[tilespmem:s19+$0x7620] =	vst v5  }
0x2f: {  	s19 =	sshra.s32 s20, $0x2;
	[tilespmem:v6+s14+$0x0] =	vst.idx.add.f32.msk $0xffff, v3  }
0x30: {  	v4 =	vld [tilespmem:s19+$0x4F10]  }
0x31: {  	s20 =	sadd.s32 $0x40, s20;
	v5 =	vld [tilespmem:s19+$0x2800]  }
0x32: {  	v6 =	vld [tilespmem:s19+$0x0];
	_ =	sdelay $0x3  }
0x33: {  	v7 =	vmul.u32 $0x2710, v4;
	v8 =	vshll.u32 v5, $0x2  }
0x34: {  	v4 =	vadd.s32 v4, v8  }
0x35: {  	v5 =	vadd.s32 v5, v7;
	[tilespmem:s19+$0x9E20] =	vst v4  }
0x36: {  	[tilespmem:s19+$0x7620] =	vst v5  }
0x37: {  	[tilespmem:v6+s14+$0x0] =	vst.idx.add.f32.msk $0xffff, v3  }
0x38: {  	[hbm4b:s6+s2] =	stream.linear.scatter [tilespmem:s14], [sflag:$0x2], $0x2800, $0x38;
	[tilespmem:$0xEE20] =	vst v63  }
0x39: {  	_ =	swait.ge [sflag:s15], $0x2800  }
0x3a: {  	[sflag:s15] =	ssyncset.done $0x0  }
0x3b: {  	[sflag:s15] =	ssyncadd.s32 $0xFFFFD800  }
0x3c: {  	[hbm4b:s7+s2] =	stream.linear.scatter [tilespmem:s16], [sflag:$0x2], $0x2800, $0x38;
	[tilespmem:$0xEE20] =	vst v63  }
0x3d: {  	_ =	swait.ge [sflag:s15], $0x2800  }
0x3e: {  	[sflag:s15] =	ssyncset.done $0x0  }
0x3f: {  	[sflag:s15] =	ssyncadd.s32 $0xFFFFD800  }
0x40: {  	[hbm4b:s8+s2] =	stream.linear.scatter [tilespmem:s17], [sflag:$0x2], $0x2800, $0x38;
	[tilespmem:$0xEE20] =	vst v63  }
0x41: {  	s18 =	sadd.s32 $0x1, s18;
	_ =	swait.ge [sflag:s15], $0x2800  }
0x42: {  	p0 =	sne.s32 s18, s10;
	[sflag:s15] =	ssyncset.done $0x0  }
.Ltmp3:
0x43: {  	[sflag:s15] =	ssyncadd.s32 $0xFFFFD800;
	(pc) =	sbr.rel @p0 .LBB2_1-.Ltmp3, $4  }
0x44: {  	[hbm4b:s9+s2] =	stream.linear.scatter [tilespmem:s2], [sflag:$0x2], $0x2800, $0x38;
	[tilespmem:$0xEE20] =	vst v63  }
0x45: {  	_ =	swait.ge [sflag:s15], $0x2800  }
0x46: {  	[sflag:s15] =	ssyncset.done $0x0  }
0x47: {  	[sflag:s15] =	ssyncadd.s32 $0xFFFFD800  }
0x48: {  	_ =	sfence.sel $0x180000  }
0x49: {  	[bflag:$0x0] =	sbarrier.arrive $0xFFFF  }
0x4a: {  	p0 =	sne.s32 s0, $0x0;
	_ =	strace $0x90000047  }
0x4b: {  	s0 =	sadd.s32 @!p0 $0x100000, s1;
	[bflag:$0x2] =	sbarrier.arrive $0xFFFF  }
0x4c: {  	[sflag:s0] =	ssyncadd.tile.s32 @!p0 $0x1;
	_ =	shalt  }
.Lfunc_end2:
_tile_overlayer_lowered:
.L_overlay_start_2:
0x4d: {  	(tag) =	ssettag $0x2  }
0x4e: {  	s0 =	rddreg [dreg:$0x0];
	s2 =	stileid.u32  }
0x4f: {  	s1 =	rddreg [dreg:$0x1];
	p0 =	sne.s32 s2, $0x0  }
0x50: {  	s3 =	rddreg [dreg:$0x2];
	[bflag:$0x3] =	sbarrier.arrive $0xFFFF;
	s2 =	simm.s32 @!p0 $0x1C02  }
0x51: {  	[timem:s3], [sflag:s2] =	dma.local @!p0 [hbm:s0], s1  }
0x52: {  	s0 =	simm.s32 @!p0 $0x2  }
0x53: {  	_ =	swait.ge @!p0 [sflag:s0], s1  }
0x54: {  	s1 =	ssub.s32 @!p0 $0x0, s1;
	[sflag:s0] =	ssyncset.done @!p0 $0x0  }
0x55: {  	[sflag:s0] =	ssyncadd.s32 @!p0 s1  }
0x56: {  	[bflag:$0x3] =	sbarrier.arrive $0xFFFF  }
0x57: {  	_ =	shalt  }

</sc_bundles>
